<compile_context>
chip_gen: v7x
topology: tpu7x:2x2x1
jax: 0.10.2.dev20260603
libtpu: 0.0.44.dev20260713+nightly
codegen_flags: <defaults>
</compile_context>

<pallas_src>
import functools

import jax
import jax.numpy as jnp
import numpy as np
from jax import lax
from jax.experimental import pallas as pl
from jax.experimental.pallas import tpu as pltpu
from jax.experimental.pallas import tpu_sc as plsc

_NC = 2
_NS = 16
_L = 16
_NW = _NC * _NS

_CS = 16


def _sinusoid_pe_np(max_len: int, d_model: int) -> np.ndarray:
    pos = np.arange(max_len, dtype=np.float32)[:, None]
    i = np.arange(0, d_model, 2, dtype=np.float32)
    div = np.power(10000.0, i / np.float32(d_model), dtype=np.float32)
    pe = np.zeros((max_len, d_model), dtype=np.float32)
    pe[:, 0::2] = np.sin(pos / div)
    pe[:, 1::2] = np.cos(pos / div)
    return pe


@functools.partial(jax.jit, static_argnames=("nb", "seq_len"))
def _emb_call(x_flat, table, pe, nb, seq_len):
    n = x_flat.shape[0]
    d = table.shape[1]
    sr = seq_len // _NW
    nch = sr // _CS
    rows_per_chunk = nb * _CS
    mesh = plsc.VectorSubcoreMesh(core_axis_name="c", subcore_axis_name="s")

    @functools.partial(
        pl.kernel,
        out_type=jax.ShapeDtypeStruct((n, d), jnp.float32),
        mesh=mesh,
        scratch_types=[
            pltpu.VMEM((nb, sr), jnp.int32),
            pltpu.VMEM((2, rows_per_chunk, d), jnp.float32),
            pltpu.VMEM((2, _CS, d), jnp.float32),
            pltpu.SemaphoreType.DMA,
            pltpu.SemaphoreType.DMA,
            pltpu.SemaphoreType.DMA,
            pltpu.SemaphoreType.DMA,
            pltpu.SemaphoreType.DMA,
            pltpu.SemaphoreType.DMA,
        ],
    )
    def emb(idx_hbm, table_hbm, pe_hbm, out_hbm,
            idx_all, rows, pe2, g0, g1, p0, p1, o0, o1):
        gsem = (g0, g1)
        psem = (p0, p1)
        osem = (o0, o1)
        wid = lax.axis_index("s") * _NC + lax.axis_index("c")
        s0 = wid * sr

        for b in range(nb):
            pltpu.sync_copy(idx_hbm.at[pl.ds(b * seq_len + s0, sr)],
                            idx_all.at[b])

        def start(c, q):
            gd = [
                pltpu.async_copy(
                    table_hbm.at[idx_all.at[b, pl.ds(c * _CS, _CS)]],
                    rows.at[q, pl.ds(b * _CS, _CS)],
                    gsem[q],
                )
                for b in range(nb)
            ]
            pd = pltpu.async_copy(pe_hbm.at[pl.ds(s0 + c * _CS, _CS)],
                                  pe2.at[q], psem[q])
            return gd, pd

        def start_out(c, q):
            return [
                pltpu.async_copy(
                    rows.at[q, pl.ds(b * _CS, _CS)],
                    out_hbm.at[pl.ds(b * seq_len + s0 + c * _CS, _CS)],
                    osem[q],
                )
                for b in range(nb)
            ]

        inflight = {0: start(0, 0)}
        out_inflight = {}
        for c in range(nch):
            q = c % 2
            if c + 1 < nch:
                if c - 1 in out_inflight:
                    for od in out_inflight.pop(c - 1):
                        od.wait()
                inflight[c + 1] = start(c + 1, 1 - q)
            gd, pd = inflight.pop(c)
            for gdesc in gd:
                gdesc.wait()
            pd.wait()

            def row_body(j, carry):
                for k in range(d // _L):
                    sl = pl.ds(k * _L, _L)
                    pvec = pe2[q, j, sl]
                    for b in range(nb):
                        r = b * _CS + j
                        rows[q, r, sl] = rows[q, r, sl] + pvec
                return carry

            if False:
                lax.fori_loop(0, _CS, row_body, 0, unroll=False)
            out_inflight[c] = start_out(c, q)
        for ods in out_inflight.values():
            for od in ods:
                od.wait()

    return emb(x_flat, table, pe)


def kernel(x, table):
    b, s = x.shape
    d = table.shape[1]
    pe = jnp.asarray(_sinusoid_pe_np(s, d))
    x_flat = x.reshape(-1).astype(jnp.int32)
    out = _emb_call(x_flat, table, pe, b, s)
    return out.reshape(b, s, d)

# --- scband reference (transcript-rebuilt; emitter-appended) ---
"""Pipeline reference for scband-transformer-embedding-30185030156394 (READ-ONLY COPY).

The authoritative reference and input builder live on the scoring server;
editing this copy changes nothing except your own understanding.
"""

import jax, jax.numpy as jnp
import numpy as np

VOCAB = 100000
D_MODEL = 768
MAX_LEN = 8192
BATCH = 4
SEQ = 4096

def _sinusoid_pe(max_len, d_model):
    pos = jnp.arange(max_len, dtype=jnp.float32)[:, None]
    i = jnp.arange(0, d_model, 2, dtype=jnp.float32)
    div = jnp.power(10000.0, i / d_model)
    pe = jnp.zeros((max_len, d_model), dtype=jnp.float32)
    pe = pe.at[:, 0::2].set(jnp.sin(pos / div))
    pe = pe.at[:, 1::2].set(jnp.cos(pos / div))
    return pe

def setup_inputs(seed: int = 0) -> dict:
    key = jax.random.key(seed)
    k1, k2 = jax.random.split(key)
    x = jax.random.randint(k1, (BATCH, SEQ), 0, VOCAB, dtype=jnp.int64 if jax.config.jax_enable_x64 else jnp.int32)
    table = jax.random.normal(k2, (VOCAB, D_MODEL), dtype=jnp.float32)
    return {"x": x, "table": table}

def reference(x, table):
    # token embedding: gather rows from table
    token_emb = jnp.take(table, x, axis=0)  # [B, S, D]
    # sinusoidal positional encoding, sliced to current seq_len
    pe = _sinusoid_pe(MAX_LEN, D_MODEL)[: x.shape[1], :]  # [S, D]
    out = token_emb + pe[None, :, :]
    # dropout with p=0.0 (eval/identity)
    return out

if __name__ == "__main__":
    import jax
    _d = setup_inputs()
    print(jax.jit(kernel)(*tuple(_d.values())))

</pallas_src>

<mosaic_0001>
#map = affine_map<(d0, d1) -> (0)>
#map1 = affine_map<(d0, d1) -> (0, 0)>
module attributes {stable_mosaic.version = 14 : i64} {
  func.func @emb(%arg0: i32, %arg1: i32, %arg2: memref<16384xi32, #tpu.memory_space<hbm>>, %arg3: memref<100000x768xf32, #tpu.memory_space<hbm>>, %arg4: memref<4096x768xf32, #tpu.memory_space<hbm>>, %arg5: memref<16384x768xf32, #tpu.memory_space<hbm>>, %arg6: memref<4x128xi32, #tpu.memory_space<vmem>>, %arg7: memref<2x64x768xf32, #tpu.memory_space<vmem>>, %arg8: memref<2x16x768xf32, #tpu.memory_space<vmem>>, %arg9: memref<!tpu.dma_semaphore, #tpu.memory_space<semaphore_mem>>, %arg10: memref<!tpu.dma_semaphore, #tpu.memory_space<semaphore_mem>>, %arg11: memref<!tpu.dma_semaphore, #tpu.memory_space<semaphore_mem>>, %arg12: memref<!tpu.dma_semaphore, #tpu.memory_space<semaphore_mem>>, %arg13: memref<!tpu.dma_semaphore, #tpu.memory_space<semaphore_mem>>, %arg14: memref<!tpu.dma_semaphore, #tpu.memory_space<semaphore_mem>>) attributes {dimension_semantics = [#tpu.dimension_semantics<core_parallel>, #tpu.dimension_semantics<subcore_parallel>], iteration_bounds = array<i64: 2, 16>, scalar_prefetch = 0 : i64, scratch_operands = 9 : i64, tpu.core_type = #tpu.core_type<sc_vector_subcore>, window_params = [{transform_indices = #map}, {transform_indices = #map1}, {transform_indices = #map1}, {transform_indices = #map1}]} {
    %mul3A = arith.constant 2 : i32
    %mul3A_0 = arith.muli %arg1, %mul3A : i32
    %add3A = arith.addi %mul3A_0, %arg0 : i32
    %mul3A_1 = arith.constant 128 : i32
    %mul3A_2 = arith.muli %add3A, %mul3A_1 : i32
    %add3A_3 = arith.constant 0 : i32
    %add3A_4 = arith.addi %add3A_3, %mul3A_2 : i32
    %run_scoped3A = arith.constant 0 : i32
    "tpu.region"() ({
      %run_scoped3A_1964 = tpu.sem_alloc : memref<!tpu.dma_semaphore, #tpu.memory_space<semaphore_mem>>
      %dma_start3A_1965 = arith.constant 0 : i32
      %dma_start3A_1966 = tpu.memref_slice %arg6[%run_scoped3A, %dma_start3A_1965] : memref<4x128xi32, #tpu.memory_space<vmem>> -> memref<1x128xi32, #tpu.memory_space<vmem>>
      %dma_start3A_1967 = tpu.memref_squeeze %dma_start3A_1966 : memref<1x128xi32, #tpu.memory_space<vmem>> -> memref<128xi32, #tpu.memory_space<vmem>>
      %dma_start3A_1968 = tpu.memref_slice %arg2[%add3A_4] : memref<16384xi32, #tpu.memory_space<hbm>> -> memref<128xi32, #tpu.memory_space<hbm>>
      %dma_start3A_1969 = arith.constant 0 : i32
      %dma_start3A_1970 = tpu.memref_slice %arg6[%run_scoped3A, %dma_start3A_1969] : memref<4x128xi32, #tpu.memory_space<vmem>> -> memref<1x128xi32, #tpu.memory_space<vmem>>
      %dma_start3A_1971 = tpu.memref_squeeze %dma_start3A_1970 : memref<1x128xi32, #tpu.memory_space<vmem>> -> memref<128xi32, #tpu.memory_space<vmem>>
      %dma_start3A_1972 = tpu.memref_slice %arg2[%add3A_4] : memref<16384xi32, #tpu.memory_space<hbm>> -> memref<128xi32, #tpu.memory_space<hbm>>
      tpu.enqueue_dma source(%dma_start3A_1972 : memref<128xi32, #tpu.memory_space<hbm>>) target(%dma_start3A_1971 : memref<128xi32, #tpu.memory_space<vmem>>) target_semaphore(%run_scoped3A_1964 : memref<!tpu.dma_semaphore, #tpu.memory_space<semaphore_mem>>)
      %dma_wait3A_1973 = arith.constant 0 : i32
      %dma_wait3A_1974 = tpu.memref_slice %arg6[%run_scoped3A, %dma_wait3A_1973] : memref<4x128xi32, #tpu.memory_space<vmem>> -> memref<1x128xi32, #tpu.memory_space<vmem>>
      %dma_wait3A_1975 = tpu.memref_squeeze %dma_wait3A_1974 : memref<1x128xi32, #tpu.memory_space<vmem>> -> memref<128xi32, #tpu.memory_space<vmem>>
      %dma_wait3A_1976 = tpu.memref_slice %arg2[%add3A_4] : memref<16384xi32, #tpu.memory_space<hbm>> -> memref<128xi32, #tpu.memory_space<hbm>>
      %dma_wait3A_1977 = arith.constant 0 : i32
      %dma_wait3A_1978 = tpu.memref_slice %arg6[%run_scoped3A, %dma_wait3A_1977] : memref<4x128xi32, #tpu.memory_space<vmem>> -> memref<1x128xi32, #tpu.memory_space<vmem>>
      %dma_wait3A_1979 = tpu.memref_squeeze %dma_wait3A_1978 : memref<1x128xi32, #tpu.memory_space<vmem>> -> memref<128xi32, #tpu.memory_space<vmem>>
      %dma_wait3A_1980 = tpu.memref_slice %arg2[%add3A_4] : memref<16384xi32, #tpu.memory_space<hbm>> -> memref<128xi32, #tpu.memory_space<hbm>>
      tpu.wait_dma2 semaphore(%run_scoped3A_1964 : memref<!tpu.dma_semaphore, #tpu.memory_space<semaphore_mem>>) src(%dma_wait3A_1980 : memref<128xi32, #tpu.memory_space<hbm>>) dst(%dma_wait3A_1979 : memref<128xi32, #tpu.memory_space<vmem>>)
      tpu.yield
    }) : () -> ()
    %add3A_5 = arith.constant 4096 : i32
    %add3A_6 = arith.addi %add3A_5, %mul3A_2 : i32
    %run_scoped3A_7 = arith.constant 1 : i32
    "tpu.region"() ({
      %run_scoped3A_1964 = tpu.sem_alloc : memref<!tpu.dma_semaphore, #tpu.memory_space<semaphore_mem>>
      %dma_start3A_1965 = arith.constant 0 : i32
      %dma_start3A_1966 = tpu.memref_slice %arg6[%run_scoped3A_7, %dma_start3A_1965] : memref<4x128xi32, #tpu.memory_space<vmem>> -> memref<1x128xi32, #tpu.memory_space<vmem>>
      %dma_start3A_1967 = tpu.memref_squeeze %dma_start3A_1966 : memref<1x128xi32, #tpu.memory_space<vmem>> -> memref<128xi32, #tpu.memory_space<vmem>>
      %dma_start3A_1968 = tpu.memref_slice %arg2[%add3A_6] : memref<16384xi32, #tpu.memory_space<hbm>> -> memref<128xi32, #tpu.memory_space<hbm>>
      %dma_start3A_1969 = arith.constant 0 : i32
      %dma_start3A_1970 = tpu.memref_slice %arg6[%run_scoped3A_7, %dma_start3A_1969] : memref<4x128xi32, #tpu.memory_space<vmem>> -> memref<1x128xi32, #tpu.memory_space<vmem>>
      %dma_start3A_1971 = tpu.memref_squeeze %dma_start3A_1970 : memref<1x128xi32, #tpu.memory_space<vmem>> -> memref<128xi32, #tpu.memory_space<vmem>>
      %dma_start3A_1972 = tpu.memref_slice %arg2[%add3A_6] : memref<16384xi32, #tpu.memory_space<hbm>> -> memref<128xi32, #tpu.memory_space<hbm>>
      tpu.enqueue_dma source(%dma_start3A_1972 : memref<128xi32, #tpu.memory_space<hbm>>) target(%dma_start3A_1971 : memref<128xi32, #tpu.memory_space<vmem>>) target_semaphore(%run_scoped3A_1964 : memref<!tpu.dma_semaphore, #tpu.memory_space<semaphore_mem>>)
      %dma_wait3A_1973 = arith.constant 0 : i32
      %dma_wait3A_1974 = tpu.memref_slice %arg6[%run_scoped3A_7, %dma_wait3A_1973] : memref<4x128xi32, #tpu.memory_space<vmem>> -> memref<1x128xi32, #tpu.memory_space<vmem>>
      %dma_wait3A_1975 = tpu.memref_squeeze %dma_wait3A_1974 : memref<1x128xi32, #tpu.memory_space<vmem>> -> memref<128xi32, #tpu.memory_space<vmem>>
      %dma_wait3A_1976 = tpu.memref_slice %arg2[%add3A_6] : memref<16384xi32, #tpu.memory_space<hbm>> -> memref<128xi32, #tpu.memory_space<hbm>>
      %dma_wait3A_1977 = arith.constant 0 : i32
      %dma_wait3A_1978 = tpu.memref_slice %arg6[%run_scoped3A_7, %dma_wait3A_1977] : memref<4x128xi32, #tpu.memory_space<vmem>> -> memref<1x128xi32, #tpu.memory_space<vmem>>
      %dma_wait3A_1979 = tpu.memref_squeeze %dma_wait3A_1978 : memref<1x128xi32, #tpu.memory_space<vmem>> -> memref<128xi32, #tpu.memory_space<vmem>>
      %dma_wait3A_1980 = tpu.memref_slice %arg2[%add3A_6] : memref<16384xi32, #tpu.memory_space<hbm>> -> memref<128xi32, #tpu.memory_space<hbm>>
      tpu.wait_dma2 semaphore(%run_scoped3A_1964 : memref<!tpu.dma_semaphore, #tpu.memory_space<semaphore_mem>>) src(%dma_wait3A_1980 : memref<128xi32, #tpu.memory_space<hbm>>) dst(%dma_wait3A_1979 : memref<128xi32, #tpu.memory_space<vmem>>)
      tpu.yield
    }) : () -> ()
    %add3A_8 = arith.constant 8192 : i32
    %add3A_9 = arith.addi %add3A_8, %mul3A_2 : i32
    %run_scoped3A_10 = arith.constant 2 : i32
    "tpu.region"() ({
      %run_scoped3A_1964 = tpu.sem_alloc : memref<!tpu.dma_semaphore, #tpu.memory_space<semaphore_mem>>
      %dma_start3A_1965 = arith.constant 0 : i32
      %dma_start3A_1966 = tpu.memref_slice %arg6[%run_scoped3A_10, %dma_start3A_1965] : memref<4x128xi32, #tpu.memory_space<vmem>> -> memref<1x128xi32, #tpu.memory_space<vmem>>
      %dma_start3A_1967 = tpu.memref_squeeze %dma_start3A_1966 : memref<1x128xi32, #tpu.memory_space<vmem>> -> memref<128xi32, #tpu.memory_space<vmem>>
      %dma_start3A_1968 = tpu.memref_slice %arg2[%add3A_9] : memref<16384xi32, #tpu.memory_space<hbm>> -> memref<128xi32, #tpu.memory_space<hbm>>
      %dma_start3A_1969 = arith.constant 0 : i32
      %dma_start3A_1970 = tpu.memref_slice %arg6[%run_scoped3A_10, %dma_start3A_1969] : memref<4x128xi32, #tpu.memory_space<vmem>> -> memref<1x128xi32, #tpu.memory_space<vmem>>
      %dma_start3A_1971 = tpu.memref_squeeze %dma_start3A_1970 : memref<1x128xi32, #tpu.memory_space<vmem>> -> memref<128xi32, #tpu.memory_space<vmem>>
      %dma_start3A_1972 = tpu.memref_slice %arg2[%add3A_9] : memref<16384xi32, #tpu.memory_space<hbm>> -> memref<128xi32, #tpu.memory_space<hbm>>
      tpu.enqueue_dma source(%dma_start3A_1972 : memref<128xi32, #tpu.memory_space<hbm>>) target(%dma_start3A_1971 : memref<128xi32, #tpu.memory_space<vmem>>) target_semaphore(%run_scoped3A_1964 : memref<!tpu.dma_semaphore, #tpu.memory_space<semaphore_mem>>)
      %dma_wait3A_1973 = arith.constant 0 : i32
      %dma_wait3A_1974 = tpu.memref_slice %arg6[%run_scoped3A_10, %dma_wait3A_1973] : memref<4x128xi32, #tpu.memory_space<vmem>> -> memref<1x128xi32, #tpu.memory_space<vmem>>
      %dma_wait3A_1975 = tpu.memref_squeeze %dma_wait3A_1974 : memref<1x128xi32, #tpu.memory_space<vmem>> -> memref<128xi32, #tpu.memory_space<vmem>>
      %dma_wait3A_1976 = tpu.memref_slice %arg2[%add3A_9] : memref<16384xi32, #tpu.memory_space<hbm>> -> memref<128xi32, #tpu.memory_space<hbm>>
      %dma_wait3A_1977 = arith.constant 0 : i32
      %dma_wait3A_1978 = tpu.memref_slice %arg6[%run_scoped3A_10, %dma_wait3A_1977] : memref<4x128xi32, #tpu.memory_space<vmem>> -> memref<1x128xi32, #tpu.memory_space<vmem>>
      %dma_wait3A_1979 = tpu.memref_squeeze %dma_wait3A_1978 : memref<1x128xi32, #tpu.memory_space<vmem>> -> memref<128xi32, #tpu.memory_space<vmem>>
      %dma_wait3A_1980 = tpu.memref_slice %arg2[%add3A_9] : memref<16384xi32, #tpu.memory_space<hbm>> -> memref<128xi32, #tpu.memory_space<hbm>>
      tpu.wait_dma2 semaphore(%run_scoped3A_1964 : memref<!tpu.dma_semaphore, #tpu.memory_space<semaphore_mem>>) src(%dma_wait3A_1980 : memref<128xi32, #tpu.memory_space<hbm>>) dst(%dma_wait3A_1979 : memref<128xi32, #tpu.memory_space<vmem>>)
      tpu.yield
    }) : () -> ()
    %add3A_11 = arith.constant 12288 : i32
    %add3A_12 = arith.addi %add3A_11, %mul3A_2 : i32
    %run_scoped3A_13 = arith.constant 3 : i32
    "tpu.region"() ({
      %run_scoped3A_1964 = tpu.sem_alloc : memref<!tpu.dma_semaphore, #tpu.memory_space<semaphore_mem>>
      %dma_start3A_1965 = arith.constant 0 : i32
      %dma_start3A_1966 = tpu.memref_slice %arg6[%run_scoped3A_13, %dma_start3A_1965] : memref<4x128xi32, #tpu.memory_space<vmem>> -> memref<1x128xi32, #tpu.memory_space<vmem>>
      %dma_start3A_1967 = tpu.memref_squeeze %dma_start3A_1966 : memref<1x128xi32, #tpu.memory_space<vmem>> -> memref<128xi32, #tpu.memory_space<vmem>>
      %dma_start3A_1968 = tpu.memref_slice %arg2[%add3A_12] : memref<16384xi32, #tpu.memory_space<hbm>> -> memref<128xi32, #tpu.memory_space<hbm>>
      %dma_start3A_1969 = arith.constant 0 : i32
      %dma_start3A_1970 = tpu.memref_slice %arg6[%run_scoped3A_13, %dma_start3A_1969] : memref<4x128xi32, #tpu.memory_space<vmem>> -> memref<1x128xi32, #tpu.memory_space<vmem>>
      %dma_start3A_1971 = tpu.memref_squeeze %dma_start3A_1970 : memref<1x128xi32, #tpu.memory_space<vmem>> -> memref<128xi32, #tpu.memory_space<vmem>>
      %dma_start3A_1972 = tpu.memref_slice %arg2[%add3A_12] : memref<16384xi32, #tpu.memory_space<hbm>> -> memref<128xi32, #tpu.memory_space<hbm>>
      tpu.enqueue_dma source(%dma_start3A_1972 : memref<128xi32, #tpu.memory_space<hbm>>) target(%dma_start3A_1971 : memref<128xi32, #tpu.memory_space<vmem>>) target_semaphore(%run_scoped3A_1964 : memref<!tpu.dma_semaphore, #tpu.memory_space<semaphore_mem>>)
      %dma_wait3A_1973 = arith.constant 0 : i32
      %dma_wait3A_1974 = tpu.memref_slice %arg6[%run_scoped3A_13, %dma_wait3A_1973] : memref<4x128xi32, #tpu.memory_space<vmem>> -> memref<1x128xi32, #tpu.memory_space<vmem>>
      %dma_wait3A_1975 = tpu.memref_squeeze %dma_wait3A_1974 : memref<1x128xi32, #tpu.memory_space<vmem>> -> memref<128xi32, #tpu.memory_space<vmem>>
      %dma_wait3A_1976 = tpu.memref_slice %arg2[%add3A_12] : memref<16384xi32, #tpu.memory_space<hbm>> -> memref<128xi32, #tpu.memory_space<hbm>>
      %dma_wait3A_1977 = arith.constant 0 : i32
      %dma_wait3A_1978 = tpu.memref_slice %arg6[%run_scoped3A_13, %dma_wait3A_1977] : memref<4x128xi32, #tpu.memory_space<vmem>> -> memref<1x128xi32, #tpu.memory_space<vmem>>
      %dma_wait3A_1979 = tpu.memref_squeeze %dma_wait3A_1978 : memref<1x128xi32, #tpu.memory_space<vmem>> -> memref<128xi32, #tpu.memory_space<vmem>>
      %dma_wait3A_1980 = tpu.memref_slice %arg2[%add3A_12] : memref<16384xi32, #tpu.memory_space<hbm>> -> memref<128xi32, #tpu.memory_space<hbm>>
      tpu.wait_dma2 semaphore(%run_scoped3A_1964 : memref<!tpu.dma_semaphore, #tpu.memory_space<semaphore_mem>>) src(%dma_wait3A_1980 : memref<128xi32, #tpu.memory_space<hbm>>) dst(%dma_wait3A_1979 : memref<128xi32, #tpu.memory_space<vmem>>)
      tpu.yield
    }) : () -> ()
    %dma_start3A = arith.constant 0 : i32
    %dma_start3A_14 = arith.constant 0 : i32
    %dma_start3A_15 = arith.constant 0 : i32
    %dma_start3A_16 = arith.constant 0 : i32
    %dma_start3A_17 = tpu.memref_slice %arg7[%dma_start3A_14, %dma_start3A_15, %dma_start3A_16] : memref<2x64x768xf32, #tpu.memory_space<vmem>> -> memref<1x16x768xf32, #tpu.memory_space<vmem>>
    %dma_start3A_18 = tpu.memref_squeeze %dma_start3A_17 : memref<1x16x768xf32, #tpu.memory_space<vmem>> -> memref<16x768xf32, #tpu.memory_space<vmem>>
    %dma_start3A_19 = arith.constant 0 : i32
    %dma_start3A_20 = tpu.memref_slice %arg6[%dma_start3A, %dma_start3A_19] : memref<4x128xi32, #tpu.memory_space<vmem>> -> memref<1x16xi32, #tpu.memory_space<vmem>>
    %dma_start3A_21 = tpu.memref_squeeze %dma_start3A_20 : memref<1x16xi32, #tpu.memory_space<vmem>> -> memref<16xi32, #tpu.memory_space<vmem>>
    %dma_start3A_22 = arith.constant 0 : i32
    %dma_start3A_23 = arith.constant 0 : i32
    %dma_start3A_24 = tpu.memref_slice %arg3[%dma_start3A_22, %dma_start3A_23] : memref<100000x768xf32, #tpu.memory_space<hbm>> -> memref<100000x768xf32, #tpu.memory_space<hbm>>
    tpu.enqueue_indirect_dma source(%dma_start3A_24 : memref<100000x768xf32, #tpu.memory_space<hbm>>) target(%dma_start3A_18 : memref<16x768xf32, #tpu.memory_space<vmem>>) offsets(%dma_start3A_21 : memref<16xi32, #tpu.memory_space<vmem>>) semaphore(%arg9 : memref<!tpu.dma_semaphore, #tpu.memory_space<semaphore_mem>>)
    %dma_start3A_25 = arith.constant 1 : i32
    %dma_start3A_26 = arith.constant 0 : i32
    %dma_start3A_27 = arith.constant 16 : i32
    %dma_start3A_28 = arith.constant 0 : i32
    %dma_start3A_29 = tpu.memref_slice %arg7[%dma_start3A_26, %dma_start3A_27, %dma_start3A_28] : memref<2x64x768xf32, #tpu.memory_space<vmem>> -> memref<1x16x768xf32, #tpu.memory_space<vmem>>
    %dma_start3A_30 = tpu.memref_squeeze %dma_start3A_29 : memref<1x16x768xf32, #tpu.memory_space<vmem>> -> memref<16x768xf32, #tpu.memory_space<vmem>>
    %dma_start3A_31 = arith.constant 0 : i32
    %dma_start3A_32 = tpu.memref_slice %arg6[%dma_start3A_25, %dma_start3A_31] : memref<4x128xi32, #tpu.memory_space<vmem>> -> memref<1x16xi32, #tpu.memory_space<vmem>>
    %dma_start3A_33 = tpu.memref_squeeze %dma_start3A_32 : memref<1x16xi32, #tpu.memory_space<vmem>> -> memref<16xi32, #tpu.memory_space<vmem>>
    %dma_start3A_34 = arith.constant 0 : i32
    %dma_start3A_35 = arith.constant 0 : i32
    %dma_start3A_36 = tpu.memref_slice %arg3[%dma_start3A_34, %dma_start3A_35] : memref<100000x768xf32, #tpu.memory_space<hbm>> -> memref<100000x768xf32, #tpu.memory_space<hbm>>
    tpu.enqueue_indirect_dma source(%dma_start3A_36 : memref<100000x768xf32, #tpu.memory_space<hbm>>) target(%dma_start3A_30 : memref<16x768xf32, #tpu.memory_space<vmem>>) offsets(%dma_start3A_33 : memref<16xi32, #tpu.memory_space<vmem>>) semaphore(%arg9 : memref<!tpu.dma_semaphore, #tpu.memory_space<semaphore_mem>>)
    %dma_start3A_37 = arith.constant 2 : i32
    %dma_start3A_38 = arith.constant 0 : i32
    %dma_start3A_39 = arith.constant 32 : i32
    %dma_start3A_40 = arith.constant 0 : i32
    %dma_start3A_41 = tpu.memref_slice %arg7[%dma_start3A_38, %dma_start3A_39, %dma_start3A_40] : memref<2x64x768xf32, #tpu.memory_space<vmem>> -> memref<1x16x768xf32, #tpu.memory_space<vmem>>
    %dma_start3A_42 = tpu.memref_squeeze %dma_start3A_41 : memref<1x16x768xf32, #tpu.memory_space<vmem>> -> memref<16x768xf32, #tpu.memory_space<vmem>>
    %dma_start3A_43 = arith.constant 0 : i32
    %dma_start3A_44 = tpu.memref_slice %arg6[%dma_start3A_37, %dma_start3A_43] : memref<4x128xi32, #tpu.memory_space<vmem>> -> memref<1x16xi32, #tpu.memory_space<vmem>>
    %dma_start3A_45 = tpu.memref_squeeze %dma_start3A_44 : memref<1x16xi32, #tpu.memory_space<vmem>> -> memref<16xi32, #tpu.memory_space<vmem>>
    %dma_start3A_46 = arith.constant 0 : i32
    %dma_start3A_47 = arith.constant 0 : i32
    %dma_start3A_48 = tpu.memref_slice %arg3[%dma_start3A_46, %dma_start3A_47] : memref<100000x768xf32, #tpu.memory_space<hbm>> -> memref<100000x768xf32, #tpu.memory_space<hbm>>
    tpu.enqueue_indirect_dma source(%dma_start3A_48 : memref<100000x768xf32, #tpu.memory_space<hbm>>) target(%dma_start3A_42 : memref<16x768xf32, #tpu.memory_space<vmem>>) offsets(%dma_start3A_45 : memref<16xi32, #tpu.memory_space<vmem>>) semaphore(%arg9 : memref<!tpu.dma_semaphore, #tpu.memory_space<semaphore_mem>>)
    %dma_start3A_49 = arith.constant 3 : i32
    %dma_start3A_50 = arith.constant 0 : i32
    %dma_start3A_51 = arith.constant 48 : i32
    %dma_start3A_52 = arith.constant 0 : i32
    %dma_start3A_53 = tpu.memref_slice %arg7[%dma_start3A_50, %dma_start3A_51, %dma_start3A_52] : memref<2x64x768xf32, #tpu.memory_space<vmem>> -> memref<1x16x768xf32, #tpu.memory_space<vmem>>
    %dma_start3A_54 = tpu.memref_squeeze %dma_start3A_53 : memref<1x16x768xf32, #tpu.memory_space<vmem>> -> memref<16x768xf32, #tpu.memory_space<vmem>>
    %dma_start3A_55 = arith.constant 0 : i32
    %dma_start3A_56 = tpu.memref_slice %arg6[%dma_start3A_49, %dma_start3A_55] : memref<4x128xi32, #tpu.memory_space<vmem>> -> memref<1x16xi32, #tpu.memory_space<vmem>>
    %dma_start3A_57 = tpu.memref_squeeze %dma_start3A_56 : memref<1x16xi32, #tpu.memory_space<vmem>> -> memref<16xi32, #tpu.memory_space<vmem>>
    %dma_start3A_58 = arith.constant 0 : i32
    %dma_start3A_59 = arith.constant 0 : i32
    %dma_start3A_60 = tpu.memref_slice %arg3[%dma_start3A_58, %dma_start3A_59] : memref<100000x768xf32, #tpu.memory_space<hbm>> -> memref<100000x768xf32, #tpu.memory_space<hbm>>
    tpu.enqueue_indirect_dma source(%dma_start3A_60 : memref<100000x768xf32, #tpu.memory_space<hbm>>) target(%dma_start3A_54 : memref<16x768xf32, #tpu.memory_space<vmem>>) offsets(%dma_start3A_57 : memref<16xi32, #tpu.memory_space<vmem>>) semaphore(%arg9 : memref<!tpu.dma_semaphore, #tpu.memory_space<semaphore_mem>>)
    %add3A_61 = arith.constant 0 : i32
    %add3A_62 = arith.addi %mul3A_2, %add3A_61 : i32
    %dma_start3A_63 = arith.constant 0 : i32
    %dma_start3A_64 = arith.constant 0 : i32
    %dma_start3A_65 = arith.constant 0 : i32
    %dma_start3A_66 = tpu.memref_slice %arg8[%dma_start3A_63, %dma_start3A_64, %dma_start3A_65] : memref<2x16x768xf32, #tpu.memory_space<vmem>> -> memref<1x16x768xf32, #tpu.memory_space<vmem>>
    %dma_start3A_67 = tpu.memref_squeeze %dma_start3A_66 : memref<1x16x768xf32, #tpu.memory_space<vmem>> -> memref<16x768xf32, #tpu.memory_space<vmem>>
    %dma_start3A_68 = arith.constant 0 : i32
    %dma_start3A_69 = tpu.memref_slice %arg4[%add3A_62, %dma_start3A_68] : memref<4096x768xf32, #tpu.memory_space<hbm>> -> memref<16x768xf32, #tpu.memory_space<hbm>>
    %dma_start3A_70 = arith.constant 0 : i32
    %dma_start3A_71 = arith.constant 0 : i32
    %dma_start3A_72 = tpu.memref_slice %arg8[%dma_start3A_63, %dma_start3A_70, %dma_start3A_71] : memref<2x16x768xf32, #tpu.memory_space<vmem>> -> memref<1x16x768xf32, #tpu.memory_space<vmem>>
    %dma_start3A_73 = tpu.memref_squeeze %dma_start3A_72 : memref<1x16x768xf32, #tpu.memory_space<vmem>> -> memref<16x768xf32, #tpu.memory_space<vmem>>
    %dma_start3A_74 = arith.constant 0 : i32
    %dma_start3A_75 = tpu.memref_slice %arg4[%add3A_62, %dma_start3A_74] : memref<4096x768xf32, #tpu.memory_space<hbm>> -> memref<16x768xf32, #tpu.memory_space<hbm>>
    tpu.enqueue_dma source(%dma_start3A_75 : memref<16x768xf32, #tpu.memory_space<hbm>>) target(%dma_start3A_73 : memref<16x768xf32, #tpu.memory_space<vmem>>) target_semaphore(%arg11 : memref<!tpu.dma_semaphore, #tpu.memory_space<semaphore_mem>>)
    %dma_start3A_76 = arith.constant 0 : i32
    %dma_start3A_77 = arith.constant 1 : i32
    %dma_start3A_78 = arith.constant 0 : i32
    %dma_start3A_79 = arith.constant 0 : i32
    %dma_start3A_80 = tpu.memref_slice %arg7[%dma_start3A_77, %dma_start3A_78, %dma_start3A_79] : memref<2x64x768xf32, #tpu.memory_space<vmem>> -> memref<1x16x768xf32, #tpu.memory_space<vmem>>
    %dma_start3A_81 = tpu.memref_squeeze %dma_start3A_80 : memref<1x16x768xf32, #tpu.memory_space<vmem>> -> memref<16x768xf32, #tpu.memory_space<vmem>>
    %dma_start3A_82 = arith.constant 16 : i32
    %dma_start3A_83 = tpu.memref_slice %arg6[%dma_start3A_76, %dma_start3A_82] : memref<4x128xi32, #tpu.memory_space<vmem>> -> memref<1x16xi32, #tpu.memory_space<vmem>>
    %dma_start3A_84 = tpu.memref_squeeze %dma_start3A_83 : memref<1x16xi32, #tpu.memory_space<vmem>> -> memref<16xi32, #tpu.memory_space<vmem>>
    %dma_start3A_85 = arith.constant 0 : i32
    %dma_start3A_86 = arith.constant 0 : i32
    %dma_start3A_87 = tpu.memref_slice %arg3[%dma_start3A_85, %dma_start3A_86] : memref<100000x768xf32, #tpu.memory_space<hbm>> -> memref<100000x768xf32, #tpu.memory_space<hbm>>
    tpu.enqueue_indirect_dma source(%dma_start3A_87 : memref<100000x768xf32, #tpu.memory_space<hbm>>) target(%dma_start3A_81 : memref<16x768xf32, #tpu.memory_space<vmem>>) offsets(%dma_start3A_84 : memref<16xi32, #tpu.memory_space<vmem>>) semaphore(%arg10 : memref<!tpu.dma_semaphore, #tpu.memory_space<semaphore_mem>>)
    %dma_start3A_88 = arith.constant 1 : i32
    %dma_start3A_89 = arith.constant 1 : i32
    %dma_start3A_90 = arith.constant 16 : i32
    %dma_start3A_91 = arith.constant 0 : i32
    %dma_start3A_92 = tpu.memref_slice %arg7[%dma_start3A_89, %dma_start3A_90, %dma_start3A_91] : memref<2x64x768xf32, #tpu.memory_space<vmem>> -> memref<1x16x768xf32, #tpu.memory_space<vmem>>
    %dma_start3A_93 = tpu.memref_squeeze %dma_start3A_92 : memref<1x16x768xf32, #tpu.memory_space<vmem>> -> memref<16x768xf32, #tpu.memory_space<vmem>>
    %dma_start3A_94 = arith.constant 16 : i32
    %dma_start3A_95 = tpu.memref_slice %arg6[%dma_start3A_88, %dma_start3A_94] : memref<4x128xi32, #tpu.memory_space<vmem>> -> memref<1x16xi32, #tpu.memory_space<vmem>>
    %dma_start3A_96 = tpu.memref_squeeze %dma_start3A_95 : memref<1x16xi32, #tpu.memory_space<vmem>> -> memref<16xi32, #tpu.memory_space<vmem>>
    %dma_start3A_97 = arith.constant 0 : i32
    %dma_start3A_98 = arith.constant 0 : i32
    %dma_start3A_99 = tpu.memref_slice %arg3[%dma_start3A_97, %dma_start3A_98] : memref<100000x768xf32, #tpu.memory_space<hbm>> -> memref<100000x768xf32, #tpu.memory_space<hbm>>
    tpu.enqueue_indirect_dma source(%dma_start3A_99 : memref<100000x768xf32, #tpu.memory_space<hbm>>) target(%dma_start3A_93 : memref<16x768xf32, #tpu.memory_space<vmem>>) offsets(%dma_start3A_96 : memref<16xi32, #tpu.memory_space<vmem>>) semaphore(%arg10 : memref<!tpu.dma_semaphore, #tpu.memory_space<semaphore_mem>>)
    %dma_start3A_100 = arith.constant 2 : i32
    %dma_start3A_101 = arith.constant 1 : i32
    %dma_start3A_102 = arith.constant 32 : i32
    %dma_start3A_103 = arith.constant 0 : i32
    %dma_start3A_104 = tpu.memref_slice %arg7[%dma_start3A_101, %dma_start3A_102, %dma_start3A_103] : memref<2x64x768xf32, #tpu.memory_space<vmem>> -> memref<1x16x768xf32, #tpu.memory_space<vmem>>
    %dma_start3A_105 = tpu.memref_squeeze %dma_start3A_104 : memref<1x16x768xf32, #tpu.memory_space<vmem>> -> memref<16x768xf32, #tpu.memory_space<vmem>>
    %dma_start3A_106 = arith.constant 16 : i32
    %dma_start3A_107 = tpu.memref_slice %arg6[%dma_start3A_100, %dma_start3A_106] : memref<4x128xi32, #tpu.memory_space<vmem>> -> memref<1x16xi32, #tpu.memory_space<vmem>>
    %dma_start3A_108 = tpu.memref_squeeze %dma_start3A_107 : memref<1x16xi32, #tpu.memory_space<vmem>> -> memref<16xi32, #tpu.memory_space<vmem>>
    %dma_start3A_109 = arith.constant 0 : i32
    %dma_start3A_110 = arith.constant 0 : i32
    %dma_start3A_111 = tpu.memref_slice %arg3[%dma_start3A_109, %dma_start3A_110] : memref<100000x768xf32, #tpu.memory_space<hbm>> -> memref<100000x768xf32, #tpu.memory_space<hbm>>
    tpu.enqueue_indirect_dma source(%dma_start3A_111 : memref<100000x768xf32, #tpu.memory_space<hbm>>) target(%dma_start3A_105 : memref<16x768xf32, #tpu.memory_space<vmem>>) offsets(%dma_start3A_108 : memref<16xi32, #tpu.memory_space<vmem>>) semaphore(%arg10 : memref<!tpu.dma_semaphore, #tpu.memory_space<semaphore_mem>>)
    %dma_start3A_112 = arith.constant 3 : i32
    %dma_start3A_113 = arith.constant 1 : i32
    %dma_start3A_114 = arith.constant 48 : i32
    %dma_start3A_115 = arith.constant 0 : i32
    %dma_start3A_116 = tpu.memref_slice %arg7[%dma_start3A_113, %dma_start3A_114, %dma_start3A_115] : memref<2x64x768xf32, #tpu.memory_space<vmem>> -> memref<1x16x768xf32, #tpu.memory_space<vmem>>
    %dma_start3A_117 = tpu.memref_squeeze %dma_start3A_116 : memref<1x16x768xf32, #tpu.memory_space<vmem>> -> memref<16x768xf32, #tpu.memory_space<vmem>>
    %dma_start3A_118 = arith.constant 16 : i32
    %dma_start3A_119 = tpu.memref_slice %arg6[%dma_start3A_112, %dma_start3A_118] : memref<4x128xi32, #tpu.memory_space<vmem>> -> memref<1x16xi32, #tpu.memory_space<vmem>>
    %dma_start3A_120 = tpu.memref_squeeze %dma_start3A_119 : memref<1x16xi32, #tpu.memory_space<vmem>> -> memref<16xi32, #tpu.memory_space<vmem>>
    %dma_start3A_121 = arith.constant 0 : i32
    %dma_start3A_122 = arith.constant 0 : i32
    %dma_start3A_123 = tpu.memref_slice %arg3[%dma_start3A_121, %dma_start3A_122] : memref<100000x768xf32, #tpu.memory_space<hbm>> -> memref<100000x768xf32, #tpu.memory_space<hbm>>
    tpu.enqueue_indirect_dma source(%dma_start3A_123 : memref<100000x768xf32, #tpu.memory_space<hbm>>) target(%dma_start3A_117 : memref<16x768xf32, #tpu.memory_space<vmem>>) offsets(%dma_start3A_120 : memref<16xi32, #tpu.memory_space<vmem>>) semaphore(%arg10 : memref<!tpu.dma_semaphore, #tpu.memory_space<semaphore_mem>>)
    %add3A_124 = arith.constant 16 : i32
    %add3A_125 = arith.addi %mul3A_2, %add3A_124 : i32
    %dma_start3A_126 = arith.constant 1 : i32
    %dma_start3A_127 = arith.constant 0 : i32
    %dma_start3A_128 = arith.constant 0 : i32
    %dma_start3A_129 = tpu.memref_slice %arg8[%dma_start3A_126, %dma_start3A_127, %dma_start3A_128] : memref<2x16x768xf32, #tpu.memory_space<vmem>> -> memref<1x16x768xf32, #tpu.memory_space<vmem>>
    %dma_start3A_130 = tpu.memref_squeeze %dma_start3A_129 : memref<1x16x768xf32, #tpu.memory_space<vmem>> -> memref<16x768xf32, #tpu.memory_space<vmem>>
    %dma_start3A_131 = arith.constant 0 : i32
    %dma_start3A_132 = tpu.memref_slice %arg4[%add3A_125, %dma_start3A_131] : memref<4096x768xf32, #tpu.memory_space<hbm>> -> memref<16x768xf32, #tpu.memory_space<hbm>>
    %dma_start3A_133 = arith.constant 0 : i32
    %dma_start3A_134 = arith.constant 0 : i32
    %dma_start3A_135 = tpu.memref_slice %arg8[%dma_start3A_126, %dma_start3A_133, %dma_start3A_134] : memref<2x16x768xf32, #tpu.memory_space<vmem>> -> memref<1x16x768xf32, #tpu.memory_space<vmem>>
    %dma_start3A_136 = tpu.memref_squeeze %dma_start3A_135 : memref<1x16x768xf32, #tpu.memory_space<vmem>> -> memref<16x768xf32, #tpu.memory_space<vmem>>
    %dma_start3A_137 = arith.constant 0 : i32
    %dma_start3A_138 = tpu.memref_slice %arg4[%add3A_125, %dma_start3A_137] : memref<4096x768xf32, #tpu.memory_space<hbm>> -> memref<16x768xf32, #tpu.memory_space<hbm>>
    tpu.enqueue_dma source(%dma_start3A_138 : memref<16x768xf32, #tpu.memory_space<hbm>>) target(%dma_start3A_136 : memref<16x768xf32, #tpu.memory_space<vmem>>) target_semaphore(%arg12 : memref<!tpu.dma_semaphore, #tpu.memory_space<semaphore_mem>>)
    %dma_wait3A = arith.constant 0 : i32
    %dma_wait3A_139 = arith.constant 0 : i32
    %dma_wait3A_140 = arith.constant 0 : i32
    %dma_wait3A_141 = arith.constant 0 : i32
    %dma_wait3A_142 = tpu.memref_slice %arg7[%dma_wait3A_139, %dma_wait3A_140, %dma_wait3A_141] : memref<2x64x768xf32, #tpu.memory_space<vmem>> -> memref<1x16x768xf32, #tpu.memory_space<vmem>>
    %dma_wait3A_143 = tpu.memref_squeeze %dma_wait3A_142 : memref<1x16x768xf32, #tpu.memory_space<vmem>> -> memref<16x768xf32, #tpu.memory_space<vmem>>
    %dma_wait3A_144 = arith.constant 0 : i32
    %dma_wait3A_145 = tpu.memref_slice %arg6[%dma_wait3A, %dma_wait3A_144] : memref<4x128xi32, #tpu.memory_space<vmem>> -> memref<1x16xi32, #tpu.memory_space<vmem>>
    %dma_wait3A_146 = tpu.memref_squeeze %dma_wait3A_145 : memref<1x16xi32, #tpu.memory_space<vmem>> -> memref<16xi32, #tpu.memory_space<vmem>>
    %dma_wait3A_147 = arith.constant 0 : i32
    %dma_wait3A_148 = arith.constant 0 : i32
    %dma_wait3A_149 = tpu.memref_slice %arg3[%dma_wait3A_147, %dma_wait3A_148] : memref<100000x768xf32, #tpu.memory_space<hbm>> -> memref<100000x768xf32, #tpu.memory_space<hbm>>
    tpu.wait_indirect_dma semaphore(%arg9 : memref<!tpu.dma_semaphore, #tpu.memory_space<semaphore_mem>>) src(%dma_wait3A_149 : memref<100000x768xf32, #tpu.memory_space<hbm>>) dst(%dma_wait3A_143 : memref<16x768xf32, #tpu.memory_space<vmem>>)
    %dma_wait3A_150 = arith.constant 1 : i32
    %dma_wait3A_151 = arith.constant 0 : i32
    %dma_wait3A_152 = arith.constant 16 : i32
    %dma_wait3A_153 = arith.constant 0 : i32
    %dma_wait3A_154 = tpu.memref_slice %arg7[%dma_wait3A_151, %dma_wait3A_152, %dma_wait3A_153] : memref<2x64x768xf32, #tpu.memory_space<vmem>> -> memref<1x16x768xf32, #tpu.memory_space<vmem>>
    %dma_wait3A_155 = tpu.memref_squeeze %dma_wait3A_154 : memref<1x16x768xf32, #tpu.memory_space<vmem>> -> memref<16x768xf32, #tpu.memory_space<vmem>>
    %dma_wait3A_156 = arith.constant 0 : i32
    %dma_wait3A_157 = tpu.memref_slice %arg6[%dma_wait3A_150, %dma_wait3A_156] : memref<4x128xi32, #tpu.memory_space<vmem>> -> memref<1x16xi32, #tpu.memory_space<vmem>>
    %dma_wait3A_158 = tpu.memref_squeeze %dma_wait3A_157 : memref<1x16xi32, #tpu.memory_space<vmem>> -> memref<16xi32, #tpu.memory_space<vmem>>
    %dma_wait3A_159 = arith.constant 0 : i32
    %dma_wait3A_160 = arith.constant 0 : i32
    %dma_wait3A_161 = tpu.memref_slice %arg3[%dma_wait3A_159, %dma_wait3A_160] : memref<100000x768xf32, #tpu.memory_space<hbm>> -> memref<100000x768xf32, #tpu.memory_space<hbm>>
    tpu.wait_indirect_dma semaphore(%arg9 : memref<!tpu.dma_semaphore, #tpu.memory_space<semaphore_mem>>) src(%dma_wait3A_161 : memref<100000x768xf32, #tpu.memory_space<hbm>>) dst(%dma_wait3A_155 : memref<16x768xf32, #tpu.memory_space<vmem>>)
    %dma_wait3A_162 = arith.constant 2 : i32
    %dma_wait3A_163 = arith.constant 0 : i32
    %dma_wait3A_164 = arith.constant 32 : i32
    %dma_wait3A_165 = arith.constant 0 : i32
    %dma_wait3A_166 = tpu.memref_slice %arg7[%dma_wait3A_163, %dma_wait3A_164, %dma_wait3A_165] : memref<2x64x768xf32, #tpu.memory_space<vmem>> -> memref<1x16x768xf32, #tpu.memory_space<vmem>>
    %dma_wait3A_167 = tpu.memref_squeeze %dma_wait3A_166 : memref<1x16x768xf32, #tpu.memory_space<vmem>> -> memref<16x768xf32, #tpu.memory_space<vmem>>
    %dma_wait3A_168 = arith.constant 0 : i32
    %dma_wait3A_169 = tpu.memref_slice %arg6[%dma_wait3A_162, %dma_wait3A_168] : memref<4x128xi32, #tpu.memory_space<vmem>> -> memref<1x16xi32, #tpu.memory_space<vmem>>
    %dma_wait3A_170 = tpu.memref_squeeze %dma_wait3A_169 : memref<1x16xi32, #tpu.memory_space<vmem>> -> memref<16xi32, #tpu.memory_space<vmem>>
    %dma_wait3A_171 = arith.constant 0 : i32
    %dma_wait3A_172 = arith.constant 0 : i32
    %dma_wait3A_173 = tpu.memref_slice %arg3[%dma_wait3A_171, %dma_wait3A_172] : memref<100000x768xf32, #tpu.memory_space<hbm>> -> memref<100000x768xf32, #tpu.memory_space<hbm>>
    tpu.wait_indirect_dma semaphore(%arg9 : memref<!tpu.dma_semaphore, #tpu.memory_space<semaphore_mem>>) src(%dma_wait3A_173 : memref<100000x768xf32, #tpu.memory_space<hbm>>) dst(%dma_wait3A_167 : memref<16x768xf32, #tpu.memory_space<vmem>>)
    %dma_wait3A_174 = arith.constant 3 : i32
    %dma_wait3A_175 = arith.constant 0 : i32
    %dma_wait3A_176 = arith.constant 48 : i32
    %dma_wait3A_177 = arith.constant 0 : i32
    %dma_wait3A_178 = tpu.memref_slice %arg7[%dma_wait3A_175, %dma_wait3A_176, %dma_wait3A_177] : memref<2x64x768xf32, #tpu.memory_space<vmem>> -> memref<1x16x768xf32, #tpu.memory_space<vmem>>
    %dma_wait3A_179 = tpu.memref_squeeze %dma_wait3A_178 : memref<1x16x768xf32, #tpu.memory_space<vmem>> -> memref<16x768xf32, #tpu.memory_space<vmem>>
    %dma_wait3A_180 = arith.constant 0 : i32
    %dma_wait3A_181 = tpu.memref_slice %arg6[%dma_wait3A_174, %dma_wait3A_180] : memref<4x128xi32, #tpu.memory_space<vmem>> -> memref<1x16xi32, #tpu.memory_space<vmem>>
    %dma_wait3A_182 = tpu.memref_squeeze %dma_wait3A_181 : memref<1x16xi32, #tpu.memory_space<vmem>> -> memref<16xi32, #tpu.memory_space<vmem>>
    %dma_wait3A_183 = arith.constant 0 : i32
    %dma_wait3A_184 = arith.constant 0 : i32
    %dma_wait3A_185 = tpu.memref_slice %arg3[%dma_wait3A_183, %dma_wait3A_184] : memref<100000x768xf32, #tpu.memory_space<hbm>> -> memref<100000x768xf32, #tpu.memory_space<hbm>>
    tpu.wait_indirect_dma semaphore(%arg9 : memref<!tpu.dma_semaphore, #tpu.memory_space<semaphore_mem>>) src(%dma_wait3A_185 : memref<100000x768xf32, #tpu.memory_space<hbm>>) dst(%dma_wait3A_179 : memref<16x768xf32, #tpu.memory_space<vmem>>)
    %dma_wait3A_186 = arith.constant 0 : i32
    %dma_wait3A_187 = arith.constant 0 : i32
    %dma_wait3A_188 = arith.constant 0 : i32
    %dma_wait3A_189 = tpu.memref_slice %arg8[%dma_wait3A_186, %dma_wait3A_187, %dma_wait3A_188] : memref<2x16x768xf32, #tpu.memory_space<vmem>> -> memref<1x16x768xf32, #tpu.memory_space<vmem>>
    %dma_wait3A_190 = tpu.memref_squeeze %dma_wait3A_189 : memref<1x16x768xf32, #tpu.memory_space<vmem>> -> memref<16x768xf32, #tpu.memory_space<vmem>>
    %dma_wait3A_191 = arith.constant 0 : i32
    %dma_wait3A_192 = tpu.memref_slice %arg4[%add3A_62, %dma_wait3A_191] : memref<4096x768xf32, #tpu.memory_space<hbm>> -> memref<16x768xf32, #tpu.memory_space<hbm>>
    %dma_wait3A_193 = arith.constant 0 : i32
    %dma_wait3A_194 = arith.constant 0 : i32
    %dma_wait3A_195 = tpu.memref_slice %arg8[%dma_wait3A_186, %dma_wait3A_193, %dma_wait3A_194] : memref<2x16x768xf32, #tpu.memory_space<vmem>> -> memref<1x16x768xf32, #tpu.memory_space<vmem>>
    %dma_wait3A_196 = tpu.memref_squeeze %dma_wait3A_195 : memref<1x16x768xf32, #tpu.memory_space<vmem>> -> memref<16x768xf32, #tpu.memory_space<vmem>>
    %dma_wait3A_197 = arith.constant 0 : i32
    %dma_wait3A_198 = tpu.memref_slice %arg4[%add3A_62, %dma_wait3A_197] : memref<4096x768xf32, #tpu.memory_space<hbm>> -> memref<16x768xf32, #tpu.memory_space<hbm>>
    tpu.wait_dma2 semaphore(%arg11 : memref<!tpu.dma_semaphore, #tpu.memory_space<semaphore_mem>>) src(%dma_wait3A_198 : memref<16x768xf32, #tpu.memory_space<hbm>>) dst(%dma_wait3A_196 : memref<16x768xf32, #tpu.memory_space<vmem>>)
    %add3A_199 = arith.constant 0 : i32
    %add3A_200 = arith.addi %add3A_199, %mul3A_2 : i32
    %add3A_201 = arith.constant 0 : i32
    %add3A_202 = arith.addi %add3A_200, %add3A_201 : i32
    %dma_start3A_203 = arith.constant 0 : i32
    %dma_start3A_204 = arith.constant 0 : i32
    %dma_start3A_205 = arith.constant 0 : i32
    %dma_start3A_206 = tpu.memref_slice %arg7[%dma_start3A_203, %dma_start3A_204, %dma_start3A_205] : memref<2x64x768xf32, #tpu.memory_space<vmem>> -> memref<1x16x768xf32, #tpu.memory_space<vmem>>
    %dma_start3A_207 = tpu.memref_squeeze %dma_start3A_206 : memref<1x16x768xf32, #tpu.memory_space<vmem>> -> memref<16x768xf32, #tpu.memory_space<vmem>>
    %dma_start3A_208 = arith.constant 0 : i32
    %dma_start3A_209 = tpu.memref_slice %arg5[%add3A_202, %dma_start3A_208] : memref<16384x768xf32, #tpu.memory_space<hbm>> -> memref<16x768xf32, #tpu.memory_space<hbm>>
    %dma_start3A_210 = arith.constant 0 : i32
    %dma_start3A_211 = tpu.memref_slice %arg5[%add3A_202, %dma_start3A_210] : memref<16384x768xf32, #tpu.memory_space<hbm>> -> memref<16x768xf32, #tpu.memory_space<hbm>>
    %dma_start3A_212 = arith.constant 0 : i32
    %dma_start3A_213 = arith.constant 0 : i32
    %dma_start3A_214 = tpu.memref_slice %arg7[%dma_start3A_203, %dma_start3A_212, %dma_start3A_213] : memref<2x64x768xf32, #tpu.memory_space<vmem>> -> memref<1x16x768xf32, #tpu.memory_space<vmem>>
    %dma_start3A_215 = tpu.memref_squeeze %dma_start3A_214 : memref<1x16x768xf32, #tpu.memory_space<vmem>> -> memref<16x768xf32, #tpu.memory_space<vmem>>
    tpu.enqueue_dma source(%dma_start3A_215 : memref<16x768xf32, #tpu.memory_space<vmem>>) target(%dma_start3A_211 : memref<16x768xf32, #tpu.memory_space<hbm>>) target_semaphore(%arg13 : memref<!tpu.dma_semaphore, #tpu.memory_space<semaphore_mem>>)
    %add3A_216 = arith.constant 4096 : i32
    %add3A_217 = arith.addi %add3A_216, %mul3A_2 : i32
    %add3A_218 = arith.constant 0 : i32
    %add3A_219 = arith.addi %add3A_217, %add3A_218 : i32
    %dma_start3A_220 = arith.constant 0 : i32
    %dma_start3A_221 = arith.constant 16 : i32
    %dma_start3A_222 = arith.constant 0 : i32
    %dma_start3A_223 = tpu.memref_slice %arg7[%dma_start3A_220, %dma_start3A_221, %dma_start3A_222] : memref<2x64x768xf32, #tpu.memory_space<vmem>> -> memref<1x16x768xf32, #tpu.memory_space<vmem>>
    %dma_start3A_224 = tpu.memref_squeeze %dma_start3A_223 : memref<1x16x768xf32, #tpu.memory_space<vmem>> -> memref<16x768xf32, #tpu.memory_space<vmem>>
    %dma_start3A_225 = arith.constant 0 : i32
    %dma_start3A_226 = tpu.memref_slice %arg5[%add3A_219, %dma_start3A_225] : memref<16384x768xf32, #tpu.memory_space<hbm>> -> memref<16x768xf32, #tpu.memory_space<hbm>>
    %dma_start3A_227 = arith.constant 0 : i32
    %dma_start3A_228 = tpu.memref_slice %arg5[%add3A_219, %dma_start3A_227] : memref<16384x768xf32, #tpu.memory_space<hbm>> -> memref<16x768xf32, #tpu.memory_space<hbm>>
    %dma_start3A_229 = arith.constant 16 : i32
    %dma_start3A_230 = arith.constant 0 : i32
    %dma_start3A_231 = tpu.memref_slice %arg7[%dma_start3A_220, %dma_start3A_229, %dma_start3A_230] : memref<2x64x768xf32, #tpu.memory_space<vmem>> -> memref<1x16x768xf32, #tpu.memory_space<vmem>>
    %dma_start3A_232 = tpu.memref_squeeze %dma_start3A_231 : memref<1x16x768xf32, #tpu.memory_space<vmem>> -> memref<16x768xf32, #tpu.memory_space<vmem>>
    tpu.enqueue_dma source(%dma_start3A_232 : memref<16x768xf32, #tpu.memory_space<vmem>>) target(%dma_start3A_228 : memref<16x768xf32, #tpu.memory_space<hbm>>) target_semaphore(%arg13 : memref<!tpu.dma_semaphore, #tpu.memory_space<semaphore_mem>>)
    %add3A_233 = arith.constant 8192 : i32
    %add3A_234 = arith.addi %add3A_233, %mul3A_2 : i32
    %add3A_235 = arith.constant 0 : i32
    %add3A_236 = arith.addi %add3A_234, %add3A_235 : i32
    %dma_start3A_237 = arith.constant 0 : i32
    %dma_start3A_238 = arith.constant 32 : i32
    %dma_start3A_239 = arith.constant 0 : i32
    %dma_start3A_240 = tpu.memref_slice %arg7[%dma_start3A_237, %dma_start3A_238, %dma_start3A_239] : memref<2x64x768xf32, #tpu.memory_space<vmem>> -> memref<1x16x768xf32, #tpu.memory_space<vmem>>
    %dma_start3A_241 = tpu.memref_squeeze %dma_start3A_240 : memref<1x16x768xf32, #tpu.memory_space<vmem>> -> memref<16x768xf32, #tpu.memory_space<vmem>>
    %dma_start3A_242 = arith.constant 0 : i32
    %dma_start3A_243 = tpu.memref_slice %arg5[%add3A_236, %dma_start3A_242] : memref<16384x768xf32, #tpu.memory_space<hbm>> -> memref<16x768xf32, #tpu.memory_space<hbm>>
    %dma_start3A_244 = arith.constant 0 : i32
    %dma_start3A_245 = tpu.memref_slice %arg5[%add3A_236, %dma_start3A_244] : memref<16384x768xf32, #tpu.memory_space<hbm>> -> memref<16x768xf32, #tpu.memory_space<hbm>>
    %dma_start3A_246 = arith.constant 32 : i32
    %dma_start3A_247 = arith.constant 0 : i32
    %dma_start3A_248 = tpu.memref_slice %arg7[%dma_start3A_237, %dma_start3A_246, %dma_start3A_247] : memref<2x64x768xf32, #tpu.memory_space<vmem>> -> memref<1x16x768xf32, #tpu.memory_space<vmem>>
    %dma_start3A_249 = tpu.memref_squeeze %dma_start3A_248 : memref<1x16x768xf32, #tpu.memory_space<vmem>> -> memref<16x768xf32, #tpu.memory_space<vmem>>
    tpu.enqueue_dma source(%dma_start3A_249 : memref<16x768xf32, #tpu.memory_space<vmem>>) target(%dma_start3A_245 : memref<16x768xf32, #tpu.memory_space<hbm>>) target_semaphore(%arg13 : memref<!tpu.dma_semaphore, #tpu.memory_space<semaphore_mem>>)
    %add3A_250 = arith.constant 12288 : i32
    %add3A_251 = arith.addi %add3A_250, %mul3A_2 : i32
    %add3A_252 = arith.constant 0 : i32
    %add3A_253 = arith.addi %add3A_251, %add3A_252 : i32
    %dma_start3A_254 = arith.constant 0 : i32
    %dma_start3A_255 = arith.constant 48 : i32
    %dma_start3A_256 = arith.constant 0 : i32
    %dma_start3A_257 = tpu.memref_slice %arg7[%dma_start3A_254, %dma_start3A_255, %dma_start3A_256] : memref<2x64x768xf32, #tpu.memory_space<vmem>> -> memref<1x16x768xf32, #tpu.memory_space<vmem>>
    %dma_start3A_258 = tpu.memref_squeeze %dma_start3A_257 : memref<1x16x768xf32, #tpu.memory_space<vmem>> -> memref<16x768xf32, #tpu.memory_space<vmem>>
    %dma_start3A_259 = arith.constant 0 : i32
    %dma_start3A_260 = tpu.memref_slice %arg5[%add3A_253, %dma_start3A_259] : memref<16384x768xf32, #tpu.memory_space<hbm>> -> memref<16x768xf32, #tpu.memory_space<hbm>>
    %dma_start3A_261 = arith.constant 0 : i32
    %dma_start3A_262 = tpu.memref_slice %arg5[%add3A_253, %dma_start3A_261] : memref<16384x768xf32, #tpu.memory_space<hbm>> -> memref<16x768xf32, #tpu.memory_space<hbm>>
    %dma_start3A_263 = arith.constant 48 : i32
    %dma_start3A_264 = arith.constant 0 : i32
    %dma_start3A_265 = tpu.memref_slice %arg7[%dma_start3A_254, %dma_start3A_263, %dma_start3A_264] : memref<2x64x768xf32, #tpu.memory_space<vmem>> -> memref<1x16x768xf32, #tpu.memory_space<vmem>>
    %dma_start3A_266 = tpu.memref_squeeze %dma_start3A_265 : memref<1x16x768xf32, #tpu.memory_space<vmem>> -> memref<16x768xf32, #tpu.memory_space<vmem>>
    tpu.enqueue_dma source(%dma_start3A_266 : memref<16x768xf32, #tpu.memory_space<vmem>>) target(%dma_start3A_262 : memref<16x768xf32, #tpu.memory_space<hbm>>) target_semaphore(%arg13 : memref<!tpu.dma_semaphore, #tpu.memory_space<semaphore_mem>>)
    %dma_wait3A_267 = arith.constant 0 : i32
    %dma_wait3A_268 = arith.constant 0 : i32
    %dma_wait3A_269 = arith.constant 0 : i32
    %dma_wait3A_270 = tpu.memref_slice %arg7[%dma_wait3A_267, %dma_wait3A_268, %dma_wait3A_269] : memref<2x64x768xf32, #tpu.memory_space<vmem>> -> memref<1x16x768xf32, #tpu.memory_space<vmem>>
    %dma_wait3A_271 = tpu.memref_squeeze %dma_wait3A_270 : memref<1x16x768xf32, #tpu.memory_space<vmem>> -> memref<16x768xf32, #tpu.memory_space<vmem>>
    %dma_wait3A_272 = arith.constant 0 : i32
    %dma_wait3A_273 = tpu.memref_slice %arg5[%add3A_202, %dma_wait3A_272] : memref<16384x768xf32, #tpu.memory_space<hbm>> -> memref<16x768xf32, #tpu.memory_space<hbm>>
    %dma_wait3A_274 = arith.constant 0 : i32
    %dma_wait3A_275 = tpu.memref_slice %arg5[%add3A_202, %dma_wait3A_274] : memref<16384x768xf32, #tpu.memory_space<hbm>> -> memref<16x768xf32, #tpu.memory_space<hbm>>
    %dma_wait3A_276 = arith.constant 0 : i32
    %dma_wait3A_277 = arith.constant 0 : i32
    %dma_wait3A_278 = tpu.memref_slice %arg7[%dma_wait3A_267, %dma_wait3A_276, %dma_wait3A_277] : memref<2x64x768xf32, #tpu.memory_space<vmem>> -> memref<1x16x768xf32, #tpu.memory_space<vmem>>
    %dma_wait3A_279 = tpu.memref_squeeze %dma_wait3A_278 : memref<1x16x768xf32, #tpu.memory_space<vmem>> -> memref<16x768xf32, #tpu.memory_space<vmem>>
    tpu.wait_dma2 semaphore(%arg13 : memref<!tpu.dma_semaphore, #tpu.memory_space<semaphore_mem>>) src(%dma_wait3A_279 : memref<16x768xf32, #tpu.memory_space<vmem>>) dst(%dma_wait3A_275 : memref<16x768xf32, #tpu.memory_space<hbm>>)
    %dma_wait3A_280 = arith.constant 0 : i32
    %dma_wait3A_281 = arith.constant 16 : i32
    %dma_wait3A_282 = arith.constant 0 : i32
    %dma_wait3A_283 = tpu.memref_slice %arg7[%dma_wait3A_280, %dma_wait3A_281, %dma_wait3A_282] : memref<2x64x768xf32, #tpu.memory_space<vmem>> -> memref<1x16x768xf32, #tpu.memory_space<vmem>>
    %dma_wait3A_284 = tpu.memref_squeeze %dma_wait3A_283 : memref<1x16x768xf32, #tpu.memory_space<vmem>> -> memref<16x768xf32, #tpu.memory_space<vmem>>
    %dma_wait3A_285 = arith.constant 0 : i32
    %dma_wait3A_286 = tpu.memref_slice %arg5[%add3A_219, %dma_wait3A_285] : memref<16384x768xf32, #tpu.memory_space<hbm>> -> memref<16x768xf32, #tpu.memory_space<hbm>>
    %dma_wait3A_287 = arith.constant 0 : i32
    %dma_wait3A_288 = tpu.memref_slice %arg5[%add3A_219, %dma_wait3A_287] : memref<16384x768xf32, #tpu.memory_space<hbm>> -> memref<16x768xf32, #tpu.memory_space<hbm>>
    %dma_wait3A_289 = arith.constant 16 : i32
    %dma_wait3A_290 = arith.constant 0 : i32
    %dma_wait3A_291 = tpu.memref_slice %arg7[%dma_wait3A_280, %dma_wait3A_289, %dma_wait3A_290] : memref<2x64x768xf32, #tpu.memory_space<vmem>> -> memref<1x16x768xf32, #tpu.memory_space<vmem>>
    %dma_wait3A_292 = tpu.memref_squeeze %dma_wait3A_291 : memref<1x16x768xf32, #tpu.memory_space<vmem>> -> memref<16x768xf32, #tpu.memory_space<vmem>>
    tpu.wait_dma2 semaphore(%arg13 : memref<!tpu.dma_semaphore, #tpu.memory_space<semaphore_mem>>) src(%dma_wait3A_292 : memref<16x768xf32, #tpu.memory_space<vmem>>) dst(%dma_wait3A_288 : memref<16x768xf32, #tpu.memory_space<hbm>>)
    %dma_wait3A_293 = arith.constant 0 : i32
    %dma_wait3A_294 = arith.constant 32 : i32
    %dma_wait3A_295 = arith.constant 0 : i32
    %dma_wait3A_296 = tpu.memref_slice %arg7[%dma_wait3A_293, %dma_wait3A_294, %dma_wait3A_295] : memref<2x64x768xf32, #tpu.memory_space<vmem>> -> memref<1x16x768xf32, #tpu.memory_space<vmem>>
    %dma_wait3A_297 = tpu.memref_squeeze %dma_wait3A_296 : memref<1x16x768xf32, #tpu.memory_space<vmem>> -> memref<16x768xf32, #tpu.memory_space<vmem>>
    %dma_wait3A_298 = arith.constant 0 : i32
    %dma_wait3A_299 = tpu.memref_slice %arg5[%add3A_236, %dma_wait3A_298] : memref<16384x768xf32, #tpu.memory_space<hbm>> -> memref<16x768xf32, #tpu.memory_space<hbm>>
    %dma_wait3A_300 = arith.constant 0 : i32
    %dma_wait3A_301 = tpu.memref_slice %arg5[%add3A_236, %dma_wait3A_300] : memref<16384x768xf32, #tpu.memory_space<hbm>> -> memref<16x768xf32, #tpu.memory_space<hbm>>
    %dma_wait3A_302 = arith.constant 32 : i32
    %dma_wait3A_303 = arith.constant 0 : i32
    %dma_wait3A_304 = tpu.memref_slice %arg7[%dma_wait3A_293, %dma_wait3A_302, %dma_wait3A_303] : memref<2x64x768xf32, #tpu.memory_space<vmem>> -> memref<1x16x768xf32, #tpu.memory_space<vmem>>
    %dma_wait3A_305 = tpu.memref_squeeze %dma_wait3A_304 : memref<1x16x768xf32, #tpu.memory_space<vmem>> -> memref<16x768xf32, #tpu.memory_space<vmem>>
    tpu.wait_dma2 semaphore(%arg13 : memref<!tpu.dma_semaphore, #tpu.memory_space<semaphore_mem>>) src(%dma_wait3A_305 : memref<16x768xf32, #tpu.memory_space<vmem>>) dst(%dma_wait3A_301 : memref<16x768xf32, #tpu.memory_space<hbm>>)
    %dma_wait3A_306 = arith.constant 0 : i32
    %dma_wait3A_307 = arith.constant 48 : i32
    %dma_wait3A_308 = arith.constant 0 : i32
    %dma_wait3A_309 = tpu.memref_slice %arg7[%dma_wait3A_306, %dma_wait3A_307, %dma_wait3A_308] : memref<2x64x768xf32, #tpu.memory_space<vmem>> -> memref<1x16x768xf32, #tpu.memory_space<vmem>>
    %dma_wait3A_310 = tpu.memref_squeeze %dma_wait3A_309 : memref<1x16x768xf32, #tpu.memory_space<vmem>> -> memref<16x768xf32, #tpu.memory_space<vmem>>
    %dma_wait3A_311 = arith.constant 0 : i32
    %dma_wait3A_312 = tpu.memref_slice %arg5[%add3A_253, %dma_wait3A_311] : memref<16384x768xf32, #tpu.memory_space<hbm>> -> memref<16x768xf32, #tpu.memory_space<hbm>>
    %dma_wait3A_313 = arith.constant 0 : i32
    %dma_wait3A_314 = tpu.memref_slice %arg5[%add3A_253, %dma_wait3A_313] : memref<16384x768xf32, #tpu.memory_space<hbm>> -> memref<16x768xf32, #tpu.memory_space<hbm>>
    %dma_wait3A_315 = arith.constant 48 : i32
    %dma_wait3A_316 = arith.constant 0 : i32
    %dma_wait3A_317 = tpu.memref_slice %arg7[%dma_wait3A_306, %dma_wait3A_315, %dma_wait3A_316] : memref<2x64x768xf32, #tpu.memory_space<vmem>> -> memref<1x16x768xf32, #tpu.memory_space<vmem>>
    %dma_wait3A_318 = tpu.memref_squeeze %dma_wait3A_317 : memref<1x16x768xf32, #tpu.memory_space<vmem>> -> memref<16x768xf32, #tpu.memory_space<vmem>>
    tpu.wait_dma2 semaphore(%arg13 : memref<!tpu.dma_semaphore, #tpu.memory_space<semaphore_mem>>) src(%dma_wait3A_318 : memref<16x768xf32, #tpu.memory_space<vmem>>) dst(%dma_wait3A_314 : memref<16x768xf32, #tpu.memory_space<hbm>>)
    %dma_start3A_319 = arith.constant 0 : i32
    %dma_start3A_320 = arith.constant 0 : i32
    %dma_start3A_321 = arith.constant 0 : i32
    %dma_start3A_322 = arith.constant 0 : i32
    %dma_start3A_323 = tpu.memref_slice %arg7[%dma_start3A_320, %dma_start3A_321, %dma_start3A_322] : memref<2x64x768xf32, #tpu.memory_space<vmem>> -> memref<1x16x768xf32, #tpu.memory_space<vmem>>
    %dma_start3A_324 = tpu.memref_squeeze %dma_start3A_323 : memref<1x16x768xf32, #tpu.memory_space<vmem>> -> memref<16x768xf32, #tpu.memory_space<vmem>>
    %dma_start3A_325 = arith.constant 32 : i32
    %dma_start3A_326 = tpu.memref_slice %arg6[%dma_start3A_319, %dma_start3A_325] : memref<4x128xi32, #tpu.memory_space<vmem>> -> memref<1x16xi32, #tpu.memory_space<vmem>>
    %dma_start3A_327 = tpu.memref_squeeze %dma_start3A_326 : memref<1x16xi32, #tpu.memory_space<vmem>> -> memref<16xi32, #tpu.memory_space<vmem>>
    %dma_start3A_328 = arith.constant 0 : i32
    %dma_start3A_329 = arith.constant 0 : i32
    %dma_start3A_330 = tpu.memref_slice %arg3[%dma_start3A_328, %dma_start3A_329] : memref<100000x768xf32, #tpu.memory_space<hbm>> -> memref<100000x768xf32, #tpu.memory_space<hbm>>
    tpu.enqueue_indirect_dma source(%dma_start3A_330 : memref<100000x768xf32, #tpu.memory_space<hbm>>) target(%dma_start3A_324 : memref<16x768xf32, #tpu.memory_space<vmem>>) offsets(%dma_start3A_327 : memref<16xi32, #tpu.memory_space<vmem>>) semaphore(%arg9 : memref<!tpu.dma_semaphore, #tpu.memory_space<semaphore_mem>>)
    %dma_start3A_331 = arith.constant 1 : i32
    %dma_start3A_332 = arith.constant 0 : i32
    %dma_start3A_333 = arith.constant 16 : i32
    %dma_start3A_334 = arith.constant 0 : i32
    %dma_start3A_335 = tpu.memref_slice %arg7[%dma_start3A_332, %dma_start3A_333, %dma_start3A_334] : memref<2x64x768xf32, #tpu.memory_space<vmem>> -> memref<1x16x768xf32, #tpu.memory_space<vmem>>
    %dma_start3A_336 = tpu.memref_squeeze %dma_start3A_335 : memref<1x16x768xf32, #tpu.memory_space<vmem>> -> memref<16x768xf32, #tpu.memory_space<vmem>>
    %dma_start3A_337 = arith.constant 32 : i32
    %dma_start3A_338 = tpu.memref_slice %arg6[%dma_start3A_331, %dma_start3A_337] : memref<4x128xi32, #tpu.memory_space<vmem>> -> memref<1x16xi32, #tpu.memory_space<vmem>>
    %dma_start3A_339 = tpu.memref_squeeze %dma_start3A_338 : memref<1x16xi32, #tpu.memory_space<vmem>> -> memref<16xi32, #tpu.memory_space<vmem>>
    %dma_start3A_340 = arith.constant 0 : i32
    %dma_start3A_341 = arith.constant 0 : i32
    %dma_start3A_342 = tpu.memref_slice %arg3[%dma_start3A_340, %dma_start3A_341] : memref<100000x768xf32, #tpu.memory_space<hbm>> -> memref<100000x768xf32, #tpu.memory_space<hbm>>
    tpu.enqueue_indirect_dma source(%dma_start3A_342 : memref<100000x768xf32, #tpu.memory_space<hbm>>) target(%dma_start3A_336 : memref<16x768xf32, #tpu.memory_space<vmem>>) offsets(%dma_start3A_339 : memref<16xi32, #tpu.memory_space<vmem>>) semaphore(%arg9 : memref<!tpu.dma_semaphore, #tpu.memory_space<semaphore_mem>>)
    %dma_start3A_343 = arith.constant 2 : i32
    %dma_start3A_344 = arith.constant 0 : i32
    %dma_start3A_345 = arith.constant 32 : i32
    %dma_start3A_346 = arith.constant 0 : i32
    %dma_start3A_347 = tpu.memref_slice %arg7[%dma_start3A_344, %dma_start3A_345, %dma_start3A_346] : memref<2x64x768xf32, #tpu.memory_space<vmem>> -> memref<1x16x768xf32, #tpu.memory_space<vmem>>
    %dma_start3A_348 = tpu.memref_squeeze %dma_start3A_347 : memref<1x16x768xf32, #tpu.memory_space<vmem>> -> memref<16x768xf32, #tpu.memory_space<vmem>>
    %dma_start3A_349 = arith.constant 32 : i32
    %dma_start3A_350 = tpu.memref_slice %arg6[%dma_start3A_343, %dma_start3A_349] : memref<4x128xi32, #tpu.memory_space<vmem>> -> memref<1x16xi32, #tpu.memory_space<vmem>>
    %dma_start3A_351 = tpu.memref_squeeze %dma_start3A_350 : memref<1x16xi32, #tpu.memory_space<vmem>> -> memref<16xi32, #tpu.memory_space<vmem>>
    %dma_start3A_352 = arith.constant 0 : i32
    %dma_start3A_353 = arith.constant 0 : i32
    %dma_start3A_354 = tpu.memref_slice %arg3[%dma_start3A_352, %dma_start3A_353] : memref<100000x768xf32, #tpu.memory_space<hbm>> -> memref<100000x768xf32, #tpu.memory_space<hbm>>
    tpu.enqueue_indirect_dma source(%dma_start3A_354 : memref<100000x768xf32, #tpu.memory_space<hbm>>) target(%dma_start3A_348 : memref<16x768xf32, #tpu.memory_space<vmem>>) offsets(%dma_start3A_351 : memref<16xi32, #tpu.memory_space<vmem>>) semaphore(%arg9 : memref<!tpu.dma_semaphore, #tpu.memory_space<semaphore_mem>>)
    %dma_start3A_355 = arith.constant 3 : i32
    %dma_start3A_356 = arith.constant 0 : i32
    %dma_start3A_357 = arith.constant 48 : i32
    %dma_start3A_358 = arith.constant 0 : i32
    %dma_start3A_359 = tpu.memref_slice %arg7[%dma_start3A_356, %dma_start3A_357, %dma_start3A_358] : memref<2x64x768xf32, #tpu.memory_space<vmem>> -> memref<1x16x768xf32, #tpu.memory_space<vmem>>
    %dma_start3A_360 = tpu.memref_squeeze %dma_start3A_359 : memref<1x16x768xf32, #tpu.memory_space<vmem>> -> memref<16x768xf32, #tpu.memory_space<vmem>>
    %dma_start3A_361 = arith.constant 32 : i32
    %dma_start3A_362 = tpu.memref_slice %arg6[%dma_start3A_355, %dma_start3A_361] : memref<4x128xi32, #tpu.memory_space<vmem>> -> memref<1x16xi32, #tpu.memory_space<vmem>>
    %dma_start3A_363 = tpu.memref_squeeze %dma_start3A_362 : memref<1x16xi32, #tpu.memory_space<vmem>> -> memref<16xi32, #tpu.memory_space<vmem>>
    %dma_start3A_364 = arith.constant 0 : i32
    %dma_start3A_365 = arith.constant 0 : i32
    %dma_start3A_366 = tpu.memref_slice %arg3[%dma_start3A_364, %dma_start3A_365] : memref<100000x768xf32, #tpu.memory_space<hbm>> -> memref<100000x768xf32, #tpu.memory_space<hbm>>
    tpu.enqueue_indirect_dma source(%dma_start3A_366 : memref<100000x768xf32, #tpu.memory_space<hbm>>) target(%dma_start3A_360 : memref<16x768xf32, #tpu.memory_space<vmem>>) offsets(%dma_start3A_363 : memref<16xi32, #tpu.memory_space<vmem>>) semaphore(%arg9 : memref<!tpu.dma_semaphore, #tpu.memory_space<semaphore_mem>>)
    %add3A_367 = arith.constant 32 : i32
    %add3A_368 = arith.addi %mul3A_2, %add3A_367 : i32
    %dma_start3A_369 = arith.constant 0 : i32
    %dma_start3A_370 = arith.constant 0 : i32
    %dma_start3A_371 = arith.constant 0 : i32
    %dma_start3A_372 = tpu.memref_slice %arg8[%dma_start3A_369, %dma_start3A_370, %dma_start3A_371] : memref<2x16x768xf32, #tpu.memory_space<vmem>> -> memref<1x16x768xf32, #tpu.memory_space<vmem>>
    %dma_start3A_373 = tpu.memref_squeeze %dma_start3A_372 : memref<1x16x768xf32, #tpu.memory_space<vmem>> -> memref<16x768xf32, #tpu.memory_space<vmem>>
    %dma_start3A_374 = arith.constant 0 : i32
    %dma_start3A_375 = tpu.memref_slice %arg4[%add3A_368, %dma_start3A_374] : memref<4096x768xf32, #tpu.memory_space<hbm>> -> memref<16x768xf32, #tpu.memory_space<hbm>>
    %dma_start3A_376 = arith.constant 0 : i32
    %dma_start3A_377 = arith.constant 0 : i32
    %dma_start3A_378 = tpu.memref_slice %arg8[%dma_start3A_369, %dma_start3A_376, %dma_start3A_377] : memref<2x16x768xf32, #tpu.memory_space<vmem>> -> memref<1x16x768xf32, #tpu.memory_space<vmem>>
    %dma_start3A_379 = tpu.memref_squeeze %dma_start3A_378 : memref<1x16x768xf32, #tpu.memory_space<vmem>> -> memref<16x768xf32, #tpu.memory_space<vmem>>
    %dma_start3A_380 = arith.constant 0 : i32
    %dma_start3A_381 = tpu.memref_slice %arg4[%add3A_368, %dma_start3A_380] : memref<4096x768xf32, #tpu.memory_space<hbm>> -> memref<16x768xf32, #tpu.memory_space<hbm>>
    tpu.enqueue_dma source(%dma_start3A_381 : memref<16x768xf32, #tpu.memory_space<hbm>>) target(%dma_start3A_379 : memref<16x768xf32, #tpu.memory_space<vmem>>) target_semaphore(%arg11 : memref<!tpu.dma_semaphore, #tpu.memory_space<semaphore_mem>>)
    %dma_wait3A_382 = arith.constant 0 : i32
    %dma_wait3A_383 = arith.constant 1 : i32
    %dma_wait3A_384 = arith.constant 0 : i32
    %dma_wait3A_385 = arith.constant 0 : i32
    %dma_wait3A_386 = tpu.memref_slice %arg7[%dma_wait3A_383, %dma_wait3A_384, %dma_wait3A_385] : memref<2x64x768xf32, #tpu.memory_space<vmem>> -> memref<1x16x768xf32, #tpu.memory_space<vmem>>
    %dma_wait3A_387 = tpu.memref_squeeze %dma_wait3A_386 : memref<1x16x768xf32, #tpu.memory_space<vmem>> -> memref<16x768xf32, #tpu.memory_space<vmem>>
    %dma_wait3A_388 = arith.constant 16 : i32
    %dma_wait3A_389 = tpu.memref_slice %arg6[%dma_wait3A_382, %dma_wait3A_388] : memref<4x128xi32, #tpu.memory_space<vmem>> -> memref<1x16xi32, #tpu.memory_space<vmem>>
    %dma_wait3A_390 = tpu.memref_squeeze %dma_wait3A_389 : memref<1x16xi32, #tpu.memory_space<vmem>> -> memref<16xi32, #tpu.memory_space<vmem>>
    %dma_wait3A_391 = arith.constant 0 : i32
    %dma_wait3A_392 = arith.constant 0 : i32
    %dma_wait3A_393 = tpu.memref_slice %arg3[%dma_wait3A_391, %dma_wait3A_392] : memref<100000x768xf32, #tpu.memory_space<hbm>> -> memref<100000x768xf32, #tpu.memory_space<hbm>>
    tpu.wait_indirect_dma semaphore(%arg10 : memref<!tpu.dma_semaphore, #tpu.memory_space<semaphore_mem>>) src(%dma_wait3A_393 : memref<100000x768xf32, #tpu.memory_space<hbm>>) dst(%dma_wait3A_387 : memref<16x768xf32, #tpu.memory_space<vmem>>)
    %dma_wait3A_394 = arith.constant 1 : i32
    %dma_wait3A_395 = arith.constant 1 : i32
    %dma_wait3A_396 = arith.constant 16 : i32
    %dma_wait3A_397 = arith.constant 0 : i32
    %dma_wait3A_398 = tpu.memref_slice %arg7[%dma_wait3A_395, %dma_wait3A_396, %dma_wait3A_397] : memref<2x64x768xf32, #tpu.memory_space<vmem>> -> memref<1x16x768xf32, #tpu.memory_space<vmem>>
    %dma_wait3A_399 = tpu.memref_squeeze %dma_wait3A_398 : memref<1x16x768xf32, #tpu.memory_space<vmem>> -> memref<16x768xf32, #tpu.memory_space<vmem>>
    %dma_wait3A_400 = arith.constant 16 : i32
    %dma_wait3A_401 = tpu.memref_slice %arg6[%dma_wait3A_394, %dma_wait3A_400] : memref<4x128xi32, #tpu.memory_space<vmem>> -> memref<1x16xi32, #tpu.memory_space<vmem>>
    %dma_wait3A_402 = tpu.memref_squeeze %dma_wait3A_401 : memref<1x16xi32, #tpu.memory_space<vmem>> -> memref<16xi32, #tpu.memory_space<vmem>>
    %dma_wait3A_403 = arith.constant 0 : i32
    %dma_wait3A_404 = arith.constant 0 : i32
    %dma_wait3A_405 = tpu.memref_slice %arg3[%dma_wait3A_403, %dma_wait3A_404] : memref<100000x768xf32, #tpu.memory_space<hbm>> -> memref<100000x768xf32, #tpu.memory_space<hbm>>
    tpu.wait_indirect_dma semaphore(%arg10 : memref<!tpu.dma_semaphore, #tpu.memory_space<semaphore_mem>>) src(%dma_wait3A_405 : memref<100000x768xf32, #tpu.memory_space<hbm>>) dst(%dma_wait3A_399 : memref<16x768xf32, #tpu.memory_space<vmem>>)
    %dma_wait3A_406 = arith.constant 2 : i32
    %dma_wait3A_407 = arith.constant 1 : i32
    %dma_wait3A_408 = arith.constant 32 : i32
    %dma_wait3A_409 = arith.constant 0 : i32
    %dma_wait3A_410 = tpu.memref_slice %arg7[%dma_wait3A_407, %dma_wait3A_408, %dma_wait3A_409] : memref<2x64x768xf32, #tpu.memory_space<vmem>> -> memref<1x16x768xf32, #tpu.memory_space<vmem>>
    %dma_wait3A_411 = tpu.memref_squeeze %dma_wait3A_410 : memref<1x16x768xf32, #tpu.memory_space<vmem>> -> memref<16x768xf32, #tpu.memory_space<vmem>>
    %dma_wait3A_412 = arith.constant 16 : i32
    %dma_wait3A_413 = tpu.memref_slice %arg6[%dma_wait3A_406, %dma_wait3A_412] : memref<4x128xi32, #tpu.memory_space<vmem>> -> memref<1x16xi32, #tpu.memory_space<vmem>>
    %dma_wait3A_414 = tpu.memref_squeeze %dma_wait3A_413 : memref<1x16xi32, #tpu.memory_space<vmem>> -> memref<16xi32, #tpu.memory_space<vmem>>
    %dma_wait3A_415 = arith.constant 0 : i32
    %dma_wait3A_416 = arith.constant 0 : i32
    %dma_wait3A_417 = tpu.memref_slice %arg3[%dma_wait3A_415, %dma_wait3A_416] : memref<100000x768xf32, #tpu.memory_space<hbm>> -> memref<100000x768xf32, #tpu.memory_space<hbm>>
    tpu.wait_indirect_dma semaphore(%arg10 : memref<!tpu.dma_semaphore, #tpu.memory_space<semaphore_mem>>) src(%dma_wait3A_417 : memref<100000x768xf32, #tpu.memory_space<hbm>>) dst(%dma_wait3A_411 : memref<16x768xf32, #tpu.memory_space<vmem>>)
    %dma_wait3A_418 = arith.constant 3 : i32
    %dma_wait3A_419 = arith.constant 1 : i32
    %dma_wait3A_420 = arith.constant 48 : i32
    %dma_wait3A_421 = arith.constant 0 : i32
    %dma_wait3A_422 = tpu.memref_slice %arg7[%dma_wait3A_419, %dma_wait3A_420, %dma_wait3A_421] : memref<2x64x768xf32, #tpu.memory_space<vmem>> -> memref<1x16x768xf32, #tpu.memory_space<vmem>>
    %dma_wait3A_423 = tpu.memref_squeeze %dma_wait3A_422 : memref<1x16x768xf32, #tpu.memory_space<vmem>> -> memref<16x768xf32, #tpu.memory_space<vmem>>
    %dma_wait3A_424 = arith.constant 16 : i32
    %dma_wait3A_425 = tpu.memref_slice %arg6[%dma_wait3A_418, %dma_wait3A_424] : memref<4x128xi32, #tpu.memory_space<vmem>> -> memref<1x16xi32, #tpu.memory_space<vmem>>
    %dma_wait3A_426 = tpu.memref_squeeze %dma_wait3A_425 : memref<1x16xi32, #tpu.memory_space<vmem>> -> memref<16xi32, #tpu.memory_space<vmem>>
    %dma_wait3A_427 = arith.constant 0 : i32
    %dma_wait3A_428 = arith.constant 0 : i32
    %dma_wait3A_429 = tpu.memref_slice %arg3[%dma_wait3A_427, %dma_wait3A_428] : memref<100000x768xf32, #tpu.memory_space<hbm>> -> memref<100000x768xf32, #tpu.memory_space<hbm>>
    tpu.wait_indirect_dma semaphore(%arg10 : memref<!tpu.dma_semaphore, #tpu.memory_space<semaphore_mem>>) src(%dma_wait3A_429 : memref<100000x768xf32, #tpu.memory_space<hbm>>) dst(%dma_wait3A_423 : memref<16x768xf32, #tpu.memory_space<vmem>>)
    %dma_wait3A_430 = arith.constant 1 : i32
    %dma_wait3A_431 = arith.constant 0 : i32
    %dma_wait3A_432 = arith.constant 0 : i32
    %dma_wait3A_433 = tpu.memref_slice %arg8[%dma_wait3A_430, %dma_wait3A_431, %dma_wait3A_432] : memref<2x16x768xf32, #tpu.memory_space<vmem>> -> memref<1x16x768xf32, #tpu.memory_space<vmem>>
    %dma_wait3A_434 = tpu.memref_squeeze %dma_wait3A_433 : memref<1x16x768xf32, #tpu.memory_space<vmem>> -> memref<16x768xf32, #tpu.memory_space<vmem>>
    %dma_wait3A_435 = arith.constant 0 : i32
    %dma_wait3A_436 = tpu.memref_slice %arg4[%add3A_125, %dma_wait3A_435] : memref<4096x768xf32, #tpu.memory_space<hbm>> -> memref<16x768xf32, #tpu.memory_space<hbm>>
    %dma_wait3A_437 = arith.constant 0 : i32
    %dma_wait3A_438 = arith.constant 0 : i32
    %dma_wait3A_439 = tpu.memref_slice %arg8[%dma_wait3A_430, %dma_wait3A_437, %dma_wait3A_438] : memref<2x16x768xf32, #tpu.memory_space<vmem>> -> memref<1x16x768xf32, #tpu.memory_space<vmem>>
    %dma_wait3A_440 = tpu.memref_squeeze %dma_wait3A_439 : memref<1x16x768xf32, #tpu.memory_space<vmem>> -> memref<16x768xf32, #tpu.memory_space<vmem>>
    %dma_wait3A_441 = arith.constant 0 : i32
    %dma_wait3A_442 = tpu.memref_slice %arg4[%add3A_125, %dma_wait3A_441] : memref<4096x768xf32, #tpu.memory_space<hbm>> -> memref<16x768xf32, #tpu.memory_space<hbm>>
    tpu.wait_dma2 semaphore(%arg12 : memref<!tpu.dma_semaphore, #tpu.memory_space<semaphore_mem>>) src(%dma_wait3A_442 : memref<16x768xf32, #tpu.memory_space<hbm>>) dst(%dma_wait3A_440 : memref<16x768xf32, #tpu.memory_space<vmem>>)
    %add3A_443 = arith.constant 0 : i32
    %add3A_444 = arith.addi %add3A_443, %mul3A_2 : i32
    %add3A_445 = arith.constant 16 : i32
    %add3A_446 = arith.addi %add3A_444, %add3A_445 : i32
    %dma_start3A_447 = arith.constant 1 : i32
    %dma_start3A_448 = arith.constant 0 : i32
    %dma_start3A_449 = arith.constant 0 : i32
    %dma_start3A_450 = tpu.memref_slice %arg7[%dma_start3A_447, %dma_start3A_448, %dma_start3A_449] : memref<2x64x768xf32, #tpu.memory_space<vmem>> -> memref<1x16x768xf32, #tpu.memory_space<vmem>>
    %dma_start3A_451 = tpu.memref_squeeze %dma_start3A_450 : memref<1x16x768xf32, #tpu.memory_space<vmem>> -> memref<16x768xf32, #tpu.memory_space<vmem>>
    %dma_start3A_452 = arith.constant 0 : i32
    %dma_start3A_453 = tpu.memref_slice %arg5[%add3A_446, %dma_start3A_452] : memref<16384x768xf32, #tpu.memory_space<hbm>> -> memref<16x768xf32, #tpu.memory_space<hbm>>
    %dma_start3A_454 = arith.constant 0 : i32
    %dma_start3A_455 = tpu.memref_slice %arg5[%add3A_446, %dma_start3A_454] : memref<16384x768xf32, #tpu.memory_space<hbm>> -> memref<16x768xf32, #tpu.memory_space<hbm>>
    %dma_start3A_456 = arith.constant 0 : i32
    %dma_start3A_457 = arith.constant 0 : i32
    %dma_start3A_458 = tpu.memref_slice %arg7[%dma_start3A_447, %dma_start3A_456, %dma_start3A_457] : memref<2x64x768xf32, #tpu.memory_space<vmem>> -> memref<1x16x768xf32, #tpu.memory_space<vmem>>
    %dma_start3A_459 = tpu.memref_squeeze %dma_start3A_458 : memref<1x16x768xf32, #tpu.memory_space<vmem>> -> memref<16x768xf32, #tpu.memory_space<vmem>>
    tpu.enqueue_dma source(%dma_start3A_459 : memref<16x768xf32, #tpu.memory_space<vmem>>) target(%dma_start3A_455 : memref<16x768xf32, #tpu.memory_space<hbm>>) target_semaphore(%arg14 : memref<!tpu.dma_semaphore, #tpu.memory_space<semaphore_mem>>)
    %add3A_460 = arith.constant 4096 : i32
    %add3A_461 = arith.addi %add3A_460, %mul3A_2 : i32
    %add3A_462 = arith.constant 16 : i32
    %add3A_463 = arith.addi %add3A_461, %add3A_462 : i32
    %dma_start3A_464 = arith.constant 1 : i32
    %dma_start3A_465 = arith.constant 16 : i32
    %dma_start3A_466 = arith.constant 0 : i32
    %dma_start3A_467 = tpu.memref_slice %arg7[%dma_start3A_464, %dma_start3A_465, %dma_start3A_466] : memref<2x64x768xf32, #tpu.memory_space<vmem>> -> memref<1x16x768xf32, #tpu.memory_space<vmem>>
    %dma_start3A_468 = tpu.memref_squeeze %dma_start3A_467 : memref<1x16x768xf32, #tpu.memory_space<vmem>> -> memref<16x768xf32, #tpu.memory_space<vmem>>
    %dma_start3A_469 = arith.constant 0 : i32
    %dma_start3A_470 = tpu.memref_slice %arg5[%add3A_463, %dma_start3A_469] : memref<16384x768xf32, #tpu.memory_space<hbm>> -> memref<16x768xf32, #tpu.memory_space<hbm>>
    %dma_start3A_471 = arith.constant 0 : i32
    %dma_start3A_472 = tpu.memref_slice %arg5[%add3A_463, %dma_start3A_471] : memref<16384x768xf32, #tpu.memory_space<hbm>> -> memref<16x768xf32, #tpu.memory_space<hbm>>
    %dma_start3A_473 = arith.constant 16 : i32
    %dma_start3A_474 = arith.constant 0 : i32
    %dma_start3A_475 = tpu.memref_slice %arg7[%dma_start3A_464, %dma_start3A_473, %dma_start3A_474] : memref<2x64x768xf32, #tpu.memory_space<vmem>> -> memref<1x16x768xf32, #tpu.memory_space<vmem>>
    %dma_start3A_476 = tpu.memref_squeeze %dma_start3A_475 : memref<1x16x768xf32, #tpu.memory_space<vmem>> -> memref<16x768xf32, #tpu.memory_space<vmem>>
    tpu.enqueue_dma source(%dma_start3A_476 : memref<16x768xf32, #tpu.memory_space<vmem>>) target(%dma_start3A_472 : memref<16x768xf32, #tpu.memory_space<hbm>>) target_semaphore(%arg14 : memref<!tpu.dma_semaphore, #tpu.memory_space<semaphore_mem>>)
    %add3A_477 = arith.constant 8192 : i32
    %add3A_478 = arith.addi %add3A_477, %mul3A_2 : i32
    %add3A_479 = arith.constant 16 : i32
    %add3A_480 = arith.addi %add3A_478, %add3A_479 : i32
    %dma_start3A_481 = arith.constant 1 : i32
    %dma_start3A_482 = arith.constant 32 : i32
    %dma_start3A_483 = arith.constant 0 : i32
    %dma_start3A_484 = tpu.memref_slice %arg7[%dma_start3A_481, %dma_start3A_482, %dma_start3A_483] : memref<2x64x768xf32, #tpu.memory_space<vmem>> -> memref<1x16x768xf32, #tpu.memory_space<vmem>>
    %dma_start3A_485 = tpu.memref_squeeze %dma_start3A_484 : memref<1x16x768xf32, #tpu.memory_space<vmem>> -> memref<16x768xf32, #tpu.memory_space<vmem>>
    %dma_start3A_486 = arith.constant 0 : i32
    %dma_start3A_487 = tpu.memref_slice %arg5[%add3A_480, %dma_start3A_486] : memref<16384x768xf32, #tpu.memory_space<hbm>> -> memref<16x768xf32, #tpu.memory_space<hbm>>
    %dma_start3A_488 = arith.constant 0 : i32
    %dma_start3A_489 = tpu.memref_slice %arg5[%add3A_480, %dma_start3A_488] : memref<16384x768xf32, #tpu.memory_space<hbm>> -> memref<16x768xf32, #tpu.memory_space<hbm>>
    %dma_start3A_490 = arith.constant 32 : i32
    %dma_start3A_491 = arith.constant 0 : i32
    %dma_start3A_492 = tpu.memref_slice %arg7[%dma_start3A_481, %dma_start3A_490, %dma_start3A_491] : memref<2x64x768xf32, #tpu.memory_space<vmem>> -> memref<1x16x768xf32, #tpu.memory_space<vmem>>
    %dma_start3A_493 = tpu.memref_squeeze %dma_start3A_492 : memref<1x16x768xf32, #tpu.memory_space<vmem>> -> memref<16x768xf32, #tpu.memory_space<vmem>>
    tpu.enqueue_dma source(%dma_start3A_493 : memref<16x768xf32, #tpu.memory_space<vmem>>) target(%dma_start3A_489 : memref<16x768xf32, #tpu.memory_space<hbm>>) target_semaphore(%arg14 : memref<!tpu.dma_semaphore, #tpu.memory_space<semaphore_mem>>)
    %add3A_494 = arith.constant 12288 : i32
    %add3A_495 = arith.addi %add3A_494, %mul3A_2 : i32
    %add3A_496 = arith.constant 16 : i32
    %add3A_497 = arith.addi %add3A_495, %add3A_496 : i32
    %dma_start3A_498 = arith.constant 1 : i32
    %dma_start3A_499 = arith.constant 48 : i32
    %dma_start3A_500 = arith.constant 0 : i32
    %dma_start3A_501 = tpu.memref_slice %arg7[%dma_start3A_498, %dma_start3A_499, %dma_start3A_500] : memref<2x64x768xf32, #tpu.memory_space<vmem>> -> memref<1x16x768xf32, #tpu.memory_space<vmem>>
    %dma_start3A_502 = tpu.memref_squeeze %dma_start3A_501 : memref<1x16x768xf32, #tpu.memory_space<vmem>> -> memref<16x768xf32, #tpu.memory_space<vmem>>
    %dma_start3A_503 = arith.constant 0 : i32
    %dma_start3A_504 = tpu.memref_slice %arg5[%add3A_497, %dma_start3A_503] : memref<16384x768xf32, #tpu.memory_space<hbm>> -> memref<16x768xf32, #tpu.memory_space<hbm>>
    %dma_start3A_505 = arith.constant 0 : i32
    %dma_start3A_506 = tpu.memref_slice %arg5[%add3A_497, %dma_start3A_505] : memref<16384x768xf32, #tpu.memory_space<hbm>> -> memref<16x768xf32, #tpu.memory_space<hbm>>
    %dma_start3A_507 = arith.constant 48 : i32
    %dma_start3A_508 = arith.constant 0 : i32
    %dma_start3A_509 = tpu.memref_slice %arg7[%dma_start3A_498, %dma_start3A_507, %dma_start3A_508] : memref<2x64x768xf32, #tpu.memory_space<vmem>> -> memref<1x16x768xf32, #tpu.memory_space<vmem>>
    %dma_start3A_510 = tpu.memref_squeeze %dma_start3A_509 : memref<1x16x768xf32, #tpu.memory_space<vmem>> -> memref<16x768xf32, #tpu.memory_space<vmem>>
    tpu.enqueue_dma source(%dma_start3A_510 : memref<16x768xf32, #tpu.memory_space<vmem>>) target(%dma_start3A_506 : memref<16x768xf32, #tpu.memory_space<hbm>>) target_semaphore(%arg14 : memref<!tpu.dma_semaphore, #tpu.memory_space<semaphore_mem>>)
    %dma_wait3A_511 = arith.constant 1 : i32
    %dma_wait3A_512 = arith.constant 0 : i32
    %dma_wait3A_513 = arith.constant 0 : i32
    %dma_wait3A_514 = tpu.memref_slice %arg7[%dma_wait3A_511, %dma_wait3A_512, %dma_wait3A_513] : memref<2x64x768xf32, #tpu.memory_space<vmem>> -> memref<1x16x768xf32, #tpu.memory_space<vmem>>
    %dma_wait3A_515 = tpu.memref_squeeze %dma_wait3A_514 : memref<1x16x768xf32, #tpu.memory_space<vmem>> -> memref<16x768xf32, #tpu.memory_space<vmem>>
    %dma_wait3A_516 = arith.constant 0 : i32
    %dma_wait3A_517 = tpu.memref_slice %arg5[%add3A_446, %dma_wait3A_516] : memref<16384x768xf32, #tpu.memory_space<hbm>> -> memref<16x768xf32, #tpu.memory_space<hbm>>
    %dma_wait3A_518 = arith.constant 0 : i32
    %dma_wait3A_519 = tpu.memref_slice %arg5[%add3A_446, %dma_wait3A_518] : memref<16384x768xf32, #tpu.memory_space<hbm>> -> memref<16x768xf32, #tpu.memory_space<hbm>>
    %dma_wait3A_520 = arith.constant 0 : i32
    %dma_wait3A_521 = arith.constant 0 : i32
    %dma_wait3A_522 = tpu.memref_slice %arg7[%dma_wait3A_511, %dma_wait3A_520, %dma_wait3A_521] : memref<2x64x768xf32, #tpu.memory_space<vmem>> -> memref<1x16x768xf32, #tpu.memory_space<vmem>>
    %dma_wait3A_523 = tpu.memref_squeeze %dma_wait3A_522 : memref<1x16x768xf32, #tpu.memory_space<vmem>> -> memref<16x768xf32, #tpu.memory_space<vmem>>
    tpu.wait_dma2 semaphore(%arg14 : memref<!tpu.dma_semaphore, #tpu.memory_space<semaphore_mem>>) src(%dma_wait3A_523 : memref<16x768xf32, #tpu.memory_space<vmem>>) dst(%dma_wait3A_519 : memref<16x768xf32, #tpu.memory_space<hbm>>)
    %dma_wait3A_524 = arith.constant 1 : i32
    %dma_wait3A_525 = arith.constant 16 : i32
    %dma_wait3A_526 = arith.constant 0 : i32
    %dma_wait3A_527 = tpu.memref_slice %arg7[%dma_wait3A_524, %dma_wait3A_525, %dma_wait3A_526] : memref<2x64x768xf32, #tpu.memory_space<vmem>> -> memref<1x16x768xf32, #tpu.memory_space<vmem>>
    %dma_wait3A_528 = tpu.memref_squeeze %dma_wait3A_527 : memref<1x16x768xf32, #tpu.memory_space<vmem>> -> memref<16x768xf32, #tpu.memory_space<vmem>>
    %dma_wait3A_529 = arith.constant 0 : i32
    %dma_wait3A_530 = tpu.memref_slice %arg5[%add3A_463, %dma_wait3A_529] : memref<16384x768xf32, #tpu.memory_space<hbm>> -> memref<16x768xf32, #tpu.memory_space<hbm>>
    %dma_wait3A_531 = arith.constant 0 : i32
    %dma_wait3A_532 = tpu.memref_slice %arg5[%add3A_463, %dma_wait3A_531] : memref<16384x768xf32, #tpu.memory_space<hbm>> -> memref<16x768xf32, #tpu.memory_space<hbm>>
    %dma_wait3A_533 = arith.constant 16 : i32
    %dma_wait3A_534 = arith.constant 0 : i32
    %dma_wait3A_535 = tpu.memref_slice %arg7[%dma_wait3A_524, %dma_wait3A_533, %dma_wait3A_534] : memref<2x64x768xf32, #tpu.memory_space<vmem>> -> memref<1x16x768xf32, #tpu.memory_space<vmem>>
    %dma_wait3A_536 = tpu.memref_squeeze %dma_wait3A_535 : memref<1x16x768xf32, #tpu.memory_space<vmem>> -> memref<16x768xf32, #tpu.memory_space<vmem>>
    tpu.wait_dma2 semaphore(%arg14 : memref<!tpu.dma_semaphore, #tpu.memory_space<semaphore_mem>>) src(%dma_wait3A_536 : memref<16x768xf32, #tpu.memory_space<vmem>>) dst(%dma_wait3A_532 : memref<16x768xf32, #tpu.memory_space<hbm>>)
    %dma_wait3A_537 = arith.constant 1 : i32
    %dma_wait3A_538 = arith.constant 32 : i32
    %dma_wait3A_539 = arith.constant 0 : i32
    %dma_wait3A_540 = tpu.memref_slice %arg7[%dma_wait3A_537, %dma_wait3A_538, %dma_wait3A_539] : memref<2x64x768xf32, #tpu.memory_space<vmem>> -> memref<1x16x768xf32, #tpu.memory_space<vmem>>
    %dma_wait3A_541 = tpu.memref_squeeze %dma_wait3A_540 : memref<1x16x768xf32, #tpu.memory_space<vmem>> -> memref<16x768xf32, #tpu.memory_space<vmem>>
    %dma_wait3A_542 = arith.constant 0 : i32
    %dma_wait3A_543 = tpu.memref_slice %arg5[%add3A_480, %dma_wait3A_542] : memref<16384x768xf32, #tpu.memory_space<hbm>> -> memref<16x768xf32, #tpu.memory_space<hbm>>
    %dma_wait3A_544 = arith.constant 0 : i32
    %dma_wait3A_545 = tpu.memref_slice %arg5[%add3A_480, %dma_wait3A_544] : memref<16384x768xf32, #tpu.memory_space<hbm>> -> memref<16x768xf32, #tpu.memory_space<hbm>>
    %dma_wait3A_546 = arith.constant 32 : i32
    %dma_wait3A_547 = arith.constant 0 : i32
    %dma_wait3A_548 = tpu.memref_slice %arg7[%dma_wait3A_537, %dma_wait3A_546, %dma_wait3A_547] : memref<2x64x768xf32, #tpu.memory_space<vmem>> -> memref<1x16x768xf32, #tpu.memory_space<vmem>>
    %dma_wait3A_549 = tpu.memref_squeeze %dma_wait3A_548 : memref<1x16x768xf32, #tpu.memory_space<vmem>> -> memref<16x768xf32, #tpu.memory_space<vmem>>
    tpu.wait_dma2 semaphore(%arg14 : memref<!tpu.dma_semaphore, #tpu.memory_space<semaphore_mem>>) src(%dma_wait3A_549 : memref<16x768xf32, #tpu.memory_space<vmem>>) dst(%dma_wait3A_545 : memref<16x768xf32, #tpu.memory_space<hbm>>)
    %dma_wait3A_550 = arith.constant 1 : i32
    %dma_wait3A_551 = arith.constant 48 : i32
    %dma_wait3A_552 = arith.constant 0 : i32
    %dma_wait3A_553 = tpu.memref_slice %arg7[%dma_wait3A_550, %dma_wait3A_551, %dma_wait3A_552] : memref<2x64x768xf32, #tpu.memory_space<vmem>> -> memref<1x16x768xf32, #tpu.memory_space<vmem>>
    %dma_wait3A_554 = tpu.memref_squeeze %dma_wait3A_553 : memref<1x16x768xf32, #tpu.memory_space<vmem>> -> memref<16x768xf32, #tpu.memory_space<vmem>>
    %dma_wait3A_555 = arith.constant 0 : i32
    %dma_wait3A_556 = tpu.memref_slice %arg5[%add3A_497, %dma_wait3A_555] : memref<16384x768xf32, #tpu.memory_space<hbm>> -> memref<16x768xf32, #tpu.memory_space<hbm>>
    %dma_wait3A_557 = arith.constant 0 : i32
    %dma_wait3A_558 = tpu.memref_slice %arg5[%add3A_497, %dma_wait3A_557] : memref<16384x768xf32, #tpu.memory_space<hbm>> -> memref<16x768xf32, #tpu.memory_space<hbm>>
    %dma_wait3A_559 = arith.constant 48 : i32
    %dma_wait3A_560 = arith.constant 0 : i32
    %dma_wait3A_561 = tpu.memref_slice %arg7[%dma_wait3A_550, %dma_wait3A_559, %dma_wait3A_560] : memref<2x64x768xf32, #tpu.memory_space<vmem>> -> memref<1x16x768xf32, #tpu.memory_space<vmem>>
    %dma_wait3A_562 = tpu.memref_squeeze %dma_wait3A_561 : memref<1x16x768xf32, #tpu.memory_space<vmem>> -> memref<16x768xf32, #tpu.memory_space<vmem>>
    tpu.wait_dma2 semaphore(%arg14 : memref<!tpu.dma_semaphore, #tpu.memory_space<semaphore_mem>>) src(%dma_wait3A_562 : memref<16x768xf32, #tpu.memory_space<vmem>>) dst(%dma_wait3A_558 : memref<16x768xf32, #tpu.memory_space<hbm>>)
    %dma_start3A_563 = arith.constant 0 : i32
    %dma_start3A_564 = arith.constant 1 : i32
    %dma_start3A_565 = arith.constant 0 : i32
    %dma_start3A_566 = arith.constant 0 : i32
    %dma_start3A_567 = tpu.memref_slice %arg7[%dma_start3A_564, %dma_start3A_565, %dma_start3A_566] : memref<2x64x768xf32, #tpu.memory_space<vmem>> -> memref<1x16x768xf32, #tpu.memory_space<vmem>>
    %dma_start3A_568 = tpu.memref_squeeze %dma_start3A_567 : memref<1x16x768xf32, #tpu.memory_space<vmem>> -> memref<16x768xf32, #tpu.memory_space<vmem>>
    %dma_start3A_569 = arith.constant 48 : i32
    %dma_start3A_570 = tpu.memref_slice %arg6[%dma_start3A_563, %dma_start3A_569] : memref<4x128xi32, #tpu.memory_space<vmem>> -> memref<1x16xi32, #tpu.memory_space<vmem>>
    %dma_start3A_571 = tpu.memref_squeeze %dma_start3A_570 : memref<1x16xi32, #tpu.memory_space<vmem>> -> memref<16xi32, #tpu.memory_space<vmem>>
    %dma_start3A_572 = arith.constant 0 : i32
    %dma_start3A_573 = arith.constant 0 : i32
    %dma_start3A_574 = tpu.memref_slice %arg3[%dma_start3A_572, %dma_start3A_573] : memref<100000x768xf32, #tpu.memory_space<hbm>> -> memref<100000x768xf32, #tpu.memory_space<hbm>>
    tpu.enqueue_indirect_dma source(%dma_start3A_574 : memref<100000x768xf32, #tpu.memory_space<hbm>>) target(%dma_start3A_568 : memref<16x768xf32, #tpu.memory_space<vmem>>) offsets(%dma_start3A_571 : memref<16xi32, #tpu.memory_space<vmem>>) semaphore(%arg10 : memref<!tpu.dma_semaphore, #tpu.memory_space<semaphore_mem>>)
    %dma_start3A_575 = arith.constant 1 : i32
    %dma_start3A_576 = arith.constant 1 : i32
    %dma_start3A_577 = arith.constant 16 : i32
    %dma_start3A_578 = arith.constant 0 : i32
    %dma_start3A_579 = tpu.memref_slice %arg7[%dma_start3A_576, %dma_start3A_577, %dma_start3A_578] : memref<2x64x768xf32, #tpu.memory_space<vmem>> -> memref<1x16x768xf32, #tpu.memory_space<vmem>>
    %dma_start3A_580 = tpu.memref_squeeze %dma_start3A_579 : memref<1x16x768xf32, #tpu.memory_space<vmem>> -> memref<16x768xf32, #tpu.memory_space<vmem>>
    %dma_start3A_581 = arith.constant 48 : i32
    %dma_start3A_582 = tpu.memref_slice %arg6[%dma_start3A_575, %dma_start3A_581] : memref<4x128xi32, #tpu.memory_space<vmem>> -> memref<1x16xi32, #tpu.memory_space<vmem>>
    %dma_start3A_583 = tpu.memref_squeeze %dma_start3A_582 : memref<1x16xi32, #tpu.memory_space<vmem>> -> memref<16xi32, #tpu.memory_space<vmem>>
    %dma_start3A_584 = arith.constant 0 : i32
    %dma_start3A_585 = arith.constant 0 : i32
    %dma_start3A_586 = tpu.memref_slice %arg3[%dma_start3A_584, %dma_start3A_585] : memref<100000x768xf32, #tpu.memory_space<hbm>> -> memref<100000x768xf32, #tpu.memory_space<hbm>>
    tpu.enqueue_indirect_dma source(%dma_start3A_586 : memref<100000x768xf32, #tpu.memory_space<hbm>>) target(%dma_start3A_580 : memref<16x768xf32, #tpu.memory_space<vmem>>) offsets(%dma_start3A_583 : memref<16xi32, #tpu.memory_space<vmem>>) semaphore(%arg10 : memref<!tpu.dma_semaphore, #tpu.memory_space<semaphore_mem>>)
    %dma_start3A_587 = arith.constant 2 : i32
    %dma_start3A_588 = arith.constant 1 : i32
    %dma_start3A_589 = arith.constant 32 : i32
    %dma_start3A_590 = arith.constant 0 : i32
    %dma_start3A_591 = tpu.memref_slice %arg7[%dma_start3A_588, %dma_start3A_589, %dma_start3A_590] : memref<2x64x768xf32, #tpu.memory_space<vmem>> -> memref<1x16x768xf32, #tpu.memory_space<vmem>>
    %dma_start3A_592 = tpu.memref_squeeze %dma_start3A_591 : memref<1x16x768xf32, #tpu.memory_space<vmem>> -> memref<16x768xf32, #tpu.memory_space<vmem>>
    %dma_start3A_593 = arith.constant 48 : i32
    %dma_start3A_594 = tpu.memref_slice %arg6[%dma_start3A_587, %dma_start3A_593] : memref<4x128xi32, #tpu.memory_space<vmem>> -> memref<1x16xi32, #tpu.memory_space<vmem>>
    %dma_start3A_595 = tpu.memref_squeeze %dma_start3A_594 : memref<1x16xi32, #tpu.memory_space<vmem>> -> memref<16xi32, #tpu.memory_space<vmem>>
    %dma_start3A_596 = arith.constant 0 : i32
    %dma_start3A_597 = arith.constant 0 : i32
    %dma_start3A_598 = tpu.memref_slice %arg3[%dma_start3A_596, %dma_start3A_597] : memref<100000x768xf32, #tpu.memory_space<hbm>> -> memref<100000x768xf32, #tpu.memory_space<hbm>>
    tpu.enqueue_indirect_dma source(%dma_start3A_598 : memref<100000x768xf32, #tpu.memory_space<hbm>>) target(%dma_start3A_592 : memref<16x768xf32, #tpu.memory_space<vmem>>) offsets(%dma_start3A_595 : memref<16xi32, #tpu.memory_space<vmem>>) semaphore(%arg10 : memref<!tpu.dma_semaphore, #tpu.memory_space<semaphore_mem>>)
    %dma_start3A_599 = arith.constant 3 : i32
    %dma_start3A_600 = arith.constant 1 : i32
    %dma_start3A_601 = arith.constant 48 : i32
    %dma_start3A_602 = arith.constant 0 : i32
    %dma_start3A_603 = tpu.memref_slice %arg7[%dma_start3A_600, %dma_start3A_601, %dma_start3A_602] : memref<2x64x768xf32, #tpu.memory_space<vmem>> -> memref<1x16x768xf32, #tpu.memory_space<vmem>>
    %dma_start3A_604 = tpu.memref_squeeze %dma_start3A_603 : memref<1x16x768xf32, #tpu.memory_space<vmem>> -> memref<16x768xf32, #tpu.memory_space<vmem>>
    %dma_start3A_605 = arith.constant 48 : i32
    %dma_start3A_606 = tpu.memref_slice %arg6[%dma_start3A_599, %dma_start3A_605] : memref<4x128xi32, #tpu.memory_space<vmem>> -> memref<1x16xi32, #tpu.memory_space<vmem>>
    %dma_start3A_607 = tpu.memref_squeeze %dma_start3A_606 : memref<1x16xi32, #tpu.memory_space<vmem>> -> memref<16xi32, #tpu.memory_space<vmem>>
    %dma_start3A_608 = arith.constant 0 : i32
    %dma_start3A_609 = arith.constant 0 : i32
    %dma_start3A_610 = tpu.memref_slice %arg3[%dma_start3A_608, %dma_start3A_609] : memref<100000x768xf32, #tpu.memory_space<hbm>> -> memref<100000x768xf32, #tpu.memory_space<hbm>>
    tpu.enqueue_indirect_dma source(%dma_start3A_610 : memref<100000x768xf32, #tpu.memory_space<hbm>>) target(%dma_start3A_604 : memref<16x768xf32, #tpu.memory_space<vmem>>) offsets(%dma_start3A_607 : memref<16xi32, #tpu.memory_space<vmem>>) semaphore(%arg10 : memref<!tpu.dma_semaphore, #tpu.memory_space<semaphore_mem>>)
    %add3A_611 = arith.constant 48 : i32
    %add3A_612 = arith.addi %mul3A_2, %add3A_611 : i32
    %dma_start3A_613 = arith.constant 1 : i32
    %dma_start3A_614 = arith.constant 0 : i32
    %dma_start3A_615 = arith.constant 0 : i32
    %dma_start3A_616 = tpu.memref_slice %arg8[%dma_start3A_613, %dma_start3A_614, %dma_start3A_615] : memref<2x16x768xf32, #tpu.memory_space<vmem>> -> memref<1x16x768xf32, #tpu.memory_space<vmem>>
    %dma_start3A_617 = tpu.memref_squeeze %dma_start3A_616 : memref<1x16x768xf32, #tpu.memory_space<vmem>> -> memref<16x768xf32, #tpu.memory_space<vmem>>
    %dma_start3A_618 = arith.constant 0 : i32
    %dma_start3A_619 = tpu.memref_slice %arg4[%add3A_612, %dma_start3A_618] : memref<4096x768xf32, #tpu.memory_space<hbm>> -> memref<16x768xf32, #tpu.memory_space<hbm>>
    %dma_start3A_620 = arith.constant 0 : i32
    %dma_start3A_621 = arith.constant 0 : i32
    %dma_start3A_622 = tpu.memref_slice %arg8[%dma_start3A_613, %dma_start3A_620, %dma_start3A_621] : memref<2x16x768xf32, #tpu.memory_space<vmem>> -> memref<1x16x768xf32, #tpu.memory_space<vmem>>
    %dma_start3A_623 = tpu.memref_squeeze %dma_start3A_622 : memref<1x16x768xf32, #tpu.memory_space<vmem>> -> memref<16x768xf32, #tpu.memory_space<vmem>>
    %dma_start3A_624 = arith.constant 0 : i32
    %dma_start3A_625 = tpu.memref_slice %arg4[%add3A_612, %dma_start3A_624] : memref<4096x768xf32, #tpu.memory_space<hbm>> -> memref<16x768xf32, #tpu.memory_space<hbm>>
    tpu.enqueue_dma source(%dma_start3A_625 : memref<16x768xf32, #tpu.memory_space<hbm>>) target(%dma_start3A_623 : memref<16x768xf32, #tpu.memory_space<vmem>>) target_semaphore(%arg12 : memref<!tpu.dma_semaphore, #tpu.memory_space<semaphore_mem>>)
    %dma_wait3A_626 = arith.constant 0 : i32
    %dma_wait3A_627 = arith.constant 0 : i32
    %dma_wait3A_628 = arith.constant 0 : i32
    %dma_wait3A_629 = arith.constant 0 : i32
    %dma_wait3A_630 = tpu.memref_slice %arg7[%dma_wait3A_627, %dma_wait3A_628, %dma_wait3A_629] : memref<2x64x768xf32, #tpu.memory_space<vmem>> -> memref<1x16x768xf32, #tpu.memory_space<vmem>>
    %dma_wait3A_631 = tpu.memref_squeeze %dma_wait3A_630 : memref<1x16x768xf32, #tpu.memory_space<vmem>> -> memref<16x768xf32, #tpu.memory_space<vmem>>
    %dma_wait3A_632 = arith.constant 32 : i32
    %dma_wait3A_633 = tpu.memref_slice %arg6[%dma_wait3A_626, %dma_wait3A_632] : memref<4x128xi32, #tpu.memory_space<vmem>> -> memref<1x16xi32, #tpu.memory_space<vmem>>
    %dma_wait3A_634 = tpu.memref_squeeze %dma_wait3A_633 : memref<1x16xi32, #tpu.memory_space<vmem>> -> memref<16xi32, #tpu.memory_space<vmem>>
    %dma_wait3A_635 = arith.constant 0 : i32
    %dma_wait3A_636 = arith.constant 0 : i32
    %dma_wait3A_637 = tpu.memref_slice %arg3[%dma_wait3A_635, %dma_wait3A_636] : memref<100000x768xf32, #tpu.memory_space<hbm>> -> memref<100000x768xf32, #tpu.memory_space<hbm>>
    tpu.wait_indirect_dma semaphore(%arg9 : memref<!tpu.dma_semaphore, #tpu.memory_space<semaphore_mem>>) src(%dma_wait3A_637 : memref<100000x768xf32, #tpu.memory_space<hbm>>) dst(%dma_wait3A_631 : memref<16x768xf32, #tpu.memory_space<vmem>>)
    %dma_wait3A_638 = arith.constant 1 : i32
    %dma_wait3A_639 = arith.constant 0 : i32
    %dma_wait3A_640 = arith.constant 16 : i32
    %dma_wait3A_641 = arith.constant 0 : i32
    %dma_wait3A_642 = tpu.memref_slice %arg7[%dma_wait3A_639, %dma_wait3A_640, %dma_wait3A_641] : memref<2x64x768xf32, #tpu.memory_space<vmem>> -> memref<1x16x768xf32, #tpu.memory_space<vmem>>
    %dma_wait3A_643 = tpu.memref_squeeze %dma_wait3A_642 : memref<1x16x768xf32, #tpu.memory_space<vmem>> -> memref<16x768xf32, #tpu.memory_space<vmem>>
    %dma_wait3A_644 = arith.constant 32 : i32
    %dma_wait3A_645 = tpu.memref_slice %arg6[%dma_wait3A_638, %dma_wait3A_644] : memref<4x128xi32, #tpu.memory_space<vmem>> -> memref<1x16xi32, #tpu.memory_space<vmem>>
    %dma_wait3A_646 = tpu.memref_squeeze %dma_wait3A_645 : memref<1x16xi32, #tpu.memory_space<vmem>> -> memref<16xi32, #tpu.memory_space<vmem>>
    %dma_wait3A_647 = arith.constant 0 : i32
    %dma_wait3A_648 = arith.constant 0 : i32
    %dma_wait3A_649 = tpu.memref_slice %arg3[%dma_wait3A_647, %dma_wait3A_648] : memref<100000x768xf32, #tpu.memory_space<hbm>> -> memref<100000x768xf32, #tpu.memory_space<hbm>>
    tpu.wait_indirect_dma semaphore(%arg9 : memref<!tpu.dma_semaphore, #tpu.memory_space<semaphore_mem>>) src(%dma_wait3A_649 : memref<100000x768xf32, #tpu.memory_space<hbm>>) dst(%dma_wait3A_643 : memref<16x768xf32, #tpu.memory_space<vmem>>)
    %dma_wait3A_650 = arith.constant 2 : i32
    %dma_wait3A_651 = arith.constant 0 : i32
    %dma_wait3A_652 = arith.constant 32 : i32
    %dma_wait3A_653 = arith.constant 0 : i32
    %dma_wait3A_654 = tpu.memref_slice %arg7[%dma_wait3A_651, %dma_wait3A_652, %dma_wait3A_653] : memref<2x64x768xf32, #tpu.memory_space<vmem>> -> memref<1x16x768xf32, #tpu.memory_space<vmem>>
    %dma_wait3A_655 = tpu.memref_squeeze %dma_wait3A_654 : memref<1x16x768xf32, #tpu.memory_space<vmem>> -> memref<16x768xf32, #tpu.memory_space<vmem>>
    %dma_wait3A_656 = arith.constant 32 : i32
    %dma_wait3A_657 = tpu.memref_slice %arg6[%dma_wait3A_650, %dma_wait3A_656] : memref<4x128xi32, #tpu.memory_space<vmem>> -> memref<1x16xi32, #tpu.memory_space<vmem>>
    %dma_wait3A_658 = tpu.memref_squeeze %dma_wait3A_657 : memref<1x16xi32, #tpu.memory_space<vmem>> -> memref<16xi32, #tpu.memory_space<vmem>>
    %dma_wait3A_659 = arith.constant 0 : i32
    %dma_wait3A_660 = arith.constant 0 : i32
    %dma_wait3A_661 = tpu.memref_slice %arg3[%dma_wait3A_659, %dma_wait3A_660] : memref<100000x768xf32, #tpu.memory_space<hbm>> -> memref<100000x768xf32, #tpu.memory_space<hbm>>
    tpu.wait_indirect_dma semaphore(%arg9 : memref<!tpu.dma_semaphore, #tpu.memory_space<semaphore_mem>>) src(%dma_wait3A_661 : memref<100000x768xf32, #tpu.memory_space<hbm>>) dst(%dma_wait3A_655 : memref<16x768xf32, #tpu.memory_space<vmem>>)
    %dma_wait3A_662 = arith.constant 3 : i32
    %dma_wait3A_663 = arith.constant 0 : i32
    %dma_wait3A_664 = arith.constant 48 : i32
    %dma_wait3A_665 = arith.constant 0 : i32
    %dma_wait3A_666 = tpu.memref_slice %arg7[%dma_wait3A_663, %dma_wait3A_664, %dma_wait3A_665] : memref<2x64x768xf32, #tpu.memory_space<vmem>> -> memref<1x16x768xf32, #tpu.memory_space<vmem>>
    %dma_wait3A_667 = tpu.memref_squeeze %dma_wait3A_666 : memref<1x16x768xf32, #tpu.memory_space<vmem>> -> memref<16x768xf32, #tpu.memory_space<vmem>>
    %dma_wait3A_668 = arith.constant 32 : i32
    %dma_wait3A_669 = tpu.memref_slice %arg6[%dma_wait3A_662, %dma_wait3A_668] : memref<4x128xi32, #tpu.memory_space<vmem>> -> memref<1x16xi32, #tpu.memory_space<vmem>>
    %dma_wait3A_670 = tpu.memref_squeeze %dma_wait3A_669 : memref<1x16xi32, #tpu.memory_space<vmem>> -> memref<16xi32, #tpu.memory_space<vmem>>
    %dma_wait3A_671 = arith.constant 0 : i32
    %dma_wait3A_672 = arith.constant 0 : i32
    %dma_wait3A_673 = tpu.memref_slice %arg3[%dma_wait3A_671, %dma_wait3A_672] : memref<100000x768xf32, #tpu.memory_space<hbm>> -> memref<100000x768xf32, #tpu.memory_space<hbm>>
    tpu.wait_indirect_dma semaphore(%arg9 : memref<!tpu.dma_semaphore, #tpu.memory_space<semaphore_mem>>) src(%dma_wait3A_673 : memref<100000x768xf32, #tpu.memory_space<hbm>>) dst(%dma_wait3A_667 : memref<16x768xf32, #tpu.memory_space<vmem>>)
    %dma_wait3A_674 = arith.constant 0 : i32
    %dma_wait3A_675 = arith.constant 0 : i32
    %dma_wait3A_676 = arith.constant 0 : i32
    %dma_wait3A_677 = tpu.memref_slice %arg8[%dma_wait3A_674, %dma_wait3A_675, %dma_wait3A_676] : memref<2x16x768xf32, #tpu.memory_space<vmem>> -> memref<1x16x768xf32, #tpu.memory_space<vmem>>
    %dma_wait3A_678 = tpu.memref_squeeze %dma_wait3A_677 : memref<1x16x768xf32, #tpu.memory_space<vmem>> -> memref<16x768xf32, #tpu.memory_space<vmem>>
    %dma_wait3A_679 = arith.constant 0 : i32
    %dma_wait3A_680 = tpu.memref_slice %arg4[%add3A_368, %dma_wait3A_679] : memref<4096x768xf32, #tpu.memory_space<hbm>> -> memref<16x768xf32, #tpu.memory_space<hbm>>
    %dma_wait3A_681 = arith.constant 0 : i32
    %dma_wait3A_682 = arith.constant 0 : i32
    %dma_wait3A_683 = tpu.memref_slice %arg8[%dma_wait3A_674, %dma_wait3A_681, %dma_wait3A_682] : memref<2x16x768xf32, #tpu.memory_space<vmem>> -> memref<1x16x768xf32, #tpu.memory_space<vmem>>
    %dma_wait3A_684 = tpu.memref_squeeze %dma_wait3A_683 : memref<1x16x768xf32, #tpu.memory_space<vmem>> -> memref<16x768xf32, #tpu.memory_space<vmem>>
    %dma_wait3A_685 = arith.constant 0 : i32
    %dma_wait3A_686 = tpu.memref_slice %arg4[%add3A_368, %dma_wait3A_685] : memref<4096x768xf32, #tpu.memory_space<hbm>> -> memref<16x768xf32, #tpu.memory_space<hbm>>
    tpu.wait_dma2 semaphore(%arg11 : memref<!tpu.dma_semaphore, #tpu.memory_space<semaphore_mem>>) src(%dma_wait3A_686 : memref<16x768xf32, #tpu.memory_space<hbm>>) dst(%dma_wait3A_684 : memref<16x768xf32, #tpu.memory_space<vmem>>)
    %add3A_687 = arith.constant 0 : i32
    %add3A_688 = arith.addi %add3A_687, %mul3A_2 : i32
    %add3A_689 = arith.constant 32 : i32
    %add3A_690 = arith.addi %add3A_688, %add3A_689 : i32
    %dma_start3A_691 = arith.constant 0 : i32
    %dma_start3A_692 = arith.constant 0 : i32
    %dma_start3A_693 = arith.constant 0 : i32
    %dma_start3A_694 = tpu.memref_slice %arg7[%dma_start3A_691, %dma_start3A_692, %dma_start3A_693] : memref<2x64x768xf32, #tpu.memory_space<vmem>> -> memref<1x16x768xf32, #tpu.memory_space<vmem>>
    %dma_start3A_695 = tpu.memref_squeeze %dma_start3A_694 : memref<1x16x768xf32, #tpu.memory_space<vmem>> -> memref<16x768xf32, #tpu.memory_space<vmem>>
    %dma_start3A_696 = arith.constant 0 : i32
    %dma_start3A_697 = tpu.memref_slice %arg5[%add3A_690, %dma_start3A_696] : memref<16384x768xf32, #tpu.memory_space<hbm>> -> memref<16x768xf32, #tpu.memory_space<hbm>>
    %dma_start3A_698 = arith.constant 0 : i32
    %dma_start3A_699 = tpu.memref_slice %arg5[%add3A_690, %dma_start3A_698] : memref<16384x768xf32, #tpu.memory_space<hbm>> -> memref<16x768xf32, #tpu.memory_space<hbm>>
    %dma_start3A_700 = arith.constant 0 : i32
    %dma_start3A_701 = arith.constant 0 : i32
    %dma_start3A_702 = tpu.memref_slice %arg7[%dma_start3A_691, %dma_start3A_700, %dma_start3A_701] : memref<2x64x768xf32, #tpu.memory_space<vmem>> -> memref<1x16x768xf32, #tpu.memory_space<vmem>>
    %dma_start3A_703 = tpu.memref_squeeze %dma_start3A_702 : memref<1x16x768xf32, #tpu.memory_space<vmem>> -> memref<16x768xf32, #tpu.memory_space<vmem>>
    tpu.enqueue_dma source(%dma_start3A_703 : memref<16x768xf32, #tpu.memory_space<vmem>>) target(%dma_start3A_699 : memref<16x768xf32, #tpu.memory_space<hbm>>) target_semaphore(%arg13 : memref<!tpu.dma_semaphore, #tpu.memory_space<semaphore_mem>>)
    %add3A_704 = arith.constant 4096 : i32
    %add3A_705 = arith.addi %add3A_704, %mul3A_2 : i32
    %add3A_706 = arith.constant 32 : i32
    %add3A_707 = arith.addi %add3A_705, %add3A_706 : i32
    %dma_start3A_708 = arith.constant 0 : i32
    %dma_start3A_709 = arith.constant 16 : i32
    %dma_start3A_710 = arith.constant 0 : i32
    %dma_start3A_711 = tpu.memref_slice %arg7[%dma_start3A_708, %dma_start3A_709, %dma_start3A_710] : memref<2x64x768xf32, #tpu.memory_space<vmem>> -> memref<1x16x768xf32, #tpu.memory_space<vmem>>
    %dma_start3A_712 = tpu.memref_squeeze %dma_start3A_711 : memref<1x16x768xf32, #tpu.memory_space<vmem>> -> memref<16x768xf32, #tpu.memory_space<vmem>>
    %dma_start3A_713 = arith.constant 0 : i32
    %dma_start3A_714 = tpu.memref_slice %arg5[%add3A_707, %dma_start3A_713] : memref<16384x768xf32, #tpu.memory_space<hbm>> -> memref<16x768xf32, #tpu.memory_space<hbm>>
    %dma_start3A_715 = arith.constant 0 : i32
    %dma_start3A_716 = tpu.memref_slice %arg5[%add3A_707, %dma_start3A_715] : memref<16384x768xf32, #tpu.memory_space<hbm>> -> memref<16x768xf32, #tpu.memory_space<hbm>>
    %dma_start3A_717 = arith.constant 16 : i32
    %dma_start3A_718 = arith.constant 0 : i32
    %dma_start3A_719 = tpu.memref_slice %arg7[%dma_start3A_708, %dma_start3A_717, %dma_start3A_718] : memref<2x64x768xf32, #tpu.memory_space<vmem>> -> memref<1x16x768xf32, #tpu.memory_space<vmem>>
    %dma_start3A_720 = tpu.memref_squeeze %dma_start3A_719 : memref<1x16x768xf32, #tpu.memory_space<vmem>> -> memref<16x768xf32, #tpu.memory_space<vmem>>
    tpu.enqueue_dma source(%dma_start3A_720 : memref<16x768xf32, #tpu.memory_space<vmem>>) target(%dma_start3A_716 : memref<16x768xf32, #tpu.memory_space<hbm>>) target_semaphore(%arg13 : memref<!tpu.dma_semaphore, #tpu.memory_space<semaphore_mem>>)
    %add3A_721 = arith.constant 8192 : i32
    %add3A_722 = arith.addi %add3A_721, %mul3A_2 : i32
    %add3A_723 = arith.constant 32 : i32
    %add3A_724 = arith.addi %add3A_722, %add3A_723 : i32
    %dma_start3A_725 = arith.constant 0 : i32
    %dma_start3A_726 = arith.constant 32 : i32
    %dma_start3A_727 = arith.constant 0 : i32
    %dma_start3A_728 = tpu.memref_slice %arg7[%dma_start3A_725, %dma_start3A_726, %dma_start3A_727] : memref<2x64x768xf32, #tpu.memory_space<vmem>> -> memref<1x16x768xf32, #tpu.memory_space<vmem>>
    %dma_start3A_729 = tpu.memref_squeeze %dma_start3A_728 : memref<1x16x768xf32, #tpu.memory_space<vmem>> -> memref<16x768xf32, #tpu.memory_space<vmem>>
    %dma_start3A_730 = arith.constant 0 : i32
    %dma_start3A_731 = tpu.memref_slice %arg5[%add3A_724, %dma_start3A_730] : memref<16384x768xf32, #tpu.memory_space<hbm>> -> memref<16x768xf32, #tpu.memory_space<hbm>>
    %dma_start3A_732 = arith.constant 0 : i32
    %dma_start3A_733 = tpu.memref_slice %arg5[%add3A_724, %dma_start3A_732] : memref<16384x768xf32, #tpu.memory_space<hbm>> -> memref<16x768xf32, #tpu.memory_space<hbm>>
    %dma_start3A_734 = arith.constant 32 : i32
    %dma_start3A_735 = arith.constant 0 : i32
    %dma_start3A_736 = tpu.memref_slice %arg7[%dma_start3A_725, %dma_start3A_734, %dma_start3A_735] : memref<2x64x768xf32, #tpu.memory_space<vmem>> -> memref<1x16x768xf32, #tpu.memory_space<vmem>>
    %dma_start3A_737 = tpu.memref_squeeze %dma_start3A_736 : memref<1x16x768xf32, #tpu.memory_space<vmem>> -> memref<16x768xf32, #tpu.memory_space<vmem>>
    tpu.enqueue_dma source(%dma_start3A_737 : memref<16x768xf32, #tpu.memory_space<vmem>>) target(%dma_start3A_733 : memref<16x768xf32, #tpu.memory_space<hbm>>) target_semaphore(%arg13 : memref<!tpu.dma_semaphore, #tpu.memory_space<semaphore_mem>>)
    %add3A_738 = arith.constant 12288 : i32
    %add3A_739 = arith.addi %add3A_738, %mul3A_2 : i32
    %add3A_740 = arith.constant 32 : i32
    %add3A_741 = arith.addi %add3A_739, %add3A_740 : i32
    %dma_start3A_742 = arith.constant 0 : i32
    %dma_start3A_743 = arith.constant 48 : i32
    %dma_start3A_744 = arith.constant 0 : i32
    %dma_start3A_745 = tpu.memref_slice %arg7[%dma_start3A_742, %dma_start3A_743, %dma_start3A_744] : memref<2x64x768xf32, #tpu.memory_space<vmem>> -> memref<1x16x768xf32, #tpu.memory_space<vmem>>
    %dma_start3A_746 = tpu.memref_squeeze %dma_start3A_745 : memref<1x16x768xf32, #tpu.memory_space<vmem>> -> memref<16x768xf32, #tpu.memory_space<vmem>>
    %dma_start3A_747 = arith.constant 0 : i32
    %dma_start3A_748 = tpu.memref_slice %arg5[%add3A_741, %dma_start3A_747] : memref<16384x768xf32, #tpu.memory_space<hbm>> -> memref<16x768xf32, #tpu.memory_space<hbm>>
    %dma_start3A_749 = arith.constant 0 : i32
    %dma_start3A_750 = tpu.memref_slice %arg5[%add3A_741, %dma_start3A_749] : memref<16384x768xf32, #tpu.memory_space<hbm>> -> memref<16x768xf32, #tpu.memory_space<hbm>>
    %dma_start3A_751 = arith.constant 48 : i32
    %dma_start3A_752 = arith.constant 0 : i32
    %dma_start3A_753 = tpu.memref_slice %arg7[%dma_start3A_742, %dma_start3A_751, %dma_start3A_752] : memref<2x64x768xf32, #tpu.memory_space<vmem>> -> memref<1x16x768xf32, #tpu.memory_space<vmem>>
    %dma_start3A_754 = tpu.memref_squeeze %dma_start3A_753 : memref<1x16x768xf32, #tpu.memory_space<vmem>> -> memref<16x768xf32, #tpu.memory_space<vmem>>
    tpu.enqueue_dma source(%dma_start3A_754 : memref<16x768xf32, #tpu.memory_space<vmem>>) target(%dma_start3A_750 : memref<16x768xf32, #tpu.memory_space<hbm>>) target_semaphore(%arg13 : memref<!tpu.dma_semaphore, #tpu.memory_space<semaphore_mem>>)
    %dma_wait3A_755 = arith.constant 0 : i32
    %dma_wait3A_756 = arith.constant 0 : i32
    %dma_wait3A_757 = arith.constant 0 : i32
    %dma_wait3A_758 = tpu.memref_slice %arg7[%dma_wait3A_755, %dma_wait3A_756, %dma_wait3A_757] : memref<2x64x768xf32, #tpu.memory_space<vmem>> -> memref<1x16x768xf32, #tpu.memory_space<vmem>>
    %dma_wait3A_759 = tpu.memref_squeeze %dma_wait3A_758 : memref<1x16x768xf32, #tpu.memory_space<vmem>> -> memref<16x768xf32, #tpu.memory_space<vmem>>
    %dma_wait3A_760 = arith.constant 0 : i32
    %dma_wait3A_761 = tpu.memref_slice %arg5[%add3A_690, %dma_wait3A_760] : memref<16384x768xf32, #tpu.memory_space<hbm>> -> memref<16x768xf32, #tpu.memory_space<hbm>>
    %dma_wait3A_762 = arith.constant 0 : i32
    %dma_wait3A_763 = tpu.memref_slice %arg5[%add3A_690, %dma_wait3A_762] : memref<16384x768xf32, #tpu.memory_space<hbm>> -> memref<16x768xf32, #tpu.memory_space<hbm>>
    %dma_wait3A_764 = arith.constant 0 : i32
    %dma_wait3A_765 = arith.constant 0 : i32
    %dma_wait3A_766 = tpu.memref_slice %arg7[%dma_wait3A_755, %dma_wait3A_764, %dma_wait3A_765] : memref<2x64x768xf32, #tpu.memory_space<vmem>> -> memref<1x16x768xf32, #tpu.memory_space<vmem>>
    %dma_wait3A_767 = tpu.memref_squeeze %dma_wait3A_766 : memref<1x16x768xf32, #tpu.memory_space<vmem>> -> memref<16x768xf32, #tpu.memory_space<vmem>>
    tpu.wait_dma2 semaphore(%arg13 : memref<!tpu.dma_semaphore, #tpu.memory_space<semaphore_mem>>) src(%dma_wait3A_767 : memref<16x768xf32, #tpu.memory_space<vmem>>) dst(%dma_wait3A_763 : memref<16x768xf32, #tpu.memory_space<hbm>>)
    %dma_wait3A_768 = arith.constant 0 : i32
    %dma_wait3A_769 = arith.constant 16 : i32
    %dma_wait3A_770 = arith.constant 0 : i32
    %dma_wait3A_771 = tpu.memref_slice %arg7[%dma_wait3A_768, %dma_wait3A_769, %dma_wait3A_770] : memref<2x64x768xf32, #tpu.memory_space<vmem>> -> memref<1x16x768xf32, #tpu.memory_space<vmem>>
    %dma_wait3A_772 = tpu.memref_squeeze %dma_wait3A_771 : memref<1x16x768xf32, #tpu.memory_space<vmem>> -> memref<16x768xf32, #tpu.memory_space<vmem>>
    %dma_wait3A_773 = arith.constant 0 : i32
    %dma_wait3A_774 = tpu.memref_slice %arg5[%add3A_707, %dma_wait3A_773] : memref<16384x768xf32, #tpu.memory_space<hbm>> -> memref<16x768xf32, #tpu.memory_space<hbm>>
    %dma_wait3A_775 = arith.constant 0 : i32
    %dma_wait3A_776 = tpu.memref_slice %arg5[%add3A_707, %dma_wait3A_775] : memref<16384x768xf32, #tpu.memory_space<hbm>> -> memref<16x768xf32, #tpu.memory_space<hbm>>
    %dma_wait3A_777 = arith.constant 16 : i32
    %dma_wait3A_778 = arith.constant 0 : i32
    %dma_wait3A_779 = tpu.memref_slice %arg7[%dma_wait3A_768, %dma_wait3A_777, %dma_wait3A_778] : memref<2x64x768xf32, #tpu.memory_space<vmem>> -> memref<1x16x768xf32, #tpu.memory_space<vmem>>
    %dma_wait3A_780 = tpu.memref_squeeze %dma_wait3A_779 : memref<1x16x768xf32, #tpu.memory_space<vmem>> -> memref<16x768xf32, #tpu.memory_space<vmem>>
    tpu.wait_dma2 semaphore(%arg13 : memref<!tpu.dma_semaphore, #tpu.memory_space<semaphore_mem>>) src(%dma_wait3A_780 : memref<16x768xf32, #tpu.memory_space<vmem>>) dst(%dma_wait3A_776 : memref<16x768xf32, #tpu.memory_space<hbm>>)
    %dma_wait3A_781 = arith.constant 0 : i32
    %dma_wait3A_782 = arith.constant 32 : i32
    %dma_wait3A_783 = arith.constant 0 : i32
    %dma_wait3A_784 = tpu.memref_slice %arg7[%dma_wait3A_781, %dma_wait3A_782, %dma_wait3A_783] : memref<2x64x768xf32, #tpu.memory_space<vmem>> -> memref<1x16x768xf32, #tpu.memory_space<vmem>>
    %dma_wait3A_785 = tpu.memref_squeeze %dma_wait3A_784 : memref<1x16x768xf32, #tpu.memory_space<vmem>> -> memref<16x768xf32, #tpu.memory_space<vmem>>
    %dma_wait3A_786 = arith.constant 0 : i32
    %dma_wait3A_787 = tpu.memref_slice %arg5[%add3A_724, %dma_wait3A_786] : memref<16384x768xf32, #tpu.memory_space<hbm>> -> memref<16x768xf32, #tpu.memory_space<hbm>>
    %dma_wait3A_788 = arith.constant 0 : i32
    %dma_wait3A_789 = tpu.memref_slice %arg5[%add3A_724, %dma_wait3A_788] : memref<16384x768xf32, #tpu.memory_space<hbm>> -> memref<16x768xf32, #tpu.memory_space<hbm>>
    %dma_wait3A_790 = arith.constant 32 : i32
    %dma_wait3A_791 = arith.constant 0 : i32
    %dma_wait3A_792 = tpu.memref_slice %arg7[%dma_wait3A_781, %dma_wait3A_790, %dma_wait3A_791] : memref<2x64x768xf32, #tpu.memory_space<vmem>> -> memref<1x16x768xf32, #tpu.memory_space<vmem>>
    %dma_wait3A_793 = tpu.memref_squeeze %dma_wait3A_792 : memref<1x16x768xf32, #tpu.memory_space<vmem>> -> memref<16x768xf32, #tpu.memory_space<vmem>>
    tpu.wait_dma2 semaphore(%arg13 : memref<!tpu.dma_semaphore, #tpu.memory_space<semaphore_mem>>) src(%dma_wait3A_793 : memref<16x768xf32, #tpu.memory_space<vmem>>) dst(%dma_wait3A_789 : memref<16x768xf32, #tpu.memory_space<hbm>>)
    %dma_wait3A_794 = arith.constant 0 : i32
    %dma_wait3A_795 = arith.constant 48 : i32
    %dma_wait3A_796 = arith.constant 0 : i32
    %dma_wait3A_797 = tpu.memref_slice %arg7[%dma_wait3A_794, %dma_wait3A_795, %dma_wait3A_796] : memref<2x64x768xf32, #tpu.memory_space<vmem>> -> memref<1x16x768xf32, #tpu.memory_space<vmem>>
    %dma_wait3A_798 = tpu.memref_squeeze %dma_wait3A_797 : memref<1x16x768xf32, #tpu.memory_space<vmem>> -> memref<16x768xf32, #tpu.memory_space<vmem>>
    %dma_wait3A_799 = arith.constant 0 : i32
    %dma_wait3A_800 = tpu.memref_slice %arg5[%add3A_741, %dma_wait3A_799] : memref<16384x768xf32, #tpu.memory_space<hbm>> -> memref<16x768xf32, #tpu.memory_space<hbm>>
    %dma_wait3A_801 = arith.constant 0 : i32
    %dma_wait3A_802 = tpu.memref_slice %arg5[%add3A_741, %dma_wait3A_801] : memref<16384x768xf32, #tpu.memory_space<hbm>> -> memref<16x768xf32, #tpu.memory_space<hbm>>
    %dma_wait3A_803 = arith.constant 48 : i32
    %dma_wait3A_804 = arith.constant 0 : i32
    %dma_wait3A_805 = tpu.memref_slice %arg7[%dma_wait3A_794, %dma_wait3A_803, %dma_wait3A_804] : memref<2x64x768xf32, #tpu.memory_space<vmem>> -> memref<1x16x768xf32, #tpu.memory_space<vmem>>
    %dma_wait3A_806 = tpu.memref_squeeze %dma_wait3A_805 : memref<1x16x768xf32, #tpu.memory_space<vmem>> -> memref<16x768xf32, #tpu.memory_space<vmem>>
    tpu.wait_dma2 semaphore(%arg13 : memref<!tpu.dma_semaphore, #tpu.memory_space<semaphore_mem>>) src(%dma_wait3A_806 : memref<16x768xf32, #tpu.memory_space<vmem>>) dst(%dma_wait3A_802 : memref<16x768xf32, #tpu.memory_space<hbm>>)
    %dma_start3A_807 = arith.constant 0 : i32
    %dma_start3A_808 = arith.constant 0 : i32
    %dma_start3A_809 = arith.constant 0 : i32
    %dma_start3A_810 = arith.constant 0 : i32
    %dma_start3A_811 = tpu.memref_slice %arg7[%dma_start3A_808, %dma_start3A_809, %dma_start3A_810] : memref<2x64x768xf32, #tpu.memory_space<vmem>> -> memref<1x16x768xf32, #tpu.memory_space<vmem>>
    %dma_start3A_812 = tpu.memref_squeeze %dma_start3A_811 : memref<1x16x768xf32, #tpu.memory_space<vmem>> -> memref<16x768xf32, #tpu.memory_space<vmem>>
    %dma_start3A_813 = arith.constant 64 : i32
    %dma_start3A_814 = tpu.memref_slice %arg6[%dma_start3A_807, %dma_start3A_813] : memref<4x128xi32, #tpu.memory_space<vmem>> -> memref<1x16xi32, #tpu.memory_space<vmem>>
    %dma_start3A_815 = tpu.memref_squeeze %dma_start3A_814 : memref<1x16xi32, #tpu.memory_space<vmem>> -> memref<16xi32, #tpu.memory_space<vmem>>
    %dma_start3A_816 = arith.constant 0 : i32
    %dma_start3A_817 = arith.constant 0 : i32
    %dma_start3A_818 = tpu.memref_slice %arg3[%dma_start3A_816, %dma_start3A_817] : memref<100000x768xf32, #tpu.memory_space<hbm>> -> memref<100000x768xf32, #tpu.memory_space<hbm>>
    tpu.enqueue_indirect_dma source(%dma_start3A_818 : memref<100000x768xf32, #tpu.memory_space<hbm>>) target(%dma_start3A_812 : memref<16x768xf32, #tpu.memory_space<vmem>>) offsets(%dma_start3A_815 : memref<16xi32, #tpu.memory_space<vmem>>) semaphore(%arg9 : memref<!tpu.dma_semaphore, #tpu.memory_space<semaphore_mem>>)
    %dma_start3A_819 = arith.constant 1 : i32
    %dma_start3A_820 = arith.constant 0 : i32
    %dma_start3A_821 = arith.constant 16 : i32
    %dma_start3A_822 = arith.constant 0 : i32
    %dma_start3A_823 = tpu.memref_slice %arg7[%dma_start3A_820, %dma_start3A_821, %dma_start3A_822] : memref<2x64x768xf32, #tpu.memory_space<vmem>> -> memref<1x16x768xf32, #tpu.memory_space<vmem>>
    %dma_start3A_824 = tpu.memref_squeeze %dma_start3A_823 : memref<1x16x768xf32, #tpu.memory_space<vmem>> -> memref<16x768xf32, #tpu.memory_space<vmem>>
    %dma_start3A_825 = arith.constant 64 : i32
    %dma_start3A_826 = tpu.memref_slice %arg6[%dma_start3A_819, %dma_start3A_825] : memref<4x128xi32, #tpu.memory_space<vmem>> -> memref<1x16xi32, #tpu.memory_space<vmem>>
    %dma_start3A_827 = tpu.memref_squeeze %dma_start3A_826 : memref<1x16xi32, #tpu.memory_space<vmem>> -> memref<16xi32, #tpu.memory_space<vmem>>
    %dma_start3A_828 = arith.constant 0 : i32
    %dma_start3A_829 = arith.constant 0 : i32
    %dma_start3A_830 = tpu.memref_slice %arg3[%dma_start3A_828, %dma_start3A_829] : memref<100000x768xf32, #tpu.memory_space<hbm>> -> memref<100000x768xf32, #tpu.memory_space<hbm>>
    tpu.enqueue_indirect_dma source(%dma_start3A_830 : memref<100000x768xf32, #tpu.memory_space<hbm>>) target(%dma_start3A_824 : memref<16x768xf32, #tpu.memory_space<vmem>>) offsets(%dma_start3A_827 : memref<16xi32, #tpu.memory_space<vmem>>) semaphore(%arg9 : memref<!tpu.dma_semaphore, #tpu.memory_space<semaphore_mem>>)
    %dma_start3A_831 = arith.constant 2 : i32
    %dma_start3A_832 = arith.constant 0 : i32
    %dma_start3A_833 = arith.constant 32 : i32
    %dma_start3A_834 = arith.constant 0 : i32
    %dma_start3A_835 = tpu.memref_slice %arg7[%dma_start3A_832, %dma_start3A_833, %dma_start3A_834] : memref<2x64x768xf32, #tpu.memory_space<vmem>> -> memref<1x16x768xf32, #tpu.memory_space<vmem>>
    %dma_start3A_836 = tpu.memref_squeeze %dma_start3A_835 : memref<1x16x768xf32, #tpu.memory_space<vmem>> -> memref<16x768xf32, #tpu.memory_space<vmem>>
    %dma_start3A_837 = arith.constant 64 : i32
    %dma_start3A_838 = tpu.memref_slice %arg6[%dma_start3A_831, %dma_start3A_837] : memref<4x128xi32, #tpu.memory_space<vmem>> -> memref<1x16xi32, #tpu.memory_space<vmem>>
    %dma_start3A_839 = tpu.memref_squeeze %dma_start3A_838 : memref<1x16xi32, #tpu.memory_space<vmem>> -> memref<16xi32, #tpu.memory_space<vmem>>
    %dma_start3A_840 = arith.constant 0 : i32
    %dma_start3A_841 = arith.constant 0 : i32
    %dma_start3A_842 = tpu.memref_slice %arg3[%dma_start3A_840, %dma_start3A_841] : memref<100000x768xf32, #tpu.memory_space<hbm>> -> memref<100000x768xf32, #tpu.memory_space<hbm>>
    tpu.enqueue_indirect_dma source(%dma_start3A_842 : memref<100000x768xf32, #tpu.memory_space<hbm>>) target(%dma_start3A_836 : memref<16x768xf32, #tpu.memory_space<vmem>>) offsets(%dma_start3A_839 : memref<16xi32, #tpu.memory_space<vmem>>) semaphore(%arg9 : memref<!tpu.dma_semaphore, #tpu.memory_space<semaphore_mem>>)
    %dma_start3A_843 = arith.constant 3 : i32
    %dma_start3A_844 = arith.constant 0 : i32
    %dma_start3A_845 = arith.constant 48 : i32
    %dma_start3A_846 = arith.constant 0 : i32
    %dma_start3A_847 = tpu.memref_slice %arg7[%dma_start3A_844, %dma_start3A_845, %dma_start3A_846] : memref<2x64x768xf32, #tpu.memory_space<vmem>> -> memref<1x16x768xf32, #tpu.memory_space<vmem>>
    %dma_start3A_848 = tpu.memref_squeeze %dma_start3A_847 : memref<1x16x768xf32, #tpu.memory_space<vmem>> -> memref<16x768xf32, #tpu.memory_space<vmem>>
    %dma_start3A_849 = arith.constant 64 : i32
    %dma_start3A_850 = tpu.memref_slice %arg6[%dma_start3A_843, %dma_start3A_849] : memref<4x128xi32, #tpu.memory_space<vmem>> -> memref<1x16xi32, #tpu.memory_space<vmem>>
    %dma_start3A_851 = tpu.memref_squeeze %dma_start3A_850 : memref<1x16xi32, #tpu.memory_space<vmem>> -> memref<16xi32, #tpu.memory_space<vmem>>
    %dma_start3A_852 = arith.constant 0 : i32
    %dma_start3A_853 = arith.constant 0 : i32
    %dma_start3A_854 = tpu.memref_slice %arg3[%dma_start3A_852, %dma_start3A_853] : memref<100000x768xf32, #tpu.memory_space<hbm>> -> memref<100000x768xf32, #tpu.memory_space<hbm>>
    tpu.enqueue_indirect_dma source(%dma_start3A_854 : memref<100000x768xf32, #tpu.memory_space<hbm>>) target(%dma_start3A_848 : memref<16x768xf32, #tpu.memory_space<vmem>>) offsets(%dma_start3A_851 : memref<16xi32, #tpu.memory_space<vmem>>) semaphore(%arg9 : memref<!tpu.dma_semaphore, #tpu.memory_space<semaphore_mem>>)
    %add3A_855 = arith.constant 64 : i32
    %add3A_856 = arith.addi %mul3A_2, %add3A_855 : i32
    %dma_start3A_857 = arith.constant 0 : i32
    %dma_start3A_858 = arith.constant 0 : i32
    %dma_start3A_859 = arith.constant 0 : i32
    %dma_start3A_860 = tpu.memref_slice %arg8[%dma_start3A_857, %dma_start3A_858, %dma_start3A_859] : memref<2x16x768xf32, #tpu.memory_space<vmem>> -> memref<1x16x768xf32, #tpu.memory_space<vmem>>
    %dma_start3A_861 = tpu.memref_squeeze %dma_start3A_860 : memref<1x16x768xf32, #tpu.memory_space<vmem>> -> memref<16x768xf32, #tpu.memory_space<vmem>>
    %dma_start3A_862 = arith.constant 0 : i32
    %dma_start3A_863 = tpu.memref_slice %arg4[%add3A_856, %dma_start3A_862] : memref<4096x768xf32, #tpu.memory_space<hbm>> -> memref<16x768xf32, #tpu.memory_space<hbm>>
    %dma_start3A_864 = arith.constant 0 : i32
    %dma_start3A_865 = arith.constant 0 : i32
    %dma_start3A_866 = tpu.memref_slice %arg8[%dma_start3A_857, %dma_start3A_864, %dma_start3A_865] : memref<2x16x768xf32, #tpu.memory_space<vmem>> -> memref<1x16x768xf32, #tpu.memory_space<vmem>>
    %dma_start3A_867 = tpu.memref_squeeze %dma_start3A_866 : memref<1x16x768xf32, #tpu.memory_space<vmem>> -> memref<16x768xf32, #tpu.memory_space<vmem>>
    %dma_start3A_868 = arith.constant 0 : i32
    %dma_start3A_869 = tpu.memref_slice %arg4[%add3A_856, %dma_start3A_868] : memref<4096x768xf32, #tpu.memory_space<hbm>> -> memref<16x768xf32, #tpu.memory_space<hbm>>
    tpu.enqueue_dma source(%dma_start3A_869 : memref<16x768xf32, #tpu.memory_space<hbm>>) target(%dma_start3A_867 : memref<16x768xf32, #tpu.memory_space<vmem>>) target_semaphore(%arg11 : memref<!tpu.dma_semaphore, #tpu.memory_space<semaphore_mem>>)
    %dma_wait3A_870 = arith.constant 0 : i32
    %dma_wait3A_871 = arith.constant 1 : i32
    %dma_wait3A_872 = arith.constant 0 : i32
    %dma_wait3A_873 = arith.constant 0 : i32
    %dma_wait3A_874 = tpu.memref_slice %arg7[%dma_wait3A_871, %dma_wait3A_872, %dma_wait3A_873] : memref<2x64x768xf32, #tpu.memory_space<vmem>> -> memref<1x16x768xf32, #tpu.memory_space<vmem>>
    %dma_wait3A_875 = tpu.memref_squeeze %dma_wait3A_874 : memref<1x16x768xf32, #tpu.memory_space<vmem>> -> memref<16x768xf32, #tpu.memory_space<vmem>>
    %dma_wait3A_876 = arith.constant 48 : i32
    %dma_wait3A_877 = tpu.memref_slice %arg6[%dma_wait3A_870, %dma_wait3A_876] : memref<4x128xi32, #tpu.memory_space<vmem>> -> memref<1x16xi32, #tpu.memory_space<vmem>>
    %dma_wait3A_878 = tpu.memref_squeeze %dma_wait3A_877 : memref<1x16xi32, #tpu.memory_space<vmem>> -> memref<16xi32, #tpu.memory_space<vmem>>
    %dma_wait3A_879 = arith.constant 0 : i32
    %dma_wait3A_880 = arith.constant 0 : i32
    %dma_wait3A_881 = tpu.memref_slice %arg3[%dma_wait3A_879, %dma_wait3A_880] : memref<100000x768xf32, #tpu.memory_space<hbm>> -> memref<100000x768xf32, #tpu.memory_space<hbm>>
    tpu.wait_indirect_dma semaphore(%arg10 : memref<!tpu.dma_semaphore, #tpu.memory_space<semaphore_mem>>) src(%dma_wait3A_881 : memref<100000x768xf32, #tpu.memory_space<hbm>>) dst(%dma_wait3A_875 : memref<16x768xf32, #tpu.memory_space<vmem>>)
    %dma_wait3A_882 = arith.constant 1 : i32
    %dma_wait3A_883 = arith.constant 1 : i32
    %dma_wait3A_884 = arith.constant 16 : i32
    %dma_wait3A_885 = arith.constant 0 : i32
    %dma_wait3A_886 = tpu.memref_slice %arg7[%dma_wait3A_883, %dma_wait3A_884, %dma_wait3A_885] : memref<2x64x768xf32, #tpu.memory_space<vmem>> -> memref<1x16x768xf32, #tpu.memory_space<vmem>>
    %dma_wait3A_887 = tpu.memref_squeeze %dma_wait3A_886 : memref<1x16x768xf32, #tpu.memory_space<vmem>> -> memref<16x768xf32, #tpu.memory_space<vmem>>
    %dma_wait3A_888 = arith.constant 48 : i32
    %dma_wait3A_889 = tpu.memref_slice %arg6[%dma_wait3A_882, %dma_wait3A_888] : memref<4x128xi32, #tpu.memory_space<vmem>> -> memref<1x16xi32, #tpu.memory_space<vmem>>
    %dma_wait3A_890 = tpu.memref_squeeze %dma_wait3A_889 : memref<1x16xi32, #tpu.memory_space<vmem>> -> memref<16xi32, #tpu.memory_space<vmem>>
    %dma_wait3A_891 = arith.constant 0 : i32
    %dma_wait3A_892 = arith.constant 0 : i32
    %dma_wait3A_893 = tpu.memref_slice %arg3[%dma_wait3A_891, %dma_wait3A_892] : memref<100000x768xf32, #tpu.memory_space<hbm>> -> memref<100000x768xf32, #tpu.memory_space<hbm>>
    tpu.wait_indirect_dma semaphore(%arg10 : memref<!tpu.dma_semaphore, #tpu.memory_space<semaphore_mem>>) src(%dma_wait3A_893 : memref<100000x768xf32, #tpu.memory_space<hbm>>) dst(%dma_wait3A_887 : memref<16x768xf32, #tpu.memory_space<vmem>>)
    %dma_wait3A_894 = arith.constant 2 : i32
    %dma_wait3A_895 = arith.constant 1 : i32
    %dma_wait3A_896 = arith.constant 32 : i32
    %dma_wait3A_897 = arith.constant 0 : i32
    %dma_wait3A_898 = tpu.memref_slice %arg7[%dma_wait3A_895, %dma_wait3A_896, %dma_wait3A_897] : memref<2x64x768xf32, #tpu.memory_space<vmem>> -> memref<1x16x768xf32, #tpu.memory_space<vmem>>
    %dma_wait3A_899 = tpu.memref_squeeze %dma_wait3A_898 : memref<1x16x768xf32, #tpu.memory_space<vmem>> -> memref<16x768xf32, #tpu.memory_space<vmem>>
    %dma_wait3A_900 = arith.constant 48 : i32
    %dma_wait3A_901 = tpu.memref_slice %arg6[%dma_wait3A_894, %dma_wait3A_900] : memref<4x128xi32, #tpu.memory_space<vmem>> -> memref<1x16xi32, #tpu.memory_space<vmem>>
    %dma_wait3A_902 = tpu.memref_squeeze %dma_wait3A_901 : memref<1x16xi32, #tpu.memory_space<vmem>> -> memref<16xi32, #tpu.memory_space<vmem>>
    %dma_wait3A_903 = arith.constant 0 : i32
    %dma_wait3A_904 = arith.constant 0 : i32
    %dma_wait3A_905 = tpu.memref_slice %arg3[%dma_wait3A_903, %dma_wait3A_904] : memref<100000x768xf32, #tpu.memory_space<hbm>> -> memref<100000x768xf32, #tpu.memory_space<hbm>>
    tpu.wait_indirect_dma semaphore(%arg10 : memref<!tpu.dma_semaphore, #tpu.memory_space<semaphore_mem>>) src(%dma_wait3A_905 : memref<100000x768xf32, #tpu.memory_space<hbm>>) dst(%dma_wait3A_899 : memref<16x768xf32, #tpu.memory_space<vmem>>)
    %dma_wait3A_906 = arith.constant 3 : i32
    %dma_wait3A_907 = arith.constant 1 : i32
    %dma_wait3A_908 = arith.constant 48 : i32
    %dma_wait3A_909 = arith.constant 0 : i32
    %dma_wait3A_910 = tpu.memref_slice %arg7[%dma_wait3A_907, %dma_wait3A_908, %dma_wait3A_909] : memref<2x64x768xf32, #tpu.memory_space<vmem>> -> memref<1x16x768xf32, #tpu.memory_space<vmem>>
    %dma_wait3A_911 = tpu.memref_squeeze %dma_wait3A_910 : memref<1x16x768xf32, #tpu.memory_space<vmem>> -> memref<16x768xf32, #tpu.memory_space<vmem>>
    %dma_wait3A_912 = arith.constant 48 : i32
    %dma_wait3A_913 = tpu.memref_slice %arg6[%dma_wait3A_906, %dma_wait3A_912] : memref<4x128xi32, #tpu.memory_space<vmem>> -> memref<1x16xi32, #tpu.memory_space<vmem>>
    %dma_wait3A_914 = tpu.memref_squeeze %dma_wait3A_913 : memref<1x16xi32, #tpu.memory_space<vmem>> -> memref<16xi32, #tpu.memory_space<vmem>>
    %dma_wait3A_915 = arith.constant 0 : i32
    %dma_wait3A_916 = arith.constant 0 : i32
    %dma_wait3A_917 = tpu.memref_slice %arg3[%dma_wait3A_915, %dma_wait3A_916] : memref<100000x768xf32, #tpu.memory_space<hbm>> -> memref<100000x768xf32, #tpu.memory_space<hbm>>
    tpu.wait_indirect_dma semaphore(%arg10 : memref<!tpu.dma_semaphore, #tpu.memory_space<semaphore_mem>>) src(%dma_wait3A_917 : memref<100000x768xf32, #tpu.memory_space<hbm>>) dst(%dma_wait3A_911 : memref<16x768xf32, #tpu.memory_space<vmem>>)
    %dma_wait3A_918 = arith.constant 1 : i32
    %dma_wait3A_919 = arith.constant 0 : i32
    %dma_wait3A_920 = arith.constant 0 : i32
    %dma_wait3A_921 = tpu.memref_slice %arg8[%dma_wait3A_918, %dma_wait3A_919, %dma_wait3A_920] : memref<2x16x768xf32, #tpu.memory_space<vmem>> -> memref<1x16x768xf32, #tpu.memory_space<vmem>>
    %dma_wait3A_922 = tpu.memref_squeeze %dma_wait3A_921 : memref<1x16x768xf32, #tpu.memory_space<vmem>> -> memref<16x768xf32, #tpu.memory_space<vmem>>
    %dma_wait3A_923 = arith.constant 0 : i32
    %dma_wait3A_924 = tpu.memref_slice %arg4[%add3A_612, %dma_wait3A_923] : memref<4096x768xf32, #tpu.memory_space<hbm>> -> memref<16x768xf32, #tpu.memory_space<hbm>>
    %dma_wait3A_925 = arith.constant 0 : i32
    %dma_wait3A_926 = arith.constant 0 : i32
    %dma_wait3A_927 = tpu.memref_slice %arg8[%dma_wait3A_918, %dma_wait3A_925, %dma_wait3A_926] : memref<2x16x768xf32, #tpu.memory_space<vmem>> -> memref<1x16x768xf32, #tpu.memory_space<vmem>>
    %dma_wait3A_928 = tpu.memref_squeeze %dma_wait3A_927 : memref<1x16x768xf32, #tpu.memory_space<vmem>> -> memref<16x768xf32, #tpu.memory_space<vmem>>
    %dma_wait3A_929 = arith.constant 0 : i32
    %dma_wait3A_930 = tpu.memref_slice %arg4[%add3A_612, %dma_wait3A_929] : memref<4096x768xf32, #tpu.memory_space<hbm>> -> memref<16x768xf32, #tpu.memory_space<hbm>>
    tpu.wait_dma2 semaphore(%arg12 : memref<!tpu.dma_semaphore, #tpu.memory_space<semaphore_mem>>) src(%dma_wait3A_930 : memref<16x768xf32, #tpu.memory_space<hbm>>) dst(%dma_wait3A_928 : memref<16x768xf32, #tpu.memory_space<vmem>>)
    %add3A_931 = arith.constant 0 : i32
    %add3A_932 = arith.addi %add3A_931, %mul3A_2 : i32
    %add3A_933 = arith.constant 48 : i32
    %add3A_934 = arith.addi %add3A_932, %add3A_933 : i32
    %dma_start3A_935 = arith.constant 1 : i32
    %dma_start3A_936 = arith.constant 0 : i32
    %dma_start3A_937 = arith.constant 0 : i32
    %dma_start3A_938 = tpu.memref_slice %arg7[%dma_start3A_935, %dma_start3A_936, %dma_start3A_937] : memref<2x64x768xf32, #tpu.memory_space<vmem>> -> memref<1x16x768xf32, #tpu.memory_space<vmem>>
    %dma_start3A_939 = tpu.memref_squeeze %dma_start3A_938 : memref<1x16x768xf32, #tpu.memory_space<vmem>> -> memref<16x768xf32, #tpu.memory_space<vmem>>
    %dma_start3A_940 = arith.constant 0 : i32
    %dma_start3A_941 = tpu.memref_slice %arg5[%add3A_934, %dma_start3A_940] : memref<16384x768xf32, #tpu.memory_space<hbm>> -> memref<16x768xf32, #tpu.memory_space<hbm>>
    %dma_start3A_942 = arith.constant 0 : i32
    %dma_start3A_943 = tpu.memref_slice %arg5[%add3A_934, %dma_start3A_942] : memref<16384x768xf32, #tpu.memory_space<hbm>> -> memref<16x768xf32, #tpu.memory_space<hbm>>
    %dma_start3A_944 = arith.constant 0 : i32
    %dma_start3A_945 = arith.constant 0 : i32
    %dma_start3A_946 = tpu.memref_slice %arg7[%dma_start3A_935, %dma_start3A_944, %dma_start3A_945] : memref<2x64x768xf32, #tpu.memory_space<vmem>> -> memref<1x16x768xf32, #tpu.memory_space<vmem>>
    %dma_start3A_947 = tpu.memref_squeeze %dma_start3A_946 : memref<1x16x768xf32, #tpu.memory_space<vmem>> -> memref<16x768xf32, #tpu.memory_space<vmem>>
    tpu.enqueue_dma source(%dma_start3A_947 : memref<16x768xf32, #tpu.memory_space<vmem>>) target(%dma_start3A_943 : memref<16x768xf32, #tpu.memory_space<hbm>>) target_semaphore(%arg14 : memref<!tpu.dma_semaphore, #tpu.memory_space<semaphore_mem>>)
    %add3A_948 = arith.constant 4096 : i32
    %add3A_949 = arith.addi %add3A_948, %mul3A_2 : i32
    %add3A_950 = arith.constant 48 : i32
    %add3A_951 = arith.addi %add3A_949, %add3A_950 : i32
    %dma_start3A_952 = arith.constant 1 : i32
    %dma_start3A_953 = arith.constant 16 : i32
    %dma_start3A_954 = arith.constant 0 : i32
    %dma_start3A_955 = tpu.memref_slice %arg7[%dma_start3A_952, %dma_start3A_953, %dma_start3A_954] : memref<2x64x768xf32, #tpu.memory_space<vmem>> -> memref<1x16x768xf32, #tpu.memory_space<vmem>>
    %dma_start3A_956 = tpu.memref_squeeze %dma_start3A_955 : memref<1x16x768xf32, #tpu.memory_space<vmem>> -> memref<16x768xf32, #tpu.memory_space<vmem>>
    %dma_start3A_957 = arith.constant 0 : i32
    %dma_start3A_958 = tpu.memref_slice %arg5[%add3A_951, %dma_start3A_957] : memref<16384x768xf32, #tpu.memory_space<hbm>> -> memref<16x768xf32, #tpu.memory_space<hbm>>
    %dma_start3A_959 = arith.constant 0 : i32
    %dma_start3A_960 = tpu.memref_slice %arg5[%add3A_951, %dma_start3A_959] : memref<16384x768xf32, #tpu.memory_space<hbm>> -> memref<16x768xf32, #tpu.memory_space<hbm>>
    %dma_start3A_961 = arith.constant 16 : i32
    %dma_start3A_962 = arith.constant 0 : i32
    %dma_start3A_963 = tpu.memref_slice %arg7[%dma_start3A_952, %dma_start3A_961, %dma_start3A_962] : memref<2x64x768xf32, #tpu.memory_space<vmem>> -> memref<1x16x768xf32, #tpu.memory_space<vmem>>
    %dma_start3A_964 = tpu.memref_squeeze %dma_start3A_963 : memref<1x16x768xf32, #tpu.memory_space<vmem>> -> memref<16x768xf32, #tpu.memory_space<vmem>>
    tpu.enqueue_dma source(%dma_start3A_964 : memref<16x768xf32, #tpu.memory_space<vmem>>) target(%dma_start3A_960 : memref<16x768xf32, #tpu.memory_space<hbm>>) target_semaphore(%arg14 : memref<!tpu.dma_semaphore, #tpu.memory_space<semaphore_mem>>)
    %add3A_965 = arith.constant 8192 : i32
    %add3A_966 = arith.addi %add3A_965, %mul3A_2 : i32
    %add3A_967 = arith.constant 48 : i32
    %add3A_968 = arith.addi %add3A_966, %add3A_967 : i32
    %dma_start3A_969 = arith.constant 1 : i32
    %dma_start3A_970 = arith.constant 32 : i32
    %dma_start3A_971 = arith.constant 0 : i32
    %dma_start3A_972 = tpu.memref_slice %arg7[%dma_start3A_969, %dma_start3A_970, %dma_start3A_971] : memref<2x64x768xf32, #tpu.memory_space<vmem>> -> memref<1x16x768xf32, #tpu.memory_space<vmem>>
    %dma_start3A_973 = tpu.memref_squeeze %dma_start3A_972 : memref<1x16x768xf32, #tpu.memory_space<vmem>> -> memref<16x768xf32, #tpu.memory_space<vmem>>
    %dma_start3A_974 = arith.constant 0 : i32
    %dma_start3A_975 = tpu.memref_slice %arg5[%add3A_968, %dma_start3A_974] : memref<16384x768xf32, #tpu.memory_space<hbm>> -> memref<16x768xf32, #tpu.memory_space<hbm>>
    %dma_start3A_976 = arith.constant 0 : i32
    %dma_start3A_977 = tpu.memref_slice %arg5[%add3A_968, %dma_start3A_976] : memref<16384x768xf32, #tpu.memory_space<hbm>> -> memref<16x768xf32, #tpu.memory_space<hbm>>
    %dma_start3A_978 = arith.constant 32 : i32
    %dma_start3A_979 = arith.constant 0 : i32
    %dma_start3A_980 = tpu.memref_slice %arg7[%dma_start3A_969, %dma_start3A_978, %dma_start3A_979] : memref<2x64x768xf32, #tpu.memory_space<vmem>> -> memref<1x16x768xf32, #tpu.memory_space<vmem>>
    %dma_start3A_981 = tpu.memref_squeeze %dma_start3A_980 : memref<1x16x768xf32, #tpu.memory_space<vmem>> -> memref<16x768xf32, #tpu.memory_space<vmem>>
    tpu.enqueue_dma source(%dma_start3A_981 : memref<16x768xf32, #tpu.memory_space<vmem>>) target(%dma_start3A_977 : memref<16x768xf32, #tpu.memory_space<hbm>>) target_semaphore(%arg14 : memref<!tpu.dma_semaphore, #tpu.memory_space<semaphore_mem>>)
    %add3A_982 = arith.constant 12288 : i32
    %add3A_983 = arith.addi %add3A_982, %mul3A_2 : i32
    %add3A_984 = arith.constant 48 : i32
    %add3A_985 = arith.addi %add3A_983, %add3A_984 : i32
    %dma_start3A_986 = arith.constant 1 : i32
    %dma_start3A_987 = arith.constant 48 : i32
    %dma_start3A_988 = arith.constant 0 : i32
    %dma_start3A_989 = tpu.memref_slice %arg7[%dma_start3A_986, %dma_start3A_987, %dma_start3A_988] : memref<2x64x768xf32, #tpu.memory_space<vmem>> -> memref<1x16x768xf32, #tpu.memory_space<vmem>>
    %dma_start3A_990 = tpu.memref_squeeze %dma_start3A_989 : memref<1x16x768xf32, #tpu.memory_space<vmem>> -> memref<16x768xf32, #tpu.memory_space<vmem>>
    %dma_start3A_991 = arith.constant 0 : i32
    %dma_start3A_992 = tpu.memref_slice %arg5[%add3A_985, %dma_start3A_991] : memref<16384x768xf32, #tpu.memory_space<hbm>> -> memref<16x768xf32, #tpu.memory_space<hbm>>
    %dma_start3A_993 = arith.constant 0 : i32
    %dma_start3A_994 = tpu.memref_slice %arg5[%add3A_985, %dma_start3A_993] : memref<16384x768xf32, #tpu.memory_space<hbm>> -> memref<16x768xf32, #tpu.memory_space<hbm>>
    %dma_start3A_995 = arith.constant 48 : i32
    %dma_start3A_996 = arith.constant 0 : i32
    %dma_start3A_997 = tpu.memref_slice %arg7[%dma_start3A_986, %dma_start3A_995, %dma_start3A_996] : memref<2x64x768xf32, #tpu.memory_space<vmem>> -> memref<1x16x768xf32, #tpu.memory_space<vmem>>
    %dma_start3A_998 = tpu.memref_squeeze %dma_start3A_997 : memref<1x16x768xf32, #tpu.memory_space<vmem>> -> memref<16x768xf32, #tpu.memory_space<vmem>>
    tpu.enqueue_dma source(%dma_start3A_998 : memref<16x768xf32, #tpu.memory_space<vmem>>) target(%dma_start3A_994 : memref<16x768xf32, #tpu.memory_space<hbm>>) target_semaphore(%arg14 : memref<!tpu.dma_semaphore, #tpu.memory_space<semaphore_mem>>)
    %dma_wait3A_999 = arith.constant 1 : i32
    %dma_wait3A_1000 = arith.constant 0 : i32
    %dma_wait3A_1001 = arith.constant 0 : i32
    %dma_wait3A_1002 = tpu.memref_slice %arg7[%dma_wait3A_999, %dma_wait3A_1000, %dma_wait3A_1001] : memref<2x64x768xf32, #tpu.memory_space<vmem>> -> memref<1x16x768xf32, #tpu.memory_space<vmem>>
    %dma_wait3A_1003 = tpu.memref_squeeze %dma_wait3A_1002 : memref<1x16x768xf32, #tpu.memory_space<vmem>> -> memref<16x768xf32, #tpu.memory_space<vmem>>
    %dma_wait3A_1004 = arith.constant 0 : i32
    %dma_wait3A_1005 = tpu.memref_slice %arg5[%add3A_934, %dma_wait3A_1004] : memref<16384x768xf32, #tpu.memory_space<hbm>> -> memref<16x768xf32, #tpu.memory_space<hbm>>
    %dma_wait3A_1006 = arith.constant 0 : i32
    %dma_wait3A_1007 = tpu.memref_slice %arg5[%add3A_934, %dma_wait3A_1006] : memref<16384x768xf32, #tpu.memory_space<hbm>> -> memref<16x768xf32, #tpu.memory_space<hbm>>
    %dma_wait3A_1008 = arith.constant 0 : i32
    %dma_wait3A_1009 = arith.constant 0 : i32
    %dma_wait3A_1010 = tpu.memref_slice %arg7[%dma_wait3A_999, %dma_wait3A_1008, %dma_wait3A_1009] : memref<2x64x768xf32, #tpu.memory_space<vmem>> -> memref<1x16x768xf32, #tpu.memory_space<vmem>>
    %dma_wait3A_1011 = tpu.memref_squeeze %dma_wait3A_1010 : memref<1x16x768xf32, #tpu.memory_space<vmem>> -> memref<16x768xf32, #tpu.memory_space<vmem>>
    tpu.wait_dma2 semaphore(%arg14 : memref<!tpu.dma_semaphore, #tpu.memory_space<semaphore_mem>>) src(%dma_wait3A_1011 : memref<16x768xf32, #tpu.memory_space<vmem>>) dst(%dma_wait3A_1007 : memref<16x768xf32, #tpu.memory_space<hbm>>)
    %dma_wait3A_1012 = arith.constant 1 : i32
    %dma_wait3A_1013 = arith.constant 16 : i32
    %dma_wait3A_1014 = arith.constant 0 : i32
    %dma_wait3A_1015 = tpu.memref_slice %arg7[%dma_wait3A_1012, %dma_wait3A_1013, %dma_wait3A_1014] : memref<2x64x768xf32, #tpu.memory_space<vmem>> -> memref<1x16x768xf32, #tpu.memory_space<vmem>>
    %dma_wait3A_1016 = tpu.memref_squeeze %dma_wait3A_1015 : memref<1x16x768xf32, #tpu.memory_space<vmem>> -> memref<16x768xf32, #tpu.memory_space<vmem>>
    %dma_wait3A_1017 = arith.constant 0 : i32
    %dma_wait3A_1018 = tpu.memref_slice %arg5[%add3A_951, %dma_wait3A_1017] : memref<16384x768xf32, #tpu.memory_space<hbm>> -> memref<16x768xf32, #tpu.memory_space<hbm>>
    %dma_wait3A_1019 = arith.constant 0 : i32
    %dma_wait3A_1020 = tpu.memref_slice %arg5[%add3A_951, %dma_wait3A_1019] : memref<16384x768xf32, #tpu.memory_space<hbm>> -> memref<16x768xf32, #tpu.memory_space<hbm>>
    %dma_wait3A_1021 = arith.constant 16 : i32
    %dma_wait3A_1022 = arith.constant 0 : i32
    %dma_wait3A_1023 = tpu.memref_slice %arg7[%dma_wait3A_1012, %dma_wait3A_1021, %dma_wait3A_1022] : memref<2x64x768xf32, #tpu.memory_space<vmem>> -> memref<1x16x768xf32, #tpu.memory_space<vmem>>
    %dma_wait3A_1024 = tpu.memref_squeeze %dma_wait3A_1023 : memref<1x16x768xf32, #tpu.memory_space<vmem>> -> memref<16x768xf32, #tpu.memory_space<vmem>>
    tpu.wait_dma2 semaphore(%arg14 : memref<!tpu.dma_semaphore, #tpu.memory_space<semaphore_mem>>) src(%dma_wait3A_1024 : memref<16x768xf32, #tpu.memory_space<vmem>>) dst(%dma_wait3A_1020 : memref<16x768xf32, #tpu.memory_space<hbm>>)
    %dma_wait3A_1025 = arith.constant 1 : i32
    %dma_wait3A_1026 = arith.constant 32 : i32
    %dma_wait3A_1027 = arith.constant 0 : i32
    %dma_wait3A_1028 = tpu.memref_slice %arg7[%dma_wait3A_1025, %dma_wait3A_1026, %dma_wait3A_1027] : memref<2x64x768xf32, #tpu.memory_space<vmem>> -> memref<1x16x768xf32, #tpu.memory_space<vmem>>
    %dma_wait3A_1029 = tpu.memref_squeeze %dma_wait3A_1028 : memref<1x16x768xf32, #tpu.memory_space<vmem>> -> memref<16x768xf32, #tpu.memory_space<vmem>>
    %dma_wait3A_1030 = arith.constant 0 : i32
    %dma_wait3A_1031 = tpu.memref_slice %arg5[%add3A_968, %dma_wait3A_1030] : memref<16384x768xf32, #tpu.memory_space<hbm>> -> memref<16x768xf32, #tpu.memory_space<hbm>>
    %dma_wait3A_1032 = arith.constant 0 : i32
    %dma_wait3A_1033 = tpu.memref_slice %arg5[%add3A_968, %dma_wait3A_1032] : memref<16384x768xf32, #tpu.memory_space<hbm>> -> memref<16x768xf32, #tpu.memory_space<hbm>>
    %dma_wait3A_1034 = arith.constant 32 : i32
    %dma_wait3A_1035 = arith.constant 0 : i32
    %dma_wait3A_1036 = tpu.memref_slice %arg7[%dma_wait3A_1025, %dma_wait3A_1034, %dma_wait3A_1035] : memref<2x64x768xf32, #tpu.memory_space<vmem>> -> memref<1x16x768xf32, #tpu.memory_space<vmem>>
    %dma_wait3A_1037 = tpu.memref_squeeze %dma_wait3A_1036 : memref<1x16x768xf32, #tpu.memory_space<vmem>> -> memref<16x768xf32, #tpu.memory_space<vmem>>
    tpu.wait_dma2 semaphore(%arg14 : memref<!tpu.dma_semaphore, #tpu.memory_space<semaphore_mem>>) src(%dma_wait3A_1037 : memref<16x768xf32, #tpu.memory_space<vmem>>) dst(%dma_wait3A_1033 : memref<16x768xf32, #tpu.memory_space<hbm>>)
    %dma_wait3A_1038 = arith.constant 1 : i32
    %dma_wait3A_1039 = arith.constant 48 : i32
    %dma_wait3A_1040 = arith.constant 0 : i32
    %dma_wait3A_1041 = tpu.memref_slice %arg7[%dma_wait3A_1038, %dma_wait3A_1039, %dma_wait3A_1040] : memref<2x64x768xf32, #tpu.memory_space<vmem>> -> memref<1x16x768xf32, #tpu.memory_space<vmem>>
    %dma_wait3A_1042 = tpu.memref_squeeze %dma_wait3A_1041 : memref<1x16x768xf32, #tpu.memory_space<vmem>> -> memref<16x768xf32, #tpu.memory_space<vmem>>
    %dma_wait3A_1043 = arith.constant 0 : i32
    %dma_wait3A_1044 = tpu.memref_slice %arg5[%add3A_985, %dma_wait3A_1043] : memref<16384x768xf32, #tpu.memory_space<hbm>> -> memref<16x768xf32, #tpu.memory_space<hbm>>
    %dma_wait3A_1045 = arith.constant 0 : i32
    %dma_wait3A_1046 = tpu.memref_slice %arg5[%add3A_985, %dma_wait3A_1045] : memref<16384x768xf32, #tpu.memory_space<hbm>> -> memref<16x768xf32, #tpu.memory_space<hbm>>
    %dma_wait3A_1047 = arith.constant 48 : i32
    %dma_wait3A_1048 = arith.constant 0 : i32
    %dma_wait3A_1049 = tpu.memref_slice %arg7[%dma_wait3A_1038, %dma_wait3A_1047, %dma_wait3A_1048] : memref<2x64x768xf32, #tpu.memory_space<vmem>> -> memref<1x16x768xf32, #tpu.memory_space<vmem>>
    %dma_wait3A_1050 = tpu.memref_squeeze %dma_wait3A_1049 : memref<1x16x768xf32, #tpu.memory_space<vmem>> -> memref<16x768xf32, #tpu.memory_space<vmem>>
    tpu.wait_dma2 semaphore(%arg14 : memref<!tpu.dma_semaphore, #tpu.memory_space<semaphore_mem>>) src(%dma_wait3A_1050 : memref<16x768xf32, #tpu.memory_space<vmem>>) dst(%dma_wait3A_1046 : memref<16x768xf32, #tpu.memory_space<hbm>>)
    %dma_start3A_1051 = arith.constant 0 : i32
    %dma_start3A_1052 = arith.constant 1 : i32
    %dma_start3A_1053 = arith.constant 0 : i32
    %dma_start3A_1054 = arith.constant 0 : i32
    %dma_start3A_1055 = tpu.memref_slice %arg7[%dma_start3A_1052, %dma_start3A_1053, %dma_start3A_1054] : memref<2x64x768xf32, #tpu.memory_space<vmem>> -> memref<1x16x768xf32, #tpu.memory_space<vmem>>
    %dma_start3A_1056 = tpu.memref_squeeze %dma_start3A_1055 : memref<1x16x768xf32, #tpu.memory_space<vmem>> -> memref<16x768xf32, #tpu.memory_space<vmem>>
    %dma_start3A_1057 = arith.constant 80 : i32
    %dma_start3A_1058 = tpu.memref_slice %arg6[%dma_start3A_1051, %dma_start3A_1057] : memref<4x128xi32, #tpu.memory_space<vmem>> -> memref<1x16xi32, #tpu.memory_space<vmem>>
    %dma_start3A_1059 = tpu.memref_squeeze %dma_start3A_1058 : memref<1x16xi32, #tpu.memory_space<vmem>> -> memref<16xi32, #tpu.memory_space<vmem>>
    %dma_start3A_1060 = arith.constant 0 : i32
    %dma_start3A_1061 = arith.constant 0 : i32
    %dma_start3A_1062 = tpu.memref_slice %arg3[%dma_start3A_1060, %dma_start3A_1061] : memref<100000x768xf32, #tpu.memory_space<hbm>> -> memref<100000x768xf32, #tpu.memory_space<hbm>>
    tpu.enqueue_indirect_dma source(%dma_start3A_1062 : memref<100000x768xf32, #tpu.memory_space<hbm>>) target(%dma_start3A_1056 : memref<16x768xf32, #tpu.memory_space<vmem>>) offsets(%dma_start3A_1059 : memref<16xi32, #tpu.memory_space<vmem>>) semaphore(%arg10 : memref<!tpu.dma_semaphore, #tpu.memory_space<semaphore_mem>>)
    %dma_start3A_1063 = arith.constant 1 : i32
    %dma_start3A_1064 = arith.constant 1 : i32
    %dma_start3A_1065 = arith.constant 16 : i32
    %dma_start3A_1066 = arith.constant 0 : i32
    %dma_start3A_1067 = tpu.memref_slice %arg7[%dma_start3A_1064, %dma_start3A_1065, %dma_start3A_1066] : memref<2x64x768xf32, #tpu.memory_space<vmem>> -> memref<1x16x768xf32, #tpu.memory_space<vmem>>
    %dma_start3A_1068 = tpu.memref_squeeze %dma_start3A_1067 : memref<1x16x768xf32, #tpu.memory_space<vmem>> -> memref<16x768xf32, #tpu.memory_space<vmem>>
    %dma_start3A_1069 = arith.constant 80 : i32
    %dma_start3A_1070 = tpu.memref_slice %arg6[%dma_start3A_1063, %dma_start3A_1069] : memref<4x128xi32, #tpu.memory_space<vmem>> -> memref<1x16xi32, #tpu.memory_space<vmem>>
    %dma_start3A_1071 = tpu.memref_squeeze %dma_start3A_1070 : memref<1x16xi32, #tpu.memory_space<vmem>> -> memref<16xi32, #tpu.memory_space<vmem>>
    %dma_start3A_1072 = arith.constant 0 : i32
    %dma_start3A_1073 = arith.constant 0 : i32
    %dma_start3A_1074 = tpu.memref_slice %arg3[%dma_start3A_1072, %dma_start3A_1073] : memref<100000x768xf32, #tpu.memory_space<hbm>> -> memref<100000x768xf32, #tpu.memory_space<hbm>>
    tpu.enqueue_indirect_dma source(%dma_start3A_1074 : memref<100000x768xf32, #tpu.memory_space<hbm>>) target(%dma_start3A_1068 : memref<16x768xf32, #tpu.memory_space<vmem>>) offsets(%dma_start3A_1071 : memref<16xi32, #tpu.memory_space<vmem>>) semaphore(%arg10 : memref<!tpu.dma_semaphore, #tpu.memory_space<semaphore_mem>>)
    %dma_start3A_1075 = arith.constant 2 : i32
    %dma_start3A_1076 = arith.constant 1 : i32
    %dma_start3A_1077 = arith.constant 32 : i32
    %dma_start3A_1078 = arith.constant 0 : i32
    %dma_start3A_1079 = tpu.memref_slice %arg7[%dma_start3A_1076, %dma_start3A_1077, %dma_start3A_1078] : memref<2x64x768xf32, #tpu.memory_space<vmem>> -> memref<1x16x768xf32, #tpu.memory_space<vmem>>
    %dma_start3A_1080 = tpu.memref_squeeze %dma_start3A_1079 : memref<1x16x768xf32, #tpu.memory_space<vmem>> -> memref<16x768xf32, #tpu.memory_space<vmem>>
    %dma_start3A_1081 = arith.constant 80 : i32
    %dma_start3A_1082 = tpu.memref_slice %arg6[%dma_start3A_1075, %dma_start3A_1081] : memref<4x128xi32, #tpu.memory_space<vmem>> -> memref<1x16xi32, #tpu.memory_space<vmem>>
    %dma_start3A_1083 = tpu.memref_squeeze %dma_start3A_1082 : memref<1x16xi32, #tpu.memory_space<vmem>> -> memref<16xi32, #tpu.memory_space<vmem>>
    %dma_start3A_1084 = arith.constant 0 : i32
    %dma_start3A_1085 = arith.constant 0 : i32
    %dma_start3A_1086 = tpu.memref_slice %arg3[%dma_start3A_1084, %dma_start3A_1085] : memref<100000x768xf32, #tpu.memory_space<hbm>> -> memref<100000x768xf32, #tpu.memory_space<hbm>>
    tpu.enqueue_indirect_dma source(%dma_start3A_1086 : memref<100000x768xf32, #tpu.memory_space<hbm>>) target(%dma_start3A_1080 : memref<16x768xf32, #tpu.memory_space<vmem>>) offsets(%dma_start3A_1083 : memref<16xi32, #tpu.memory_space<vmem>>) semaphore(%arg10 : memref<!tpu.dma_semaphore, #tpu.memory_space<semaphore_mem>>)
    %dma_start3A_1087 = arith.constant 3 : i32
    %dma_start3A_1088 = arith.constant 1 : i32
    %dma_start3A_1089 = arith.constant 48 : i32
    %dma_start3A_1090 = arith.constant 0 : i32
    %dma_start3A_1091 = tpu.memref_slice %arg7[%dma_start3A_1088, %dma_start3A_1089, %dma_start3A_1090] : memref<2x64x768xf32, #tpu.memory_space<vmem>> -> memref<1x16x768xf32, #tpu.memory_space<vmem>>
    %dma_start3A_1092 = tpu.memref_squeeze %dma_start3A_1091 : memref<1x16x768xf32, #tpu.memory_space<vmem>> -> memref<16x768xf32, #tpu.memory_space<vmem>>
    %dma_start3A_1093 = arith.constant 80 : i32
    %dma_start3A_1094 = tpu.memref_slice %arg6[%dma_start3A_1087, %dma_start3A_1093] : memref<4x128xi32, #tpu.memory_space<vmem>> -> memref<1x16xi32, #tpu.memory_space<vmem>>
    %dma_start3A_1095 = tpu.memref_squeeze %dma_start3A_1094 : memref<1x16xi32, #tpu.memory_space<vmem>> -> memref<16xi32, #tpu.memory_space<vmem>>
    %dma_start3A_1096 = arith.constant 0 : i32
    %dma_start3A_1097 = arith.constant 0 : i32
    %dma_start3A_1098 = tpu.memref_slice %arg3[%dma_start3A_1096, %dma_start3A_1097] : memref<100000x768xf32, #tpu.memory_space<hbm>> -> memref<100000x768xf32, #tpu.memory_space<hbm>>
    tpu.enqueue_indirect_dma source(%dma_start3A_1098 : memref<100000x768xf32, #tpu.memory_space<hbm>>) target(%dma_start3A_1092 : memref<16x768xf32, #tpu.memory_space<vmem>>) offsets(%dma_start3A_1095 : memref<16xi32, #tpu.memory_space<vmem>>) semaphore(%arg10 : memref<!tpu.dma_semaphore, #tpu.memory_space<semaphore_mem>>)
    %add3A_1099 = arith.constant 80 : i32
    %add3A_1100 = arith.addi %mul3A_2, %add3A_1099 : i32
    %dma_start3A_1101 = arith.constant 1 : i32
    %dma_start3A_1102 = arith.constant 0 : i32
    %dma_start3A_1103 = arith.constant 0 : i32
    %dma_start3A_1104 = tpu.memref_slice %arg8[%dma_start3A_1101, %dma_start3A_1102, %dma_start3A_1103] : memref<2x16x768xf32, #tpu.memory_space<vmem>> -> memref<1x16x768xf32, #tpu.memory_space<vmem>>
    %dma_start3A_1105 = tpu.memref_squeeze %dma_start3A_1104 : memref<1x16x768xf32, #tpu.memory_space<vmem>> -> memref<16x768xf32, #tpu.memory_space<vmem>>
    %dma_start3A_1106 = arith.constant 0 : i32
    %dma_start3A_1107 = tpu.memref_slice %arg4[%add3A_1100, %dma_start3A_1106] : memref<4096x768xf32, #tpu.memory_space<hbm>> -> memref<16x768xf32, #tpu.memory_space<hbm>>
    %dma_start3A_1108 = arith.constant 0 : i32
    %dma_start3A_1109 = arith.constant 0 : i32
    %dma_start3A_1110 = tpu.memref_slice %arg8[%dma_start3A_1101, %dma_start3A_1108, %dma_start3A_1109] : memref<2x16x768xf32, #tpu.memory_space<vmem>> -> memref<1x16x768xf32, #tpu.memory_space<vmem>>
    %dma_start3A_1111 = tpu.memref_squeeze %dma_start3A_1110 : memref<1x16x768xf32, #tpu.memory_space<vmem>> -> memref<16x768xf32, #tpu.memory_space<vmem>>
    %dma_start3A_1112 = arith.constant 0 : i32
    %dma_start3A_1113 = tpu.memref_slice %arg4[%add3A_1100, %dma_start3A_1112] : memref<4096x768xf32, #tpu.memory_space<hbm>> -> memref<16x768xf32, #tpu.memory_space<hbm>>
    tpu.enqueue_dma source(%dma_start3A_1113 : memref<16x768xf32, #tpu.memory_space<hbm>>) target(%dma_start3A_1111 : memref<16x768xf32, #tpu.memory_space<vmem>>) target_semaphore(%arg12 : memref<!tpu.dma_semaphore, #tpu.memory_space<semaphore_mem>>)
    %dma_wait3A_1114 = arith.constant 0 : i32
    %dma_wait3A_1115 = arith.constant 0 : i32
    %dma_wait3A_1116 = arith.constant 0 : i32
    %dma_wait3A_1117 = arith.constant 0 : i32
    %dma_wait3A_1118 = tpu.memref_slice %arg7[%dma_wait3A_1115, %dma_wait3A_1116, %dma_wait3A_1117] : memref<2x64x768xf32, #tpu.memory_space<vmem>> -> memref<1x16x768xf32, #tpu.memory_space<vmem>>
    %dma_wait3A_1119 = tpu.memref_squeeze %dma_wait3A_1118 : memref<1x16x768xf32, #tpu.memory_space<vmem>> -> memref<16x768xf32, #tpu.memory_space<vmem>>
    %dma_wait3A_1120 = arith.constant 64 : i32
    %dma_wait3A_1121 = tpu.memref_slice %arg6[%dma_wait3A_1114, %dma_wait3A_1120] : memref<4x128xi32, #tpu.memory_space<vmem>> -> memref<1x16xi32, #tpu.memory_space<vmem>>
    %dma_wait3A_1122 = tpu.memref_squeeze %dma_wait3A_1121 : memref<1x16xi32, #tpu.memory_space<vmem>> -> memref<16xi32, #tpu.memory_space<vmem>>
    %dma_wait3A_1123 = arith.constant 0 : i32
    %dma_wait3A_1124 = arith.constant 0 : i32
    %dma_wait3A_1125 = tpu.memref_slice %arg3[%dma_wait3A_1123, %dma_wait3A_1124] : memref<100000x768xf32, #tpu.memory_space<hbm>> -> memref<100000x768xf32, #tpu.memory_space<hbm>>
    tpu.wait_indirect_dma semaphore(%arg9 : memref<!tpu.dma_semaphore, #tpu.memory_space<semaphore_mem>>) src(%dma_wait3A_1125 : memref<100000x768xf32, #tpu.memory_space<hbm>>) dst(%dma_wait3A_1119 : memref<16x768xf32, #tpu.memory_space<vmem>>)
    %dma_wait3A_1126 = arith.constant 1 : i32
    %dma_wait3A_1127 = arith.constant 0 : i32
    %dma_wait3A_1128 = arith.constant 16 : i32
    %dma_wait3A_1129 = arith.constant 0 : i32
    %dma_wait3A_1130 = tpu.memref_slice %arg7[%dma_wait3A_1127, %dma_wait3A_1128, %dma_wait3A_1129] : memref<2x64x768xf32, #tpu.memory_space<vmem>> -> memref<1x16x768xf32, #tpu.memory_space<vmem>>
    %dma_wait3A_1131 = tpu.memref_squeeze %dma_wait3A_1130 : memref<1x16x768xf32, #tpu.memory_space<vmem>> -> memref<16x768xf32, #tpu.memory_space<vmem>>
    %dma_wait3A_1132 = arith.constant 64 : i32
    %dma_wait3A_1133 = tpu.memref_slice %arg6[%dma_wait3A_1126, %dma_wait3A_1132] : memref<4x128xi32, #tpu.memory_space<vmem>> -> memref<1x16xi32, #tpu.memory_space<vmem>>
    %dma_wait3A_1134 = tpu.memref_squeeze %dma_wait3A_1133 : memref<1x16xi32, #tpu.memory_space<vmem>> -> memref<16xi32, #tpu.memory_space<vmem>>
    %dma_wait3A_1135 = arith.constant 0 : i32
    %dma_wait3A_1136 = arith.constant 0 : i32
    %dma_wait3A_1137 = tpu.memref_slice %arg3[%dma_wait3A_1135, %dma_wait3A_1136] : memref<100000x768xf32, #tpu.memory_space<hbm>> -> memref<100000x768xf32, #tpu.memory_space<hbm>>
    tpu.wait_indirect_dma semaphore(%arg9 : memref<!tpu.dma_semaphore, #tpu.memory_space<semaphore_mem>>) src(%dma_wait3A_1137 : memref<100000x768xf32, #tpu.memory_space<hbm>>) dst(%dma_wait3A_1131 : memref<16x768xf32, #tpu.memory_space<vmem>>)
    %dma_wait3A_1138 = arith.constant 2 : i32
    %dma_wait3A_1139 = arith.constant 0 : i32
    %dma_wait3A_1140 = arith.constant 32 : i32
    %dma_wait3A_1141 = arith.constant 0 : i32
    %dma_wait3A_1142 = tpu.memref_slice %arg7[%dma_wait3A_1139, %dma_wait3A_1140, %dma_wait3A_1141] : memref<2x64x768xf32, #tpu.memory_space<vmem>> -> memref<1x16x768xf32, #tpu.memory_space<vmem>>
    %dma_wait3A_1143 = tpu.memref_squeeze %dma_wait3A_1142 : memref<1x16x768xf32, #tpu.memory_space<vmem>> -> memref<16x768xf32, #tpu.memory_space<vmem>>
    %dma_wait3A_1144 = arith.constant 64 : i32
    %dma_wait3A_1145 = tpu.memref_slice %arg6[%dma_wait3A_1138, %dma_wait3A_1144] : memref<4x128xi32, #tpu.memory_space<vmem>> -> memref<1x16xi32, #tpu.memory_space<vmem>>
    %dma_wait3A_1146 = tpu.memref_squeeze %dma_wait3A_1145 : memref<1x16xi32, #tpu.memory_space<vmem>> -> memref<16xi32, #tpu.memory_space<vmem>>
    %dma_wait3A_1147 = arith.constant 0 : i32
    %dma_wait3A_1148 = arith.constant 0 : i32
    %dma_wait3A_1149 = tpu.memref_slice %arg3[%dma_wait3A_1147, %dma_wait3A_1148] : memref<100000x768xf32, #tpu.memory_space<hbm>> -> memref<100000x768xf32, #tpu.memory_space<hbm>>
    tpu.wait_indirect_dma semaphore(%arg9 : memref<!tpu.dma_semaphore, #tpu.memory_space<semaphore_mem>>) src(%dma_wait3A_1149 : memref<100000x768xf32, #tpu.memory_space<hbm>>) dst(%dma_wait3A_1143 : memref<16x768xf32, #tpu.memory_space<vmem>>)
    %dma_wait3A_1150 = arith.constant 3 : i32
    %dma_wait3A_1151 = arith.constant 0 : i32
    %dma_wait3A_1152 = arith.constant 48 : i32
    %dma_wait3A_1153 = arith.constant 0 : i32
    %dma_wait3A_1154 = tpu.memref_slice %arg7[%dma_wait3A_1151, %dma_wait3A_1152, %dma_wait3A_1153] : memref<2x64x768xf32, #tpu.memory_space<vmem>> -> memref<1x16x768xf32, #tpu.memory_space<vmem>>
    %dma_wait3A_1155 = tpu.memref_squeeze %dma_wait3A_1154 : memref<1x16x768xf32, #tpu.memory_space<vmem>> -> memref<16x768xf32, #tpu.memory_space<vmem>>
    %dma_wait3A_1156 = arith.constant 64 : i32
    %dma_wait3A_1157 = tpu.memref_slice %arg6[%dma_wait3A_1150, %dma_wait3A_1156] : memref<4x128xi32, #tpu.memory_space<vmem>> -> memref<1x16xi32, #tpu.memory_space<vmem>>
    %dma_wait3A_1158 = tpu.memref_squeeze %dma_wait3A_1157 : memref<1x16xi32, #tpu.memory_space<vmem>> -> memref<16xi32, #tpu.memory_space<vmem>>
    %dma_wait3A_1159 = arith.constant 0 : i32
    %dma_wait3A_1160 = arith.constant 0 : i32
    %dma_wait3A_1161 = tpu.memref_slice %arg3[%dma_wait3A_1159, %dma_wait3A_1160] : memref<100000x768xf32, #tpu.memory_space<hbm>> -> memref<100000x768xf32, #tpu.memory_space<hbm>>
    tpu.wait_indirect_dma semaphore(%arg9 : memref<!tpu.dma_semaphore, #tpu.memory_space<semaphore_mem>>) src(%dma_wait3A_1161 : memref<100000x768xf32, #tpu.memory_space<hbm>>) dst(%dma_wait3A_1155 : memref<16x768xf32, #tpu.memory_space<vmem>>)
    %dma_wait3A_1162 = arith.constant 0 : i32
    %dma_wait3A_1163 = arith.constant 0 : i32
    %dma_wait3A_1164 = arith.constant 0 : i32
    %dma_wait3A_1165 = tpu.memref_slice %arg8[%dma_wait3A_1162, %dma_wait3A_1163, %dma_wait3A_1164] : memref<2x16x768xf32, #tpu.memory_space<vmem>> -> memref<1x16x768xf32, #tpu.memory_space<vmem>>
    %dma_wait3A_1166 = tpu.memref_squeeze %dma_wait3A_1165 : memref<1x16x768xf32, #tpu.memory_space<vmem>> -> memref<16x768xf32, #tpu.memory_space<vmem>>
    %dma_wait3A_1167 = arith.constant 0 : i32
    %dma_wait3A_1168 = tpu.memref_slice %arg4[%add3A_856, %dma_wait3A_1167] : memref<4096x768xf32, #tpu.memory_space<hbm>> -> memref<16x768xf32, #tpu.memory_space<hbm>>
    %dma_wait3A_1169 = arith.constant 0 : i32
    %dma_wait3A_1170 = arith.constant 0 : i32
    %dma_wait3A_1171 = tpu.memref_slice %arg8[%dma_wait3A_1162, %dma_wait3A_1169, %dma_wait3A_1170] : memref<2x16x768xf32, #tpu.memory_space<vmem>> -> memref<1x16x768xf32, #tpu.memory_space<vmem>>
    %dma_wait3A_1172 = tpu.memref_squeeze %dma_wait3A_1171 : memref<1x16x768xf32, #tpu.memory_space<vmem>> -> memref<16x768xf32, #tpu.memory_space<vmem>>
    %dma_wait3A_1173 = arith.constant 0 : i32
    %dma_wait3A_1174 = tpu.memref_slice %arg4[%add3A_856, %dma_wait3A_1173] : memref<4096x768xf32, #tpu.memory_space<hbm>> -> memref<16x768xf32, #tpu.memory_space<hbm>>
    tpu.wait_dma2 semaphore(%arg11 : memref<!tpu.dma_semaphore, #tpu.memory_space<semaphore_mem>>) src(%dma_wait3A_1174 : memref<16x768xf32, #tpu.memory_space<hbm>>) dst(%dma_wait3A_1172 : memref<16x768xf32, #tpu.memory_space<vmem>>)
    %add3A_1175 = arith.constant 0 : i32
    %add3A_1176 = arith.addi %add3A_1175, %mul3A_2 : i32
    %add3A_1177 = arith.constant 64 : i32
    %add3A_1178 = arith.addi %add3A_1176, %add3A_1177 : i32
    %dma_start3A_1179 = arith.constant 0 : i32
    %dma_start3A_1180 = arith.constant 0 : i32
    %dma_start3A_1181 = arith.constant 0 : i32
    %dma_start3A_1182 = tpu.memref_slice %arg7[%dma_start3A_1179, %dma_start3A_1180, %dma_start3A_1181] : memref<2x64x768xf32, #tpu.memory_space<vmem>> -> memref<1x16x768xf32, #tpu.memory_space<vmem>>
    %dma_start3A_1183 = tpu.memref_squeeze %dma_start3A_1182 : memref<1x16x768xf32, #tpu.memory_space<vmem>> -> memref<16x768xf32, #tpu.memory_space<vmem>>
    %dma_start3A_1184 = arith.constant 0 : i32
    %dma_start3A_1185 = tpu.memref_slice %arg5[%add3A_1178, %dma_start3A_1184] : memref<16384x768xf32, #tpu.memory_space<hbm>> -> memref<16x768xf32, #tpu.memory_space<hbm>>
    %dma_start3A_1186 = arith.constant 0 : i32
    %dma_start3A_1187 = tpu.memref_slice %arg5[%add3A_1178, %dma_start3A_1186] : memref<16384x768xf32, #tpu.memory_space<hbm>> -> memref<16x768xf32, #tpu.memory_space<hbm>>
    %dma_start3A_1188 = arith.constant 0 : i32
    %dma_start3A_1189 = arith.constant 0 : i32
    %dma_start3A_1190 = tpu.memref_slice %arg7[%dma_start3A_1179, %dma_start3A_1188, %dma_start3A_1189] : memref<2x64x768xf32, #tpu.memory_space<vmem>> -> memref<1x16x768xf32, #tpu.memory_space<vmem>>
    %dma_start3A_1191 = tpu.memref_squeeze %dma_start3A_1190 : memref<1x16x768xf32, #tpu.memory_space<vmem>> -> memref<16x768xf32, #tpu.memory_space<vmem>>
    tpu.enqueue_dma source(%dma_start3A_1191 : memref<16x768xf32, #tpu.memory_space<vmem>>) target(%dma_start3A_1187 : memref<16x768xf32, #tpu.memory_space<hbm>>) target_semaphore(%arg13 : memref<!tpu.dma_semaphore, #tpu.memory_space<semaphore_mem>>)
    %add3A_1192 = arith.constant 4096 : i32
    %add3A_1193 = arith.addi %add3A_1192, %mul3A_2 : i32
    %add3A_1194 = arith.constant 64 : i32
    %add3A_1195 = arith.addi %add3A_1193, %add3A_1194 : i32
    %dma_start3A_1196 = arith.constant 0 : i32
    %dma_start3A_1197 = arith.constant 16 : i32
    %dma_start3A_1198 = arith.constant 0 : i32
    %dma_start3A_1199 = tpu.memref_slice %arg7[%dma_start3A_1196, %dma_start3A_1197, %dma_start3A_1198] : memref<2x64x768xf32, #tpu.memory_space<vmem>> -> memref<1x16x768xf32, #tpu.memory_space<vmem>>
    %dma_start3A_1200 = tpu.memref_squeeze %dma_start3A_1199 : memref<1x16x768xf32, #tpu.memory_space<vmem>> -> memref<16x768xf32, #tpu.memory_space<vmem>>
    %dma_start3A_1201 = arith.constant 0 : i32
    %dma_start3A_1202 = tpu.memref_slice %arg5[%add3A_1195, %dma_start3A_1201] : memref<16384x768xf32, #tpu.memory_space<hbm>> -> memref<16x768xf32, #tpu.memory_space<hbm>>
    %dma_start3A_1203 = arith.constant 0 : i32
    %dma_start3A_1204 = tpu.memref_slice %arg5[%add3A_1195, %dma_start3A_1203] : memref<16384x768xf32, #tpu.memory_space<hbm>> -> memref<16x768xf32, #tpu.memory_space<hbm>>
    %dma_start3A_1205 = arith.constant 16 : i32
    %dma_start3A_1206 = arith.constant 0 : i32
    %dma_start3A_1207 = tpu.memref_slice %arg7[%dma_start3A_1196, %dma_start3A_1205, %dma_start3A_1206] : memref<2x64x768xf32, #tpu.memory_space<vmem>> -> memref<1x16x768xf32, #tpu.memory_space<vmem>>
    %dma_start3A_1208 = tpu.memref_squeeze %dma_start3A_1207 : memref<1x16x768xf32, #tpu.memory_space<vmem>> -> memref<16x768xf32, #tpu.memory_space<vmem>>
    tpu.enqueue_dma source(%dma_start3A_1208 : memref<16x768xf32, #tpu.memory_space<vmem>>) target(%dma_start3A_1204 : memref<16x768xf32, #tpu.memory_space<hbm>>) target_semaphore(%arg13 : memref<!tpu.dma_semaphore, #tpu.memory_space<semaphore_mem>>)
    %add3A_1209 = arith.constant 8192 : i32
    %add3A_1210 = arith.addi %add3A_1209, %mul3A_2 : i32
    %add3A_1211 = arith.constant 64 : i32
    %add3A_1212 = arith.addi %add3A_1210, %add3A_1211 : i32
    %dma_start3A_1213 = arith.constant 0 : i32
    %dma_start3A_1214 = arith.constant 32 : i32
    %dma_start3A_1215 = arith.constant 0 : i32
    %dma_start3A_1216 = tpu.memref_slice %arg7[%dma_start3A_1213, %dma_start3A_1214, %dma_start3A_1215] : memref<2x64x768xf32, #tpu.memory_space<vmem>> -> memref<1x16x768xf32, #tpu.memory_space<vmem>>
    %dma_start3A_1217 = tpu.memref_squeeze %dma_start3A_1216 : memref<1x16x768xf32, #tpu.memory_space<vmem>> -> memref<16x768xf32, #tpu.memory_space<vmem>>
    %dma_start3A_1218 = arith.constant 0 : i32
    %dma_start3A_1219 = tpu.memref_slice %arg5[%add3A_1212, %dma_start3A_1218] : memref<16384x768xf32, #tpu.memory_space<hbm>> -> memref<16x768xf32, #tpu.memory_space<hbm>>
    %dma_start3A_1220 = arith.constant 0 : i32
    %dma_start3A_1221 = tpu.memref_slice %arg5[%add3A_1212, %dma_start3A_1220] : memref<16384x768xf32, #tpu.memory_space<hbm>> -> memref<16x768xf32, #tpu.memory_space<hbm>>
    %dma_start3A_1222 = arith.constant 32 : i32
    %dma_start3A_1223 = arith.constant 0 : i32
    %dma_start3A_1224 = tpu.memref_slice %arg7[%dma_start3A_1213, %dma_start3A_1222, %dma_start3A_1223] : memref<2x64x768xf32, #tpu.memory_space<vmem>> -> memref<1x16x768xf32, #tpu.memory_space<vmem>>
    %dma_start3A_1225 = tpu.memref_squeeze %dma_start3A_1224 : memref<1x16x768xf32, #tpu.memory_space<vmem>> -> memref<16x768xf32, #tpu.memory_space<vmem>>
    tpu.enqueue_dma source(%dma_start3A_1225 : memref<16x768xf32, #tpu.memory_space<vmem>>) target(%dma_start3A_1221 : memref<16x768xf32, #tpu.memory_space<hbm>>) target_semaphore(%arg13 : memref<!tpu.dma_semaphore, #tpu.memory_space<semaphore_mem>>)
    %add3A_1226 = arith.constant 12288 : i32
    %add3A_1227 = arith.addi %add3A_1226, %mul3A_2 : i32
    %add3A_1228 = arith.constant 64 : i32
    %add3A_1229 = arith.addi %add3A_1227, %add3A_1228 : i32
    %dma_start3A_1230 = arith.constant 0 : i32
    %dma_start3A_1231 = arith.constant 48 : i32
    %dma_start3A_1232 = arith.constant 0 : i32
    %dma_start3A_1233 = tpu.memref_slice %arg7[%dma_start3A_1230, %dma_start3A_1231, %dma_start3A_1232] : memref<2x64x768xf32, #tpu.memory_space<vmem>> -> memref<1x16x768xf32, #tpu.memory_space<vmem>>
    %dma_start3A_1234 = tpu.memref_squeeze %dma_start3A_1233 : memref<1x16x768xf32, #tpu.memory_space<vmem>> -> memref<16x768xf32, #tpu.memory_space<vmem>>
    %dma_start3A_1235 = arith.constant 0 : i32
    %dma_start3A_1236 = tpu.memref_slice %arg5[%add3A_1229, %dma_start3A_1235] : memref<16384x768xf32, #tpu.memory_space<hbm>> -> memref<16x768xf32, #tpu.memory_space<hbm>>
    %dma_start3A_1237 = arith.constant 0 : i32
    %dma_start3A_1238 = tpu.memref_slice %arg5[%add3A_1229, %dma_start3A_1237] : memref<16384x768xf32, #tpu.memory_space<hbm>> -> memref<16x768xf32, #tpu.memory_space<hbm>>
    %dma_start3A_1239 = arith.constant 48 : i32
    %dma_start3A_1240 = arith.constant 0 : i32
    %dma_start3A_1241 = tpu.memref_slice %arg7[%dma_start3A_1230, %dma_start3A_1239, %dma_start3A_1240] : memref<2x64x768xf32, #tpu.memory_space<vmem>> -> memref<1x16x768xf32, #tpu.memory_space<vmem>>
    %dma_start3A_1242 = tpu.memref_squeeze %dma_start3A_1241 : memref<1x16x768xf32, #tpu.memory_space<vmem>> -> memref<16x768xf32, #tpu.memory_space<vmem>>
    tpu.enqueue_dma source(%dma_start3A_1242 : memref<16x768xf32, #tpu.memory_space<vmem>>) target(%dma_start3A_1238 : memref<16x768xf32, #tpu.memory_space<hbm>>) target_semaphore(%arg13 : memref<!tpu.dma_semaphore, #tpu.memory_space<semaphore_mem>>)
    %dma_wait3A_1243 = arith.constant 0 : i32
    %dma_wait3A_1244 = arith.constant 0 : i32
    %dma_wait3A_1245 = arith.constant 0 : i32
    %dma_wait3A_1246 = tpu.memref_slice %arg7[%dma_wait3A_1243, %dma_wait3A_1244, %dma_wait3A_1245] : memref<2x64x768xf32, #tpu.memory_space<vmem>> -> memref<1x16x768xf32, #tpu.memory_space<vmem>>
    %dma_wait3A_1247 = tpu.memref_squeeze %dma_wait3A_1246 : memref<1x16x768xf32, #tpu.memory_space<vmem>> -> memref<16x768xf32, #tpu.memory_space<vmem>>
    %dma_wait3A_1248 = arith.constant 0 : i32
    %dma_wait3A_1249 = tpu.memref_slice %arg5[%add3A_1178, %dma_wait3A_1248] : memref<16384x768xf32, #tpu.memory_space<hbm>> -> memref<16x768xf32, #tpu.memory_space<hbm>>
    %dma_wait3A_1250 = arith.constant 0 : i32
    %dma_wait3A_1251 = tpu.memref_slice %arg5[%add3A_1178, %dma_wait3A_1250] : memref<16384x768xf32, #tpu.memory_space<hbm>> -> memref<16x768xf32, #tpu.memory_space<hbm>>
    %dma_wait3A_1252 = arith.constant 0 : i32
    %dma_wait3A_1253 = arith.constant 0 : i32
    %dma_wait3A_1254 = tpu.memref_slice %arg7[%dma_wait3A_1243, %dma_wait3A_1252, %dma_wait3A_1253] : memref<2x64x768xf32, #tpu.memory_space<vmem>> -> memref<1x16x768xf32, #tpu.memory_space<vmem>>
    %dma_wait3A_1255 = tpu.memref_squeeze %dma_wait3A_1254 : memref<1x16x768xf32, #tpu.memory_space<vmem>> -> memref<16x768xf32, #tpu.memory_space<vmem>>
    tpu.wait_dma2 semaphore(%arg13 : memref<!tpu.dma_semaphore, #tpu.memory_space<semaphore_mem>>) src(%dma_wait3A_1255 : memref<16x768xf32, #tpu.memory_space<vmem>>) dst(%dma_wait3A_1251 : memref<16x768xf32, #tpu.memory_space<hbm>>)
    %dma_wait3A_1256 = arith.constant 0 : i32
    %dma_wait3A_1257 = arith.constant 16 : i32
    %dma_wait3A_1258 = arith.constant 0 : i32
    %dma_wait3A_1259 = tpu.memref_slice %arg7[%dma_wait3A_1256, %dma_wait3A_1257, %dma_wait3A_1258] : memref<2x64x768xf32, #tpu.memory_space<vmem>> -> memref<1x16x768xf32, #tpu.memory_space<vmem>>
    %dma_wait3A_1260 = tpu.memref_squeeze %dma_wait3A_1259 : memref<1x16x768xf32, #tpu.memory_space<vmem>> -> memref<16x768xf32, #tpu.memory_space<vmem>>
    %dma_wait3A_1261 = arith.constant 0 : i32
    %dma_wait3A_1262 = tpu.memref_slice %arg5[%add3A_1195, %dma_wait3A_1261] : memref<16384x768xf32, #tpu.memory_space<hbm>> -> memref<16x768xf32, #tpu.memory_space<hbm>>
    %dma_wait3A_1263 = arith.constant 0 : i32
    %dma_wait3A_1264 = tpu.memref_slice %arg5[%add3A_1195, %dma_wait3A_1263] : memref<16384x768xf32, #tpu.memory_space<hbm>> -> memref<16x768xf32, #tpu.memory_space<hbm>>
    %dma_wait3A_1265 = arith.constant 16 : i32
    %dma_wait3A_1266 = arith.constant 0 : i32
    %dma_wait3A_1267 = tpu.memref_slice %arg7[%dma_wait3A_1256, %dma_wait3A_1265, %dma_wait3A_1266] : memref<2x64x768xf32, #tpu.memory_space<vmem>> -> memref<1x16x768xf32, #tpu.memory_space<vmem>>
    %dma_wait3A_1268 = tpu.memref_squeeze %dma_wait3A_1267 : memref<1x16x768xf32, #tpu.memory_space<vmem>> -> memref<16x768xf32, #tpu.memory_space<vmem>>
    tpu.wait_dma2 semaphore(%arg13 : memref<!tpu.dma_semaphore, #tpu.memory_space<semaphore_mem>>) src(%dma_wait3A_1268 : memref<16x768xf32, #tpu.memory_space<vmem>>) dst(%dma_wait3A_1264 : memref<16x768xf32, #tpu.memory_space<hbm>>)
    %dma_wait3A_1269 = arith.constant 0 : i32
    %dma_wait3A_1270 = arith.constant 32 : i32
    %dma_wait3A_1271 = arith.constant 0 : i32
    %dma_wait3A_1272 = tpu.memref_slice %arg7[%dma_wait3A_1269, %dma_wait3A_1270, %dma_wait3A_1271] : memref<2x64x768xf32, #tpu.memory_space<vmem>> -> memref<1x16x768xf32, #tpu.memory_space<vmem>>
    %dma_wait3A_1273 = tpu.memref_squeeze %dma_wait3A_1272 : memref<1x16x768xf32, #tpu.memory_space<vmem>> -> memref<16x768xf32, #tpu.memory_space<vmem>>
    %dma_wait3A_1274 = arith.constant 0 : i32
    %dma_wait3A_1275 = tpu.memref_slice %arg5[%add3A_1212, %dma_wait3A_1274] : memref<16384x768xf32, #tpu.memory_space<hbm>> -> memref<16x768xf32, #tpu.memory_space<hbm>>
    %dma_wait3A_1276 = arith.constant 0 : i32
    %dma_wait3A_1277 = tpu.memref_slice %arg5[%add3A_1212, %dma_wait3A_1276] : memref<16384x768xf32, #tpu.memory_space<hbm>> -> memref<16x768xf32, #tpu.memory_space<hbm>>
    %dma_wait3A_1278 = arith.constant 32 : i32
    %dma_wait3A_1279 = arith.constant 0 : i32
    %dma_wait3A_1280 = tpu.memref_slice %arg7[%dma_wait3A_1269, %dma_wait3A_1278, %dma_wait3A_1279] : memref<2x64x768xf32, #tpu.memory_space<vmem>> -> memref<1x16x768xf32, #tpu.memory_space<vmem>>
    %dma_wait3A_1281 = tpu.memref_squeeze %dma_wait3A_1280 : memref<1x16x768xf32, #tpu.memory_space<vmem>> -> memref<16x768xf32, #tpu.memory_space<vmem>>
    tpu.wait_dma2 semaphore(%arg13 : memref<!tpu.dma_semaphore, #tpu.memory_space<semaphore_mem>>) src(%dma_wait3A_1281 : memref<16x768xf32, #tpu.memory_space<vmem>>) dst(%dma_wait3A_1277 : memref<16x768xf32, #tpu.memory_space<hbm>>)
    %dma_wait3A_1282 = arith.constant 0 : i32
    %dma_wait3A_1283 = arith.constant 48 : i32
    %dma_wait3A_1284 = arith.constant 0 : i32
    %dma_wait3A_1285 = tpu.memref_slice %arg7[%dma_wait3A_1282, %dma_wait3A_1283, %dma_wait3A_1284] : memref<2x64x768xf32, #tpu.memory_space<vmem>> -> memref<1x16x768xf32, #tpu.memory_space<vmem>>
    %dma_wait3A_1286 = tpu.memref_squeeze %dma_wait3A_1285 : memref<1x16x768xf32, #tpu.memory_space<vmem>> -> memref<16x768xf32, #tpu.memory_space<vmem>>
    %dma_wait3A_1287 = arith.constant 0 : i32
    %dma_wait3A_1288 = tpu.memref_slice %arg5[%add3A_1229, %dma_wait3A_1287] : memref<16384x768xf32, #tpu.memory_space<hbm>> -> memref<16x768xf32, #tpu.memory_space<hbm>>
    %dma_wait3A_1289 = arith.constant 0 : i32
    %dma_wait3A_1290 = tpu.memref_slice %arg5[%add3A_1229, %dma_wait3A_1289] : memref<16384x768xf32, #tpu.memory_space<hbm>> -> memref<16x768xf32, #tpu.memory_space<hbm>>
    %dma_wait3A_1291 = arith.constant 48 : i32
    %dma_wait3A_1292 = arith.constant 0 : i32
    %dma_wait3A_1293 = tpu.memref_slice %arg7[%dma_wait3A_1282, %dma_wait3A_1291, %dma_wait3A_1292] : memref<2x64x768xf32, #tpu.memory_space<vmem>> -> memref<1x16x768xf32, #tpu.memory_space<vmem>>
    %dma_wait3A_1294 = tpu.memref_squeeze %dma_wait3A_1293 : memref<1x16x768xf32, #tpu.memory_space<vmem>> -> memref<16x768xf32, #tpu.memory_space<vmem>>
    tpu.wait_dma2 semaphore(%arg13 : memref<!tpu.dma_semaphore, #tpu.memory_space<semaphore_mem>>) src(%dma_wait3A_1294 : memref<16x768xf32, #tpu.memory_space<vmem>>) dst(%dma_wait3A_1290 : memref<16x768xf32, #tpu.memory_space<hbm>>)
    %dma_start3A_1295 = arith.constant 0 : i32
    %dma_start3A_1296 = arith.constant 0 : i32
    %dma_start3A_1297 = arith.constant 0 : i32
    %dma_start3A_1298 = arith.constant 0 : i32
    %dma_start3A_1299 = tpu.memref_slice %arg7[%dma_start3A_1296, %dma_start3A_1297, %dma_start3A_1298] : memref<2x64x768xf32, #tpu.memory_space<vmem>> -> memref<1x16x768xf32, #tpu.memory_space<vmem>>
    %dma_start3A_1300 = tpu.memref_squeeze %dma_start3A_1299 : memref<1x16x768xf32, #tpu.memory_space<vmem>> -> memref<16x768xf32, #tpu.memory_space<vmem>>
    %dma_start3A_1301 = arith.constant 96 : i32
    %dma_start3A_1302 = tpu.memref_slice %arg6[%dma_start3A_1295, %dma_start3A_1301] : memref<4x128xi32, #tpu.memory_space<vmem>> -> memref<1x16xi32, #tpu.memory_space<vmem>>
    %dma_start3A_1303 = tpu.memref_squeeze %dma_start3A_1302 : memref<1x16xi32, #tpu.memory_space<vmem>> -> memref<16xi32, #tpu.memory_space<vmem>>
    %dma_start3A_1304 = arith.constant 0 : i32
    %dma_start3A_1305 = arith.constant 0 : i32
    %dma_start3A_1306 = tpu.memref_slice %arg3[%dma_start3A_1304, %dma_start3A_1305] : memref<100000x768xf32, #tpu.memory_space<hbm>> -> memref<100000x768xf32, #tpu.memory_space<hbm>>
    tpu.enqueue_indirect_dma source(%dma_start3A_1306 : memref<100000x768xf32, #tpu.memory_space<hbm>>) target(%dma_start3A_1300 : memref<16x768xf32, #tpu.memory_space<vmem>>) offsets(%dma_start3A_1303 : memref<16xi32, #tpu.memory_space<vmem>>) semaphore(%arg9 : memref<!tpu.dma_semaphore, #tpu.memory_space<semaphore_mem>>)
    %dma_start3A_1307 = arith.constant 1 : i32
    %dma_start3A_1308 = arith.constant 0 : i32
    %dma_start3A_1309 = arith.constant 16 : i32
    %dma_start3A_1310 = arith.constant 0 : i32
    %dma_start3A_1311 = tpu.memref_slice %arg7[%dma_start3A_1308, %dma_start3A_1309, %dma_start3A_1310] : memref<2x64x768xf32, #tpu.memory_space<vmem>> -> memref<1x16x768xf32, #tpu.memory_space<vmem>>
    %dma_start3A_1312 = tpu.memref_squeeze %dma_start3A_1311 : memref<1x16x768xf32, #tpu.memory_space<vmem>> -> memref<16x768xf32, #tpu.memory_space<vmem>>
    %dma_start3A_1313 = arith.constant 96 : i32
    %dma_start3A_1314 = tpu.memref_slice %arg6[%dma_start3A_1307, %dma_start3A_1313] : memref<4x128xi32, #tpu.memory_space<vmem>> -> memref<1x16xi32, #tpu.memory_space<vmem>>
    %dma_start3A_1315 = tpu.memref_squeeze %dma_start3A_1314 : memref<1x16xi32, #tpu.memory_space<vmem>> -> memref<16xi32, #tpu.memory_space<vmem>>
    %dma_start3A_1316 = arith.constant 0 : i32
    %dma_start3A_1317 = arith.constant 0 : i32
    %dma_start3A_1318 = tpu.memref_slice %arg3[%dma_start3A_1316, %dma_start3A_1317] : memref<100000x768xf32, #tpu.memory_space<hbm>> -> memref<100000x768xf32, #tpu.memory_space<hbm>>
    tpu.enqueue_indirect_dma source(%dma_start3A_1318 : memref<100000x768xf32, #tpu.memory_space<hbm>>) target(%dma_start3A_1312 : memref<16x768xf32, #tpu.memory_space<vmem>>) offsets(%dma_start3A_1315 : memref<16xi32, #tpu.memory_space<vmem>>) semaphore(%arg9 : memref<!tpu.dma_semaphore, #tpu.memory_space<semaphore_mem>>)
    %dma_start3A_1319 = arith.constant 2 : i32
    %dma_start3A_1320 = arith.constant 0 : i32
    %dma_start3A_1321 = arith.constant 32 : i32
    %dma_start3A_1322 = arith.constant 0 : i32
    %dma_start3A_1323 = tpu.memref_slice %arg7[%dma_start3A_1320, %dma_start3A_1321, %dma_start3A_1322] : memref<2x64x768xf32, #tpu.memory_space<vmem>> -> memref<1x16x768xf32, #tpu.memory_space<vmem>>
    %dma_start3A_1324 = tpu.memref_squeeze %dma_start3A_1323 : memref<1x16x768xf32, #tpu.memory_space<vmem>> -> memref<16x768xf32, #tpu.memory_space<vmem>>
    %dma_start3A_1325 = arith.constant 96 : i32
    %dma_start3A_1326 = tpu.memref_slice %arg6[%dma_start3A_1319, %dma_start3A_1325] : memref<4x128xi32, #tpu.memory_space<vmem>> -> memref<1x16xi32, #tpu.memory_space<vmem>>
    %dma_start3A_1327 = tpu.memref_squeeze %dma_start3A_1326 : memref<1x16xi32, #tpu.memory_space<vmem>> -> memref<16xi32, #tpu.memory_space<vmem>>
    %dma_start3A_1328 = arith.constant 0 : i32
    %dma_start3A_1329 = arith.constant 0 : i32
    %dma_start3A_1330 = tpu.memref_slice %arg3[%dma_start3A_1328, %dma_start3A_1329] : memref<100000x768xf32, #tpu.memory_space<hbm>> -> memref<100000x768xf32, #tpu.memory_space<hbm>>
    tpu.enqueue_indirect_dma source(%dma_start3A_1330 : memref<100000x768xf32, #tpu.memory_space<hbm>>) target(%dma_start3A_1324 : memref<16x768xf32, #tpu.memory_space<vmem>>) offsets(%dma_start3A_1327 : memref<16xi32, #tpu.memory_space<vmem>>) semaphore(%arg9 : memref<!tpu.dma_semaphore, #tpu.memory_space<semaphore_mem>>)
    %dma_start3A_1331 = arith.constant 3 : i32
    %dma_start3A_1332 = arith.constant 0 : i32
    %dma_start3A_1333 = arith.constant 48 : i32
    %dma_start3A_1334 = arith.constant 0 : i32
    %dma_start3A_1335 = tpu.memref_slice %arg7[%dma_start3A_1332, %dma_start3A_1333, %dma_start3A_1334] : memref<2x64x768xf32, #tpu.memory_space<vmem>> -> memref<1x16x768xf32, #tpu.memory_space<vmem>>
    %dma_start3A_1336 = tpu.memref_squeeze %dma_start3A_1335 : memref<1x16x768xf32, #tpu.memory_space<vmem>> -> memref<16x768xf32, #tpu.memory_space<vmem>>
    %dma_start3A_1337 = arith.constant 96 : i32
    %dma_start3A_1338 = tpu.memref_slice %arg6[%dma_start3A_1331, %dma_start3A_1337] : memref<4x128xi32, #tpu.memory_space<vmem>> -> memref<1x16xi32, #tpu.memory_space<vmem>>
    %dma_start3A_1339 = tpu.memref_squeeze %dma_start3A_1338 : memref<1x16xi32, #tpu.memory_space<vmem>> -> memref<16xi32, #tpu.memory_space<vmem>>
    %dma_start3A_1340 = arith.constant 0 : i32
    %dma_start3A_1341 = arith.constant 0 : i32
    %dma_start3A_1342 = tpu.memref_slice %arg3[%dma_start3A_1340, %dma_start3A_1341] : memref<100000x768xf32, #tpu.memory_space<hbm>> -> memref<100000x768xf32, #tpu.memory_space<hbm>>
    tpu.enqueue_indirect_dma source(%dma_start3A_1342 : memref<100000x768xf32, #tpu.memory_space<hbm>>) target(%dma_start3A_1336 : memref<16x768xf32, #tpu.memory_space<vmem>>) offsets(%dma_start3A_1339 : memref<16xi32, #tpu.memory_space<vmem>>) semaphore(%arg9 : memref<!tpu.dma_semaphore, #tpu.memory_space<semaphore_mem>>)
    %add3A_1343 = arith.constant 96 : i32
    %add3A_1344 = arith.addi %mul3A_2, %add3A_1343 : i32
    %dma_start3A_1345 = arith.constant 0 : i32
    %dma_start3A_1346 = arith.constant 0 : i32
    %dma_start3A_1347 = arith.constant 0 : i32
    %dma_start3A_1348 = tpu.memref_slice %arg8[%dma_start3A_1345, %dma_start3A_1346, %dma_start3A_1347] : memref<2x16x768xf32, #tpu.memory_space<vmem>> -> memref<1x16x768xf32, #tpu.memory_space<vmem>>
    %dma_start3A_1349 = tpu.memref_squeeze %dma_start3A_1348 : memref<1x16x768xf32, #tpu.memory_space<vmem>> -> memref<16x768xf32, #tpu.memory_space<vmem>>
    %dma_start3A_1350 = arith.constant 0 : i32
    %dma_start3A_1351 = tpu.memref_slice %arg4[%add3A_1344, %dma_start3A_1350] : memref<4096x768xf32, #tpu.memory_space<hbm>> -> memref<16x768xf32, #tpu.memory_space<hbm>>
    %dma_start3A_1352 = arith.constant 0 : i32
    %dma_start3A_1353 = arith.constant 0 : i32
    %dma_start3A_1354 = tpu.memref_slice %arg8[%dma_start3A_1345, %dma_start3A_1352, %dma_start3A_1353] : memref<2x16x768xf32, #tpu.memory_space<vmem>> -> memref<1x16x768xf32, #tpu.memory_space<vmem>>
    %dma_start3A_1355 = tpu.memref_squeeze %dma_start3A_1354 : memref<1x16x768xf32, #tpu.memory_space<vmem>> -> memref<16x768xf32, #tpu.memory_space<vmem>>
    %dma_start3A_1356 = arith.constant 0 : i32
    %dma_start3A_1357 = tpu.memref_slice %arg4[%add3A_1344, %dma_start3A_1356] : memref<4096x768xf32, #tpu.memory_space<hbm>> -> memref<16x768xf32, #tpu.memory_space<hbm>>
    tpu.enqueue_dma source(%dma_start3A_1357 : memref<16x768xf32, #tpu.memory_space<hbm>>) target(%dma_start3A_1355 : memref<16x768xf32, #tpu.memory_space<vmem>>) target_semaphore(%arg11 : memref<!tpu.dma_semaphore, #tpu.memory_space<semaphore_mem>>)
    %dma_wait3A_1358 = arith.constant 0 : i32
    %dma_wait3A_1359 = arith.constant 1 : i32
    %dma_wait3A_1360 = arith.constant 0 : i32
    %dma_wait3A_1361 = arith.constant 0 : i32
    %dma_wait3A_1362 = tpu.memref_slice %arg7[%dma_wait3A_1359, %dma_wait3A_1360, %dma_wait3A_1361] : memref<2x64x768xf32, #tpu.memory_space<vmem>> -> memref<1x16x768xf32, #tpu.memory_space<vmem>>
    %dma_wait3A_1363 = tpu.memref_squeeze %dma_wait3A_1362 : memref<1x16x768xf32, #tpu.memory_space<vmem>> -> memref<16x768xf32, #tpu.memory_space<vmem>>
    %dma_wait3A_1364 = arith.constant 80 : i32
    %dma_wait3A_1365 = tpu.memref_slice %arg6[%dma_wait3A_1358, %dma_wait3A_1364] : memref<4x128xi32, #tpu.memory_space<vmem>> -> memref<1x16xi32, #tpu.memory_space<vmem>>
    %dma_wait3A_1366 = tpu.memref_squeeze %dma_wait3A_1365 : memref<1x16xi32, #tpu.memory_space<vmem>> -> memref<16xi32, #tpu.memory_space<vmem>>
    %dma_wait3A_1367 = arith.constant 0 : i32
    %dma_wait3A_1368 = arith.constant 0 : i32
    %dma_wait3A_1369 = tpu.memref_slice %arg3[%dma_wait3A_1367, %dma_wait3A_1368] : memref<100000x768xf32, #tpu.memory_space<hbm>> -> memref<100000x768xf32, #tpu.memory_space<hbm>>
    tpu.wait_indirect_dma semaphore(%arg10 : memref<!tpu.dma_semaphore, #tpu.memory_space<semaphore_mem>>) src(%dma_wait3A_1369 : memref<100000x768xf32, #tpu.memory_space<hbm>>) dst(%dma_wait3A_1363 : memref<16x768xf32, #tpu.memory_space<vmem>>)
    %dma_wait3A_1370 = arith.constant 1 : i32
    %dma_wait3A_1371 = arith.constant 1 : i32
    %dma_wait3A_1372 = arith.constant 16 : i32
    %dma_wait3A_1373 = arith.constant 0 : i32
    %dma_wait3A_1374 = tpu.memref_slice %arg7[%dma_wait3A_1371, %dma_wait3A_1372, %dma_wait3A_1373] : memref<2x64x768xf32, #tpu.memory_space<vmem>> -> memref<1x16x768xf32, #tpu.memory_space<vmem>>
    %dma_wait3A_1375 = tpu.memref_squeeze %dma_wait3A_1374 : memref<1x16x768xf32, #tpu.memory_space<vmem>> -> memref<16x768xf32, #tpu.memory_space<vmem>>
    %dma_wait3A_1376 = arith.constant 80 : i32
    %dma_wait3A_1377 = tpu.memref_slice %arg6[%dma_wait3A_1370, %dma_wait3A_1376] : memref<4x128xi32, #tpu.memory_space<vmem>> -> memref<1x16xi32, #tpu.memory_space<vmem>>
    %dma_wait3A_1378 = tpu.memref_squeeze %dma_wait3A_1377 : memref<1x16xi32, #tpu.memory_space<vmem>> -> memref<16xi32, #tpu.memory_space<vmem>>
    %dma_wait3A_1379 = arith.constant 0 : i32
    %dma_wait3A_1380 = arith.constant 0 : i32
    %dma_wait3A_1381 = tpu.memref_slice %arg3[%dma_wait3A_1379, %dma_wait3A_1380] : memref<100000x768xf32, #tpu.memory_space<hbm>> -> memref<100000x768xf32, #tpu.memory_space<hbm>>
    tpu.wait_indirect_dma semaphore(%arg10 : memref<!tpu.dma_semaphore, #tpu.memory_space<semaphore_mem>>) src(%dma_wait3A_1381 : memref<100000x768xf32, #tpu.memory_space<hbm>>) dst(%dma_wait3A_1375 : memref<16x768xf32, #tpu.memory_space<vmem>>)
    %dma_wait3A_1382 = arith.constant 2 : i32
    %dma_wait3A_1383 = arith.constant 1 : i32
    %dma_wait3A_1384 = arith.constant 32 : i32
    %dma_wait3A_1385 = arith.constant 0 : i32
    %dma_wait3A_1386 = tpu.memref_slice %arg7[%dma_wait3A_1383, %dma_wait3A_1384, %dma_wait3A_1385] : memref<2x64x768xf32, #tpu.memory_space<vmem>> -> memref<1x16x768xf32, #tpu.memory_space<vmem>>
    %dma_wait3A_1387 = tpu.memref_squeeze %dma_wait3A_1386 : memref<1x16x768xf32, #tpu.memory_space<vmem>> -> memref<16x768xf32, #tpu.memory_space<vmem>>
    %dma_wait3A_1388 = arith.constant 80 : i32
    %dma_wait3A_1389 = tpu.memref_slice %arg6[%dma_wait3A_1382, %dma_wait3A_1388] : memref<4x128xi32, #tpu.memory_space<vmem>> -> memref<1x16xi32, #tpu.memory_space<vmem>>
    %dma_wait3A_1390 = tpu.memref_squeeze %dma_wait3A_1389 : memref<1x16xi32, #tpu.memory_space<vmem>> -> memref<16xi32, #tpu.memory_space<vmem>>
    %dma_wait3A_1391 = arith.constant 0 : i32
    %dma_wait3A_1392 = arith.constant 0 : i32
    %dma_wait3A_1393 = tpu.memref_slice %arg3[%dma_wait3A_1391, %dma_wait3A_1392] : memref<100000x768xf32, #tpu.memory_space<hbm>> -> memref<100000x768xf32, #tpu.memory_space<hbm>>
    tpu.wait_indirect_dma semaphore(%arg10 : memref<!tpu.dma_semaphore, #tpu.memory_space<semaphore_mem>>) src(%dma_wait3A_1393 : memref<100000x768xf32, #tpu.memory_space<hbm>>) dst(%dma_wait3A_1387 : memref<16x768xf32, #tpu.memory_space<vmem>>)
    %dma_wait3A_1394 = arith.constant 3 : i32
    %dma_wait3A_1395 = arith.constant 1 : i32
    %dma_wait3A_1396 = arith.constant 48 : i32
    %dma_wait3A_1397 = arith.constant 0 : i32
    %dma_wait3A_1398 = tpu.memref_slice %arg7[%dma_wait3A_1395, %dma_wait3A_1396, %dma_wait3A_1397] : memref<2x64x768xf32, #tpu.memory_space<vmem>> -> memref<1x16x768xf32, #tpu.memory_space<vmem>>
    %dma_wait3A_1399 = tpu.memref_squeeze %dma_wait3A_1398 : memref<1x16x768xf32, #tpu.memory_space<vmem>> -> memref<16x768xf32, #tpu.memory_space<vmem>>
    %dma_wait3A_1400 = arith.constant 80 : i32
    %dma_wait3A_1401 = tpu.memref_slice %arg6[%dma_wait3A_1394, %dma_wait3A_1400] : memref<4x128xi32, #tpu.memory_space<vmem>> -> memref<1x16xi32, #tpu.memory_space<vmem>>
    %dma_wait3A_1402 = tpu.memref_squeeze %dma_wait3A_1401 : memref<1x16xi32, #tpu.memory_space<vmem>> -> memref<16xi32, #tpu.memory_space<vmem>>
    %dma_wait3A_1403 = arith.constant 0 : i32
    %dma_wait3A_1404 = arith.constant 0 : i32
    %dma_wait3A_1405 = tpu.memref_slice %arg3[%dma_wait3A_1403, %dma_wait3A_1404] : memref<100000x768xf32, #tpu.memory_space<hbm>> -> memref<100000x768xf32, #tpu.memory_space<hbm>>
    tpu.wait_indirect_dma semaphore(%arg10 : memref<!tpu.dma_semaphore, #tpu.memory_space<semaphore_mem>>) src(%dma_wait3A_1405 : memref<100000x768xf32, #tpu.memory_space<hbm>>) dst(%dma_wait3A_1399 : memref<16x768xf32, #tpu.memory_space<vmem>>)
    %dma_wait3A_1406 = arith.constant 1 : i32
    %dma_wait3A_1407 = arith.constant 0 : i32
    %dma_wait3A_1408 = arith.constant 0 : i32
    %dma_wait3A_1409 = tpu.memref_slice %arg8[%dma_wait3A_1406, %dma_wait3A_1407, %dma_wait3A_1408] : memref<2x16x768xf32, #tpu.memory_space<vmem>> -> memref<1x16x768xf32, #tpu.memory_space<vmem>>
    %dma_wait3A_1410 = tpu.memref_squeeze %dma_wait3A_1409 : memref<1x16x768xf32, #tpu.memory_space<vmem>> -> memref<16x768xf32, #tpu.memory_space<vmem>>
    %dma_wait3A_1411 = arith.constant 0 : i32
    %dma_wait3A_1412 = tpu.memref_slice %arg4[%add3A_1100, %dma_wait3A_1411] : memref<4096x768xf32, #tpu.memory_space<hbm>> -> memref<16x768xf32, #tpu.memory_space<hbm>>
    %dma_wait3A_1413 = arith.constant 0 : i32
    %dma_wait3A_1414 = arith.constant 0 : i32
    %dma_wait3A_1415 = tpu.memref_slice %arg8[%dma_wait3A_1406, %dma_wait3A_1413, %dma_wait3A_1414] : memref<2x16x768xf32, #tpu.memory_space<vmem>> -> memref<1x16x768xf32, #tpu.memory_space<vmem>>
    %dma_wait3A_1416 = tpu.memref_squeeze %dma_wait3A_1415 : memref<1x16x768xf32, #tpu.memory_space<vmem>> -> memref<16x768xf32, #tpu.memory_space<vmem>>
    %dma_wait3A_1417 = arith.constant 0 : i32
    %dma_wait3A_1418 = tpu.memref_slice %arg4[%add3A_1100, %dma_wait3A_1417] : memref<4096x768xf32, #tpu.memory_space<hbm>> -> memref<16x768xf32, #tpu.memory_space<hbm>>
    tpu.wait_dma2 semaphore(%arg12 : memref<!tpu.dma_semaphore, #tpu.memory_space<semaphore_mem>>) src(%dma_wait3A_1418 : memref<16x768xf32, #tpu.memory_space<hbm>>) dst(%dma_wait3A_1416 : memref<16x768xf32, #tpu.memory_space<vmem>>)
    %add3A_1419 = arith.constant 0 : i32
    %add3A_1420 = arith.addi %add3A_1419, %mul3A_2 : i32
    %add3A_1421 = arith.constant 80 : i32
    %add3A_1422 = arith.addi %add3A_1420, %add3A_1421 : i32
    %dma_start3A_1423 = arith.constant 1 : i32
    %dma_start3A_1424 = arith.constant 0 : i32
    %dma_start3A_1425 = arith.constant 0 : i32
    %dma_start3A_1426 = tpu.memref_slice %arg7[%dma_start3A_1423, %dma_start3A_1424, %dma_start3A_1425] : memref<2x64x768xf32, #tpu.memory_space<vmem>> -> memref<1x16x768xf32, #tpu.memory_space<vmem>>
    %dma_start3A_1427 = tpu.memref_squeeze %dma_start3A_1426 : memref<1x16x768xf32, #tpu.memory_space<vmem>> -> memref<16x768xf32, #tpu.memory_space<vmem>>
    %dma_start3A_1428 = arith.constant 0 : i32
    %dma_start3A_1429 = tpu.memref_slice %arg5[%add3A_1422, %dma_start3A_1428] : memref<16384x768xf32, #tpu.memory_space<hbm>> -> memref<16x768xf32, #tpu.memory_space<hbm>>
    %dma_start3A_1430 = arith.constant 0 : i32
    %dma_start3A_1431 = tpu.memref_slice %arg5[%add3A_1422, %dma_start3A_1430] : memref<16384x768xf32, #tpu.memory_space<hbm>> -> memref<16x768xf32, #tpu.memory_space<hbm>>
    %dma_start3A_1432 = arith.constant 0 : i32
    %dma_start3A_1433 = arith.constant 0 : i32
    %dma_start3A_1434 = tpu.memref_slice %arg7[%dma_start3A_1423, %dma_start3A_1432, %dma_start3A_1433] : memref<2x64x768xf32, #tpu.memory_space<vmem>> -> memref<1x16x768xf32, #tpu.memory_space<vmem>>
    %dma_start3A_1435 = tpu.memref_squeeze %dma_start3A_1434 : memref<1x16x768xf32, #tpu.memory_space<vmem>> -> memref<16x768xf32, #tpu.memory_space<vmem>>
    tpu.enqueue_dma source(%dma_start3A_1435 : memref<16x768xf32, #tpu.memory_space<vmem>>) target(%dma_start3A_1431 : memref<16x768xf32, #tpu.memory_space<hbm>>) target_semaphore(%arg14 : memref<!tpu.dma_semaphore, #tpu.memory_space<semaphore_mem>>)
    %add3A_1436 = arith.constant 4096 : i32
    %add3A_1437 = arith.addi %add3A_1436, %mul3A_2 : i32
    %add3A_1438 = arith.constant 80 : i32
    %add3A_1439 = arith.addi %add3A_1437, %add3A_1438 : i32
    %dma_start3A_1440 = arith.constant 1 : i32
    %dma_start3A_1441 = arith.constant 16 : i32
    %dma_start3A_1442 = arith.constant 0 : i32
    %dma_start3A_1443 = tpu.memref_slice %arg7[%dma_start3A_1440, %dma_start3A_1441, %dma_start3A_1442] : memref<2x64x768xf32, #tpu.memory_space<vmem>> -> memref<1x16x768xf32, #tpu.memory_space<vmem>>
    %dma_start3A_1444 = tpu.memref_squeeze %dma_start3A_1443 : memref<1x16x768xf32, #tpu.memory_space<vmem>> -> memref<16x768xf32, #tpu.memory_space<vmem>>
    %dma_start3A_1445 = arith.constant 0 : i32
    %dma_start3A_1446 = tpu.memref_slice %arg5[%add3A_1439, %dma_start3A_1445] : memref<16384x768xf32, #tpu.memory_space<hbm>> -> memref<16x768xf32, #tpu.memory_space<hbm>>
    %dma_start3A_1447 = arith.constant 0 : i32
    %dma_start3A_1448 = tpu.memref_slice %arg5[%add3A_1439, %dma_start3A_1447] : memref<16384x768xf32, #tpu.memory_space<hbm>> -> memref<16x768xf32, #tpu.memory_space<hbm>>
    %dma_start3A_1449 = arith.constant 16 : i32
    %dma_start3A_1450 = arith.constant 0 : i32
    %dma_start3A_1451 = tpu.memref_slice %arg7[%dma_start3A_1440, %dma_start3A_1449, %dma_start3A_1450] : memref<2x64x768xf32, #tpu.memory_space<vmem>> -> memref<1x16x768xf32, #tpu.memory_space<vmem>>
    %dma_start3A_1452 = tpu.memref_squeeze %dma_start3A_1451 : memref<1x16x768xf32, #tpu.memory_space<vmem>> -> memref<16x768xf32, #tpu.memory_space<vmem>>
    tpu.enqueue_dma source(%dma_start3A_1452 : memref<16x768xf32, #tpu.memory_space<vmem>>) target(%dma_start3A_1448 : memref<16x768xf32, #tpu.memory_space<hbm>>) target_semaphore(%arg14 : memref<!tpu.dma_semaphore, #tpu.memory_space<semaphore_mem>>)
    %add3A_1453 = arith.constant 8192 : i32
    %add3A_1454 = arith.addi %add3A_1453, %mul3A_2 : i32
    %add3A_1455 = arith.constant 80 : i32
    %add3A_1456 = arith.addi %add3A_1454, %add3A_1455 : i32
    %dma_start3A_1457 = arith.constant 1 : i32
    %dma_start3A_1458 = arith.constant 32 : i32
    %dma_start3A_1459 = arith.constant 0 : i32
    %dma_start3A_1460 = tpu.memref_slice %arg7[%dma_start3A_1457, %dma_start3A_1458, %dma_start3A_1459] : memref<2x64x768xf32, #tpu.memory_space<vmem>> -> memref<1x16x768xf32, #tpu.memory_space<vmem>>
    %dma_start3A_1461 = tpu.memref_squeeze %dma_start3A_1460 : memref<1x16x768xf32, #tpu.memory_space<vmem>> -> memref<16x768xf32, #tpu.memory_space<vmem>>
    %dma_start3A_1462 = arith.constant 0 : i32
    %dma_start3A_1463 = tpu.memref_slice %arg5[%add3A_1456, %dma_start3A_1462] : memref<16384x768xf32, #tpu.memory_space<hbm>> -> memref<16x768xf32, #tpu.memory_space<hbm>>
    %dma_start3A_1464 = arith.constant 0 : i32
    %dma_start3A_1465 = tpu.memref_slice %arg5[%add3A_1456, %dma_start3A_1464] : memref<16384x768xf32, #tpu.memory_space<hbm>> -> memref<16x768xf32, #tpu.memory_space<hbm>>
    %dma_start3A_1466 = arith.constant 32 : i32
    %dma_start3A_1467 = arith.constant 0 : i32
    %dma_start3A_1468 = tpu.memref_slice %arg7[%dma_start3A_1457, %dma_start3A_1466, %dma_start3A_1467] : memref<2x64x768xf32, #tpu.memory_space<vmem>> -> memref<1x16x768xf32, #tpu.memory_space<vmem>>
    %dma_start3A_1469 = tpu.memref_squeeze %dma_start3A_1468 : memref<1x16x768xf32, #tpu.memory_space<vmem>> -> memref<16x768xf32, #tpu.memory_space<vmem>>
    tpu.enqueue_dma source(%dma_start3A_1469 : memref<16x768xf32, #tpu.memory_space<vmem>>) target(%dma_start3A_1465 : memref<16x768xf32, #tpu.memory_space<hbm>>) target_semaphore(%arg14 : memref<!tpu.dma_semaphore, #tpu.memory_space<semaphore_mem>>)
    %add3A_1470 = arith.constant 12288 : i32
    %add3A_1471 = arith.addi %add3A_1470, %mul3A_2 : i32
    %add3A_1472 = arith.constant 80 : i32
    %add3A_1473 = arith.addi %add3A_1471, %add3A_1472 : i32
    %dma_start3A_1474 = arith.constant 1 : i32
    %dma_start3A_1475 = arith.constant 48 : i32
    %dma_start3A_1476 = arith.constant 0 : i32
    %dma_start3A_1477 = tpu.memref_slice %arg7[%dma_start3A_1474, %dma_start3A_1475, %dma_start3A_1476] : memref<2x64x768xf32, #tpu.memory_space<vmem>> -> memref<1x16x768xf32, #tpu.memory_space<vmem>>
    %dma_start3A_1478 = tpu.memref_squeeze %dma_start3A_1477 : memref<1x16x768xf32, #tpu.memory_space<vmem>> -> memref<16x768xf32, #tpu.memory_space<vmem>>
    %dma_start3A_1479 = arith.constant 0 : i32
    %dma_start3A_1480 = tpu.memref_slice %arg5[%add3A_1473, %dma_start3A_1479] : memref<16384x768xf32, #tpu.memory_space<hbm>> -> memref<16x768xf32, #tpu.memory_space<hbm>>
    %dma_start3A_1481 = arith.constant 0 : i32
    %dma_start3A_1482 = tpu.memref_slice %arg5[%add3A_1473, %dma_start3A_1481] : memref<16384x768xf32, #tpu.memory_space<hbm>> -> memref<16x768xf32, #tpu.memory_space<hbm>>
    %dma_start3A_1483 = arith.constant 48 : i32
    %dma_start3A_1484 = arith.constant 0 : i32
    %dma_start3A_1485 = tpu.memref_slice %arg7[%dma_start3A_1474, %dma_start3A_1483, %dma_start3A_1484] : memref<2x64x768xf32, #tpu.memory_space<vmem>> -> memref<1x16x768xf32, #tpu.memory_space<vmem>>
    %dma_start3A_1486 = tpu.memref_squeeze %dma_start3A_1485 : memref<1x16x768xf32, #tpu.memory_space<vmem>> -> memref<16x768xf32, #tpu.memory_space<vmem>>
    tpu.enqueue_dma source(%dma_start3A_1486 : memref<16x768xf32, #tpu.memory_space<vmem>>) target(%dma_start3A_1482 : memref<16x768xf32, #tpu.memory_space<hbm>>) target_semaphore(%arg14 : memref<!tpu.dma_semaphore, #tpu.memory_space<semaphore_mem>>)
    %dma_wait3A_1487 = arith.constant 1 : i32
    %dma_wait3A_1488 = arith.constant 0 : i32
    %dma_wait3A_1489 = arith.constant 0 : i32
    %dma_wait3A_1490 = tpu.memref_slice %arg7[%dma_wait3A_1487, %dma_wait3A_1488, %dma_wait3A_1489] : memref<2x64x768xf32, #tpu.memory_space<vmem>> -> memref<1x16x768xf32, #tpu.memory_space<vmem>>
    %dma_wait3A_1491 = tpu.memref_squeeze %dma_wait3A_1490 : memref<1x16x768xf32, #tpu.memory_space<vmem>> -> memref<16x768xf32, #tpu.memory_space<vmem>>
    %dma_wait3A_1492 = arith.constant 0 : i32
    %dma_wait3A_1493 = tpu.memref_slice %arg5[%add3A_1422, %dma_wait3A_1492] : memref<16384x768xf32, #tpu.memory_space<hbm>> -> memref<16x768xf32, #tpu.memory_space<hbm>>
    %dma_wait3A_1494 = arith.constant 0 : i32
    %dma_wait3A_1495 = tpu.memref_slice %arg5[%add3A_1422, %dma_wait3A_1494] : memref<16384x768xf32, #tpu.memory_space<hbm>> -> memref<16x768xf32, #tpu.memory_space<hbm>>
    %dma_wait3A_1496 = arith.constant 0 : i32
    %dma_wait3A_1497 = arith.constant 0 : i32
    %dma_wait3A_1498 = tpu.memref_slice %arg7[%dma_wait3A_1487, %dma_wait3A_1496, %dma_wait3A_1497] : memref<2x64x768xf32, #tpu.memory_space<vmem>> -> memref<1x16x768xf32, #tpu.memory_space<vmem>>
    %dma_wait3A_1499 = tpu.memref_squeeze %dma_wait3A_1498 : memref<1x16x768xf32, #tpu.memory_space<vmem>> -> memref<16x768xf32, #tpu.memory_space<vmem>>
    tpu.wait_dma2 semaphore(%arg14 : memref<!tpu.dma_semaphore, #tpu.memory_space<semaphore_mem>>) src(%dma_wait3A_1499 : memref<16x768xf32, #tpu.memory_space<vmem>>) dst(%dma_wait3A_1495 : memref<16x768xf32, #tpu.memory_space<hbm>>)
    %dma_wait3A_1500 = arith.constant 1 : i32
    %dma_wait3A_1501 = arith.constant 16 : i32
    %dma_wait3A_1502 = arith.constant 0 : i32
    %dma_wait3A_1503 = tpu.memref_slice %arg7[%dma_wait3A_1500, %dma_wait3A_1501, %dma_wait3A_1502] : memref<2x64x768xf32, #tpu.memory_space<vmem>> -> memref<1x16x768xf32, #tpu.memory_space<vmem>>
    %dma_wait3A_1504 = tpu.memref_squeeze %dma_wait3A_1503 : memref<1x16x768xf32, #tpu.memory_space<vmem>> -> memref<16x768xf32, #tpu.memory_space<vmem>>
    %dma_wait3A_1505 = arith.constant 0 : i32
    %dma_wait3A_1506 = tpu.memref_slice %arg5[%add3A_1439, %dma_wait3A_1505] : memref<16384x768xf32, #tpu.memory_space<hbm>> -> memref<16x768xf32, #tpu.memory_space<hbm>>
    %dma_wait3A_1507 = arith.constant 0 : i32
    %dma_wait3A_1508 = tpu.memref_slice %arg5[%add3A_1439, %dma_wait3A_1507] : memref<16384x768xf32, #tpu.memory_space<hbm>> -> memref<16x768xf32, #tpu.memory_space<hbm>>
    %dma_wait3A_1509 = arith.constant 16 : i32
    %dma_wait3A_1510 = arith.constant 0 : i32
    %dma_wait3A_1511 = tpu.memref_slice %arg7[%dma_wait3A_1500, %dma_wait3A_1509, %dma_wait3A_1510] : memref<2x64x768xf32, #tpu.memory_space<vmem>> -> memref<1x16x768xf32, #tpu.memory_space<vmem>>
    %dma_wait3A_1512 = tpu.memref_squeeze %dma_wait3A_1511 : memref<1x16x768xf32, #tpu.memory_space<vmem>> -> memref<16x768xf32, #tpu.memory_space<vmem>>
    tpu.wait_dma2 semaphore(%arg14 : memref<!tpu.dma_semaphore, #tpu.memory_space<semaphore_mem>>) src(%dma_wait3A_1512 : memref<16x768xf32, #tpu.memory_space<vmem>>) dst(%dma_wait3A_1508 : memref<16x768xf32, #tpu.memory_space<hbm>>)
    %dma_wait3A_1513 = arith.constant 1 : i32
    %dma_wait3A_1514 = arith.constant 32 : i32
    %dma_wait3A_1515 = arith.constant 0 : i32
    %dma_wait3A_1516 = tpu.memref_slice %arg7[%dma_wait3A_1513, %dma_wait3A_1514, %dma_wait3A_1515] : memref<2x64x768xf32, #tpu.memory_space<vmem>> -> memref<1x16x768xf32, #tpu.memory_space<vmem>>
    %dma_wait3A_1517 = tpu.memref_squeeze %dma_wait3A_1516 : memref<1x16x768xf32, #tpu.memory_space<vmem>> -> memref<16x768xf32, #tpu.memory_space<vmem>>
    %dma_wait3A_1518 = arith.constant 0 : i32
    %dma_wait3A_1519 = tpu.memref_slice %arg5[%add3A_1456, %dma_wait3A_1518] : memref<16384x768xf32, #tpu.memory_space<hbm>> -> memref<16x768xf32, #tpu.memory_space<hbm>>
    %dma_wait3A_1520 = arith.constant 0 : i32
    %dma_wait3A_1521 = tpu.memref_slice %arg5[%add3A_1456, %dma_wait3A_1520] : memref<16384x768xf32, #tpu.memory_space<hbm>> -> memref<16x768xf32, #tpu.memory_space<hbm>>
    %dma_wait3A_1522 = arith.constant 32 : i32
    %dma_wait3A_1523 = arith.constant 0 : i32
    %dma_wait3A_1524 = tpu.memref_slice %arg7[%dma_wait3A_1513, %dma_wait3A_1522, %dma_wait3A_1523] : memref<2x64x768xf32, #tpu.memory_space<vmem>> -> memref<1x16x768xf32, #tpu.memory_space<vmem>>
    %dma_wait3A_1525 = tpu.memref_squeeze %dma_wait3A_1524 : memref<1x16x768xf32, #tpu.memory_space<vmem>> -> memref<16x768xf32, #tpu.memory_space<vmem>>
    tpu.wait_dma2 semaphore(%arg14 : memref<!tpu.dma_semaphore, #tpu.memory_space<semaphore_mem>>) src(%dma_wait3A_1525 : memref<16x768xf32, #tpu.memory_space<vmem>>) dst(%dma_wait3A_1521 : memref<16x768xf32, #tpu.memory_space<hbm>>)
    %dma_wait3A_1526 = arith.constant 1 : i32
    %dma_wait3A_1527 = arith.constant 48 : i32
    %dma_wait3A_1528 = arith.constant 0 : i32
    %dma_wait3A_1529 = tpu.memref_slice %arg7[%dma_wait3A_1526, %dma_wait3A_1527, %dma_wait3A_1528] : memref<2x64x768xf32, #tpu.memory_space<vmem>> -> memref<1x16x768xf32, #tpu.memory_space<vmem>>
    %dma_wait3A_1530 = tpu.memref_squeeze %dma_wait3A_1529 : memref<1x16x768xf32, #tpu.memory_space<vmem>> -> memref<16x768xf32, #tpu.memory_space<vmem>>
    %dma_wait3A_1531 = arith.constant 0 : i32
    %dma_wait3A_1532 = tpu.memref_slice %arg5[%add3A_1473, %dma_wait3A_1531] : memref<16384x768xf32, #tpu.memory_space<hbm>> -> memref<16x768xf32, #tpu.memory_space<hbm>>
    %dma_wait3A_1533 = arith.constant 0 : i32
    %dma_wait3A_1534 = tpu.memref_slice %arg5[%add3A_1473, %dma_wait3A_1533] : memref<16384x768xf32, #tpu.memory_space<hbm>> -> memref<16x768xf32, #tpu.memory_space<hbm>>
    %dma_wait3A_1535 = arith.constant 48 : i32
    %dma_wait3A_1536 = arith.constant 0 : i32
    %dma_wait3A_1537 = tpu.memref_slice %arg7[%dma_wait3A_1526, %dma_wait3A_1535, %dma_wait3A_1536] : memref<2x64x768xf32, #tpu.memory_space<vmem>> -> memref<1x16x768xf32, #tpu.memory_space<vmem>>
    %dma_wait3A_1538 = tpu.memref_squeeze %dma_wait3A_1537 : memref<1x16x768xf32, #tpu.memory_space<vmem>> -> memref<16x768xf32, #tpu.memory_space<vmem>>
    tpu.wait_dma2 semaphore(%arg14 : memref<!tpu.dma_semaphore, #tpu.memory_space<semaphore_mem>>) src(%dma_wait3A_1538 : memref<16x768xf32, #tpu.memory_space<vmem>>) dst(%dma_wait3A_1534 : memref<16x768xf32, #tpu.memory_space<hbm>>)
    %dma_start3A_1539 = arith.constant 0 : i32
    %dma_start3A_1540 = arith.constant 1 : i32
    %dma_start3A_1541 = arith.constant 0 : i32
    %dma_start3A_1542 = arith.constant 0 : i32
    %dma_start3A_1543 = tpu.memref_slice %arg7[%dma_start3A_1540, %dma_start3A_1541, %dma_start3A_1542] : memref<2x64x768xf32, #tpu.memory_space<vmem>> -> memref<1x16x768xf32, #tpu.memory_space<vmem>>
    %dma_start3A_1544 = tpu.memref_squeeze %dma_start3A_1543 : memref<1x16x768xf32, #tpu.memory_space<vmem>> -> memref<16x768xf32, #tpu.memory_space<vmem>>
    %dma_start3A_1545 = arith.constant 112 : i32
    %dma_start3A_1546 = tpu.memref_slice %arg6[%dma_start3A_1539, %dma_start3A_1545] : memref<4x128xi32, #tpu.memory_space<vmem>> -> memref<1x16xi32, #tpu.memory_space<vmem>>
    %dma_start3A_1547 = tpu.memref_squeeze %dma_start3A_1546 : memref<1x16xi32, #tpu.memory_space<vmem>> -> memref<16xi32, #tpu.memory_space<vmem>>
    %dma_start3A_1548 = arith.constant 0 : i32
    %dma_start3A_1549 = arith.constant 0 : i32
    %dma_start3A_1550 = tpu.memref_slice %arg3[%dma_start3A_1548, %dma_start3A_1549] : memref<100000x768xf32, #tpu.memory_space<hbm>> -> memref<100000x768xf32, #tpu.memory_space<hbm>>
    tpu.enqueue_indirect_dma source(%dma_start3A_1550 : memref<100000x768xf32, #tpu.memory_space<hbm>>) target(%dma_start3A_1544 : memref<16x768xf32, #tpu.memory_space<vmem>>) offsets(%dma_start3A_1547 : memref<16xi32, #tpu.memory_space<vmem>>) semaphore(%arg10 : memref<!tpu.dma_semaphore, #tpu.memory_space<semaphore_mem>>)
    %dma_start3A_1551 = arith.constant 1 : i32
    %dma_start3A_1552 = arith.constant 1 : i32
    %dma_start3A_1553 = arith.constant 16 : i32
    %dma_start3A_1554 = arith.constant 0 : i32
    %dma_start3A_1555 = tpu.memref_slice %arg7[%dma_start3A_1552, %dma_start3A_1553, %dma_start3A_1554] : memref<2x64x768xf32, #tpu.memory_space<vmem>> -> memref<1x16x768xf32, #tpu.memory_space<vmem>>
    %dma_start3A_1556 = tpu.memref_squeeze %dma_start3A_1555 : memref<1x16x768xf32, #tpu.memory_space<vmem>> -> memref<16x768xf32, #tpu.memory_space<vmem>>
    %dma_start3A_1557 = arith.constant 112 : i32
    %dma_start3A_1558 = tpu.memref_slice %arg6[%dma_start3A_1551, %dma_start3A_1557] : memref<4x128xi32, #tpu.memory_space<vmem>> -> memref<1x16xi32, #tpu.memory_space<vmem>>
    %dma_start3A_1559 = tpu.memref_squeeze %dma_start3A_1558 : memref<1x16xi32, #tpu.memory_space<vmem>> -> memref<16xi32, #tpu.memory_space<vmem>>
    %dma_start3A_1560 = arith.constant 0 : i32
    %dma_start3A_1561 = arith.constant 0 : i32
    %dma_start3A_1562 = tpu.memref_slice %arg3[%dma_start3A_1560, %dma_start3A_1561] : memref<100000x768xf32, #tpu.memory_space<hbm>> -> memref<100000x768xf32, #tpu.memory_space<hbm>>
    tpu.enqueue_indirect_dma source(%dma_start3A_1562 : memref<100000x768xf32, #tpu.memory_space<hbm>>) target(%dma_start3A_1556 : memref<16x768xf32, #tpu.memory_space<vmem>>) offsets(%dma_start3A_1559 : memref<16xi32, #tpu.memory_space<vmem>>) semaphore(%arg10 : memref<!tpu.dma_semaphore, #tpu.memory_space<semaphore_mem>>)
    %dma_start3A_1563 = arith.constant 2 : i32
    %dma_start3A_1564 = arith.constant 1 : i32
    %dma_start3A_1565 = arith.constant 32 : i32
    %dma_start3A_1566 = arith.constant 0 : i32
    %dma_start3A_1567 = tpu.memref_slice %arg7[%dma_start3A_1564, %dma_start3A_1565, %dma_start3A_1566] : memref<2x64x768xf32, #tpu.memory_space<vmem>> -> memref<1x16x768xf32, #tpu.memory_space<vmem>>
    %dma_start3A_1568 = tpu.memref_squeeze %dma_start3A_1567 : memref<1x16x768xf32, #tpu.memory_space<vmem>> -> memref<16x768xf32, #tpu.memory_space<vmem>>
    %dma_start3A_1569 = arith.constant 112 : i32
    %dma_start3A_1570 = tpu.memref_slice %arg6[%dma_start3A_1563, %dma_start3A_1569] : memref<4x128xi32, #tpu.memory_space<vmem>> -> memref<1x16xi32, #tpu.memory_space<vmem>>
    %dma_start3A_1571 = tpu.memref_squeeze %dma_start3A_1570 : memref<1x16xi32, #tpu.memory_space<vmem>> -> memref<16xi32, #tpu.memory_space<vmem>>
    %dma_start3A_1572 = arith.constant 0 : i32
    %dma_start3A_1573 = arith.constant 0 : i32
    %dma_start3A_1574 = tpu.memref_slice %arg3[%dma_start3A_1572, %dma_start3A_1573] : memref<100000x768xf32, #tpu.memory_space<hbm>> -> memref<100000x768xf32, #tpu.memory_space<hbm>>
    tpu.enqueue_indirect_dma source(%dma_start3A_1574 : memref<100000x768xf32, #tpu.memory_space<hbm>>) target(%dma_start3A_1568 : memref<16x768xf32, #tpu.memory_space<vmem>>) offsets(%dma_start3A_1571 : memref<16xi32, #tpu.memory_space<vmem>>) semaphore(%arg10 : memref<!tpu.dma_semaphore, #tpu.memory_space<semaphore_mem>>)
    %dma_start3A_1575 = arith.constant 3 : i32
    %dma_start3A_1576 = arith.constant 1 : i32
    %dma_start3A_1577 = arith.constant 48 : i32
    %dma_start3A_1578 = arith.constant 0 : i32
    %dma_start3A_1579 = tpu.memref_slice %arg7[%dma_start3A_1576, %dma_start3A_1577, %dma_start3A_1578] : memref<2x64x768xf32, #tpu.memory_space<vmem>> -> memref<1x16x768xf32, #tpu.memory_space<vmem>>
    %dma_start3A_1580 = tpu.memref_squeeze %dma_start3A_1579 : memref<1x16x768xf32, #tpu.memory_space<vmem>> -> memref<16x768xf32, #tpu.memory_space<vmem>>
    %dma_start3A_1581 = arith.constant 112 : i32
    %dma_start3A_1582 = tpu.memref_slice %arg6[%dma_start3A_1575, %dma_start3A_1581] : memref<4x128xi32, #tpu.memory_space<vmem>> -> memref<1x16xi32, #tpu.memory_space<vmem>>
    %dma_start3A_1583 = tpu.memref_squeeze %dma_start3A_1582 : memref<1x16xi32, #tpu.memory_space<vmem>> -> memref<16xi32, #tpu.memory_space<vmem>>
    %dma_start3A_1584 = arith.constant 0 : i32
    %dma_start3A_1585 = arith.constant 0 : i32
    %dma_start3A_1586 = tpu.memref_slice %arg3[%dma_start3A_1584, %dma_start3A_1585] : memref<100000x768xf32, #tpu.memory_space<hbm>> -> memref<100000x768xf32, #tpu.memory_space<hbm>>
    tpu.enqueue_indirect_dma source(%dma_start3A_1586 : memref<100000x768xf32, #tpu.memory_space<hbm>>) target(%dma_start3A_1580 : memref<16x768xf32, #tpu.memory_space<vmem>>) offsets(%dma_start3A_1583 : memref<16xi32, #tpu.memory_space<vmem>>) semaphore(%arg10 : memref<!tpu.dma_semaphore, #tpu.memory_space<semaphore_mem>>)
    %add3A_1587 = arith.constant 112 : i32
    %add3A_1588 = arith.addi %mul3A_2, %add3A_1587 : i32
    %dma_start3A_1589 = arith.constant 1 : i32
    %dma_start3A_1590 = arith.constant 0 : i32
    %dma_start3A_1591 = arith.constant 0 : i32
    %dma_start3A_1592 = tpu.memref_slice %arg8[%dma_start3A_1589, %dma_start3A_1590, %dma_start3A_1591] : memref<2x16x768xf32, #tpu.memory_space<vmem>> -> memref<1x16x768xf32, #tpu.memory_space<vmem>>
    %dma_start3A_1593 = tpu.memref_squeeze %dma_start3A_1592 : memref<1x16x768xf32, #tpu.memory_space<vmem>> -> memref<16x768xf32, #tpu.memory_space<vmem>>
    %dma_start3A_1594 = arith.constant 0 : i32
    %dma_start3A_1595 = tpu.memref_slice %arg4[%add3A_1588, %dma_start3A_1594] : memref<4096x768xf32, #tpu.memory_space<hbm>> -> memref<16x768xf32, #tpu.memory_space<hbm>>
    %dma_start3A_1596 = arith.constant 0 : i32
    %dma_start3A_1597 = arith.constant 0 : i32
    %dma_start3A_1598 = tpu.memref_slice %arg8[%dma_start3A_1589, %dma_start3A_1596, %dma_start3A_1597] : memref<2x16x768xf32, #tpu.memory_space<vmem>> -> memref<1x16x768xf32, #tpu.memory_space<vmem>>
    %dma_start3A_1599 = tpu.memref_squeeze %dma_start3A_1598 : memref<1x16x768xf32, #tpu.memory_space<vmem>> -> memref<16x768xf32, #tpu.memory_space<vmem>>
    %dma_start3A_1600 = arith.constant 0 : i32
    %dma_start3A_1601 = tpu.memref_slice %arg4[%add3A_1588, %dma_start3A_1600] : memref<4096x768xf32, #tpu.memory_space<hbm>> -> memref<16x768xf32, #tpu.memory_space<hbm>>
    tpu.enqueue_dma source(%dma_start3A_1601 : memref<16x768xf32, #tpu.memory_space<hbm>>) target(%dma_start3A_1599 : memref<16x768xf32, #tpu.memory_space<vmem>>) target_semaphore(%arg12 : memref<!tpu.dma_semaphore, #tpu.memory_space<semaphore_mem>>)
    %dma_wait3A_1602 = arith.constant 0 : i32
    %dma_wait3A_1603 = arith.constant 0 : i32
    %dma_wait3A_1604 = arith.constant 0 : i32
    %dma_wait3A_1605 = arith.constant 0 : i32
    %dma_wait3A_1606 = tpu.memref_slice %arg7[%dma_wait3A_1603, %dma_wait3A_1604, %dma_wait3A_1605] : memref<2x64x768xf32, #tpu.memory_space<vmem>> -> memref<1x16x768xf32, #tpu.memory_space<vmem>>
    %dma_wait3A_1607 = tpu.memref_squeeze %dma_wait3A_1606 : memref<1x16x768xf32, #tpu.memory_space<vmem>> -> memref<16x768xf32, #tpu.memory_space<vmem>>
    %dma_wait3A_1608 = arith.constant 96 : i32
    %dma_wait3A_1609 = tpu.memref_slice %arg6[%dma_wait3A_1602, %dma_wait3A_1608] : memref<4x128xi32, #tpu.memory_space<vmem>> -> memref<1x16xi32, #tpu.memory_space<vmem>>
    %dma_wait3A_1610 = tpu.memref_squeeze %dma_wait3A_1609 : memref<1x16xi32, #tpu.memory_space<vmem>> -> memref<16xi32, #tpu.memory_space<vmem>>
    %dma_wait3A_1611 = arith.constant 0 : i32
    %dma_wait3A_1612 = arith.constant 0 : i32
    %dma_wait3A_1613 = tpu.memref_slice %arg3[%dma_wait3A_1611, %dma_wait3A_1612] : memref<100000x768xf32, #tpu.memory_space<hbm>> -> memref<100000x768xf32, #tpu.memory_space<hbm>>
    tpu.wait_indirect_dma semaphore(%arg9 : memref<!tpu.dma_semaphore, #tpu.memory_space<semaphore_mem>>) src(%dma_wait3A_1613 : memref<100000x768xf32, #tpu.memory_space<hbm>>) dst(%dma_wait3A_1607 : memref<16x768xf32, #tpu.memory_space<vmem>>)
    %dma_wait3A_1614 = arith.constant 1 : i32
    %dma_wait3A_1615 = arith.constant 0 : i32
    %dma_wait3A_1616 = arith.constant 16 : i32
    %dma_wait3A_1617 = arith.constant 0 : i32
    %dma_wait3A_1618 = tpu.memref_slice %arg7[%dma_wait3A_1615, %dma_wait3A_1616, %dma_wait3A_1617] : memref<2x64x768xf32, #tpu.memory_space<vmem>> -> memref<1x16x768xf32, #tpu.memory_space<vmem>>
    %dma_wait3A_1619 = tpu.memref_squeeze %dma_wait3A_1618 : memref<1x16x768xf32, #tpu.memory_space<vmem>> -> memref<16x768xf32, #tpu.memory_space<vmem>>
    %dma_wait3A_1620 = arith.constant 96 : i32
    %dma_wait3A_1621 = tpu.memref_slice %arg6[%dma_wait3A_1614, %dma_wait3A_1620] : memref<4x128xi32, #tpu.memory_space<vmem>> -> memref<1x16xi32, #tpu.memory_space<vmem>>
    %dma_wait3A_1622 = tpu.memref_squeeze %dma_wait3A_1621 : memref<1x16xi32, #tpu.memory_space<vmem>> -> memref<16xi32, #tpu.memory_space<vmem>>
    %dma_wait3A_1623 = arith.constant 0 : i32
    %dma_wait3A_1624 = arith.constant 0 : i32
    %dma_wait3A_1625 = tpu.memref_slice %arg3[%dma_wait3A_1623, %dma_wait3A_1624] : memref<100000x768xf32, #tpu.memory_space<hbm>> -> memref<100000x768xf32, #tpu.memory_space<hbm>>
    tpu.wait_indirect_dma semaphore(%arg9 : memref<!tpu.dma_semaphore, #tpu.memory_space<semaphore_mem>>) src(%dma_wait3A_1625 : memref<100000x768xf32, #tpu.memory_space<hbm>>) dst(%dma_wait3A_1619 : memref<16x768xf32, #tpu.memory_space<vmem>>)
    %dma_wait3A_1626 = arith.constant 2 : i32
    %dma_wait3A_1627 = arith.constant 0 : i32
    %dma_wait3A_1628 = arith.constant 32 : i32
    %dma_wait3A_1629 = arith.constant 0 : i32
    %dma_wait3A_1630 = tpu.memref_slice %arg7[%dma_wait3A_1627, %dma_wait3A_1628, %dma_wait3A_1629] : memref<2x64x768xf32, #tpu.memory_space<vmem>> -> memref<1x16x768xf32, #tpu.memory_space<vmem>>
    %dma_wait3A_1631 = tpu.memref_squeeze %dma_wait3A_1630 : memref<1x16x768xf32, #tpu.memory_space<vmem>> -> memref<16x768xf32, #tpu.memory_space<vmem>>
    %dma_wait3A_1632 = arith.constant 96 : i32
    %dma_wait3A_1633 = tpu.memref_slice %arg6[%dma_wait3A_1626, %dma_wait3A_1632] : memref<4x128xi32, #tpu.memory_space<vmem>> -> memref<1x16xi32, #tpu.memory_space<vmem>>
    %dma_wait3A_1634 = tpu.memref_squeeze %dma_wait3A_1633 : memref<1x16xi32, #tpu.memory_space<vmem>> -> memref<16xi32, #tpu.memory_space<vmem>>
    %dma_wait3A_1635 = arith.constant 0 : i32
    %dma_wait3A_1636 = arith.constant 0 : i32
    %dma_wait3A_1637 = tpu.memref_slice %arg3[%dma_wait3A_1635, %dma_wait3A_1636] : memref<100000x768xf32, #tpu.memory_space<hbm>> -> memref<100000x768xf32, #tpu.memory_space<hbm>>
    tpu.wait_indirect_dma semaphore(%arg9 : memref<!tpu.dma_semaphore, #tpu.memory_space<semaphore_mem>>) src(%dma_wait3A_1637 : memref<100000x768xf32, #tpu.memory_space<hbm>>) dst(%dma_wait3A_1631 : memref<16x768xf32, #tpu.memory_space<vmem>>)
    %dma_wait3A_1638 = arith.constant 3 : i32
    %dma_wait3A_1639 = arith.constant 0 : i32
    %dma_wait3A_1640 = arith.constant 48 : i32
    %dma_wait3A_1641 = arith.constant 0 : i32
    %dma_wait3A_1642 = tpu.memref_slice %arg7[%dma_wait3A_1639, %dma_wait3A_1640, %dma_wait3A_1641] : memref<2x64x768xf32, #tpu.memory_space<vmem>> -> memref<1x16x768xf32, #tpu.memory_space<vmem>>
    %dma_wait3A_1643 = tpu.memref_squeeze %dma_wait3A_1642 : memref<1x16x768xf32, #tpu.memory_space<vmem>> -> memref<16x768xf32, #tpu.memory_space<vmem>>
    %dma_wait3A_1644 = arith.constant 96 : i32
    %dma_wait3A_1645 = tpu.memref_slice %arg6[%dma_wait3A_1638, %dma_wait3A_1644] : memref<4x128xi32, #tpu.memory_space<vmem>> -> memref<1x16xi32, #tpu.memory_space<vmem>>
    %dma_wait3A_1646 = tpu.memref_squeeze %dma_wait3A_1645 : memref<1x16xi32, #tpu.memory_space<vmem>> -> memref<16xi32, #tpu.memory_space<vmem>>
    %dma_wait3A_1647 = arith.constant 0 : i32
    %dma_wait3A_1648 = arith.constant 0 : i32
    %dma_wait3A_1649 = tpu.memref_slice %arg3[%dma_wait3A_1647, %dma_wait3A_1648] : memref<100000x768xf32, #tpu.memory_space<hbm>> -> memref<100000x768xf32, #tpu.memory_space<hbm>>
    tpu.wait_indirect_dma semaphore(%arg9 : memref<!tpu.dma_semaphore, #tpu.memory_space<semaphore_mem>>) src(%dma_wait3A_1649 : memref<100000x768xf32, #tpu.memory_space<hbm>>) dst(%dma_wait3A_1643 : memref<16x768xf32, #tpu.memory_space<vmem>>)
    %dma_wait3A_1650 = arith.constant 0 : i32
    %dma_wait3A_1651 = arith.constant 0 : i32
    %dma_wait3A_1652 = arith.constant 0 : i32
    %dma_wait3A_1653 = tpu.memref_slice %arg8[%dma_wait3A_1650, %dma_wait3A_1651, %dma_wait3A_1652] : memref<2x16x768xf32, #tpu.memory_space<vmem>> -> memref<1x16x768xf32, #tpu.memory_space<vmem>>
    %dma_wait3A_1654 = tpu.memref_squeeze %dma_wait3A_1653 : memref<1x16x768xf32, #tpu.memory_space<vmem>> -> memref<16x768xf32, #tpu.memory_space<vmem>>
    %dma_wait3A_1655 = arith.constant 0 : i32
    %dma_wait3A_1656 = tpu.memref_slice %arg4[%add3A_1344, %dma_wait3A_1655] : memref<4096x768xf32, #tpu.memory_space<hbm>> -> memref<16x768xf32, #tpu.memory_space<hbm>>
    %dma_wait3A_1657 = arith.constant 0 : i32
    %dma_wait3A_1658 = arith.constant 0 : i32
    %dma_wait3A_1659 = tpu.memref_slice %arg8[%dma_wait3A_1650, %dma_wait3A_1657, %dma_wait3A_1658] : memref<2x16x768xf32, #tpu.memory_space<vmem>> -> memref<1x16x768xf32, #tpu.memory_space<vmem>>
    %dma_wait3A_1660 = tpu.memref_squeeze %dma_wait3A_1659 : memref<1x16x768xf32, #tpu.memory_space<vmem>> -> memref<16x768xf32, #tpu.memory_space<vmem>>
    %dma_wait3A_1661 = arith.constant 0 : i32
    %dma_wait3A_1662 = tpu.memref_slice %arg4[%add3A_1344, %dma_wait3A_1661] : memref<4096x768xf32, #tpu.memory_space<hbm>> -> memref<16x768xf32, #tpu.memory_space<hbm>>
    tpu.wait_dma2 semaphore(%arg11 : memref<!tpu.dma_semaphore, #tpu.memory_space<semaphore_mem>>) src(%dma_wait3A_1662 : memref<16x768xf32, #tpu.memory_space<hbm>>) dst(%dma_wait3A_1660 : memref<16x768xf32, #tpu.memory_space<vmem>>)
    %add3A_1663 = arith.constant 0 : i32
    %add3A_1664 = arith.addi %add3A_1663, %mul3A_2 : i32
    %add3A_1665 = arith.constant 96 : i32
    %add3A_1666 = arith.addi %add3A_1664, %add3A_1665 : i32
    %dma_start3A_1667 = arith.constant 0 : i32
    %dma_start3A_1668 = arith.constant 0 : i32
    %dma_start3A_1669 = arith.constant 0 : i32
    %dma_start3A_1670 = tpu.memref_slice %arg7[%dma_start3A_1667, %dma_start3A_1668, %dma_start3A_1669] : memref<2x64x768xf32, #tpu.memory_space<vmem>> -> memref<1x16x768xf32, #tpu.memory_space<vmem>>
    %dma_start3A_1671 = tpu.memref_squeeze %dma_start3A_1670 : memref<1x16x768xf32, #tpu.memory_space<vmem>> -> memref<16x768xf32, #tpu.memory_space<vmem>>
    %dma_start3A_1672 = arith.constant 0 : i32
    %dma_start3A_1673 = tpu.memref_slice %arg5[%add3A_1666, %dma_start3A_1672] : memref<16384x768xf32, #tpu.memory_space<hbm>> -> memref<16x768xf32, #tpu.memory_space<hbm>>
    %dma_start3A_1674 = arith.constant 0 : i32
    %dma_start3A_1675 = tpu.memref_slice %arg5[%add3A_1666, %dma_start3A_1674] : memref<16384x768xf32, #tpu.memory_space<hbm>> -> memref<16x768xf32, #tpu.memory_space<hbm>>
    %dma_start3A_1676 = arith.constant 0 : i32
    %dma_start3A_1677 = arith.constant 0 : i32
    %dma_start3A_1678 = tpu.memref_slice %arg7[%dma_start3A_1667, %dma_start3A_1676, %dma_start3A_1677] : memref<2x64x768xf32, #tpu.memory_space<vmem>> -> memref<1x16x768xf32, #tpu.memory_space<vmem>>
    %dma_start3A_1679 = tpu.memref_squeeze %dma_start3A_1678 : memref<1x16x768xf32, #tpu.memory_space<vmem>> -> memref<16x768xf32, #tpu.memory_space<vmem>>
    tpu.enqueue_dma source(%dma_start3A_1679 : memref<16x768xf32, #tpu.memory_space<vmem>>) target(%dma_start3A_1675 : memref<16x768xf32, #tpu.memory_space<hbm>>) target_semaphore(%arg13 : memref<!tpu.dma_semaphore, #tpu.memory_space<semaphore_mem>>)
    %add3A_1680 = arith.constant 4096 : i32
    %add3A_1681 = arith.addi %add3A_1680, %mul3A_2 : i32
    %add3A_1682 = arith.constant 96 : i32
    %add3A_1683 = arith.addi %add3A_1681, %add3A_1682 : i32
    %dma_start3A_1684 = arith.constant 0 : i32
    %dma_start3A_1685 = arith.constant 16 : i32
    %dma_start3A_1686 = arith.constant 0 : i32
    %dma_start3A_1687 = tpu.memref_slice %arg7[%dma_start3A_1684, %dma_start3A_1685, %dma_start3A_1686] : memref<2x64x768xf32, #tpu.memory_space<vmem>> -> memref<1x16x768xf32, #tpu.memory_space<vmem>>
    %dma_start3A_1688 = tpu.memref_squeeze %dma_start3A_1687 : memref<1x16x768xf32, #tpu.memory_space<vmem>> -> memref<16x768xf32, #tpu.memory_space<vmem>>
    %dma_start3A_1689 = arith.constant 0 : i32
    %dma_start3A_1690 = tpu.memref_slice %arg5[%add3A_1683, %dma_start3A_1689] : memref<16384x768xf32, #tpu.memory_space<hbm>> -> memref<16x768xf32, #tpu.memory_space<hbm>>
    %dma_start3A_1691 = arith.constant 0 : i32
    %dma_start3A_1692 = tpu.memref_slice %arg5[%add3A_1683, %dma_start3A_1691] : memref<16384x768xf32, #tpu.memory_space<hbm>> -> memref<16x768xf32, #tpu.memory_space<hbm>>
    %dma_start3A_1693 = arith.constant 16 : i32
    %dma_start3A_1694 = arith.constant 0 : i32
    %dma_start3A_1695 = tpu.memref_slice %arg7[%dma_start3A_1684, %dma_start3A_1693, %dma_start3A_1694] : memref<2x64x768xf32, #tpu.memory_space<vmem>> -> memref<1x16x768xf32, #tpu.memory_space<vmem>>
    %dma_start3A_1696 = tpu.memref_squeeze %dma_start3A_1695 : memref<1x16x768xf32, #tpu.memory_space<vmem>> -> memref<16x768xf32, #tpu.memory_space<vmem>>
    tpu.enqueue_dma source(%dma_start3A_1696 : memref<16x768xf32, #tpu.memory_space<vmem>>) target(%dma_start3A_1692 : memref<16x768xf32, #tpu.memory_space<hbm>>) target_semaphore(%arg13 : memref<!tpu.dma_semaphore, #tpu.memory_space<semaphore_mem>>)
    %add3A_1697 = arith.constant 8192 : i32
    %add3A_1698 = arith.addi %add3A_1697, %mul3A_2 : i32
    %add3A_1699 = arith.constant 96 : i32
    %add3A_1700 = arith.addi %add3A_1698, %add3A_1699 : i32
    %dma_start3A_1701 = arith.constant 0 : i32
    %dma_start3A_1702 = arith.constant 32 : i32
    %dma_start3A_1703 = arith.constant 0 : i32
    %dma_start3A_1704 = tpu.memref_slice %arg7[%dma_start3A_1701, %dma_start3A_1702, %dma_start3A_1703] : memref<2x64x768xf32, #tpu.memory_space<vmem>> -> memref<1x16x768xf32, #tpu.memory_space<vmem>>
    %dma_start3A_1705 = tpu.memref_squeeze %dma_start3A_1704 : memref<1x16x768xf32, #tpu.memory_space<vmem>> -> memref<16x768xf32, #tpu.memory_space<vmem>>
    %dma_start3A_1706 = arith.constant 0 : i32
    %dma_start3A_1707 = tpu.memref_slice %arg5[%add3A_1700, %dma_start3A_1706] : memref<16384x768xf32, #tpu.memory_space<hbm>> -> memref<16x768xf32, #tpu.memory_space<hbm>>
    %dma_start3A_1708 = arith.constant 0 : i32
    %dma_start3A_1709 = tpu.memref_slice %arg5[%add3A_1700, %dma_start3A_1708] : memref<16384x768xf32, #tpu.memory_space<hbm>> -> memref<16x768xf32, #tpu.memory_space<hbm>>
    %dma_start3A_1710 = arith.constant 32 : i32
    %dma_start3A_1711 = arith.constant 0 : i32
    %dma_start3A_1712 = tpu.memref_slice %arg7[%dma_start3A_1701, %dma_start3A_1710, %dma_start3A_1711] : memref<2x64x768xf32, #tpu.memory_space<vmem>> -> memref<1x16x768xf32, #tpu.memory_space<vmem>>
    %dma_start3A_1713 = tpu.memref_squeeze %dma_start3A_1712 : memref<1x16x768xf32, #tpu.memory_space<vmem>> -> memref<16x768xf32, #tpu.memory_space<vmem>>
    tpu.enqueue_dma source(%dma_start3A_1713 : memref<16x768xf32, #tpu.memory_space<vmem>>) target(%dma_start3A_1709 : memref<16x768xf32, #tpu.memory_space<hbm>>) target_semaphore(%arg13 : memref<!tpu.dma_semaphore, #tpu.memory_space<semaphore_mem>>)
    %add3A_1714 = arith.constant 12288 : i32
    %add3A_1715 = arith.addi %add3A_1714, %mul3A_2 : i32
    %add3A_1716 = arith.constant 96 : i32
    %add3A_1717 = arith.addi %add3A_1715, %add3A_1716 : i32
    %dma_start3A_1718 = arith.constant 0 : i32
    %dma_start3A_1719 = arith.constant 48 : i32
    %dma_start3A_1720 = arith.constant 0 : i32
    %dma_start3A_1721 = tpu.memref_slice %arg7[%dma_start3A_1718, %dma_start3A_1719, %dma_start3A_1720] : memref<2x64x768xf32, #tpu.memory_space<vmem>> -> memref<1x16x768xf32, #tpu.memory_space<vmem>>
    %dma_start3A_1722 = tpu.memref_squeeze %dma_start3A_1721 : memref<1x16x768xf32, #tpu.memory_space<vmem>> -> memref<16x768xf32, #tpu.memory_space<vmem>>
    %dma_start3A_1723 = arith.constant 0 : i32
    %dma_start3A_1724 = tpu.memref_slice %arg5[%add3A_1717, %dma_start3A_1723] : memref<16384x768xf32, #tpu.memory_space<hbm>> -> memref<16x768xf32, #tpu.memory_space<hbm>>
    %dma_start3A_1725 = arith.constant 0 : i32
    %dma_start3A_1726 = tpu.memref_slice %arg5[%add3A_1717, %dma_start3A_1725] : memref<16384x768xf32, #tpu.memory_space<hbm>> -> memref<16x768xf32, #tpu.memory_space<hbm>>
    %dma_start3A_1727 = arith.constant 48 : i32
    %dma_start3A_1728 = arith.constant 0 : i32
    %dma_start3A_1729 = tpu.memref_slice %arg7[%dma_start3A_1718, %dma_start3A_1727, %dma_start3A_1728] : memref<2x64x768xf32, #tpu.memory_space<vmem>> -> memref<1x16x768xf32, #tpu.memory_space<vmem>>
    %dma_start3A_1730 = tpu.memref_squeeze %dma_start3A_1729 : memref<1x16x768xf32, #tpu.memory_space<vmem>> -> memref<16x768xf32, #tpu.memory_space<vmem>>
    tpu.enqueue_dma source(%dma_start3A_1730 : memref<16x768xf32, #tpu.memory_space<vmem>>) target(%dma_start3A_1726 : memref<16x768xf32, #tpu.memory_space<hbm>>) target_semaphore(%arg13 : memref<!tpu.dma_semaphore, #tpu.memory_space<semaphore_mem>>)
    %dma_wait3A_1731 = arith.constant 0 : i32
    %dma_wait3A_1732 = arith.constant 1 : i32
    %dma_wait3A_1733 = arith.constant 0 : i32
    %dma_wait3A_1734 = arith.constant 0 : i32
    %dma_wait3A_1735 = tpu.memref_slice %arg7[%dma_wait3A_1732, %dma_wait3A_1733, %dma_wait3A_1734] : memref<2x64x768xf32, #tpu.memory_space<vmem>> -> memref<1x16x768xf32, #tpu.memory_space<vmem>>
    %dma_wait3A_1736 = tpu.memref_squeeze %dma_wait3A_1735 : memref<1x16x768xf32, #tpu.memory_space<vmem>> -> memref<16x768xf32, #tpu.memory_space<vmem>>
    %dma_wait3A_1737 = arith.constant 112 : i32
    %dma_wait3A_1738 = tpu.memref_slice %arg6[%dma_wait3A_1731, %dma_wait3A_1737] : memref<4x128xi32, #tpu.memory_space<vmem>> -> memref<1x16xi32, #tpu.memory_space<vmem>>
    %dma_wait3A_1739 = tpu.memref_squeeze %dma_wait3A_1738 : memref<1x16xi32, #tpu.memory_space<vmem>> -> memref<16xi32, #tpu.memory_space<vmem>>
    %dma_wait3A_1740 = arith.constant 0 : i32
    %dma_wait3A_1741 = arith.constant 0 : i32
    %dma_wait3A_1742 = tpu.memref_slice %arg3[%dma_wait3A_1740, %dma_wait3A_1741] : memref<100000x768xf32, #tpu.memory_space<hbm>> -> memref<100000x768xf32, #tpu.memory_space<hbm>>
    tpu.wait_indirect_dma semaphore(%arg10 : memref<!tpu.dma_semaphore, #tpu.memory_space<semaphore_mem>>) src(%dma_wait3A_1742 : memref<100000x768xf32, #tpu.memory_space<hbm>>) dst(%dma_wait3A_1736 : memref<16x768xf32, #tpu.memory_space<vmem>>)
    %dma_wait3A_1743 = arith.constant 1 : i32
    %dma_wait3A_1744 = arith.constant 1 : i32
    %dma_wait3A_1745 = arith.constant 16 : i32
    %dma_wait3A_1746 = arith.constant 0 : i32
    %dma_wait3A_1747 = tpu.memref_slice %arg7[%dma_wait3A_1744, %dma_wait3A_1745, %dma_wait3A_1746] : memref<2x64x768xf32, #tpu.memory_space<vmem>> -> memref<1x16x768xf32, #tpu.memory_space<vmem>>
    %dma_wait3A_1748 = tpu.memref_squeeze %dma_wait3A_1747 : memref<1x16x768xf32, #tpu.memory_space<vmem>> -> memref<16x768xf32, #tpu.memory_space<vmem>>
    %dma_wait3A_1749 = arith.constant 112 : i32
    %dma_wait3A_1750 = tpu.memref_slice %arg6[%dma_wait3A_1743, %dma_wait3A_1749] : memref<4x128xi32, #tpu.memory_space<vmem>> -> memref<1x16xi32, #tpu.memory_space<vmem>>
    %dma_wait3A_1751 = tpu.memref_squeeze %dma_wait3A_1750 : memref<1x16xi32, #tpu.memory_space<vmem>> -> memref<16xi32, #tpu.memory_space<vmem>>
    %dma_wait3A_1752 = arith.constant 0 : i32
    %dma_wait3A_1753 = arith.constant 0 : i32
    %dma_wait3A_1754 = tpu.memref_slice %arg3[%dma_wait3A_1752, %dma_wait3A_1753] : memref<100000x768xf32, #tpu.memory_space<hbm>> -> memref<100000x768xf32, #tpu.memory_space<hbm>>
    tpu.wait_indirect_dma semaphore(%arg10 : memref<!tpu.dma_semaphore, #tpu.memory_space<semaphore_mem>>) src(%dma_wait3A_1754 : memref<100000x768xf32, #tpu.memory_space<hbm>>) dst(%dma_wait3A_1748 : memref<16x768xf32, #tpu.memory_space<vmem>>)
    %dma_wait3A_1755 = arith.constant 2 : i32
    %dma_wait3A_1756 = arith.constant 1 : i32
    %dma_wait3A_1757 = arith.constant 32 : i32
    %dma_wait3A_1758 = arith.constant 0 : i32
    %dma_wait3A_1759 = tpu.memref_slice %arg7[%dma_wait3A_1756, %dma_wait3A_1757, %dma_wait3A_1758] : memref<2x64x768xf32, #tpu.memory_space<vmem>> -> memref<1x16x768xf32, #tpu.memory_space<vmem>>
    %dma_wait3A_1760 = tpu.memref_squeeze %dma_wait3A_1759 : memref<1x16x768xf32, #tpu.memory_space<vmem>> -> memref<16x768xf32, #tpu.memory_space<vmem>>
    %dma_wait3A_1761 = arith.constant 112 : i32
    %dma_wait3A_1762 = tpu.memref_slice %arg6[%dma_wait3A_1755, %dma_wait3A_1761] : memref<4x128xi32, #tpu.memory_space<vmem>> -> memref<1x16xi32, #tpu.memory_space<vmem>>
    %dma_wait3A_1763 = tpu.memref_squeeze %dma_wait3A_1762 : memref<1x16xi32, #tpu.memory_space<vmem>> -> memref<16xi32, #tpu.memory_space<vmem>>
    %dma_wait3A_1764 = arith.constant 0 : i32
    %dma_wait3A_1765 = arith.constant 0 : i32
    %dma_wait3A_1766 = tpu.memref_slice %arg3[%dma_wait3A_1764, %dma_wait3A_1765] : memref<100000x768xf32, #tpu.memory_space<hbm>> -> memref<100000x768xf32, #tpu.memory_space<hbm>>
    tpu.wait_indirect_dma semaphore(%arg10 : memref<!tpu.dma_semaphore, #tpu.memory_space<semaphore_mem>>) src(%dma_wait3A_1766 : memref<100000x768xf32, #tpu.memory_space<hbm>>) dst(%dma_wait3A_1760 : memref<16x768xf32, #tpu.memory_space<vmem>>)
    %dma_wait3A_1767 = arith.constant 3 : i32
    %dma_wait3A_1768 = arith.constant 1 : i32
    %dma_wait3A_1769 = arith.constant 48 : i32
    %dma_wait3A_1770 = arith.constant 0 : i32
    %dma_wait3A_1771 = tpu.memref_slice %arg7[%dma_wait3A_1768, %dma_wait3A_1769, %dma_wait3A_1770] : memref<2x64x768xf32, #tpu.memory_space<vmem>> -> memref<1x16x768xf32, #tpu.memory_space<vmem>>
    %dma_wait3A_1772 = tpu.memref_squeeze %dma_wait3A_1771 : memref<1x16x768xf32, #tpu.memory_space<vmem>> -> memref<16x768xf32, #tpu.memory_space<vmem>>
    %dma_wait3A_1773 = arith.constant 112 : i32
    %dma_wait3A_1774 = tpu.memref_slice %arg6[%dma_wait3A_1767, %dma_wait3A_1773] : memref<4x128xi32, #tpu.memory_space<vmem>> -> memref<1x16xi32, #tpu.memory_space<vmem>>
    %dma_wait3A_1775 = tpu.memref_squeeze %dma_wait3A_1774 : memref<1x16xi32, #tpu.memory_space<vmem>> -> memref<16xi32, #tpu.memory_space<vmem>>
    %dma_wait3A_1776 = arith.constant 0 : i32
    %dma_wait3A_1777 = arith.constant 0 : i32
    %dma_wait3A_1778 = tpu.memref_slice %arg3[%dma_wait3A_1776, %dma_wait3A_1777] : memref<100000x768xf32, #tpu.memory_space<hbm>> -> memref<100000x768xf32, #tpu.memory_space<hbm>>
    tpu.wait_indirect_dma semaphore(%arg10 : memref<!tpu.dma_semaphore, #tpu.memory_space<semaphore_mem>>) src(%dma_wait3A_1778 : memref<100000x768xf32, #tpu.memory_space<hbm>>) dst(%dma_wait3A_1772 : memref<16x768xf32, #tpu.memory_space<vmem>>)
    %dma_wait3A_1779 = arith.constant 1 : i32
    %dma_wait3A_1780 = arith.constant 0 : i32
    %dma_wait3A_1781 = arith.constant 0 : i32
    %dma_wait3A_1782 = tpu.memref_slice %arg8[%dma_wait3A_1779, %dma_wait3A_1780, %dma_wait3A_1781] : memref<2x16x768xf32, #tpu.memory_space<vmem>> -> memref<1x16x768xf32, #tpu.memory_space<vmem>>
    %dma_wait3A_1783 = tpu.memref_squeeze %dma_wait3A_1782 : memref<1x16x768xf32, #tpu.memory_space<vmem>> -> memref<16x768xf32, #tpu.memory_space<vmem>>
    %dma_wait3A_1784 = arith.constant 0 : i32
    %dma_wait3A_1785 = tpu.memref_slice %arg4[%add3A_1588, %dma_wait3A_1784] : memref<4096x768xf32, #tpu.memory_space<hbm>> -> memref<16x768xf32, #tpu.memory_space<hbm>>
    %dma_wait3A_1786 = arith.constant 0 : i32
    %dma_wait3A_1787 = arith.constant 0 : i32
    %dma_wait3A_1788 = tpu.memref_slice %arg8[%dma_wait3A_1779, %dma_wait3A_1786, %dma_wait3A_1787] : memref<2x16x768xf32, #tpu.memory_space<vmem>> -> memref<1x16x768xf32, #tpu.memory_space<vmem>>
    %dma_wait3A_1789 = tpu.memref_squeeze %dma_wait3A_1788 : memref<1x16x768xf32, #tpu.memory_space<vmem>> -> memref<16x768xf32, #tpu.memory_space<vmem>>
    %dma_wait3A_1790 = arith.constant 0 : i32
    %dma_wait3A_1791 = tpu.memref_slice %arg4[%add3A_1588, %dma_wait3A_1790] : memref<4096x768xf32, #tpu.memory_space<hbm>> -> memref<16x768xf32, #tpu.memory_space<hbm>>
    tpu.wait_dma2 semaphore(%arg12 : memref<!tpu.dma_semaphore, #tpu.memory_space<semaphore_mem>>) src(%dma_wait3A_1791 : memref<16x768xf32, #tpu.memory_space<hbm>>) dst(%dma_wait3A_1789 : memref<16x768xf32, #tpu.memory_space<vmem>>)
    %add3A_1792 = arith.constant 0 : i32
    %add3A_1793 = arith.addi %add3A_1792, %mul3A_2 : i32
    %add3A_1794 = arith.constant 112 : i32
    %add3A_1795 = arith.addi %add3A_1793, %add3A_1794 : i32
    %dma_start3A_1796 = arith.constant 1 : i32
    %dma_start3A_1797 = arith.constant 0 : i32
    %dma_start3A_1798 = arith.constant 0 : i32
    %dma_start3A_1799 = tpu.memref_slice %arg7[%dma_start3A_1796, %dma_start3A_1797, %dma_start3A_1798] : memref<2x64x768xf32, #tpu.memory_space<vmem>> -> memref<1x16x768xf32, #tpu.memory_space<vmem>>
    %dma_start3A_1800 = tpu.memref_squeeze %dma_start3A_1799 : memref<1x16x768xf32, #tpu.memory_space<vmem>> -> memref<16x768xf32, #tpu.memory_space<vmem>>
    %dma_start3A_1801 = arith.constant 0 : i32
    %dma_start3A_1802 = tpu.memref_slice %arg5[%add3A_1795, %dma_start3A_1801] : memref<16384x768xf32, #tpu.memory_space<hbm>> -> memref<16x768xf32, #tpu.memory_space<hbm>>
    %dma_start3A_1803 = arith.constant 0 : i32
    %dma_start3A_1804 = tpu.memref_slice %arg5[%add3A_1795, %dma_start3A_1803] : memref<16384x768xf32, #tpu.memory_space<hbm>> -> memref<16x768xf32, #tpu.memory_space<hbm>>
    %dma_start3A_1805 = arith.constant 0 : i32
    %dma_start3A_1806 = arith.constant 0 : i32
    %dma_start3A_1807 = tpu.memref_slice %arg7[%dma_start3A_1796, %dma_start3A_1805, %dma_start3A_1806] : memref<2x64x768xf32, #tpu.memory_space<vmem>> -> memref<1x16x768xf32, #tpu.memory_space<vmem>>
    %dma_start3A_1808 = tpu.memref_squeeze %dma_start3A_1807 : memref<1x16x768xf32, #tpu.memory_space<vmem>> -> memref<16x768xf32, #tpu.memory_space<vmem>>
    tpu.enqueue_dma source(%dma_start3A_1808 : memref<16x768xf32, #tpu.memory_space<vmem>>) target(%dma_start3A_1804 : memref<16x768xf32, #tpu.memory_space<hbm>>) target_semaphore(%arg14 : memref<!tpu.dma_semaphore, #tpu.memory_space<semaphore_mem>>)
    %add3A_1809 = arith.constant 4096 : i32
    %add3A_1810 = arith.addi %add3A_1809, %mul3A_2 : i32
    %add3A_1811 = arith.constant 112 : i32
    %add3A_1812 = arith.addi %add3A_1810, %add3A_1811 : i32
    %dma_start3A_1813 = arith.constant 1 : i32
    %dma_start3A_1814 = arith.constant 16 : i32
    %dma_start3A_1815 = arith.constant 0 : i32
    %dma_start3A_1816 = tpu.memref_slice %arg7[%dma_start3A_1813, %dma_start3A_1814, %dma_start3A_1815] : memref<2x64x768xf32, #tpu.memory_space<vmem>> -> memref<1x16x768xf32, #tpu.memory_space<vmem>>
    %dma_start3A_1817 = tpu.memref_squeeze %dma_start3A_1816 : memref<1x16x768xf32, #tpu.memory_space<vmem>> -> memref<16x768xf32, #tpu.memory_space<vmem>>
    %dma_start3A_1818 = arith.constant 0 : i32
    %dma_start3A_1819 = tpu.memref_slice %arg5[%add3A_1812, %dma_start3A_1818] : memref<16384x768xf32, #tpu.memory_space<hbm>> -> memref<16x768xf32, #tpu.memory_space<hbm>>
    %dma_start3A_1820 = arith.constant 0 : i32
    %dma_start3A_1821 = tpu.memref_slice %arg5[%add3A_1812, %dma_start3A_1820] : memref<16384x768xf32, #tpu.memory_space<hbm>> -> memref<16x768xf32, #tpu.memory_space<hbm>>
    %dma_start3A_1822 = arith.constant 16 : i32
    %dma_start3A_1823 = arith.constant 0 : i32
    %dma_start3A_1824 = tpu.memref_slice %arg7[%dma_start3A_1813, %dma_start3A_1822, %dma_start3A_1823] : memref<2x64x768xf32, #tpu.memory_space<vmem>> -> memref<1x16x768xf32, #tpu.memory_space<vmem>>
    %dma_start3A_1825 = tpu.memref_squeeze %dma_start3A_1824 : memref<1x16x768xf32, #tpu.memory_space<vmem>> -> memref<16x768xf32, #tpu.memory_space<vmem>>
    tpu.enqueue_dma source(%dma_start3A_1825 : memref<16x768xf32, #tpu.memory_space<vmem>>) target(%dma_start3A_1821 : memref<16x768xf32, #tpu.memory_space<hbm>>) target_semaphore(%arg14 : memref<!tpu.dma_semaphore, #tpu.memory_space<semaphore_mem>>)
    %add3A_1826 = arith.constant 8192 : i32
    %add3A_1827 = arith.addi %add3A_1826, %mul3A_2 : i32
    %add3A_1828 = arith.constant 112 : i32
    %add3A_1829 = arith.addi %add3A_1827, %add3A_1828 : i32
    %dma_start3A_1830 = arith.constant 1 : i32
    %dma_start3A_1831 = arith.constant 32 : i32
    %dma_start3A_1832 = arith.constant 0 : i32
    %dma_start3A_1833 = tpu.memref_slice %arg7[%dma_start3A_1830, %dma_start3A_1831, %dma_start3A_1832] : memref<2x64x768xf32, #tpu.memory_space<vmem>> -> memref<1x16x768xf32, #tpu.memory_space<vmem>>
    %dma_start3A_1834 = tpu.memref_squeeze %dma_start3A_1833 : memref<1x16x768xf32, #tpu.memory_space<vmem>> -> memref<16x768xf32, #tpu.memory_space<vmem>>
    %dma_start3A_1835 = arith.constant 0 : i32
    %dma_start3A_1836 = tpu.memref_slice %arg5[%add3A_1829, %dma_start3A_1835] : memref<16384x768xf32, #tpu.memory_space<hbm>> -> memref<16x768xf32, #tpu.memory_space<hbm>>
    %dma_start3A_1837 = arith.constant 0 : i32
    %dma_start3A_1838 = tpu.memref_slice %arg5[%add3A_1829, %dma_start3A_1837] : memref<16384x768xf32, #tpu.memory_space<hbm>> -> memref<16x768xf32, #tpu.memory_space<hbm>>
    %dma_start3A_1839 = arith.constant 32 : i32
    %dma_start3A_1840 = arith.constant 0 : i32
    %dma_start3A_1841 = tpu.memref_slice %arg7[%dma_start3A_1830, %dma_start3A_1839, %dma_start3A_1840] : memref<2x64x768xf32, #tpu.memory_space<vmem>> -> memref<1x16x768xf32, #tpu.memory_space<vmem>>
    %dma_start3A_1842 = tpu.memref_squeeze %dma_start3A_1841 : memref<1x16x768xf32, #tpu.memory_space<vmem>> -> memref<16x768xf32, #tpu.memory_space<vmem>>
    tpu.enqueue_dma source(%dma_start3A_1842 : memref<16x768xf32, #tpu.memory_space<vmem>>) target(%dma_start3A_1838 : memref<16x768xf32, #tpu.memory_space<hbm>>) target_semaphore(%arg14 : memref<!tpu.dma_semaphore, #tpu.memory_space<semaphore_mem>>)
    %add3A_1843 = arith.constant 12288 : i32
    %add3A_1844 = arith.addi %add3A_1843, %mul3A_2 : i32
    %add3A_1845 = arith.constant 112 : i32
    %add3A_1846 = arith.addi %add3A_1844, %add3A_1845 : i32
    %dma_start3A_1847 = arith.constant 1 : i32
    %dma_start3A_1848 = arith.constant 48 : i32
    %dma_start3A_1849 = arith.constant 0 : i32
    %dma_start3A_1850 = tpu.memref_slice %arg7[%dma_start3A_1847, %dma_start3A_1848, %dma_start3A_1849] : memref<2x64x768xf32, #tpu.memory_space<vmem>> -> memref<1x16x768xf32, #tpu.memory_space<vmem>>
    %dma_start3A_1851 = tpu.memref_squeeze %dma_start3A_1850 : memref<1x16x768xf32, #tpu.memory_space<vmem>> -> memref<16x768xf32, #tpu.memory_space<vmem>>
    %dma_start3A_1852 = arith.constant 0 : i32
    %dma_start3A_1853 = tpu.memref_slice %arg5[%add3A_1846, %dma_start3A_1852] : memref<16384x768xf32, #tpu.memory_space<hbm>> -> memref<16x768xf32, #tpu.memory_space<hbm>>
    %dma_start3A_1854 = arith.constant 0 : i32
    %dma_start3A_1855 = tpu.memref_slice %arg5[%add3A_1846, %dma_start3A_1854] : memref<16384x768xf32, #tpu.memory_space<hbm>> -> memref<16x768xf32, #tpu.memory_space<hbm>>
    %dma_start3A_1856 = arith.constant 48 : i32
    %dma_start3A_1857 = arith.constant 0 : i32
    %dma_start3A_1858 = tpu.memref_slice %arg7[%dma_start3A_1847, %dma_start3A_1856, %dma_start3A_1857] : memref<2x64x768xf32, #tpu.memory_space<vmem>> -> memref<1x16x768xf32, #tpu.memory_space<vmem>>
    %dma_start3A_1859 = tpu.memref_squeeze %dma_start3A_1858 : memref<1x16x768xf32, #tpu.memory_space<vmem>> -> memref<16x768xf32, #tpu.memory_space<vmem>>
    tpu.enqueue_dma source(%dma_start3A_1859 : memref<16x768xf32, #tpu.memory_space<vmem>>) target(%dma_start3A_1855 : memref<16x768xf32, #tpu.memory_space<hbm>>) target_semaphore(%arg14 : memref<!tpu.dma_semaphore, #tpu.memory_space<semaphore_mem>>)
    %dma_wait3A_1860 = arith.constant 0 : i32
    %dma_wait3A_1861 = arith.constant 0 : i32
    %dma_wait3A_1862 = arith.constant 0 : i32
    %dma_wait3A_1863 = tpu.memref_slice %arg7[%dma_wait3A_1860, %dma_wait3A_1861, %dma_wait3A_1862] : memref<2x64x768xf32, #tpu.memory_space<vmem>> -> memref<1x16x768xf32, #tpu.memory_space<vmem>>
    %dma_wait3A_1864 = tpu.memref_squeeze %dma_wait3A_1863 : memref<1x16x768xf32, #tpu.memory_space<vmem>> -> memref<16x768xf32, #tpu.memory_space<vmem>>
    %dma_wait3A_1865 = arith.constant 0 : i32
    %dma_wait3A_1866 = tpu.memref_slice %arg5[%add3A_1666, %dma_wait3A_1865] : memref<16384x768xf32, #tpu.memory_space<hbm>> -> memref<16x768xf32, #tpu.memory_space<hbm>>
    %dma_wait3A_1867 = arith.constant 0 : i32
    %dma_wait3A_1868 = tpu.memref_slice %arg5[%add3A_1666, %dma_wait3A_1867] : memref<16384x768xf32, #tpu.memory_space<hbm>> -> memref<16x768xf32, #tpu.memory_space<hbm>>
    %dma_wait3A_1869 = arith.constant 0 : i32
    %dma_wait3A_1870 = arith.constant 0 : i32
    %dma_wait3A_1871 = tpu.memref_slice %arg7[%dma_wait3A_1860, %dma_wait3A_1869, %dma_wait3A_1870] : memref<2x64x768xf32, #tpu.memory_space<vmem>> -> memref<1x16x768xf32, #tpu.memory_space<vmem>>
    %dma_wait3A_1872 = tpu.memref_squeeze %dma_wait3A_1871 : memref<1x16x768xf32, #tpu.memory_space<vmem>> -> memref<16x768xf32, #tpu.memory_space<vmem>>
    tpu.wait_dma2 semaphore(%arg13 : memref<!tpu.dma_semaphore, #tpu.memory_space<semaphore_mem>>) src(%dma_wait3A_1872 : memref<16x768xf32, #tpu.memory_space<vmem>>) dst(%dma_wait3A_1868 : memref<16x768xf32, #tpu.memory_space<hbm>>)
    %dma_wait3A_1873 = arith.constant 0 : i32
    %dma_wait3A_1874 = arith.constant 16 : i32
    %dma_wait3A_1875 = arith.constant 0 : i32
    %dma_wait3A_1876 = tpu.memref_slice %arg7[%dma_wait3A_1873, %dma_wait3A_1874, %dma_wait3A_1875] : memref<2x64x768xf32, #tpu.memory_space<vmem>> -> memref<1x16x768xf32, #tpu.memory_space<vmem>>
    %dma_wait3A_1877 = tpu.memref_squeeze %dma_wait3A_1876 : memref<1x16x768xf32, #tpu.memory_space<vmem>> -> memref<16x768xf32, #tpu.memory_space<vmem>>
    %dma_wait3A_1878 = arith.constant 0 : i32
    %dma_wait3A_1879 = tpu.memref_slice %arg5[%add3A_1683, %dma_wait3A_1878] : memref<16384x768xf32, #tpu.memory_space<hbm>> -> memref<16x768xf32, #tpu.memory_space<hbm>>
    %dma_wait3A_1880 = arith.constant 0 : i32
    %dma_wait3A_1881 = tpu.memref_slice %arg5[%add3A_1683, %dma_wait3A_1880] : memref<16384x768xf32, #tpu.memory_space<hbm>> -> memref<16x768xf32, #tpu.memory_space<hbm>>
    %dma_wait3A_1882 = arith.constant 16 : i32
    %dma_wait3A_1883 = arith.constant 0 : i32
    %dma_wait3A_1884 = tpu.memref_slice %arg7[%dma_wait3A_1873, %dma_wait3A_1882, %dma_wait3A_1883] : memref<2x64x768xf32, #tpu.memory_space<vmem>> -> memref<1x16x768xf32, #tpu.memory_space<vmem>>
    %dma_wait3A_1885 = tpu.memref_squeeze %dma_wait3A_1884 : memref<1x16x768xf32, #tpu.memory_space<vmem>> -> memref<16x768xf32, #tpu.memory_space<vmem>>
    tpu.wait_dma2 semaphore(%arg13 : memref<!tpu.dma_semaphore, #tpu.memory_space<semaphore_mem>>) src(%dma_wait3A_1885 : memref<16x768xf32, #tpu.memory_space<vmem>>) dst(%dma_wait3A_1881 : memref<16x768xf32, #tpu.memory_space<hbm>>)
    %dma_wait3A_1886 = arith.constant 0 : i32
    %dma_wait3A_1887 = arith.constant 32 : i32
    %dma_wait3A_1888 = arith.constant 0 : i32
    %dma_wait3A_1889 = tpu.memref_slice %arg7[%dma_wait3A_1886, %dma_wait3A_1887, %dma_wait3A_1888] : memref<2x64x768xf32, #tpu.memory_space<vmem>> -> memref<1x16x768xf32, #tpu.memory_space<vmem>>
    %dma_wait3A_1890 = tpu.memref_squeeze %dma_wait3A_1889 : memref<1x16x768xf32, #tpu.memory_space<vmem>> -> memref<16x768xf32, #tpu.memory_space<vmem>>
    %dma_wait3A_1891 = arith.constant 0 : i32
    %dma_wait3A_1892 = tpu.memref_slice %arg5[%add3A_1700, %dma_wait3A_1891] : memref<16384x768xf32, #tpu.memory_space<hbm>> -> memref<16x768xf32, #tpu.memory_space<hbm>>
    %dma_wait3A_1893 = arith.constant 0 : i32
    %dma_wait3A_1894 = tpu.memref_slice %arg5[%add3A_1700, %dma_wait3A_1893] : memref<16384x768xf32, #tpu.memory_space<hbm>> -> memref<16x768xf32, #tpu.memory_space<hbm>>
    %dma_wait3A_1895 = arith.constant 32 : i32
    %dma_wait3A_1896 = arith.constant 0 : i32
    %dma_wait3A_1897 = tpu.memref_slice %arg7[%dma_wait3A_1886, %dma_wait3A_1895, %dma_wait3A_1896] : memref<2x64x768xf32, #tpu.memory_space<vmem>> -> memref<1x16x768xf32, #tpu.memory_space<vmem>>
    %dma_wait3A_1898 = tpu.memref_squeeze %dma_wait3A_1897 : memref<1x16x768xf32, #tpu.memory_space<vmem>> -> memref<16x768xf32, #tpu.memory_space<vmem>>
    tpu.wait_dma2 semaphore(%arg13 : memref<!tpu.dma_semaphore, #tpu.memory_space<semaphore_mem>>) src(%dma_wait3A_1898 : memref<16x768xf32, #tpu.memory_space<vmem>>) dst(%dma_wait3A_1894 : memref<16x768xf32, #tpu.memory_space<hbm>>)
    %dma_wait3A_1899 = arith.constant 0 : i32
    %dma_wait3A_1900 = arith.constant 48 : i32
    %dma_wait3A_1901 = arith.constant 0 : i32
    %dma_wait3A_1902 = tpu.memref_slice %arg7[%dma_wait3A_1899, %dma_wait3A_1900, %dma_wait3A_1901] : memref<2x64x768xf32, #tpu.memory_space<vmem>> -> memref<1x16x768xf32, #tpu.memory_space<vmem>>
    %dma_wait3A_1903 = tpu.memref_squeeze %dma_wait3A_1902 : memref<1x16x768xf32, #tpu.memory_space<vmem>> -> memref<16x768xf32, #tpu.memory_space<vmem>>
    %dma_wait3A_1904 = arith.constant 0 : i32
    %dma_wait3A_1905 = tpu.memref_slice %arg5[%add3A_1717, %dma_wait3A_1904] : memref<16384x768xf32, #tpu.memory_space<hbm>> -> memref<16x768xf32, #tpu.memory_space<hbm>>
    %dma_wait3A_1906 = arith.constant 0 : i32
    %dma_wait3A_1907 = tpu.memref_slice %arg5[%add3A_1717, %dma_wait3A_1906] : memref<16384x768xf32, #tpu.memory_space<hbm>> -> memref<16x768xf32, #tpu.memory_space<hbm>>
    %dma_wait3A_1908 = arith.constant 48 : i32
    %dma_wait3A_1909 = arith.constant 0 : i32
    %dma_wait3A_1910 = tpu.memref_slice %arg7[%dma_wait3A_1899, %dma_wait3A_1908, %dma_wait3A_1909] : memref<2x64x768xf32, #tpu.memory_space<vmem>> -> memref<1x16x768xf32, #tpu.memory_space<vmem>>
    %dma_wait3A_1911 = tpu.memref_squeeze %dma_wait3A_1910 : memref<1x16x768xf32, #tpu.memory_space<vmem>> -> memref<16x768xf32, #tpu.memory_space<vmem>>
    tpu.wait_dma2 semaphore(%arg13 : memref<!tpu.dma_semaphore, #tpu.memory_space<semaphore_mem>>) src(%dma_wait3A_1911 : memref<16x768xf32, #tpu.memory_space<vmem>>) dst(%dma_wait3A_1907 : memref<16x768xf32, #tpu.memory_space<hbm>>)
    %dma_wait3A_1912 = arith.constant 1 : i32
    %dma_wait3A_1913 = arith.constant 0 : i32
    %dma_wait3A_1914 = arith.constant 0 : i32
    %dma_wait3A_1915 = tpu.memref_slice %arg7[%dma_wait3A_1912, %dma_wait3A_1913, %dma_wait3A_1914] : memref<2x64x768xf32, #tpu.memory_space<vmem>> -> memref<1x16x768xf32, #tpu.memory_space<vmem>>
    %dma_wait3A_1916 = tpu.memref_squeeze %dma_wait3A_1915 : memref<1x16x768xf32, #tpu.memory_space<vmem>> -> memref<16x768xf32, #tpu.memory_space<vmem>>
    %dma_wait3A_1917 = arith.constant 0 : i32
    %dma_wait3A_1918 = tpu.memref_slice %arg5[%add3A_1795, %dma_wait3A_1917] : memref<16384x768xf32, #tpu.memory_space<hbm>> -> memref<16x768xf32, #tpu.memory_space<hbm>>
    %dma_wait3A_1919 = arith.constant 0 : i32
    %dma_wait3A_1920 = tpu.memref_slice %arg5[%add3A_1795, %dma_wait3A_1919] : memref<16384x768xf32, #tpu.memory_space<hbm>> -> memref<16x768xf32, #tpu.memory_space<hbm>>
    %dma_wait3A_1921 = arith.constant 0 : i32
    %dma_wait3A_1922 = arith.constant 0 : i32
    %dma_wait3A_1923 = tpu.memref_slice %arg7[%dma_wait3A_1912, %dma_wait3A_1921, %dma_wait3A_1922] : memref<2x64x768xf32, #tpu.memory_space<vmem>> -> memref<1x16x768xf32, #tpu.memory_space<vmem>>
    %dma_wait3A_1924 = tpu.memref_squeeze %dma_wait3A_1923 : memref<1x16x768xf32, #tpu.memory_space<vmem>> -> memref<16x768xf32, #tpu.memory_space<vmem>>
    tpu.wait_dma2 semaphore(%arg14 : memref<!tpu.dma_semaphore, #tpu.memory_space<semaphore_mem>>) src(%dma_wait3A_1924 : memref<16x768xf32, #tpu.memory_space<vmem>>) dst(%dma_wait3A_1920 : memref<16x768xf32, #tpu.memory_space<hbm>>)
    %dma_wait3A_1925 = arith.constant 1 : i32
    %dma_wait3A_1926 = arith.constant 16 : i32
    %dma_wait3A_1927 = arith.constant 0 : i32
    %dma_wait3A_1928 = tpu.memref_slice %arg7[%dma_wait3A_1925, %dma_wait3A_1926, %dma_wait3A_1927] : memref<2x64x768xf32, #tpu.memory_space<vmem>> -> memref<1x16x768xf32, #tpu.memory_space<vmem>>
    %dma_wait3A_1929 = tpu.memref_squeeze %dma_wait3A_1928 : memref<1x16x768xf32, #tpu.memory_space<vmem>> -> memref<16x768xf32, #tpu.memory_space<vmem>>
    %dma_wait3A_1930 = arith.constant 0 : i32
    %dma_wait3A_1931 = tpu.memref_slice %arg5[%add3A_1812, %dma_wait3A_1930] : memref<16384x768xf32, #tpu.memory_space<hbm>> -> memref<16x768xf32, #tpu.memory_space<hbm>>
    %dma_wait3A_1932 = arith.constant 0 : i32
    %dma_wait3A_1933 = tpu.memref_slice %arg5[%add3A_1812, %dma_wait3A_1932] : memref<16384x768xf32, #tpu.memory_space<hbm>> -> memref<16x768xf32, #tpu.memory_space<hbm>>
    %dma_wait3A_1934 = arith.constant 16 : i32
    %dma_wait3A_1935 = arith.constant 0 : i32
    %dma_wait3A_1936 = tpu.memref_slice %arg7[%dma_wait3A_1925, %dma_wait3A_1934, %dma_wait3A_1935] : memref<2x64x768xf32, #tpu.memory_space<vmem>> -> memref<1x16x768xf32, #tpu.memory_space<vmem>>
    %dma_wait3A_1937 = tpu.memref_squeeze %dma_wait3A_1936 : memref<1x16x768xf32, #tpu.memory_space<vmem>> -> memref<16x768xf32, #tpu.memory_space<vmem>>
    tpu.wait_dma2 semaphore(%arg14 : memref<!tpu.dma_semaphore, #tpu.memory_space<semaphore_mem>>) src(%dma_wait3A_1937 : memref<16x768xf32, #tpu.memory_space<vmem>>) dst(%dma_wait3A_1933 : memref<16x768xf32, #tpu.memory_space<hbm>>)
    %dma_wait3A_1938 = arith.constant 1 : i32
    %dma_wait3A_1939 = arith.constant 32 : i32
    %dma_wait3A_1940 = arith.constant 0 : i32
    %dma_wait3A_1941 = tpu.memref_slice %arg7[%dma_wait3A_1938, %dma_wait3A_1939, %dma_wait3A_1940] : memref<2x64x768xf32, #tpu.memory_space<vmem>> -> memref<1x16x768xf32, #tpu.memory_space<vmem>>
    %dma_wait3A_1942 = tpu.memref_squeeze %dma_wait3A_1941 : memref<1x16x768xf32, #tpu.memory_space<vmem>> -> memref<16x768xf32, #tpu.memory_space<vmem>>
    %dma_wait3A_1943 = arith.constant 0 : i32
    %dma_wait3A_1944 = tpu.memref_slice %arg5[%add3A_1829, %dma_wait3A_1943] : memref<16384x768xf32, #tpu.memory_space<hbm>> -> memref<16x768xf32, #tpu.memory_space<hbm>>
    %dma_wait3A_1945 = arith.constant 0 : i32
    %dma_wait3A_1946 = tpu.memref_slice %arg5[%add3A_1829, %dma_wait3A_1945] : memref<16384x768xf32, #tpu.memory_space<hbm>> -> memref<16x768xf32, #tpu.memory_space<hbm>>
    %dma_wait3A_1947 = arith.constant 32 : i32
    %dma_wait3A_1948 = arith.constant 0 : i32
    %dma_wait3A_1949 = tpu.memref_slice %arg7[%dma_wait3A_1938, %dma_wait3A_1947, %dma_wait3A_1948] : memref<2x64x768xf32, #tpu.memory_space<vmem>> -> memref<1x16x768xf32, #tpu.memory_space<vmem>>
    %dma_wait3A_1950 = tpu.memref_squeeze %dma_wait3A_1949 : memref<1x16x768xf32, #tpu.memory_space<vmem>> -> memref<16x768xf32, #tpu.memory_space<vmem>>
    tpu.wait_dma2 semaphore(%arg14 : memref<!tpu.dma_semaphore, #tpu.memory_space<semaphore_mem>>) src(%dma_wait3A_1950 : memref<16x768xf32, #tpu.memory_space<vmem>>) dst(%dma_wait3A_1946 : memref<16x768xf32, #tpu.memory_space<hbm>>)
    %dma_wait3A_1951 = arith.constant 1 : i32
    %dma_wait3A_1952 = arith.constant 48 : i32
    %dma_wait3A_1953 = arith.constant 0 : i32
    %dma_wait3A_1954 = tpu.memref_slice %arg7[%dma_wait3A_1951, %dma_wait3A_1952, %dma_wait3A_1953] : memref<2x64x768xf32, #tpu.memory_space<vmem>> -> memref<1x16x768xf32, #tpu.memory_space<vmem>>
    %dma_wait3A_1955 = tpu.memref_squeeze %dma_wait3A_1954 : memref<1x16x768xf32, #tpu.memory_space<vmem>> -> memref<16x768xf32, #tpu.memory_space<vmem>>
    %dma_wait3A_1956 = arith.constant 0 : i32
    %dma_wait3A_1957 = tpu.memref_slice %arg5[%add3A_1846, %dma_wait3A_1956] : memref<16384x768xf32, #tpu.memory_space<hbm>> -> memref<16x768xf32, #tpu.memory_space<hbm>>
    %dma_wait3A_1958 = arith.constant 0 : i32
    %dma_wait3A_1959 = tpu.memref_slice %arg5[%add3A_1846, %dma_wait3A_1958] : memref<16384x768xf32, #tpu.memory_space<hbm>> -> memref<16x768xf32, #tpu.memory_space<hbm>>
    %dma_wait3A_1960 = arith.constant 48 : i32
    %dma_wait3A_1961 = arith.constant 0 : i32
    %dma_wait3A_1962 = tpu.memref_slice %arg7[%dma_wait3A_1951, %dma_wait3A_1960, %dma_wait3A_1961] : memref<2x64x768xf32, #tpu.memory_space<vmem>> -> memref<1x16x768xf32, #tpu.memory_space<vmem>>
    %dma_wait3A_1963 = tpu.memref_squeeze %dma_wait3A_1962 : memref<1x16x768xf32, #tpu.memory_space<vmem>> -> memref<16x768xf32, #tpu.memory_space<vmem>>
    tpu.wait_dma2 semaphore(%arg14 : memref<!tpu.dma_semaphore, #tpu.memory_space<semaphore_mem>>) src(%dma_wait3A_1963 : memref<16x768xf32, #tpu.memory_space<vmem>>) dst(%dma_wait3A_1959 : memref<16x768xf32, #tpu.memory_space<hbm>>)
    return
  }
}

</mosaic_0001>

<sc_bundles>
// kernel: _emb_call.3.cloned.1.call-start
scs
__scs_entry_jumppad:
0x0: {  	(pc) =	sbr.rel $0x88, $3  }
0x1: {  	(tag) =	ssettag $0x0;
	lr =	simm.s32 $0x1  }
0x2: {  	[smem:$0x3F9E] =	sst lr;
	_ =	strace $0xD0000000  }
0x3: {  	_ = 	snop  }
0x4: {  	_ = 	snop  }
0x5: {  	_ = 	snop  }
0x6: {  	_ = 	snop  }
0x7: {  	_ = 	snop  }
__scs_overlays_trampoline_lowered:
0x8: {  	[smem:$0x3FAD] =	sst s0  }
0x9: {  	[smem:$0x3FAE] =	sst s1  }
0xa: {  	[smem:$0x3FAF] =	sst s2  }
0xb: {  	[smem:$0x3FB0] =	sst s3  }
0xc: {  	[smem:$0x3FB1] =	sst s4  }
0xd: {  	[smem:$0x3FB2] =	sst s5  }
0xe: {  	[smem:$0x3FB3] =	sst s6  }
0xf: {  	[smem:$0x3FB4] =	sst s7  }
0x10: {  	[smem:$0x3FB5] =	sst s8  }
0x11: {  	[smem:$0x3FB6] =	sst s9;
	s0 =	simm.s32 @!p0 $0x0  }
0x12: {  	s1 =	sld [smem:$0x3F9C];
	s0 =	simm.s32 @p0 $0x1  }
0x13: {  	[smem:$0x3FB7] =	sst s0;
	s0 =	simm.s32 @!p1 $0x0  }
0x14: {  	s2 =	sld [smem:$0x3F9B];
	s0 =	simm.s32 @p1 $0x1  }
0x15: {  	[smem:$0x3FB8] =	sst s0;
	s0 =	simm.s32 @!p2 $0x0  }
0x16: {  	s3 =	sld [smem:$0x3FDB];
	s0 =	simm.s32 @p2 $0x1  }
0x17: {  	s4 =	simm.s32 $0x1BF5;
	[smem:$0x3FBA] =	sst s0  }
0x18: {  	s0 =	sld [smem:$0x3F9D];
	_ =	swait.ge [sflag:s4], $0x0  }
0x19: {  	s7 =	sld [smem:$0x3F9E]  }
0x1a: {  	s8 =	sadd.s32 $0xFFFFE003, lr  }
0x1b: {  	s9 =	sadd.s32 $0xFFFFFEF7, lr;
	s5 =	simm.s32 $0xFFFFFFFF;
	p2 =	slt.u32 s8, $0xFFFFF086  }
0x1c: {  	p1 =	slt.u32 s9, $0xF7A;
	s5 =	simm.s32 @!p2 $0x0  }
0x1d: {  	s5 =	simm.s32 @p1 $0x1;
	p0 =	seq.s32 s7, s2  }
0x1e: {  	s7 =	smul.u32 @!p0 $0xF7A, s2;
	p2 =	seq.s32 @!p0 s5, $0x0  }
0x1f: {  	s9 =	smul.u32 $0xF7A, s1;
	s8 =	simm.s32 @!p0 $0x1BF5;
	p2 =	por !p2, p0  }
0x20: {  	[sflag:s8] =	ssyncset.s32 @!p0 $0xFFFFF086;
	s6 =	sadd.s32 @!p0 s3, s7;
	s7 =	simm.s32 @!p0 $0x108  }
0x21: {  	s3 =	sadd.s32 s3, s9;
	s6 =	sadd.s32 @!p0 $0x88, s6;
	s7 =	simm.s32 @p2 $0x1082  }
0x22: {  	[simem:s7], [sflag:s8] =	dma.local @!p0 [hbm:s6], $0xF7A  }
0x23: {  	s9 =	sor.u32 $0xD0000000, s2;
	s6 =	simm.s32 $0x108;
	_ =	swait.ge @!p0 [sflag:s8], $0x0  }
0x24: {  	s3 =	sadd.s32 $0x88, s3;
	s6 =	simm.s32 @!p1 $0x1082;
	[sflag:s4] =	ssyncset.s32 $0xFFFFF086  }
0x25: {  	[simem:s6], [sflag:s4] =	dma.local [hbm:s3], $0xF7A  }
0x26: {  	[smem:$0x3F9E] =	sst s1;
	(tag) =	ssettag s2;
	_ =	strace s9  }
0x27: {  	s1 =	sld [smem:$0x3FAE]  }
0x28: {  	s2 =	sld [smem:$0x3FAF]  }
0x29: {  	s4 =	sld [smem:$0x3FB1]  }
0x2a: {  	p0 =	seq.s32 s5, $0x0;
	s5 =	sld [smem:$0x3FB2]  }
0x2b: {  	s6 =	sld [smem:$0x3FB3]  }
0x2c: {  	s7 =	sld [smem:$0x3FB4]  }
0x2d: {  	s3 =	simm.s32 $0x108;
	s8 =	sld [smem:$0x3FB5]  }
0x2e: {  	s3 =	simm.s32 @!p0 $0x1082;
	s9 =	sld [smem:$0x3FB6]  }
0x2f: {  	lr =	sadd.s32 s0, s3;
	s0 =	sld [smem:$0x3FAD]  }
0x30: {  	s3 =	sld [smem:$0x3FB0]  }
0x31: {  	[smem:$0x3FB9] =	sst s10  }
0x32: {  	s10 =	sld [smem:$0x3FB7];
	_ =	sdelay $0x3  }
0x33: {  	p0 =	seq.s32 s10, $0x1;
	s10 =	sld [smem:$0x3FB9];
	_ =	sdelay $0x3  }
0x34: {  	[smem:$0x3FB9] =	sst s10  }
0x35: {  	s10 =	sld [smem:$0x3FB8];
	_ =	sdelay $0x3  }
0x36: {  	p1 =	seq.s32 s10, $0x1;
	s10 =	sld [smem:$0x3FB9];
	_ =	sdelay $0x3  }
0x37: {  	[smem:$0x3FB9] =	sst s10  }
0x38: {  	s10 =	sld [smem:$0x3FBA]  }
0x39: {  	_ = 	snop;
	(pc) =	sbr.ind lr, $3  }
0x3a: {  	_ = 	snop  }
0x3b: {  	_ = 	snop  }
0x3c: {  	p2 =	seq.s32 s10, $0x1;
	s10 =	sld [smem:$0x3FB9]  }
0x3d: {  	_ =	shalt  }
0x3e: {  	_ =	shalt  }
0x3f: {  	_ =	shalt  }
0x40: {  	_ =	shalt  }
0x41: {  	_ =	shalt  }
0x42: {  	_ =	shalt  }
0x43: {  	_ =	shalt  }
0x44: {  	_ =	shalt  }
0x45: {  	_ =	shalt  }
0x46: {  	_ =	shalt  }
0x47: {  	_ =	shalt  }
0x48: {  	_ =	shalt  }
0x49: {  	_ =	shalt  }
0x4a: {  	_ =	shalt  }
0x4b: {  	_ =	shalt  }
0x4c: {  	_ =	shalt  }
0x4d: {  	_ =	shalt  }
0x4e: {  	_ =	shalt  }
0x4f: {  	_ =	shalt  }
0x50: {  	_ =	shalt  }
0x51: {  	_ =	shalt  }
0x52: {  	_ =	shalt  }
0x53: {  	_ =	shalt  }
0x54: {  	_ =	shalt  }
0x55: {  	_ =	shalt  }
0x56: {  	_ =	shalt  }
0x57: {  	_ =	shalt  }
0x58: {  	_ =	shalt  }
0x59: {  	_ =	shalt  }
0x5a: {  	_ =	shalt  }
0x5b: {  	_ =	shalt  }
0x5c: {  	_ =	shalt  }
0x5d: {  	_ =	shalt  }
0x5e: {  	_ =	shalt  }
0x5f: {  	_ =	shalt  }
0x60: {  	_ =	shalt  }
0x61: {  	_ =	shalt  }
0x62: {  	_ =	shalt  }
0x63: {  	_ =	shalt  }
0x64: {  	_ =	shalt  }
0x65: {  	_ =	shalt  }
0x66: {  	_ =	shalt  }
0x67: {  	_ =	shalt  }
0x68: {  	_ =	shalt  }
0x69: {  	_ =	shalt  }
0x6a: {  	_ =	shalt  }
0x6b: {  	_ =	shalt  }
0x6c: {  	_ =	shalt  }
0x6d: {  	_ =	shalt  }
0x6e: {  	_ =	shalt  }
0x6f: {  	_ =	shalt  }
0x70: {  	_ =	shalt  }
0x71: {  	_ =	shalt  }
0x72: {  	_ =	shalt  }
0x73: {  	_ =	shalt  }
0x74: {  	_ =	shalt  }
0x75: {  	_ =	shalt  }
0x76: {  	_ =	shalt  }
0x77: {  	_ =	shalt  }
0x78: {  	_ =	shalt  }
0x79: {  	_ =	shalt  }
0x7a: {  	_ =	shalt  }
0x7b: {  	_ =	shalt  }
0x7c: {  	_ =	shalt  }
0x7d: {  	_ =	shalt  }
0x7e: {  	_ =	shalt  }
0x7f: {  	_ =	shalt  }
0x80: {  	_ =	shalt  }
0x81: {  	_ =	shalt  }
0x82: {  	_ =	shalt  }
0x83: {  	_ =	shalt  }
0x84: {  	_ =	shalt  }
0x85: {  	_ =	shalt  }
0x86: {  	_ =	shalt  }
0x87: {  	_ =	shalt  }
.Lfunc_end0:
.L_simem_size_0:
called_computation_lowered:
.L_overlay_start_0:
0x88: {  	s2 =	sld [smem:$0x3FD9]  }
0x89: {  	s3 =	sld [smem:$0x3FFE];
	_ =	sdelay $0x1  }
0x8a: {  	s1 =	srdreg.scid  }
0x8b: {  	s0 =	sand.u32 $0x1, s1  }
0x8c: {  	s18 =	sshll.u32 s0, $0xA;
	s2 =	sadd.s32 s3, s2  }
0x8d: {  	s2 =	sadd.s32 s2, s18  }
0x8e: {  	[smem:$0x3FC5] =	sst s2  }
0x8f: {  	_ = 	snop  }
0x90: {  	s2 =	sld [smem:$0x3FC9]  }
0x91: {  	s19 =	sld [smem:$0x3FC8]  }
0x92: {  	s4 =	sld [smem:$0x3FC7]  }
0x93: {  	s5 =	sld [smem:$0x3FD0];
	(tm) =	ssettm $0x1  }
0x94: {  	s6 =	sld [smem:$0x3FFB];
	_ =	sdelay $0x3  }
0x95: {  	_ =	strace s6  }
0x96: {  	s6 =	sld [smem:$0x3FFC];
	_ =	sdelay $0x3  }
0x97: {  	_ =	strace s6  }
0x98: {  	s6 =	sld [smem:$0x3FFD];
	_ =	sdelay $0x3  }
0x99: {  	_ =	strace s6  }
0x9a: {  	_ =	strace $0x8FFFFFFF  }
0x9b: {  	s20 =	sld [smem:$0x3FDB];
	_ =	sdelay $0x1  }
0x9c: {  	s7 =	simm.s32 $_scs_section_size  }
0x9d: {  	s8 =	simm.s32 $_size__tile_overlayer_lowered;
	s9 =	simm.s32 $_tile_overlayer_lowered  }
0x9e: {  	s23 =	simm.s32 $0x1BFF;
	s22 =	sshll.u32 s9, $0x1;
	s6 =	sadd.s32 s7, s20  }
0x9f: {  	s10 =	simm.s32 $0x0;
	s21 =	sshll.u32 s8, $0x1;
	s8 =	sadd.s32 s22, s6  }
0xa0: {  	[timem:s10], [sflag:s23] =	dma.local [hbm:s8], s21  }
0xa1: {  	_ =	swait.ge [sflag:s23], s21  }
0xa2: {  	s7 =	ssub.s32 $0x0, s21;
	[sflag:s23] =	ssyncset.done $0x0  }
0xa3: {  	[sflag:s23] =	ssyncadd.s32 s7;
	_ =	sdelay $0x1  }
0xa4: {  	s24 =	simm.s32 $0x1B8B  }
0xa5: {  	_ =	swait.ge [sflag:s24], $0x1  }
0xa6: {  	[sflag:s24] =	ssyncset.done $0x0  }
0xa7: {  	s25 =	simm.s32 $0x1B8E;
	[sflag:s24] =	ssyncadd.s32 $0xFFFFFFFF  }
0xa8: {  	s26 =	simm.s32 $execute0_lowered;
	[smem:$0x3FD2] =	sst s25  }
0xa9: {  	s7 =	sshll.u32 s26, $0x1;
	_ =	strace $0x80000046;
	[dreg:$0x1] =	wrdreg $0xFFFFFFFF  }
0xaa: {  	s28 =	simm.s32 $_size_execute0_lowered;
	s6 =	sadd.s32 s6, s7;
	[dreg:$0x0] =	wrdreg $0x0  }
0xab: {  	s7 =	sshll.u32 s28, $0x1;
	[dreg:$0x2] =	wrdreg s6  }
0xac: {  	[dreg:$0x3] =	wrdreg s7  }
0xad: {  	[dreg:$0x4] =	wrdreg $0xC0  }
0xae: {  	_ =	task [dreg:s10], $0x5FFFF  }
0xaf: {  	[dreg:$0x1] =	wrdreg $0xFFFFFFFF  }
0xb0: {  	[dreg:$0x0] =	wrdreg $0x60  }
0xb1: {  	[dreg:$0x2] =	wrdreg s2  }
0xb2: {  	[dreg:$0x3] =	wrdreg s19  }
0xb3: {  	[dreg:$0x4] =	wrdreg s4  }
0xb4: {  	[dreg:$0x5] =	wrdreg s5  }
0xb5: {  	[dreg:$0x6] =	wrdreg $0x9  }
0xb6: {  	_ =	task.clear_ibuf [dreg:s10], $0x7FFFF;
	_ =	strace $0x90000046  }
0xb7: {  	s29 =	simm.s32 $0x9;
	_ =	strace $0x80000048  }
0xb8: {  	_ =	swait.ge [sflag:s29], $0x1  }
0xb9: {  	[sflag:s29] =	ssyncadd.s32 $0xFFFFFFFF  }
0xba: {  	_ =	strace $0x90000048  }
0xbb: {  	_ =	sfence  }
0xbc: {  	s30 =	sld [smem:$0x0];
	_ =	sdelay $0x2  }
0xbd: {  	s31 =	sshll.u32 s1, $0xD;
	s1 =	sshrl.u32 s1, $0x2  }
0xbe: {  	s3 =	sand.u32 $0x4000, s31;
	s1 =	sadd.s32 s1, s30  }
0xbf: {  	s0 =	sor.u32 s3, s0;
	s1 =	sshll.u32 s1, $0x11  }
0xc0: {  	s0 =	sor.u32 s1, s0  }
0xc1: {  	s0 =	sadd.s32 $0x8F2B, s0  }
0xc2: {  	[sflag:s0] =	ssyncadd.remote.s32 $0x1  }
0xc3: {  	_ =	sfence.sel $0xFFFF  }
0xc4: {  	[dreg:$0x0] =	wrdreg $0xFFFFFFFF;
	(pc) =	sbr.abs _section_cstart, $3  }
0xc5: {  	[dreg:$0x1] =	wrdreg $0xFFFFFFFF  }
0xc6: {  	_ =	task.clear_ibuf [dreg:s10], $0x2FFFF;
	_ =	strace $0x9FFFFFFF  }
0xc7: {  	(tm) =	ssettm $0x7FFFFFFF  }
tec
execute0_lowered:
.L_overlay_start_1:
0x0: {  	(tag) =	ssettag $0x1  }
0x1: {  	s5 =	rddreg [dreg:$0x0]  }
0x2: {  	s1 =	rddreg [dreg:$0x1]  }
0x3: {  	s4 =	rddreg [dreg:$0x2];
	s2 =	srdreg.scid  }
0x4: {  	s6 =	stileid.u32;
	s3 =	simm.s32 $0x0;
	s2 =	sand.u32 $0x1, s2  }
0x5: {  	s6 =	sshll.u32 s6, $0x5;
	[smem:$0x7FF] =	sst s3;
	s7 =	sshll.u32 s2, $0x4  }
0x6: {  	s0 =	rddreg [dreg:$0x3];
	_ =	strace $0x80000047;
	s6 =	sor.u32 s7, s6  }
0x7: {  	s7 =	sadd.s32 s5, s6;
	s8 =	sor.u32 $0x200, s6;
	s9 =	sor.u32 $0x400, s6  }
0x8: {  	s10 =	sor.u32 $0x600, s6;
	[dreg:$0x5] =	wrdreg s7;
	s23 =	sadd.s32 s5, s8  }
0x9: {  	s25 =	smul.u32 $0x300, s6;
	s24 =	sadd.s32 s5, s9;
	[dreg:$0x6] =	wrdreg s23  }
0xa: {  	s5 =	sadd.s32 s5, s10;
	s8 =	smul.u32 $0x300, s8;
	[dreg:$0x7] =	wrdreg s24  }
0xb: {  	[dreg:$0x8] =	wrdreg s5;
	s26 =	sadd.s32 s4, s25;
	s11 =	sor.u32 $0x600, s25  }
0xc: {  	s9 =	smul.u32 $0x300, s9;
	[dreg:$0x9] =	wrdreg s26;
	s28 =	sadd.s32 s4, s11  }
0xd: {  	s30 =	smul.u32 $0x300, s10;
	s29 =	sadd.s32 s0, s8;
	[dreg:$0xa] =	wrdreg s28  }
0xe: {  	s31 =	sadd.s32 s0, s9;
	[dreg:$0xb] =	wrdreg s29  }
0xf: {  	s10 =	sor.u32 $0xC00, s25;
	s8 =	sadd.s32 s0, s30;
	[dreg:$0xc] =	wrdreg s31  }
0x10: {  	s12 =	sadd.s32 s4, s10;
	[dreg:$0xd] =	wrdreg s8  }
0x11: {  	s13 =	sadd.s32 s0, s11;
	[dreg:$0xe] =	wrdreg s12  }
0x12: {  	s19 =	sadd.s32 s0, s10;
	[dreg:$0xf] =	wrdreg s13  }
0x13: {  	s6 =	smul.u32 $0x1800, s6;
	s9 =	sadd.s32 s0, s25;
	[dreg:$0x14] =	wrdreg s19  }
0x14: {  	s14 =	sadd.s32 $0x60600, s9;
	[smem:$0x7F9] =	sst s9  }
0x15: {  	s6 =	sshrl.u32 s6, $0x3;
	s15 =	sadd.s32 $0xC0600, s9;
	[dreg:$0x10] =	wrdreg s14  }
0x16: {  	s17 =	sadd.s32 $0x1200, s6;
	s16 =	sadd.s32 $0x120600, s9;
	[dreg:$0x11] =	wrdreg s15  }
0x17: {  	s18 =	sadd.s32 s4, s17;
	[dreg:$0x12] =	wrdreg s16  }
0x18: {  	s20 =	sadd.s32 $0x60C00, s9;
	[dreg:$0x13] =	wrdreg s18  }
0x19: {  	s21 =	sadd.s32 $0xC0C00, s9;
	[dreg:$0x15] =	wrdreg s20  }
0x1a: {  	s23 =	sadd.s32 $0x1800, s6;
	s22 =	sadd.s32 $0x120C00, s9;
	[dreg:$0x16] =	wrdreg s21  }
0x1b: {  	s24 =	sadd.s32 s4, s23;
	[dreg:$0x17] =	wrdreg s22  }
0x1c: {  	s25 =	sadd.s32 s0, s17;
	[dreg:$0x18] =	wrdreg s24  }
0x1d: {  	s26 =	sadd.s32 $0x61200, s9;
	[dreg:$0x19] =	wrdreg s25  }
0x1e: {  	s28 =	sadd.s32 $0xC1200, s9;
	[dreg:$0x1a] =	wrdreg s26  }
0x1f: {  	s30 =	sadd.s32 $0x1E00, s6;
	s29 =	sadd.s32 $0x121200, s9;
	[dreg:$0x1b] =	wrdreg s28  }
0x20: {  	s31 =	sadd.s32 s4, s30;
	[dreg:$0x1c] =	wrdreg s29  }
0x21: {  	s10 =	sadd.s32 s0, s23;
	[dreg:$0x1d] =	wrdreg s31  }
0x22: {  	s11 =	sadd.s32 $0x61800, s9;
	[dreg:$0x1e] =	wrdreg s10  }
0x23: {  	s12 =	sadd.s32 $0xC1800, s9;
	[dreg:$0x1f] =	wrdreg s11  }
0x24: {  	s13 =	sadd.s32 $0x121800, s9;
	[smem:$0x7EA] =	sst s12  }
0x25: {  	s17 =	sadd.s32 $0x61E00, s9;
	[smem:$0x7EB] =	sst s13  }
0x26: {  	s19 =	sadd.s32 $0x121E00, s9;
	[smem:$0x7EE] =	sst s17  }
0x27: {  	s23 =	sadd.s32 $0x122400, s9;
	[smem:$0x7F0] =	sst s19  }
0x28: {  	s16 =	sadd.s32 s0, s30;
	[smem:$0x7F5] =	sst s23  }
0x29: {  	s18 =	sadd.s32 $0xC1E00, s9;
	[smem:$0x7ED] =	sst s16  }
0x2a: {  	s2 =	ssub.s32 $0x2, s2;
	s21 =	sadd.s32 $0x62400, s9;
	[smem:$0x7EF] =	sst s18  }
0x2b: {  	s5 =	sadd.s32 $0x100, s1;
	s22 =	sadd.s32 $0xC2400, s9;
	[smem:$0x7F3] =	sst s21  }
0x2c: {  	s14 =	sadd.s32 $0x2400, s6;
	s25 =	sadd.s32 $0x62A00, s9;
	[smem:$0x7F4] =	sst s22  }
0x2d: {  	s6 =	sadd.s32 $0x2A00, s6;
	s26 =	sadd.s32 $0xC2A00, s9;
	[smem:$0x7F7] =	sst s25  }
0x2e: {  	s24 =	sshrl.u32 s2, $0x1;
	s28 =	sadd.s32 $0x122A00, s9;
	[smem:$0x7F8] =	sst s26  }
0x2f: {  	s29 =	simm.s32 $0x80;
	s30 =	simm.s32 $0x100;
	[smem:$0x7FA] =	sst s28  }
0x30: {  	s31 =	simm.s32 $0x180;
	s19 =	simm.s32 $0x5;
	[smem:$0x7FB] =	sst s29  }
0x31: {  	s23 =	simm.s32 $0x6;
	s15 =	sadd.s32 s4, s14;
	[smem:$0x7FC] =	sst s30  }
0x32: {  	s4 =	sadd.s32 s4, s6;
	s20 =	sadd.s32 s0, s14;
	[smem:$0x7FD] =	sst s31  }
0x33: {  	s0 =	sadd.s32 s0, s6;
	s2 =	ssub.s32 s2, s24;
	[smem:$0x7EC] =	sst s15  }
0x34: {  	v2 =	vlaneseq.u32;
	s6 =	sadd.s32 $0x200, s1;
	s16 =	simm.s32 $0x1;
	[smem:$0x7F1] =	sst s4  }
0x35: {  	vm0 =	vmmov $0xffff;
	v1 =	vshrl.u32 v2, $0x3;
	s18 =	simm.s32 $0x3;
	s22 =	simm.s32 $0x4;
	[smem:$0x7F2] =	sst s20  }
0x36: {  	v0 =	vand.u32 $0x7, v2;
	v2 =	vor.u32 $0x8, v2;
	v1 =	vmul.u32 $0x8, v1;
	[smem:$0x7F6] =	sst s0;
	s7 =	smax.u32 s2, $0x1;
	s20 =	simm.s32 $0x2  }
.LBB2_1:
0x37: {  	s25 =	rddreg [dreg:$0x5];
	s0 =	simm.s32 $0x7  }
0x38: {  	[tilespmem:s3], [sflag:$0x7] =	stream.linear.gather [hbm4b:s25+s3], $0x80, $0x38;
	[tilespmem:$0x1E200] =	vst v63  }
0x39: {  	_ =	swait.ge [sflag:s0], $0x80  }
0x3a: {  	s26 =	sld [smem:$0x7FB]  }
0x3b: {  	[sflag:s0] =	ssyncset.done $0x0  }
0x3c: {  	s11 =	rddreg [dreg:$0x6];
	[sflag:s0] =	ssyncadd.s32 $0xFFFFFF80  }
0x3d: {  	[tilespmem:s26], [sflag:$0x7] =	stream.linear.gather [hbm4b:s11+s3], $0x80, $0x38;
	[tilespmem:$0x1E200] =	vst v63  }
0x3e: {  	_ =	swait.ge [sflag:s0], $0x80  }
0x3f: {  	s13 =	sld [smem:$0x7FC]  }
0x40: {  	[sflag:s0] =	ssyncset.done $0x0  }
0x41: {  	s12 =	rddreg [dreg:$0x7];
	[sflag:s0] =	ssyncadd.s32 $0xFFFFFF80  }
0x42: {  	[tilespmem:s13], [sflag:$0x7] =	stream.linear.gather [hbm4b:s12+s3], $0x80, $0x38;
	[tilespmem:$0x1E200] =	vst v63  }
0x43: {  	_ =	swait.ge [sflag:s0], $0x80  }
0x44: {  	s15 =	sld [smem:$0x7FD]  }
0x45: {  	[sflag:s0] =	ssyncset.done $0x0  }
0x46: {  	s14 =	rddreg [dreg:$0x8];
	[sflag:s0] =	ssyncadd.s32 $0xFFFFFF80  }
0x47: {  	[tilespmem:s15], [sflag:$0x7] =	stream.linear.gather [hbm4b:s14+s3], $0x80, $0x38;
	[tilespmem:$0x1E200] =	vst v63  }
0x48: {  	_ =	swait.ge [sflag:s0], $0x80  }
0x49: {  	[sflag:s0] =	ssyncset.done $0x0  }
0x4a: {  	[sflag:s0] =	ssyncadd.s32 $0xFFFFFF80  }
0x4b: {  	v3 =	vld [tilespmem:$0x0];
	_ =	sdelay $0x4  }
0x4c: {  	v4 =	vshrl.u32 v3, $0x3  }
0x4d: {  	v4 =	vmul.u32 $0x30, v4  }
0x4e: {  	v3 =	vand.u32 $0x7, v3  }
0x4f: {  	v3 =	vor.u32 v3, v4  }
0x50: {  	v4 =	vperm.xlane v3, v0;
	_ =	sdelay $0x1  }
0x51: {  	v4 =	vadd.s32 v1, v4;
	_ =	sdelay $0x3  }
0x52: {  	s17 =	simm.s32 $0x200;
	v3 =	vperm.xlane v3, v2  }
0x53: {  	[tilespmem:s17], [sflag:$0x1] =	stream.indirect_vreg.gather [hbm4b:s1+s3], $0x80, v4, vm0, $0xb8;
	[tilespmem:$0x1E200] =	vst v63  }
0x54: {  	s4 =	simm.s32 $0xA00;
	v3 =	vadd.s32 v1, v3  }
0x55: {  	[tilespmem:s4], [sflag:$0x1] =	stream.indirect_vreg.gather [hbm4b:s5+s3], $0x80, v4, vm0, $0xb8;
	[tilespmem:$0x1E200] =	vst v63  }
0x56: {  	s21 =	simm.s32 $0x1200  }
0x57: {  	[tilespmem:s21], [sflag:$0x1] =	stream.indirect_vreg.gather [hbm4b:s6+s3], $0x80, v4, vm0, $0xb8;
	[tilespmem:$0x1E200] =	vst v63  }
0x58: {  	s24 =	simm.s32 $0x1A00  }
0x59: {  	[tilespmem:s24], [sflag:$0x1] =	stream.indirect_vreg.gather [hbm4b:s1+s3], $0x80, v3, vm0, $0xb8;
	[tilespmem:$0x1E200] =	vst v63  }
0x5a: {  	s25 =	simm.s32 $0x2200  }
0x5b: {  	[tilespmem:s25], [sflag:$0x1] =	stream.indirect_vreg.gather [hbm4b:s5+s3], $0x80, v3, vm0, $0xb8;
	[tilespmem:$0x1E200] =	vst v63  }
0x5c: {  	s26 =	simm.s32 $0x2A00  }
0x5d: {  	[tilespmem:s26], [sflag:$0x1] =	stream.indirect_vreg.gather [hbm4b:s6+s3], $0x80, v3, vm0, $0xb8;
	[tilespmem:$0x1E200] =	vst v63  }
0x5e: {  	v3 =	vld [tilespmem:$0x80];
	_ =	sdelay $0x4  }
0x5f: {  	v33 =	vshrl.u32 v3, $0x3  }
0x60: {  	v4 =	vmul.u32 $0x30, v33  }
0x61: {  	v3 =	vand.u32 $0x7, v3  }
0x62: {  	v3 =	vor.u32 v3, v4  }
0x63: {  	v4 =	vperm.xlane v3, v0;
	_ =	sdelay $0x1  }
0x64: {  	v4 =	vadd.s32 v1, v4;
	_ =	sdelay $0x3  }
0x65: {  	s28 =	simm.s32 $0x3200;
	v3 =	vperm.xlane v3, v2  }
0x66: {  	[tilespmem:s28], [sflag:$0x1] =	stream.indirect_vreg.gather [hbm4b:s1+s3], $0x80, v4, vm0, $0xb8;
	[tilespmem:$0x1E200] =	vst v63  }
0x67: {  	s29 =	simm.s32 $0x3A00;
	v3 =	vadd.s32 v1, v3  }
0x68: {  	[tilespmem:s29], [sflag:$0x1] =	stream.indirect_vreg.gather [hbm4b:s5+s3], $0x80, v4, vm0, $0xb8;
	[tilespmem:$0x1E200] =	vst v63  }
0x69: {  	s30 =	simm.s32 $0x4200  }
0x6a: {  	[tilespmem:s30], [sflag:$0x1] =	stream.indirect_vreg.gather [hbm4b:s6+s3], $0x80, v4, vm0, $0xb8;
	[tilespmem:$0x1E200] =	vst v63  }
0x6b: {  	s31 =	simm.s32 $0x4A00  }
0x6c: {  	[tilespmem:s31], [sflag:$0x1] =	stream.indirect_vreg.gather [hbm4b:s1+s3], $0x80, v3, vm0, $0xb8;
	[tilespmem:$0x1E200] =	vst v63  }
0x6d: {  	s0 =	simm.s32 $0x5200  }
0x6e: {  	[tilespmem:s0], [sflag:$0x1] =	stream.indirect_vreg.gather [hbm4b:s5+s3], $0x80, v3, vm0, $0xb8;
	[tilespmem:$0x1E200] =	vst v63  }
0x6f: {  	s2 =	simm.s32 $0x5A00  }
0x70: {  	[tilespmem:s2], [sflag:$0x1] =	stream.indirect_vreg.gather [hbm4b:s6+s3], $0x80, v3, vm0, $0xb8;
	[tilespmem:$0x1E200] =	vst v63  }
0x71: {  	v3 =	vld [tilespmem:$0x100];
	_ =	sdelay $0x4  }
0x72: {  	v34 =	vshrl.u32 v3, $0x3  }
0x73: {  	v4 =	vmul.u32 $0x30, v34  }
0x74: {  	v3 =	vand.u32 $0x7, v3  }
0x75: {  	v3 =	vor.u32 v3, v4  }
0x76: {  	v4 =	vperm.xlane v3, v0;
	_ =	sdelay $0x1  }
0x77: {  	v4 =	vadd.s32 v1, v4;
	_ =	sdelay $0x3  }
0x78: {  	s4 =	simm.s32 $0x6200;
	v3 =	vperm.xlane v3, v2  }
0x79: {  	[tilespmem:s4], [sflag:$0x1] =	stream.indirect_vreg.gather [hbm4b:s1+s3], $0x80, v4, vm0, $0xb8;
	[tilespmem:$0x1E200] =	vst v63  }
0x7a: {  	s8 =	simm.s32 $0x6A00;
	v3 =	vadd.s32 v1, v3  }
0x7b: {  	[tilespmem:s8], [sflag:$0x1] =	stream.indirect_vreg.gather [hbm4b:s5+s3], $0x80, v4, vm0, $0xb8;
	[tilespmem:$0x1E200] =	vst v63  }
0x7c: {  	s10 =	simm.s32 $0x7200  }
0x7d: {  	[tilespmem:s10], [sflag:$0x1] =	stream.indirect_vreg.gather [hbm4b:s6+s3], $0x80, v4, vm0, $0xb8;
	[tilespmem:$0x1E200] =	vst v63  }
0x7e: {  	s11 =	simm.s32 $0x7A00  }
0x7f: {  	[tilespmem:s11], [sflag:$0x1] =	stream.indirect_vreg.gather [hbm4b:s1+s3], $0x80, v3, vm0, $0xb8;
	[tilespmem:$0x1E200] =	vst v63  }
0x80: {  	s12 =	simm.s32 $0x8200  }
0x81: {  	[tilespmem:s12], [sflag:$0x1] =	stream.indirect_vreg.gather [hbm4b:s5+s3], $0x80, v3, vm0, $0xb8;
	[tilespmem:$0x1E200] =	vst v63  }
0x82: {  	s13 =	simm.s32 $0x8A00  }
0x83: {  	[tilespmem:s13], [sflag:$0x1] =	stream.indirect_vreg.gather [hbm4b:s6+s3], $0x80, v3, vm0, $0xb8;
	[tilespmem:$0x1E200] =	vst v63  }
0x84: {  	v3 =	vld [tilespmem:$0x180];
	_ =	sdelay $0x4  }
0x85: {  	v35 =	vshrl.u32 v3, $0x3  }
0x86: {  	v4 =	vmul.u32 $0x30, v35  }
0x87: {  	v3 =	vand.u32 $0x7, v3  }
0x88: {  	v3 =	vor.u32 v3, v4  }
0x89: {  	v4 =	vperm.xlane v3, v0;
	_ =	sdelay $0x1  }
0x8a: {  	v4 =	vadd.s32 v1, v4;
	_ =	sdelay $0x3  }
0x8b: {  	s14 =	simm.s32 $0x9200;
	v3 =	vperm.xlane v3, v2  }
0x8c: {  	[tilespmem:s14], [sflag:$0x1] =	stream.indirect_vreg.gather [hbm4b:s1+s3], $0x80, v4, vm0, $0xb8;
	[tilespmem:$0x1E200] =	vst v63  }
0x8d: {  	s15 =	simm.s32 $0x9A00;
	v3 =	vadd.s32 v1, v3  }
0x8e: {  	[tilespmem:s15], [sflag:$0x1] =	stream.indirect_vreg.gather [hbm4b:s5+s3], $0x80, v4, vm0, $0xb8;
	[tilespmem:$0x1E200] =	vst v63  }
0x8f: {  	s17 =	simm.s32 $0xA200  }
0x90: {  	[tilespmem:s17], [sflag:$0x1] =	stream.indirect_vreg.gather [hbm4b:s6+s3], $0x80, v4, vm0, $0xb8;
	[tilespmem:$0x1E200] =	vst v63  }
0x91: {  	s25 =	simm.s32 $0xAA00  }
0x92: {  	[tilespmem:s25], [sflag:$0x1] =	stream.indirect_vreg.gather [hbm4b:s1+s3], $0x80, v3, vm0, $0xb8;
	[tilespmem:$0x1E200] =	vst v63  }
0x93: {  	s26 =	simm.s32 $0xB200  }
0x94: {  	[tilespmem:s26], [sflag:$0x1] =	stream.indirect_vreg.gather [hbm4b:s5+s3], $0x80, v3, vm0, $0xb8;
	[tilespmem:$0x1E200] =	vst v63  }
0x95: {  	s29 =	simm.s32 $0xBA00  }
0x96: {  	[tilespmem:s29], [sflag:$0x1] =	stream.indirect_vreg.gather [hbm4b:s6+s3], $0x80, v3, vm0, $0xb8;
	[tilespmem:$0x1E200] =	vst v63  }
0x97: {  	s28 =	rddreg [dreg:$0x9];
	s30 =	simm.s32 $0x18200  }
0x98: {  	[tilespmem:s30], [sflag:$0x3] =	stream.linear.gather [hbm4b:s28+s3], $0x3000, $0x38;
	[tilespmem:$0x1E200] =	vst v63  }
0x99: {  	v3 =	vld [tilespmem:$0x10];
	_ =	sdelay $0x4  }
0x9a: {  	v36 =	vshrl.u32 v3, $0x3  }
0x9b: {  	v4 =	vmul.u32 $0x30, v36  }
0x9c: {  	v3 =	vand.u32 $0x7, v3  }
0x9d: {  	v3 =	vor.u32 v3, v4  }
0x9e: {  	v4 =	vperm.xlane v3, v0;
	_ =	sdelay $0x1  }
0x9f: {  	v4 =	vadd.s32 v1, v4;
	_ =	sdelay $0x3  }
0xa0: {  	s31 =	simm.s32 $0xC200;
	v3 =	vperm.xlane v3, v2  }
0xa1: {  	[tilespmem:s31], [sflag:$0x2] =	stream.indirect_vreg.gather [hbm4b:s1+s3], $0x80, v4, vm0, $0xb8;
	[tilespmem:$0x1E200] =	vst v63  }
0xa2: {  	s2 =	simm.s32 $0xCA00;
	v3 =	vadd.s32 v1, v3  }
0xa3: {  	[tilespmem:s2], [sflag:$0x2] =	stream.indirect_vreg.gather [hbm4b:s5+s3], $0x80, v4, vm0, $0xb8;
	[tilespmem:$0x1E200] =	vst v63  }
0xa4: {  	s4 =	simm.s32 $0xD200  }
0xa5: {  	[tilespmem:s4], [sflag:$0x2] =	stream.indirect_vreg.gather [hbm4b:s6+s3], $0x80, v4, vm0, $0xb8;
	[tilespmem:$0x1E200] =	vst v63  }
0xa6: {  	s8 =	simm.s32 $0xDA00  }
0xa7: {  	[tilespmem:s8], [sflag:$0x2] =	stream.indirect_vreg.gather [hbm4b:s1+s3], $0x80, v3, vm0, $0xb8;
	[tilespmem:$0x1E200] =	vst v63  }
0xa8: {  	s10 =	simm.s32 $0xE200  }
0xa9: {  	[tilespmem:s10], [sflag:$0x2] =	stream.indirect_vreg.gather [hbm4b:s5+s3], $0x80, v3, vm0, $0xb8;
	[tilespmem:$0x1E200] =	vst v63  }
0xaa: {  	s11 =	simm.s32 $0xEA00  }
0xab: {  	[tilespmem:s11], [sflag:$0x2] =	stream.indirect_vreg.gather [hbm4b:s6+s3], $0x80, v3, vm0, $0xb8;
	[tilespmem:$0x1E200] =	vst v63  }
0xac: {  	v3 =	vld [tilespmem:$0x90];
	_ =	sdelay $0x4  }
0xad: {  	v37 =	vshrl.u32 v3, $0x3  }
0xae: {  	v4 =	vmul.u32 $0x30, v37  }
0xaf: {  	v3 =	vand.u32 $0x7, v3  }
0xb0: {  	v3 =	vor.u32 v3, v4  }
0xb1: {  	v4 =	vperm.xlane v3, v0;
	_ =	sdelay $0x1  }
0xb2: {  	v4 =	vadd.s32 v1, v4;
	_ =	sdelay $0x3  }
0xb3: {  	s12 =	simm.s32 $0xF200;
	v3 =	vperm.xlane v3, v2  }
0xb4: {  	[tilespmem:s12], [sflag:$0x2] =	stream.indirect_vreg.gather [hbm4b:s1+s3], $0x80, v4, vm0, $0xb8;
	[tilespmem:$0x1E200] =	vst v63  }
0xb5: {  	s13 =	simm.s32 $0xFA00;
	v3 =	vadd.s32 v1, v3  }
0xb6: {  	[tilespmem:s13], [sflag:$0x2] =	stream.indirect_vreg.gather [hbm4b:s5+s3], $0x80, v4, vm0, $0xb8;
	[tilespmem:$0x1E200] =	vst v63  }
0xb7: {  	s14 =	simm.s32 $0x10200  }
0xb8: {  	[tilespmem:s14], [sflag:$0x2] =	stream.indirect_vreg.gather [hbm4b:s6+s3], $0x80, v4, vm0, $0xb8;
	[tilespmem:$0x1E200] =	vst v63  }
0xb9: {  	s15 =	simm.s32 $0x10A00  }
0xba: {  	[tilespmem:s15], [sflag:$0x2] =	stream.indirect_vreg.gather [hbm4b:s1+s3], $0x80, v3, vm0, $0xb8;
	[tilespmem:$0x1E200] =	vst v63  }
0xbb: {  	s17 =	simm.s32 $0x11200  }
0xbc: {  	[tilespmem:s17], [sflag:$0x2] =	stream.indirect_vreg.gather [hbm4b:s5+s3], $0x80, v3, vm0, $0xb8;
	[tilespmem:$0x1E200] =	vst v63  }
0xbd: {  	s26 =	simm.s32 $0x11A00  }
0xbe: {  	[tilespmem:s26], [sflag:$0x2] =	stream.indirect_vreg.gather [hbm4b:s6+s3], $0x80, v3, vm0, $0xb8;
	[tilespmem:$0x1E200] =	vst v63  }
0xbf: {  	v3 =	vld [tilespmem:$0x110];
	_ =	sdelay $0x4  }
0xc0: {  	v38 =	vshrl.u32 v3, $0x3  }
0xc1: {  	v4 =	vmul.u32 $0x30, v38  }
0xc2: {  	v3 =	vand.u32 $0x7, v3  }
0xc3: {  	v3 =	vor.u32 v3, v4  }
0xc4: {  	v4 =	vperm.xlane v3, v0;
	_ =	sdelay $0x1  }
0xc5: {  	v4 =	vadd.s32 v1, v4;
	_ =	sdelay $0x3  }
0xc6: {  	s28 =	simm.s32 $0x12200;
	v3 =	vperm.xlane v3, v2  }
0xc7: {  	[tilespmem:s28], [sflag:$0x2] =	stream.indirect_vreg.gather [hbm4b:s1+s3], $0x80, v4, vm0, $0xb8;
	[tilespmem:$0x1E200] =	vst v63  }
0xc8: {  	s29 =	simm.s32 $0x12A00;
	v3 =	vadd.s32 v1, v3  }
0xc9: {  	[tilespmem:s29], [sflag:$0x2] =	stream.indirect_vreg.gather [hbm4b:s5+s3], $0x80, v4, vm0, $0xb8;
	[tilespmem:$0x1E200] =	vst v63  }
0xca: {  	s30 =	simm.s32 $0x13200  }
0xcb: {  	[tilespmem:s30], [sflag:$0x2] =	stream.indirect_vreg.gather [hbm4b:s6+s3], $0x80, v4, vm0, $0xb8;
	[tilespmem:$0x1E200] =	vst v63  }
0xcc: {  	s31 =	simm.s32 $0x13A00  }
0xcd: {  	[tilespmem:s31], [sflag:$0x2] =	stream.indirect_vreg.gather [hbm4b:s1+s3], $0x80, v3, vm0, $0xb8;
	[tilespmem:$0x1E200] =	vst v63  }
0xce: {  	s0 =	simm.s32 $0x14200  }
0xcf: {  	[tilespmem:s0], [sflag:$0x2] =	stream.indirect_vreg.gather [hbm4b:s5+s3], $0x80, v3, vm0, $0xb8;
	[tilespmem:$0x1E200] =	vst v63  }
0xd0: {  	s2 =	simm.s32 $0x14A00  }
0xd1: {  	[tilespmem:s2], [sflag:$0x2] =	stream.indirect_vreg.gather [hbm4b:s6+s3], $0x80, v3, vm0, $0xb8;
	[tilespmem:$0x1E200] =	vst v63  }
0xd2: {  	v3 =	vld [tilespmem:$0x190];
	_ =	sdelay $0x4  }
0xd3: {  	v39 =	vshrl.u32 v3, $0x3  }
0xd4: {  	v4 =	vmul.u32 $0x30, v39  }
0xd5: {  	v3 =	vand.u32 $0x7, v3  }
0xd6: {  	v3 =	vor.u32 v3, v4  }
0xd7: {  	v4 =	vperm.xlane v3, v0;
	_ =	sdelay $0x1  }
0xd8: {  	v4 =	vadd.s32 v1, v4;
	_ =	sdelay $0x3  }
0xd9: {  	s4 =	simm.s32 $0x15200;
	v3 =	vperm.xlane v3, v2  }
0xda: {  	[tilespmem:s4], [sflag:$0x2] =	stream.indirect_vreg.gather [hbm4b:s1+s3], $0x80, v4, vm0, $0xb8;
	[tilespmem:$0x1E200] =	vst v63  }
0xdb: {  	s8 =	simm.s32 $0x15A00;
	v3 =	vadd.s32 v1, v3  }
0xdc: {  	[tilespmem:s8], [sflag:$0x2] =	stream.indirect_vreg.gather [hbm4b:s5+s3], $0x80, v4, vm0, $0xb8;
	[tilespmem:$0x1E200] =	vst v63  }
0xdd: {  	s10 =	simm.s32 $0x16200  }
0xde: {  	[tilespmem:s10], [sflag:$0x2] =	stream.indirect_vreg.gather [hbm4b:s6+s3], $0x80, v4, vm0, $0xb8;
	[tilespmem:$0x1E200] =	vst v63  }
0xdf: {  	s11 =	simm.s32 $0x16A00  }
0xe0: {  	[tilespmem:s11], [sflag:$0x2] =	stream.indirect_vreg.gather [hbm4b:s1+s3], $0x80, v3, vm0, $0xb8;
	[tilespmem:$0x1E200] =	vst v63  }
0xe1: {  	s12 =	simm.s32 $0x17200  }
0xe2: {  	[tilespmem:s12], [sflag:$0x2] =	stream.indirect_vreg.gather [hbm4b:s5+s3], $0x80, v3, vm0, $0xb8;
	[tilespmem:$0x1E200] =	vst v63  }
0xe3: {  	s14 =	simm.s32 $0x17A00  }
0xe4: {  	[tilespmem:s14], [sflag:$0x2] =	stream.indirect_vreg.gather [hbm4b:s6+s3], $0x80, v3, vm0, $0xb8;
	[tilespmem:$0x1E200] =	vst v63  }
0xe5: {  	s13 =	rddreg [dreg:$0xa];
	s15 =	simm.s32 $0x1B200  }
0xe6: {  	[tilespmem:s15], [sflag:$0x4] =	stream.linear.gather [hbm4b:s13+s3], $0x3000, $0x38;
	[tilespmem:$0x1E200] =	vst v63  }
0xe7: {  	_ =	swait.ge [sflag:s16], $0x3000  }
0xe8: {  	[sflag:s16] =	ssyncset.done $0x0  }
0xe9: {  	[sflag:s16] =	ssyncadd.s32 $0xFFFFD000  }
0xea: {  	_ =	swait.ge [sflag:s16], $0x3000  }
0xeb: {  	[sflag:s16] =	ssyncset.done $0x0  }
0xec: {  	[sflag:s16] =	ssyncadd.s32 $0xFFFFD000  }
0xed: {  	_ =	swait.ge [sflag:s16], $0x3000  }
0xee: {  	[sflag:s16] =	ssyncset.done $0x0  }
0xef: {  	[sflag:s16] =	ssyncadd.s32 $0xFFFFD000  }
0xf0: {  	_ =	swait.ge [sflag:s16], $0x3000  }
0xf1: {  	[sflag:s16] =	ssyncset.done $0x0  }
0xf2: {  	[sflag:s16] =	ssyncadd.s32 $0xFFFFD000  }
0xf3: {  	_ =	swait.ge [sflag:s18], $0x3000  }
0xf4: {  	s28 =	sld [smem:$0x7F9]  }
0xf5: {  	[sflag:s18] =	ssyncset.done $0x0  }
0xf6: {  	s2 =	simm.s32 $0x200;
	[sflag:s18] =	ssyncadd.s32 $0xFFFFD000  }
0xf7: {  	[hbm4b:s28+s3] =	stream.linear.scatter [tilespmem:s2], [sflag:$0x5], $0x3000, $0x38;
	[tilespmem:$0x1E200] =	vst v63  }
0xf8: {  	s8 =	simm.s32 $0x3200;
	s17 =	rddreg [dreg:$0xb]  }
0xf9: {  	[hbm4b:s17+s3] =	stream.linear.scatter [tilespmem:s8], [sflag:$0x5], $0x3000, $0x38;
	[tilespmem:$0x1E200] =	vst v63  }
0xfa: {  	s13 =	simm.s32 $0x6200;
	s29 =	rddreg [dreg:$0xc]  }
0xfb: {  	[hbm4b:s29+s3] =	stream.linear.scatter [tilespmem:s13], [sflag:$0x5], $0x3000, $0x38;
	[tilespmem:$0x1E200] =	vst v63  }
0xfc: {  	s30 =	rddreg [dreg:$0xd];
	s17 =	simm.s32 $0x9200  }
0xfd: {  	[hbm4b:s30+s3] =	stream.linear.scatter [tilespmem:s17], [sflag:$0x5], $0x3000, $0x38;
	[tilespmem:$0x1E200] =	vst v63  }
0xfe: {  	_ =	swait.ge [sflag:s19], $0x3000  }
0xff: {  	[sflag:s19] =	ssyncset.done $0x0  }
0x100: {  	[sflag:s19] =	ssyncadd.s32 $0xFFFFD000  }
0x101: {  	_ =	swait.ge [sflag:s19], $0x3000  }
0x102: {  	[sflag:s19] =	ssyncset.done $0x0  }
0x103: {  	[sflag:s19] =	ssyncadd.s32 $0xFFFFD000  }
0x104: {  	_ =	swait.ge [sflag:s19], $0x3000  }
0x105: {  	[sflag:s19] =	ssyncset.done $0x0  }
0x106: {  	[sflag:s19] =	ssyncadd.s32 $0xFFFFD000  }
0x107: {  	_ =	swait.ge [sflag:s19], $0x3000  }
0x108: {  	[sflag:s19] =	ssyncset.done $0x0  }
0x109: {  	[sflag:s19] =	ssyncadd.s32 $0xFFFFD000  }
0x10a: {  	v3 =	vld [tilespmem:$0x20];
	_ =	sdelay $0x4  }
0x10b: {  	v40 =	vshrl.u32 v3, $0x3  }
0x10c: {  	v4 =	vmul.u32 $0x30, v40  }
0x10d: {  	v3 =	vand.u32 $0x7, v3  }
0x10e: {  	v3 =	vor.u32 v3, v4  }
0x10f: {  	v4 =	vperm.xlane v3, v0;
	_ =	sdelay $0x1  }
0x110: {  	v4 =	vadd.s32 v1, v4;
	_ =	sdelay $0x3  }
0x111: {  	v3 =	vperm.xlane v3, v2  }
0x112: {  	[tilespmem:s2], [sflag:$0x1] =	stream.indirect_vreg.gather [hbm4b:s1+s3], $0x80, v4, vm0, $0xb8;
	[tilespmem:$0x1E200] =	vst v63  }
0x113: {  	s31 =	simm.s32 $0xA00;
	v3 =	vadd.s32 v1, v3  }
0x114: {  	[tilespmem:s31], [sflag:$0x1] =	stream.indirect_vreg.gather [hbm4b:s5+s3], $0x80, v4, vm0, $0xb8;
	[tilespmem:$0x1E200] =	vst v63  }
0x115: {  	s14 =	simm.s32 $0x1200  }
0x116: {  	[tilespmem:s14], [sflag:$0x1] =	stream.indirect_vreg.gather [hbm4b:s6+s3], $0x80, v4, vm0, $0xb8;
	[tilespmem:$0x1E200] =	vst v63  }
0x117: {  	s29 =	simm.s32 $0x1A00  }
0x118: {  	[tilespmem:s29], [sflag:$0x1] =	stream.indirect_vreg.gather [hbm4b:s1+s3], $0x80, v3, vm0, $0xb8;
	[tilespmem:$0x1E200] =	vst v63  }
0x119: {  	s30 =	simm.s32 $0x2200  }
0x11a: {  	[tilespmem:s30], [sflag:$0x1] =	stream.indirect_vreg.gather [hbm4b:s5+s3], $0x80, v3, vm0, $0xb8;
	[tilespmem:$0x1E200] =	vst v63  }
0x11b: {  	s9 =	simm.s32 $0x2A00  }
0x11c: {  	[tilespmem:s9], [sflag:$0x1] =	stream.indirect_vreg.gather [hbm4b:s6+s3], $0x80, v3, vm0, $0xb8;
	[tilespmem:$0x1E200] =	vst v63  }
0x11d: {  	v3 =	vld [tilespmem:$0xA0];
	_ =	sdelay $0x4  }
0x11e: {  	v41 =	vshrl.u32 v3, $0x3  }
0x11f: {  	v4 =	vmul.u32 $0x30, v41  }
0x120: {  	v3 =	vand.u32 $0x7, v3  }
0x121: {  	v3 =	vor.u32 v3, v4  }
0x122: {  	v4 =	vperm.xlane v3, v0;
	_ =	sdelay $0x1  }
0x123: {  	v4 =	vadd.s32 v1, v4;
	_ =	sdelay $0x3  }
0x124: {  	v3 =	vperm.xlane v3, v2  }
0x125: {  	[tilespmem:s8], [sflag:$0x1] =	stream.indirect_vreg.gather [hbm4b:s1+s3], $0x80, v4, vm0, $0xb8;
	[tilespmem:$0x1E200] =	vst v63  }
0x126: {  	s31 =	simm.s32 $0x3A00;
	v3 =	vadd.s32 v1, v3  }
0x127: {  	[tilespmem:s31], [sflag:$0x1] =	stream.indirect_vreg.gather [hbm4b:s5+s3], $0x80, v4, vm0, $0xb8;
	[tilespmem:$0x1E200] =	vst v63  }
0x128: {  	s2 =	simm.s32 $0x4200  }
0x129: {  	[tilespmem:s2], [sflag:$0x1] =	stream.indirect_vreg.gather [hbm4b:s6+s3], $0x80, v4, vm0, $0xb8;
	[tilespmem:$0x1E200] =	vst v63  }
0x12a: {  	s4 =	simm.s32 $0x4A00  }
0x12b: {  	[tilespmem:s4], [sflag:$0x1] =	stream.indirect_vreg.gather [hbm4b:s1+s3], $0x80, v3, vm0, $0xb8;
	[tilespmem:$0x1E200] =	vst v63  }
0x12c: {  	s12 =	simm.s32 $0x5200  }
0x12d: {  	[tilespmem:s12], [sflag:$0x1] =	stream.indirect_vreg.gather [hbm4b:s5+s3], $0x80, v3, vm0, $0xb8;
	[tilespmem:$0x1E200] =	vst v63  }
0x12e: {  	s21 =	simm.s32 $0x5A00  }
0x12f: {  	[tilespmem:s21], [sflag:$0x1] =	stream.indirect_vreg.gather [hbm4b:s6+s3], $0x80, v3, vm0, $0xb8;
	[tilespmem:$0x1E200] =	vst v63  }
0x130: {  	v3 =	vld [tilespmem:$0x120];
	_ =	sdelay $0x4  }
0x131: {  	v42 =	vshrl.u32 v3, $0x3  }
0x132: {  	v4 =	vmul.u32 $0x30, v42  }
0x133: {  	v3 =	vand.u32 $0x7, v3  }
0x134: {  	v3 =	vor.u32 v3, v4  }
0x135: {  	v4 =	vperm.xlane v3, v0;
	_ =	sdelay $0x1  }
0x136: {  	v4 =	vadd.s32 v1, v4;
	_ =	sdelay $0x3  }
0x137: {  	v3 =	vperm.xlane v3, v2  }
0x138: {  	[tilespmem:s13], [sflag:$0x1] =	stream.indirect_vreg.gather [hbm4b:s1+s3], $0x80, v4, vm0, $0xb8;
	[tilespmem:$0x1E200] =	vst v63  }
0x139: {  	v3 =	vadd.s32 v1, v3;
	s13 =	simm.s32 $0x6A00  }
0x13a: {  	[tilespmem:s13], [sflag:$0x1] =	stream.indirect_vreg.gather [hbm4b:s5+s3], $0x80, v4, vm0, $0xb8;
	[tilespmem:$0x1E200] =	vst v63  }
0x13b: {  	s8 =	simm.s32 $0x7200  }
0x13c: {  	[tilespmem:s8], [sflag:$0x1] =	stream.indirect_vreg.gather [hbm4b:s6+s3], $0x80, v4, vm0, $0xb8;
	[tilespmem:$0x1E200] =	vst v63  }
0x13d: {  	s21 =	simm.s32 $0x7A00  }
0x13e: {  	[tilespmem:s21], [sflag:$0x1] =	stream.indirect_vreg.gather [hbm4b:s1+s3], $0x80, v3, vm0, $0xb8;
	[tilespmem:$0x1E200] =	vst v63  }
0x13f: {  	s28 =	simm.s32 $0x8200  }
0x140: {  	[tilespmem:s28], [sflag:$0x1] =	stream.indirect_vreg.gather [hbm4b:s5+s3], $0x80, v3, vm0, $0xb8;
	[tilespmem:$0x1E200] =	vst v63  }
0x141: {  	s24 =	simm.s32 $0x8A00  }
0x142: {  	[tilespmem:s24], [sflag:$0x1] =	stream.indirect_vreg.gather [hbm4b:s6+s3], $0x80, v3, vm0, $0xb8;
	[tilespmem:$0x1E200] =	vst v63  }
0x143: {  	v3 =	vld [tilespmem:$0x1A0];
	_ =	sdelay $0x4  }
0x144: {  	v43 =	vshrl.u32 v3, $0x3  }
0x145: {  	v4 =	vmul.u32 $0x30, v43  }
0x146: {  	v3 =	vand.u32 $0x7, v3  }
0x147: {  	v3 =	vor.u32 v3, v4  }
0x148: {  	v4 =	vperm.xlane v3, v0;
	_ =	sdelay $0x1  }
0x149: {  	v4 =	vadd.s32 v1, v4;
	_ =	sdelay $0x3  }
0x14a: {  	v3 =	vperm.xlane v3, v2  }
0x14b: {  	[tilespmem:s17], [sflag:$0x1] =	stream.indirect_vreg.gather [hbm4b:s1+s3], $0x80, v4, vm0, $0xb8;
	[tilespmem:$0x1E200] =	vst v63  }
0x14c: {  	v3 =	vadd.s32 v1, v3;
	s17 =	simm.s32 $0x9A00  }
0x14d: {  	[tilespmem:s17], [sflag:$0x1] =	stream.indirect_vreg.gather [hbm4b:s5+s3], $0x80, v4, vm0, $0xb8;
	[tilespmem:$0x1E200] =	vst v63  }
0x14e: {  	s9 =	simm.s32 $0xA200  }
0x14f: {  	[tilespmem:s9], [sflag:$0x1] =	stream.indirect_vreg.gather [hbm4b:s6+s3], $0x80, v4, vm0, $0xb8;
	[tilespmem:$0x1E200] =	vst v63  }
0x150: {  	s24 =	simm.s32 $0xAA00  }
0x151: {  	[tilespmem:s24], [sflag:$0x1] =	stream.indirect_vreg.gather [hbm4b:s1+s3], $0x80, v3, vm0, $0xb8;
	[tilespmem:$0x1E200] =	vst v63  }
0x152: {  	s10 =	simm.s32 $0xB200  }
0x153: {  	[tilespmem:s10], [sflag:$0x1] =	stream.indirect_vreg.gather [hbm4b:s5+s3], $0x80, v3, vm0, $0xb8;
	[tilespmem:$0x1E200] =	vst v63  }
0x154: {  	s26 =	simm.s32 $0xBA00  }
0x155: {  	[tilespmem:s26], [sflag:$0x1] =	stream.indirect_vreg.gather [hbm4b:s6+s3], $0x80, v3, vm0, $0xb8;
	[tilespmem:$0x1E200] =	vst v63  }
0x156: {  	s11 =	rddreg [dreg:$0xe];
	s8 =	simm.s32 $0x18200  }
0x157: {  	[tilespmem:s8], [sflag:$0x3] =	stream.linear.gather [hbm4b:s11+s3], $0x3000, $0x38;
	[tilespmem:$0x1E200] =	vst v63  }
0x158: {  	_ =	swait.ge [sflag:s20], $0x3000  }
0x159: {  	[sflag:s20] =	ssyncset.done $0x0  }
0x15a: {  	[sflag:s20] =	ssyncadd.s32 $0xFFFFD000  }
0x15b: {  	_ =	swait.ge [sflag:s20], $0x3000  }
0x15c: {  	[sflag:s20] =	ssyncset.done $0x0  }
0x15d: {  	[sflag:s20] =	ssyncadd.s32 $0xFFFFD000  }
0x15e: {  	_ =	swait.ge [sflag:s20], $0x3000  }
0x15f: {  	[sflag:s20] =	ssyncset.done $0x0  }
0x160: {  	[sflag:s20] =	ssyncadd.s32 $0xFFFFD000  }
0x161: {  	_ =	swait.ge [sflag:s20], $0x3000  }
0x162: {  	[sflag:s20] =	ssyncset.done $0x0  }
0x163: {  	[sflag:s20] =	ssyncadd.s32 $0xFFFFD000  }
0x164: {  	_ =	swait.ge [sflag:s22], $0x3000  }
0x165: {  	[sflag:s22] =	ssyncset.done $0x0  }
0x166: {  	s0 =	simm.s32 $0xC200;
	s9 =	rddreg [dreg:$0xf];
	[sflag:s22] =	ssyncadd.s32 $0xFFFFD000  }
0x167: {  	[hbm4b:s9+s3] =	stream.linear.scatter [tilespmem:s0], [sflag:$0x6], $0x3000, $0x38;
	[tilespmem:$0x1E200] =	vst v63  }
0x168: {  	s10 =	rddreg [dreg:$0x10];
	s9 =	simm.s32 $0xF200  }
0x169: {  	[hbm4b:s10+s3] =	stream.linear.scatter [tilespmem:s9], [sflag:$0x6], $0x3000, $0x38;
	[tilespmem:$0x1E200] =	vst v63  }
0x16a: {  	s11 =	rddreg [dreg:$0x11];
	s10 =	simm.s32 $0x12200  }
0x16b: {  	[hbm4b:s11+s3] =	stream.linear.scatter [tilespmem:s10], [sflag:$0x6], $0x3000, $0x38;
	[tilespmem:$0x1E200] =	vst v63  }
0x16c: {  	s8 =	rddreg [dreg:$0x12];
	s11 =	simm.s32 $0x15200  }
0x16d: {  	[hbm4b:s8+s3] =	stream.linear.scatter [tilespmem:s11], [sflag:$0x6], $0x3000, $0x38;
	[tilespmem:$0x1E200] =	vst v63  }
0x16e: {  	_ =	swait.ge [sflag:s23], $0x3000  }
0x16f: {  	[sflag:s23] =	ssyncset.done $0x0  }
0x170: {  	[sflag:s23] =	ssyncadd.s32 $0xFFFFD000  }
0x171: {  	_ =	swait.ge [sflag:s23], $0x3000  }
0x172: {  	[sflag:s23] =	ssyncset.done $0x0  }
0x173: {  	[sflag:s23] =	ssyncadd.s32 $0xFFFFD000  }
0x174: {  	_ =	swait.ge [sflag:s23], $0x3000  }
0x175: {  	[sflag:s23] =	ssyncset.done $0x0  }
0x176: {  	[sflag:s23] =	ssyncadd.s32 $0xFFFFD000  }
0x177: {  	_ =	swait.ge [sflag:s23], $0x3000  }
0x178: {  	[sflag:s23] =	ssyncset.done $0x0  }
0x179: {  	[sflag:s23] =	ssyncadd.s32 $0xFFFFD000  }
0x17a: {  	v3 =	vld [tilespmem:$0x30];
	_ =	sdelay $0x4  }
0x17b: {  	v44 =	vshrl.u32 v3, $0x3  }
0x17c: {  	v4 =	vmul.u32 $0x30, v44  }
0x17d: {  	v3 =	vand.u32 $0x7, v3  }
0x17e: {  	v3 =	vor.u32 v3, v4  }
0x17f: {  	v4 =	vperm.xlane v3, v0;
	_ =	sdelay $0x1  }
0x180: {  	v4 =	vadd.s32 v1, v4;
	_ =	sdelay $0x3  }
0x181: {  	v3 =	vperm.xlane v3, v2  }
0x182: {  	[tilespmem:s0], [sflag:$0x2] =	stream.indirect_vreg.gather [hbm4b:s1+s3], $0x80, v4, vm0, $0xb8;
	[tilespmem:$0x1E200] =	vst v63  }
0x183: {  	s25 =	simm.s32 $0xCA00;
	v3 =	vadd.s32 v1, v3  }
0x184: {  	[tilespmem:s25], [sflag:$0x2] =	stream.indirect_vreg.gather [hbm4b:s5+s3], $0x80, v4, vm0, $0xb8;
	[tilespmem:$0x1E200] =	vst v63  }
0x185: {  	s26 =	simm.s32 $0xD200  }
0x186: {  	[tilespmem:s26], [sflag:$0x2] =	stream.indirect_vreg.gather [hbm4b:s6+s3], $0x80, v4, vm0, $0xb8;
	[tilespmem:$0x1E200] =	vst v63  }
0x187: {  	s25 =	simm.s32 $0xDA00  }
0x188: {  	[tilespmem:s25], [sflag:$0x2] =	stream.indirect_vreg.gather [hbm4b:s1+s3], $0x80, v3, vm0, $0xb8;
	[tilespmem:$0x1E200] =	vst v63  }
0x189: {  	s26 =	simm.s32 $0xE200  }
0x18a: {  	[tilespmem:s26], [sflag:$0x2] =	stream.indirect_vreg.gather [hbm4b:s5+s3], $0x80, v3, vm0, $0xb8;
	[tilespmem:$0x1E200] =	vst v63  }
0x18b: {  	s25 =	simm.s32 $0xEA00  }
0x18c: {  	[tilespmem:s25], [sflag:$0x2] =	stream.indirect_vreg.gather [hbm4b:s6+s3], $0x80, v3, vm0, $0xb8;
	[tilespmem:$0x1E200] =	vst v63  }
0x18d: {  	v3 =	vld [tilespmem:$0xB0];
	_ =	sdelay $0x4  }
0x18e: {  	v45 =	vshrl.u32 v3, $0x3  }
0x18f: {  	v4 =	vmul.u32 $0x30, v45  }
0x190: {  	v3 =	vand.u32 $0x7, v3  }
0x191: {  	v3 =	vor.u32 v3, v4  }
0x192: {  	v4 =	vperm.xlane v3, v0;
	_ =	sdelay $0x1  }
0x193: {  	v4 =	vadd.s32 v1, v4;
	_ =	sdelay $0x3  }
0x194: {  	v3 =	vperm.xlane v3, v2  }
0x195: {  	[tilespmem:s9], [sflag:$0x2] =	stream.indirect_vreg.gather [hbm4b:s1+s3], $0x80, v4, vm0, $0xb8;
	[tilespmem:$0x1E200] =	vst v63  }
0x196: {  	s26 =	simm.s32 $0xFA00;
	v3 =	vadd.s32 v1, v3  }
0x197: {  	[tilespmem:s26], [sflag:$0x2] =	stream.indirect_vreg.gather [hbm4b:s5+s3], $0x80, v4, vm0, $0xb8;
	[tilespmem:$0x1E200] =	vst v63  }
0x198: {  	s25 =	simm.s32 $0x10200  }
0x199: {  	[tilespmem:s25], [sflag:$0x2] =	stream.indirect_vreg.gather [hbm4b:s6+s3], $0x80, v4, vm0, $0xb8;
	[tilespmem:$0x1E200] =	vst v63  }
0x19a: {  	s26 =	simm.s32 $0x10A00  }
0x19b: {  	[tilespmem:s26], [sflag:$0x2] =	stream.indirect_vreg.gather [hbm4b:s1+s3], $0x80, v3, vm0, $0xb8;
	[tilespmem:$0x1E200] =	vst v63  }
0x19c: {  	s25 =	simm.s32 $0x11200  }
0x19d: {  	[tilespmem:s25], [sflag:$0x2] =	stream.indirect_vreg.gather [hbm4b:s5+s3], $0x80, v3, vm0, $0xb8;
	[tilespmem:$0x1E200] =	vst v63  }
0x19e: {  	s26 =	simm.s32 $0x11A00  }
0x19f: {  	[tilespmem:s26], [sflag:$0x2] =	stream.indirect_vreg.gather [hbm4b:s6+s3], $0x80, v3, vm0, $0xb8;
	[tilespmem:$0x1E200] =	vst v63  }
0x1a0: {  	v3 =	vld [tilespmem:$0x130];
	_ =	sdelay $0x4  }
0x1a1: {  	v46 =	vshrl.u32 v3, $0x3  }
0x1a2: {  	v4 =	vmul.u32 $0x30, v46  }
0x1a3: {  	v3 =	vand.u32 $0x7, v3  }
0x1a4: {  	v3 =	vor.u32 v3, v4  }
0x1a5: {  	v4 =	vperm.xlane v3, v0;
	_ =	sdelay $0x1  }
0x1a6: {  	v4 =	vadd.s32 v1, v4;
	_ =	sdelay $0x3  }
0x1a7: {  	v3 =	vperm.xlane v3, v2  }
0x1a8: {  	[tilespmem:s10], [sflag:$0x2] =	stream.indirect_vreg.gather [hbm4b:s1+s3], $0x80, v4, vm0, $0xb8;
	[tilespmem:$0x1E200] =	vst v63  }
0x1a9: {  	s25 =	simm.s32 $0x12A00;
	v3 =	vadd.s32 v1, v3  }
0x1aa: {  	[tilespmem:s25], [sflag:$0x2] =	stream.indirect_vreg.gather [hbm4b:s5+s3], $0x80, v4, vm0, $0xb8;
	[tilespmem:$0x1E200] =	vst v63  }
0x1ab: {  	s26 =	simm.s32 $0x13200  }
0x1ac: {  	[tilespmem:s26], [sflag:$0x2] =	stream.indirect_vreg.gather [hbm4b:s6+s3], $0x80, v4, vm0, $0xb8;
	[tilespmem:$0x1E200] =	vst v63  }
0x1ad: {  	s25 =	simm.s32 $0x13A00  }
0x1ae: {  	[tilespmem:s25], [sflag:$0x2] =	stream.indirect_vreg.gather [hbm4b:s1+s3], $0x80, v3, vm0, $0xb8;
	[tilespmem:$0x1E200] =	vst v63  }
0x1af: {  	s26 =	simm.s32 $0x14200  }
0x1b0: {  	[tilespmem:s26], [sflag:$0x2] =	stream.indirect_vreg.gather [hbm4b:s5+s3], $0x80, v3, vm0, $0xb8;
	[tilespmem:$0x1E200] =	vst v63  }
0x1b1: {  	s25 =	simm.s32 $0x14A00  }
0x1b2: {  	[tilespmem:s25], [sflag:$0x2] =	stream.indirect_vreg.gather [hbm4b:s6+s3], $0x80, v3, vm0, $0xb8;
	[tilespmem:$0x1E200] =	vst v63  }
0x1b3: {  	v3 =	vld [tilespmem:$0x1B0];
	_ =	sdelay $0x4  }
0x1b4: {  	v47 =	vshrl.u32 v3, $0x3  }
0x1b5: {  	v4 =	vmul.u32 $0x30, v47  }
0x1b6: {  	v3 =	vand.u32 $0x7, v3  }
0x1b7: {  	v3 =	vor.u32 v3, v4  }
0x1b8: {  	v4 =	vperm.xlane v3, v0;
	_ =	sdelay $0x1  }
0x1b9: {  	v4 =	vadd.s32 v1, v4;
	_ =	sdelay $0x3  }
0x1ba: {  	v3 =	vperm.xlane v3, v2  }
0x1bb: {  	[tilespmem:s11], [sflag:$0x2] =	stream.indirect_vreg.gather [hbm4b:s1+s3], $0x80, v4, vm0, $0xb8;
	[tilespmem:$0x1E200] =	vst v63  }
0x1bc: {  	s26 =	simm.s32 $0x15A00;
	v3 =	vadd.s32 v1, v3  }
0x1bd: {  	[tilespmem:s26], [sflag:$0x2] =	stream.indirect_vreg.gather [hbm4b:s5+s3], $0x80, v4, vm0, $0xb8;
	[tilespmem:$0x1E200] =	vst v63  }
0x1be: {  	s25 =	simm.s32 $0x16200  }
0x1bf: {  	[tilespmem:s25], [sflag:$0x2] =	stream.indirect_vreg.gather [hbm4b:s6+s3], $0x80, v4, vm0, $0xb8;
	[tilespmem:$0x1E200] =	vst v63  }
0x1c0: {  	s26 =	simm.s32 $0x16A00  }
0x1c1: {  	[tilespmem:s26], [sflag:$0x2] =	stream.indirect_vreg.gather [hbm4b:s1+s3], $0x80, v3, vm0, $0xb8;
	[tilespmem:$0x1E200] =	vst v63  }
0x1c2: {  	s25 =	simm.s32 $0x17200  }
0x1c3: {  	[tilespmem:s25], [sflag:$0x2] =	stream.indirect_vreg.gather [hbm4b:s5+s3], $0x80, v3, vm0, $0xb8;
	[tilespmem:$0x1E200] =	vst v63  }
0x1c4: {  	s26 =	simm.s32 $0x17A00  }
0x1c5: {  	[tilespmem:s26], [sflag:$0x2] =	stream.indirect_vreg.gather [hbm4b:s6+s3], $0x80, v3, vm0, $0xb8;
	[tilespmem:$0x1E200] =	vst v63  }
0x1c6: {  	s25 =	rddreg [dreg:$0x13];
	s26 =	simm.s32 $0x1B200  }
0x1c7: {  	[tilespmem:s26], [sflag:$0x4] =	stream.linear.gather [hbm4b:s25+s3], $0x3000, $0x38;
	[tilespmem:$0x1E200] =	vst v63  }
0x1c8: {  	_ =	swait.ge [sflag:s16], $0x3000  }
0x1c9: {  	[sflag:s16] =	ssyncset.done $0x0  }
0x1ca: {  	[sflag:s16] =	ssyncadd.s32 $0xFFFFD000  }
0x1cb: {  	_ =	swait.ge [sflag:s16], $0x3000  }
0x1cc: {  	[sflag:s16] =	ssyncset.done $0x0  }
0x1cd: {  	[sflag:s16] =	ssyncadd.s32 $0xFFFFD000  }
0x1ce: {  	_ =	swait.ge [sflag:s16], $0x3000  }
0x1cf: {  	[sflag:s16] =	ssyncset.done $0x0  }
0x1d0: {  	[sflag:s16] =	ssyncadd.s32 $0xFFFFD000  }
0x1d1: {  	_ =	swait.ge [sflag:s16], $0x3000  }
0x1d2: {  	[sflag:s16] =	ssyncset.done $0x0  }
0x1d3: {  	[sflag:s16] =	ssyncadd.s32 $0xFFFFD000  }
0x1d4: {  	_ =	swait.ge [sflag:s18], $0x3000  }
0x1d5: {  	[sflag:s18] =	ssyncset.done $0x0  }
0x1d6: {  	s15 =	simm.s32 $0x200;
	s0 =	rddreg [dreg:$0x14];
	[sflag:s18] =	ssyncadd.s32 $0xFFFFD000  }
0x1d7: {  	[hbm4b:s0+s3] =	stream.linear.scatter [tilespmem:s15], [sflag:$0x5], $0x3000, $0x38;
	[tilespmem:$0x1E200] =	vst v63  }
0x1d8: {  	s26 =	rddreg [dreg:$0x15];
	s0 =	simm.s32 $0x3200  }
0x1d9: {  	[hbm4b:s26+s3] =	stream.linear.scatter [tilespmem:s0], [sflag:$0x5], $0x3000, $0x38;
	[tilespmem:$0x1E200] =	vst v63  }
0x1da: {  	s2 =	simm.s32 $0x6200;
	s25 =	rddreg [dreg:$0x16]  }
0x1db: {  	[hbm4b:s25+s3] =	stream.linear.scatter [tilespmem:s2], [sflag:$0x5], $0x3000, $0x38;
	[tilespmem:$0x1E200] =	vst v63  }
0x1dc: {  	s4 =	simm.s32 $0x9200;
	s26 =	rddreg [dreg:$0x17]  }
0x1dd: {  	[hbm4b:s26+s3] =	stream.linear.scatter [tilespmem:s4], [sflag:$0x5], $0x3000, $0x38;
	[tilespmem:$0x1E200] =	vst v63  }
0x1de: {  	_ =	swait.ge [sflag:s19], $0x3000  }
0x1df: {  	[sflag:s19] =	ssyncset.done $0x0  }
0x1e0: {  	[sflag:s19] =	ssyncadd.s32 $0xFFFFD000  }
0x1e1: {  	_ =	swait.ge [sflag:s19], $0x3000  }
0x1e2: {  	[sflag:s19] =	ssyncset.done $0x0  }
0x1e3: {  	[sflag:s19] =	ssyncadd.s32 $0xFFFFD000  }
0x1e4: {  	_ =	swait.ge [sflag:s19], $0x3000  }
0x1e5: {  	[sflag:s19] =	ssyncset.done $0x0  }
0x1e6: {  	[sflag:s19] =	ssyncadd.s32 $0xFFFFD000  }
0x1e7: {  	_ =	swait.ge [sflag:s19], $0x3000  }
0x1e8: {  	[sflag:s19] =	ssyncset.done $0x0  }
0x1e9: {  	[sflag:s19] =	ssyncadd.s32 $0xFFFFD000  }
0x1ea: {  	v3 =	vld [tilespmem:$0x40];
	_ =	sdelay $0x4  }
0x1eb: {  	v48 =	vshrl.u32 v3, $0x3  }
0x1ec: {  	v4 =	vmul.u32 $0x30, v48  }
0x1ed: {  	v3 =	vand.u32 $0x7, v3  }
0x1ee: {  	v3 =	vor.u32 v3, v4  }
0x1ef: {  	v4 =	vperm.xlane v3, v0;
	_ =	sdelay $0x1  }
0x1f0: {  	v4 =	vadd.s32 v1, v4;
	_ =	sdelay $0x3  }
0x1f1: {  	v3 =	vperm.xlane v3, v2  }
0x1f2: {  	[tilespmem:s15], [sflag:$0x1] =	stream.indirect_vreg.gather [hbm4b:s1+s3], $0x80, v4, vm0, $0xb8;
	[tilespmem:$0x1E200] =	vst v63  }
0x1f3: {  	s26 =	simm.s32 $0xA00;
	v3 =	vadd.s32 v1, v3  }
0x1f4: {  	[tilespmem:s26], [sflag:$0x1] =	stream.indirect_vreg.gather [hbm4b:s5+s3], $0x80, v4, vm0, $0xb8;
	[tilespmem:$0x1E200] =	vst v63  }
0x1f5: {  	_ = 	snop  }
0x1f6: {  	[tilespmem:s14], [sflag:$0x1] =	stream.indirect_vreg.gather [hbm4b:s6+s3], $0x80, v4, vm0, $0xb8;
	[tilespmem:$0x1E200] =	vst v63  }
0x1f7: {  	_ = 	snop  }
0x1f8: {  	[tilespmem:s29], [sflag:$0x1] =	stream.indirect_vreg.gather [hbm4b:s1+s3], $0x80, v3, vm0, $0xb8;
	[tilespmem:$0x1E200] =	vst v63  }
0x1f9: {  	_ = 	snop  }
0x1fa: {  	[tilespmem:s30], [sflag:$0x1] =	stream.indirect_vreg.gather [hbm4b:s5+s3], $0x80, v3, vm0, $0xb8;
	[tilespmem:$0x1E200] =	vst v63  }
0x1fb: {  	s25 =	simm.s32 $0x2A00  }
0x1fc: {  	[tilespmem:s25], [sflag:$0x1] =	stream.indirect_vreg.gather [hbm4b:s6+s3], $0x80, v3, vm0, $0xb8;
	[tilespmem:$0x1E200] =	vst v63  }
0x1fd: {  	v3 =	vld [tilespmem:$0xC0];
	_ =	sdelay $0x4  }
0x1fe: {  	v49 =	vshrl.u32 v3, $0x3  }
0x1ff: {  	v4 =	vmul.u32 $0x30, v49  }
0x200: {  	v3 =	vand.u32 $0x7, v3  }
0x201: {  	v3 =	vor.u32 v3, v4  }
0x202: {  	v4 =	vperm.xlane v3, v0;
	_ =	sdelay $0x1  }
0x203: {  	v4 =	vadd.s32 v1, v4;
	_ =	sdelay $0x3  }
0x204: {  	v3 =	vperm.xlane v3, v2  }
0x205: {  	[tilespmem:s0], [sflag:$0x1] =	stream.indirect_vreg.gather [hbm4b:s1+s3], $0x80, v4, vm0, $0xb8;
	[tilespmem:$0x1E200] =	vst v63  }
0x206: {  	v3 =	vadd.s32 v1, v3  }
0x207: {  	[tilespmem:s31], [sflag:$0x1] =	stream.indirect_vreg.gather [hbm4b:s5+s3], $0x80, v4, vm0, $0xb8;
	[tilespmem:$0x1E200] =	vst v63  }
0x208: {  	s26 =	simm.s32 $0x4200  }
0x209: {  	[tilespmem:s26], [sflag:$0x1] =	stream.indirect_vreg.gather [hbm4b:s6+s3], $0x80, v4, vm0, $0xb8;
	[tilespmem:$0x1E200] =	vst v63  }
0x20a: {  	s31 =	simm.s32 $0x4A00  }
0x20b: {  	[tilespmem:s31], [sflag:$0x1] =	stream.indirect_vreg.gather [hbm4b:s1+s3], $0x80, v3, vm0, $0xb8;
	[tilespmem:$0x1E200] =	vst v63  }
0x20c: {  	_ = 	snop  }
0x20d: {  	[tilespmem:s12], [sflag:$0x1] =	stream.indirect_vreg.gather [hbm4b:s5+s3], $0x80, v3, vm0, $0xb8;
	[tilespmem:$0x1E200] =	vst v63  }
0x20e: {  	s12 =	simm.s32 $0x5A00  }
0x20f: {  	[tilespmem:s12], [sflag:$0x1] =	stream.indirect_vreg.gather [hbm4b:s6+s3], $0x80, v3, vm0, $0xb8;
	[tilespmem:$0x1E200] =	vst v63  }
0x210: {  	v3 =	vld [tilespmem:$0x140];
	_ =	sdelay $0x4  }
0x211: {  	v50 =	vshrl.u32 v3, $0x3  }
0x212: {  	v4 =	vmul.u32 $0x30, v50  }
0x213: {  	v3 =	vand.u32 $0x7, v3  }
0x214: {  	v3 =	vor.u32 v3, v4  }
0x215: {  	v4 =	vperm.xlane v3, v0;
	_ =	sdelay $0x1  }
0x216: {  	v4 =	vadd.s32 v1, v4;
	_ =	sdelay $0x3  }
0x217: {  	v3 =	vperm.xlane v3, v2  }
0x218: {  	[tilespmem:s2], [sflag:$0x1] =	stream.indirect_vreg.gather [hbm4b:s1+s3], $0x80, v4, vm0, $0xb8;
	[tilespmem:$0x1E200] =	vst v63  }
0x219: {  	v3 =	vadd.s32 v1, v3  }
0x21a: {  	[tilespmem:s13], [sflag:$0x1] =	stream.indirect_vreg.gather [hbm4b:s5+s3], $0x80, v4, vm0, $0xb8;
	[tilespmem:$0x1E200] =	vst v63  }
0x21b: {  	s13 =	simm.s32 $0x7200  }
0x21c: {  	[tilespmem:s13], [sflag:$0x1] =	stream.indirect_vreg.gather [hbm4b:s6+s3], $0x80, v4, vm0, $0xb8;
	[tilespmem:$0x1E200] =	vst v63  }
0x21d: {  	_ = 	snop  }
0x21e: {  	[tilespmem:s21], [sflag:$0x1] =	stream.indirect_vreg.gather [hbm4b:s1+s3], $0x80, v3, vm0, $0xb8;
	[tilespmem:$0x1E200] =	vst v63  }
0x21f: {  	_ = 	snop  }
0x220: {  	[tilespmem:s28], [sflag:$0x1] =	stream.indirect_vreg.gather [hbm4b:s5+s3], $0x80, v3, vm0, $0xb8;
	[tilespmem:$0x1E200] =	vst v63  }
0x221: {  	s13 =	simm.s32 $0x8A00  }
0x222: {  	[tilespmem:s13], [sflag:$0x1] =	stream.indirect_vreg.gather [hbm4b:s6+s3], $0x80, v3, vm0, $0xb8;
	[tilespmem:$0x1E200] =	vst v63  }
0x223: {  	v3 =	vld [tilespmem:$0x1C0];
	_ =	sdelay $0x4  }
0x224: {  	v51 =	vshrl.u32 v3, $0x3  }
0x225: {  	v4 =	vmul.u32 $0x30, v51  }
0x226: {  	v3 =	vand.u32 $0x7, v3  }
0x227: {  	v3 =	vor.u32 v3, v4  }
0x228: {  	v4 =	vperm.xlane v3, v0;
	_ =	sdelay $0x1  }
0x229: {  	v4 =	vadd.s32 v1, v4;
	_ =	sdelay $0x3  }
0x22a: {  	v3 =	vperm.xlane v3, v2  }
0x22b: {  	[tilespmem:s4], [sflag:$0x1] =	stream.indirect_vreg.gather [hbm4b:s1+s3], $0x80, v4, vm0, $0xb8;
	[tilespmem:$0x1E200] =	vst v63  }
0x22c: {  	v3 =	vadd.s32 v1, v3  }
0x22d: {  	[tilespmem:s17], [sflag:$0x1] =	stream.indirect_vreg.gather [hbm4b:s5+s3], $0x80, v4, vm0, $0xb8;
	[tilespmem:$0x1E200] =	vst v63  }
0x22e: {  	s15 =	simm.s32 $0xA200  }
0x22f: {  	[tilespmem:s15], [sflag:$0x1] =	stream.indirect_vreg.gather [hbm4b:s6+s3], $0x80, v4, vm0, $0xb8;
	[tilespmem:$0x1E200] =	vst v63  }
0x230: {  	_ = 	snop  }
0x231: {  	[tilespmem:s24], [sflag:$0x1] =	stream.indirect_vreg.gather [hbm4b:s1+s3], $0x80, v3, vm0, $0xb8;
	[tilespmem:$0x1E200] =	vst v63  }
0x232: {  	s25 =	simm.s32 $0xB200  }
0x233: {  	[tilespmem:s25], [sflag:$0x1] =	stream.indirect_vreg.gather [hbm4b:s5+s3], $0x80, v3, vm0, $0xb8;
	[tilespmem:$0x1E200] =	vst v63  }
0x234: {  	s31 =	simm.s32 $0xBA00  }
0x235: {  	[tilespmem:s31], [sflag:$0x1] =	stream.indirect_vreg.gather [hbm4b:s6+s3], $0x80, v3, vm0, $0xb8;
	[tilespmem:$0x1E200] =	vst v63  }
0x236: {  	s26 =	rddreg [dreg:$0x18];
	s2 =	simm.s32 $0x18200  }
0x237: {  	[tilespmem:s2], [sflag:$0x3] =	stream.linear.gather [hbm4b:s26+s3], $0x3000, $0x38;
	[tilespmem:$0x1E200] =	vst v63  }
0x238: {  	_ =	swait.ge [sflag:s20], $0x3000  }
0x239: {  	[sflag:s20] =	ssyncset.done $0x0  }
0x23a: {  	[sflag:s20] =	ssyncadd.s32 $0xFFFFD000  }
0x23b: {  	_ =	swait.ge [sflag:s20], $0x3000  }
0x23c: {  	[sflag:s20] =	ssyncset.done $0x0  }
0x23d: {  	[sflag:s20] =	ssyncadd.s32 $0xFFFFD000  }
0x23e: {  	_ =	swait.ge [sflag:s20], $0x3000  }
0x23f: {  	[sflag:s20] =	ssyncset.done $0x0  }
0x240: {  	[sflag:s20] =	ssyncadd.s32 $0xFFFFD000  }
0x241: {  	_ =	swait.ge [sflag:s20], $0x3000  }
0x242: {  	[sflag:s20] =	ssyncset.done $0x0  }
0x243: {  	[sflag:s20] =	ssyncadd.s32 $0xFFFFD000  }
0x244: {  	_ =	swait.ge [sflag:s22], $0x3000  }
0x245: {  	[sflag:s22] =	ssyncset.done $0x0  }
0x246: {  	s8 =	simm.s32 $0xC200;
	s26 =	rddreg [dreg:$0x19];
	[sflag:s22] =	ssyncadd.s32 $0xFFFFD000  }
0x247: {  	[hbm4b:s26+s3] =	stream.linear.scatter [tilespmem:s8], [sflag:$0x6], $0x3000, $0x38;
	[tilespmem:$0x1E200] =	vst v63  }
0x248: {  	s9 =	simm.s32 $0xF200;
	s2 =	rddreg [dreg:$0x1a]  }
0x249: {  	[hbm4b:s2+s3] =	stream.linear.scatter [tilespmem:s9], [sflag:$0x6], $0x3000, $0x38;
	[tilespmem:$0x1E200] =	vst v63  }
0x24a: {  	s10 =	simm.s32 $0x12200;
	s15 =	rddreg [dreg:$0x1b]  }
0x24b: {  	[hbm4b:s15+s3] =	stream.linear.scatter [tilespmem:s10], [sflag:$0x6], $0x3000, $0x38;
	[tilespmem:$0x1E200] =	vst v63  }
0x24c: {  	s11 =	simm.s32 $0x15200;
	s2 =	rddreg [dreg:$0x1c]  }
0x24d: {  	[hbm4b:s2+s3] =	stream.linear.scatter [tilespmem:s11], [sflag:$0x6], $0x3000, $0x38;
	[tilespmem:$0x1E200] =	vst v63  }
0x24e: {  	_ =	swait.ge [sflag:s23], $0x3000  }
0x24f: {  	[sflag:s23] =	ssyncset.done $0x0  }
0x250: {  	[sflag:s23] =	ssyncadd.s32 $0xFFFFD000  }
0x251: {  	_ =	swait.ge [sflag:s23], $0x3000  }
0x252: {  	[sflag:s23] =	ssyncset.done $0x0  }
0x253: {  	[sflag:s23] =	ssyncadd.s32 $0xFFFFD000  }
0x254: {  	_ =	swait.ge [sflag:s23], $0x3000  }
0x255: {  	[sflag:s23] =	ssyncset.done $0x0  }
0x256: {  	[sflag:s23] =	ssyncadd.s32 $0xFFFFD000  }
0x257: {  	_ =	swait.ge [sflag:s23], $0x3000  }
0x258: {  	[sflag:s23] =	ssyncset.done $0x0  }
0x259: {  	[sflag:s23] =	ssyncadd.s32 $0xFFFFD000  }
0x25a: {  	v3 =	vld [tilespmem:$0x50];
	_ =	sdelay $0x4  }
0x25b: {  	v52 =	vshrl.u32 v3, $0x3  }
0x25c: {  	v4 =	vmul.u32 $0x30, v52  }
0x25d: {  	v3 =	vand.u32 $0x7, v3  }
0x25e: {  	v3 =	vor.u32 v3, v4  }
0x25f: {  	v4 =	vperm.xlane v3, v0;
	_ =	sdelay $0x1  }
0x260: {  	v4 =	vadd.s32 v1, v4;
	_ =	sdelay $0x3  }
0x261: {  	v3 =	vperm.xlane v3, v2  }
0x262: {  	[tilespmem:s8], [sflag:$0x2] =	stream.indirect_vreg.gather [hbm4b:s1+s3], $0x80, v4, vm0, $0xb8;
	[tilespmem:$0x1E200] =	vst v63  }
0x263: {  	s15 =	simm.s32 $0xCA00;
	v3 =	vadd.s32 v1, v3  }
0x264: {  	[tilespmem:s15], [sflag:$0x2] =	stream.indirect_vreg.gather [hbm4b:s5+s3], $0x80, v4, vm0, $0xb8;
	[tilespmem:$0x1E200] =	vst v63  }
0x265: {  	s25 =	simm.s32 $0xD200  }
0x266: {  	[tilespmem:s25], [sflag:$0x2] =	stream.indirect_vreg.gather [hbm4b:s6+s3], $0x80, v4, vm0, $0xb8;
	[tilespmem:$0x1E200] =	vst v63  }
0x267: {  	s26 =	simm.s32 $0xDA00  }
0x268: {  	[tilespmem:s26], [sflag:$0x2] =	stream.indirect_vreg.gather [hbm4b:s1+s3], $0x80, v3, vm0, $0xb8;
	[tilespmem:$0x1E200] =	vst v63  }
0x269: {  	s8 =	simm.s32 $0xE200  }
0x26a: {  	[tilespmem:s8], [sflag:$0x2] =	stream.indirect_vreg.gather [hbm4b:s5+s3], $0x80, v3, vm0, $0xb8;
	[tilespmem:$0x1E200] =	vst v63  }
0x26b: {  	s15 =	simm.s32 $0xEA00  }
0x26c: {  	[tilespmem:s15], [sflag:$0x2] =	stream.indirect_vreg.gather [hbm4b:s6+s3], $0x80, v3, vm0, $0xb8;
	[tilespmem:$0x1E200] =	vst v63  }
0x26d: {  	v3 =	vld [tilespmem:$0xD0];
	_ =	sdelay $0x4  }
0x26e: {  	v53 =	vshrl.u32 v3, $0x3  }
0x26f: {  	v4 =	vmul.u32 $0x30, v53  }
0x270: {  	v3 =	vand.u32 $0x7, v3  }
0x271: {  	v3 =	vor.u32 v3, v4  }
0x272: {  	v4 =	vperm.xlane v3, v0;
	_ =	sdelay $0x1  }
0x273: {  	v4 =	vadd.s32 v1, v4;
	_ =	sdelay $0x3  }
0x274: {  	v3 =	vperm.xlane v3, v2  }
0x275: {  	[tilespmem:s9], [sflag:$0x2] =	stream.indirect_vreg.gather [hbm4b:s1+s3], $0x80, v4, vm0, $0xb8;
	[tilespmem:$0x1E200] =	vst v63  }
0x276: {  	s25 =	simm.s32 $0xFA00;
	v3 =	vadd.s32 v1, v3  }
0x277: {  	[tilespmem:s25], [sflag:$0x2] =	stream.indirect_vreg.gather [hbm4b:s5+s3], $0x80, v4, vm0, $0xb8;
	[tilespmem:$0x1E200] =	vst v63  }
0x278: {  	s26 =	simm.s32 $0x10200  }
0x279: {  	[tilespmem:s26], [sflag:$0x2] =	stream.indirect_vreg.gather [hbm4b:s6+s3], $0x80, v4, vm0, $0xb8;
	[tilespmem:$0x1E200] =	vst v63  }
0x27a: {  	s8 =	simm.s32 $0x10A00  }
0x27b: {  	[tilespmem:s8], [sflag:$0x2] =	stream.indirect_vreg.gather [hbm4b:s1+s3], $0x80, v3, vm0, $0xb8;
	[tilespmem:$0x1E200] =	vst v63  }
0x27c: {  	s9 =	simm.s32 $0x11200  }
0x27d: {  	[tilespmem:s9], [sflag:$0x2] =	stream.indirect_vreg.gather [hbm4b:s5+s3], $0x80, v3, vm0, $0xb8;
	[tilespmem:$0x1E200] =	vst v63  }
0x27e: {  	s15 =	simm.s32 $0x11A00  }
0x27f: {  	[tilespmem:s15], [sflag:$0x2] =	stream.indirect_vreg.gather [hbm4b:s6+s3], $0x80, v3, vm0, $0xb8;
	[tilespmem:$0x1E200] =	vst v63  }
0x280: {  	v3 =	vld [tilespmem:$0x150];
	_ =	sdelay $0x4  }
0x281: {  	v54 =	vshrl.u32 v3, $0x3  }
0x282: {  	v4 =	vmul.u32 $0x30, v54  }
0x283: {  	v3 =	vand.u32 $0x7, v3  }
0x284: {  	v3 =	vor.u32 v3, v4  }
0x285: {  	v4 =	vperm.xlane v3, v0;
	_ =	sdelay $0x1  }
0x286: {  	v4 =	vadd.s32 v1, v4;
	_ =	sdelay $0x3  }
0x287: {  	v3 =	vperm.xlane v3, v2  }
0x288: {  	[tilespmem:s10], [sflag:$0x2] =	stream.indirect_vreg.gather [hbm4b:s1+s3], $0x80, v4, vm0, $0xb8;
	[tilespmem:$0x1E200] =	vst v63  }
0x289: {  	s25 =	simm.s32 $0x12A00;
	v3 =	vadd.s32 v1, v3  }
0x28a: {  	[tilespmem:s25], [sflag:$0x2] =	stream.indirect_vreg.gather [hbm4b:s5+s3], $0x80, v4, vm0, $0xb8;
	[tilespmem:$0x1E200] =	vst v63  }
0x28b: {  	s26 =	simm.s32 $0x13200  }
0x28c: {  	[tilespmem:s26], [sflag:$0x2] =	stream.indirect_vreg.gather [hbm4b:s6+s3], $0x80, v4, vm0, $0xb8;
	[tilespmem:$0x1E200] =	vst v63  }
0x28d: {  	s8 =	simm.s32 $0x13A00  }
0x28e: {  	[tilespmem:s8], [sflag:$0x2] =	stream.indirect_vreg.gather [hbm4b:s1+s3], $0x80, v3, vm0, $0xb8;
	[tilespmem:$0x1E200] =	vst v63  }
0x28f: {  	s9 =	simm.s32 $0x14200  }
0x290: {  	[tilespmem:s9], [sflag:$0x2] =	stream.indirect_vreg.gather [hbm4b:s5+s3], $0x80, v3, vm0, $0xb8;
	[tilespmem:$0x1E200] =	vst v63  }
0x291: {  	s15 =	simm.s32 $0x14A00  }
0x292: {  	[tilespmem:s15], [sflag:$0x2] =	stream.indirect_vreg.gather [hbm4b:s6+s3], $0x80, v3, vm0, $0xb8;
	[tilespmem:$0x1E200] =	vst v63  }
0x293: {  	v3 =	vld [tilespmem:$0x1D0];
	_ =	sdelay $0x4  }
0x294: {  	v55 =	vshrl.u32 v3, $0x3  }
0x295: {  	v4 =	vmul.u32 $0x30, v55  }
0x296: {  	v3 =	vand.u32 $0x7, v3  }
0x297: {  	v3 =	vor.u32 v3, v4  }
0x298: {  	v4 =	vperm.xlane v3, v0;
	_ =	sdelay $0x1  }
0x299: {  	v4 =	vadd.s32 v1, v4;
	_ =	sdelay $0x3  }
0x29a: {  	v3 =	vperm.xlane v3, v2  }
0x29b: {  	[tilespmem:s11], [sflag:$0x2] =	stream.indirect_vreg.gather [hbm4b:s1+s3], $0x80, v4, vm0, $0xb8;
	[tilespmem:$0x1E200] =	vst v63  }
0x29c: {  	s25 =	simm.s32 $0x15A00;
	v3 =	vadd.s32 v1, v3  }
0x29d: {  	[tilespmem:s25], [sflag:$0x2] =	stream.indirect_vreg.gather [hbm4b:s5+s3], $0x80, v4, vm0, $0xb8;
	[tilespmem:$0x1E200] =	vst v63  }
0x29e: {  	s26 =	simm.s32 $0x16200  }
0x29f: {  	[tilespmem:s26], [sflag:$0x2] =	stream.indirect_vreg.gather [hbm4b:s6+s3], $0x80, v4, vm0, $0xb8;
	[tilespmem:$0x1E200] =	vst v63  }
0x2a0: {  	s8 =	simm.s32 $0x16A00  }
0x2a1: {  	[tilespmem:s8], [sflag:$0x2] =	stream.indirect_vreg.gather [hbm4b:s1+s3], $0x80, v3, vm0, $0xb8;
	[tilespmem:$0x1E200] =	vst v63  }
0x2a2: {  	s9 =	simm.s32 $0x17200  }
0x2a3: {  	[tilespmem:s9], [sflag:$0x2] =	stream.indirect_vreg.gather [hbm4b:s5+s3], $0x80, v3, vm0, $0xb8;
	[tilespmem:$0x1E200] =	vst v63  }
0x2a4: {  	s15 =	simm.s32 $0x17A00  }
0x2a5: {  	[tilespmem:s15], [sflag:$0x2] =	stream.indirect_vreg.gather [hbm4b:s6+s3], $0x80, v3, vm0, $0xb8;
	[tilespmem:$0x1E200] =	vst v63  }
0x2a6: {  	s11 =	rddreg [dreg:$0x1d];
	s26 =	simm.s32 $0x1B200  }
0x2a7: {  	[tilespmem:s26], [sflag:$0x4] =	stream.linear.gather [hbm4b:s11+s3], $0x3000, $0x38;
	[tilespmem:$0x1E200] =	vst v63  }
0x2a8: {  	_ =	swait.ge [sflag:s16], $0x3000  }
0x2a9: {  	[sflag:s16] =	ssyncset.done $0x0  }
0x2aa: {  	[sflag:s16] =	ssyncadd.s32 $0xFFFFD000  }
0x2ab: {  	_ =	swait.ge [sflag:s16], $0x3000  }
0x2ac: {  	[sflag:s16] =	ssyncset.done $0x0  }
0x2ad: {  	[sflag:s16] =	ssyncadd.s32 $0xFFFFD000  }
0x2ae: {  	_ =	swait.ge [sflag:s16], $0x3000  }
0x2af: {  	[sflag:s16] =	ssyncset.done $0x0  }
0x2b0: {  	[sflag:s16] =	ssyncadd.s32 $0xFFFFD000  }
0x2b1: {  	_ =	swait.ge [sflag:s16], $0x3000  }
0x2b2: {  	[sflag:s16] =	ssyncset.done $0x0  }
0x2b3: {  	[sflag:s16] =	ssyncadd.s32 $0xFFFFD000  }
0x2b4: {  	_ =	swait.ge [sflag:s18], $0x3000  }
0x2b5: {  	s8 =	rddreg [dreg:$0x1e];
	[sflag:s18] =	ssyncset.done $0x0  }
0x2b6: {  	s11 =	simm.s32 $0x200;
	s9 =	rddreg [dreg:$0x1f];
	[sflag:s18] =	ssyncadd.s32 $0xFFFFD000  }
0x2b7: {  	[hbm4b:s8+s3] =	stream.linear.scatter [tilespmem:s11], [sflag:$0x5], $0x3000, $0x38;
	[tilespmem:$0x1E200] =	vst v63  }
0x2b8: {  	s14 =	simm.s32 $0x3200;
	s8 =	sld [smem:$0x7EA]  }
0x2b9: {  	[hbm4b:s9+s3] =	stream.linear.scatter [tilespmem:s14], [sflag:$0x5], $0x3000, $0x38;
	[tilespmem:$0x1E200] =	vst v63  }
0x2ba: {  	s2 =	simm.s32 $0x6200;
	s9 =	sld [smem:$0x7EB]  }
0x2bb: {  	[hbm4b:s8+s3] =	stream.linear.scatter [tilespmem:s2], [sflag:$0x5], $0x3000, $0x38;
	[tilespmem:$0x1E200] =	vst v63  }
0x2bc: {  	s25 =	simm.s32 $0x9200  }
0x2bd: {  	[hbm4b:s9+s3] =	stream.linear.scatter [tilespmem:s25], [sflag:$0x5], $0x3000, $0x38;
	[tilespmem:$0x1E200] =	vst v63  }
0x2be: {  	_ =	swait.ge [sflag:s19], $0x3000  }
0x2bf: {  	[sflag:s19] =	ssyncset.done $0x0  }
0x2c0: {  	[sflag:s19] =	ssyncadd.s32 $0xFFFFD000  }
0x2c1: {  	_ =	swait.ge [sflag:s19], $0x3000  }
0x2c2: {  	[sflag:s19] =	ssyncset.done $0x0  }
0x2c3: {  	[sflag:s19] =	ssyncadd.s32 $0xFFFFD000  }
0x2c4: {  	_ =	swait.ge [sflag:s19], $0x3000  }
0x2c5: {  	[sflag:s19] =	ssyncset.done $0x0  }
0x2c6: {  	[sflag:s19] =	ssyncadd.s32 $0xFFFFD000  }
0x2c7: {  	_ =	swait.ge [sflag:s19], $0x3000  }
0x2c8: {  	[sflag:s19] =	ssyncset.done $0x0  }
0x2c9: {  	[sflag:s19] =	ssyncadd.s32 $0xFFFFD000  }
0x2ca: {  	v3 =	vld [tilespmem:$0x60];
	_ =	sdelay $0x4  }
0x2cb: {  	v56 =	vshrl.u32 v3, $0x3  }
0x2cc: {  	v4 =	vmul.u32 $0x30, v56  }
0x2cd: {  	v3 =	vand.u32 $0x7, v3  }
0x2ce: {  	v3 =	vor.u32 v3, v4  }
0x2cf: {  	v4 =	vperm.xlane v3, v0;
	_ =	sdelay $0x1  }
0x2d0: {  	v4 =	vadd.s32 v1, v4;
	_ =	sdelay $0x3  }
0x2d1: {  	v3 =	vperm.xlane v3, v2  }
0x2d2: {  	[tilespmem:s11], [sflag:$0x1] =	stream.indirect_vreg.gather [hbm4b:s1+s3], $0x80, v4, vm0, $0xb8;
	[tilespmem:$0x1E200] =	vst v63  }
0x2d3: {  	v3 =	vadd.s32 v1, v3;
	s11 =	simm.s32 $0xA00  }
0x2d4: {  	[tilespmem:s11], [sflag:$0x1] =	stream.indirect_vreg.gather [hbm4b:s5+s3], $0x80, v4, vm0, $0xb8;
	[tilespmem:$0x1E200] =	vst v63  }
0x2d5: {  	s26 =	simm.s32 $0x1200  }
0x2d6: {  	[tilespmem:s26], [sflag:$0x1] =	stream.indirect_vreg.gather [hbm4b:s6+s3], $0x80, v4, vm0, $0xb8;
	[tilespmem:$0x1E200] =	vst v63  }
0x2d7: {  	s9 =	simm.s32 $0x1A00  }
0x2d8: {  	[tilespmem:s9], [sflag:$0x1] =	stream.indirect_vreg.gather [hbm4b:s1+s3], $0x80, v3, vm0, $0xb8;
	[tilespmem:$0x1E200] =	vst v63  }
0x2d9: {  	s29 =	simm.s32 $0x2200  }
0x2da: {  	[tilespmem:s29], [sflag:$0x1] =	stream.indirect_vreg.gather [hbm4b:s5+s3], $0x80, v3, vm0, $0xb8;
	[tilespmem:$0x1E200] =	vst v63  }
0x2db: {  	s11 =	simm.s32 $0x2A00  }
0x2dc: {  	[tilespmem:s11], [sflag:$0x1] =	stream.indirect_vreg.gather [hbm4b:s6+s3], $0x80, v3, vm0, $0xb8;
	[tilespmem:$0x1E200] =	vst v63  }
0x2dd: {  	v3 =	vld [tilespmem:$0xE0];
	_ =	sdelay $0x4  }
0x2de: {  	v57 =	vshrl.u32 v3, $0x3  }
0x2df: {  	v4 =	vmul.u32 $0x30, v57  }
0x2e0: {  	v3 =	vand.u32 $0x7, v3  }
0x2e1: {  	v3 =	vor.u32 v3, v4  }
0x2e2: {  	v4 =	vperm.xlane v3, v0;
	_ =	sdelay $0x1  }
0x2e3: {  	v4 =	vadd.s32 v1, v4;
	_ =	sdelay $0x3  }
0x2e4: {  	v3 =	vperm.xlane v3, v2  }
0x2e5: {  	[tilespmem:s14], [sflag:$0x1] =	stream.indirect_vreg.gather [hbm4b:s1+s3], $0x80, v4, vm0, $0xb8;
	[tilespmem:$0x1E200] =	vst v63  }
0x2e6: {  	s30 =	simm.s32 $0x3A00;
	v3 =	vadd.s32 v1, v3  }
0x2e7: {  	[tilespmem:s30], [sflag:$0x1] =	stream.indirect_vreg.gather [hbm4b:s5+s3], $0x80, v4, vm0, $0xb8;
	[tilespmem:$0x1E200] =	vst v63  }
0x2e8: {  	s26 =	simm.s32 $0x4200  }
0x2e9: {  	[tilespmem:s26], [sflag:$0x1] =	stream.indirect_vreg.gather [hbm4b:s6+s3], $0x80, v4, vm0, $0xb8;
	[tilespmem:$0x1E200] =	vst v63  }
0x2ea: {  	s29 =	simm.s32 $0x4A00  }
0x2eb: {  	[tilespmem:s29], [sflag:$0x1] =	stream.indirect_vreg.gather [hbm4b:s1+s3], $0x80, v3, vm0, $0xb8;
	[tilespmem:$0x1E200] =	vst v63  }
0x2ec: {  	s30 =	simm.s32 $0x5200  }
0x2ed: {  	[tilespmem:s30], [sflag:$0x1] =	stream.indirect_vreg.gather [hbm4b:s5+s3], $0x80, v3, vm0, $0xb8;
	[tilespmem:$0x1E200] =	vst v63  }
0x2ee: {  	_ = 	snop  }
0x2ef: {  	[tilespmem:s12], [sflag:$0x1] =	stream.indirect_vreg.gather [hbm4b:s6+s3], $0x80, v3, vm0, $0xb8;
	[tilespmem:$0x1E200] =	vst v63  }
0x2f0: {  	v3 =	vld [tilespmem:$0x160];
	_ =	sdelay $0x4  }
0x2f1: {  	v58 =	vshrl.u32 v3, $0x3  }
0x2f2: {  	v4 =	vmul.u32 $0x30, v58  }
0x2f3: {  	v3 =	vand.u32 $0x7, v3  }
0x2f4: {  	v3 =	vor.u32 v3, v4  }
0x2f5: {  	v4 =	vperm.xlane v3, v0;
	_ =	sdelay $0x1  }
0x2f6: {  	v4 =	vadd.s32 v1, v4;
	_ =	sdelay $0x3  }
0x2f7: {  	v3 =	vperm.xlane v3, v2  }
0x2f8: {  	[tilespmem:s2], [sflag:$0x1] =	stream.indirect_vreg.gather [hbm4b:s1+s3], $0x80, v4, vm0, $0xb8;
	[tilespmem:$0x1E200] =	vst v63  }
0x2f9: {  	s9 =	simm.s32 $0x6A00;
	v3 =	vadd.s32 v1, v3  }
0x2fa: {  	[tilespmem:s9], [sflag:$0x1] =	stream.indirect_vreg.gather [hbm4b:s5+s3], $0x80, v4, vm0, $0xb8;
	[tilespmem:$0x1E200] =	vst v63  }
0x2fb: {  	s11 =	simm.s32 $0x7200  }
0x2fc: {  	[tilespmem:s11], [sflag:$0x1] =	stream.indirect_vreg.gather [hbm4b:s6+s3], $0x80, v4, vm0, $0xb8;
	[tilespmem:$0x1E200] =	vst v63  }
0x2fd: {  	s21 =	simm.s32 $0x7A00  }
0x2fe: {  	[tilespmem:s21], [sflag:$0x1] =	stream.indirect_vreg.gather [hbm4b:s1+s3], $0x80, v3, vm0, $0xb8;
	[tilespmem:$0x1E200] =	vst v63  }
0x2ff: {  	s28 =	simm.s32 $0x8200  }
0x300: {  	[tilespmem:s28], [sflag:$0x1] =	stream.indirect_vreg.gather [hbm4b:s5+s3], $0x80, v3, vm0, $0xb8;
	[tilespmem:$0x1E200] =	vst v63  }
0x301: {  	_ = 	snop  }
0x302: {  	[tilespmem:s13], [sflag:$0x1] =	stream.indirect_vreg.gather [hbm4b:s6+s3], $0x80, v3, vm0, $0xb8;
	[tilespmem:$0x1E200] =	vst v63  }
0x303: {  	v3 =	vld [tilespmem:$0x1E0];
	_ =	sdelay $0x4  }
0x304: {  	v59 =	vshrl.u32 v3, $0x3  }
0x305: {  	v4 =	vmul.u32 $0x30, v59  }
0x306: {  	v3 =	vand.u32 $0x7, v3  }
0x307: {  	v3 =	vor.u32 v3, v4  }
0x308: {  	v4 =	vperm.xlane v3, v0;
	_ =	sdelay $0x1  }
0x309: {  	v4 =	vadd.s32 v1, v4;
	_ =	sdelay $0x3  }
0x30a: {  	v3 =	vperm.xlane v3, v2  }
0x30b: {  	[tilespmem:s25], [sflag:$0x1] =	stream.indirect_vreg.gather [hbm4b:s1+s3], $0x80, v4, vm0, $0xb8;
	[tilespmem:$0x1E200] =	vst v63  }
0x30c: {  	s17 =	simm.s32 $0x9A00;
	v3 =	vadd.s32 v1, v3  }
0x30d: {  	[tilespmem:s17], [sflag:$0x1] =	stream.indirect_vreg.gather [hbm4b:s5+s3], $0x80, v4, vm0, $0xb8;
	[tilespmem:$0x1E200] =	vst v63  }
0x30e: {  	s21 =	simm.s32 $0xA200  }
0x30f: {  	[tilespmem:s21], [sflag:$0x1] =	stream.indirect_vreg.gather [hbm4b:s6+s3], $0x80, v4, vm0, $0xb8;
	[tilespmem:$0x1E200] =	vst v63  }
0x310: {  	s24 =	simm.s32 $0xAA00  }
0x311: {  	[tilespmem:s24], [sflag:$0x1] =	stream.indirect_vreg.gather [hbm4b:s1+s3], $0x80, v3, vm0, $0xb8;
	[tilespmem:$0x1E200] =	vst v63  }
0x312: {  	s4 =	simm.s32 $0xB200  }
0x313: {  	[tilespmem:s4], [sflag:$0x1] =	stream.indirect_vreg.gather [hbm4b:s5+s3], $0x80, v3, vm0, $0xb8;
	[tilespmem:$0x1E200] =	vst v63  }
0x314: {  	s0 =	simm.s32 $0xBA00;
	s24 =	sld [smem:$0x7EC]  }
0x315: {  	[tilespmem:s0], [sflag:$0x1] =	stream.indirect_vreg.gather [hbm4b:s6+s3], $0x80, v3, vm0, $0xb8;
	[tilespmem:$0x1E200] =	vst v63  }
0x316: {  	s31 =	simm.s32 $0x18200  }
0x317: {  	[tilespmem:s31], [sflag:$0x3] =	stream.linear.gather [hbm4b:s24+s3], $0x3000, $0x38;
	[tilespmem:$0x1E200] =	vst v63  }
0x318: {  	_ =	swait.ge [sflag:s20], $0x3000  }
0x319: {  	[sflag:s20] =	ssyncset.done $0x0  }
0x31a: {  	[sflag:s20] =	ssyncadd.s32 $0xFFFFD000  }
0x31b: {  	_ =	swait.ge [sflag:s20], $0x3000  }
0x31c: {  	[sflag:s20] =	ssyncset.done $0x0  }
0x31d: {  	[sflag:s20] =	ssyncadd.s32 $0xFFFFD000  }
0x31e: {  	_ =	swait.ge [sflag:s20], $0x3000  }
0x31f: {  	[sflag:s20] =	ssyncset.done $0x0  }
0x320: {  	[sflag:s20] =	ssyncadd.s32 $0xFFFFD000  }
0x321: {  	_ =	swait.ge [sflag:s20], $0x3000  }
0x322: {  	[sflag:s20] =	ssyncset.done $0x0  }
0x323: {  	[sflag:s20] =	ssyncadd.s32 $0xFFFFD000  }
0x324: {  	_ =	swait.ge [sflag:s22], $0x3000  }
0x325: {  	s26 =	sld [smem:$0x7ED]  }
0x326: {  	[sflag:s22] =	ssyncset.done $0x0  }
0x327: {  	s29 =	simm.s32 $0xC200;
	s28 =	sld [smem:$0x7EE];
	[sflag:s22] =	ssyncadd.s32 $0xFFFFD000  }
0x328: {  	[hbm4b:s26+s3] =	stream.linear.scatter [tilespmem:s29], [sflag:$0x6], $0x3000, $0x38;
	[tilespmem:$0x1E200] =	vst v63  }
0x329: {  	s31 =	simm.s32 $0xF200;
	s30 =	sld [smem:$0x7EF]  }
0x32a: {  	[hbm4b:s28+s3] =	stream.linear.scatter [tilespmem:s31], [sflag:$0x6], $0x3000, $0x38;
	[tilespmem:$0x1E200] =	vst v63  }
0x32b: {  	s0 =	simm.s32 $0x12200;
	s9 =	sld [smem:$0x7F0]  }
0x32c: {  	[hbm4b:s30+s3] =	stream.linear.scatter [tilespmem:s0], [sflag:$0x6], $0x3000, $0x38;
	[tilespmem:$0x1E200] =	vst v63  }
0x32d: {  	s4 =	simm.s32 $0x15200  }
0x32e: {  	[hbm4b:s9+s3] =	stream.linear.scatter [tilespmem:s4], [sflag:$0x6], $0x3000, $0x38;
	[tilespmem:$0x1E200] =	vst v63  }
0x32f: {  	_ =	swait.ge [sflag:s23], $0x3000  }
0x330: {  	[sflag:s23] =	ssyncset.done $0x0  }
0x331: {  	[sflag:s23] =	ssyncadd.s32 $0xFFFFD000  }
0x332: {  	_ =	swait.ge [sflag:s23], $0x3000  }
0x333: {  	[sflag:s23] =	ssyncset.done $0x0  }
0x334: {  	[sflag:s23] =	ssyncadd.s32 $0xFFFFD000  }
0x335: {  	_ =	swait.ge [sflag:s23], $0x3000  }
0x336: {  	[sflag:s23] =	ssyncset.done $0x0  }
0x337: {  	[sflag:s23] =	ssyncadd.s32 $0xFFFFD000  }
0x338: {  	_ =	swait.ge [sflag:s23], $0x3000  }
0x339: {  	[sflag:s23] =	ssyncset.done $0x0  }
0x33a: {  	[sflag:s23] =	ssyncadd.s32 $0xFFFFD000  }
0x33b: {  	v3 =	vld [tilespmem:$0x70];
	_ =	sdelay $0x4  }
0x33c: {  	v60 =	vshrl.u32 v3, $0x3  }
0x33d: {  	v4 =	vmul.u32 $0x30, v60  }
0x33e: {  	v3 =	vand.u32 $0x7, v3  }
0x33f: {  	v3 =	vor.u32 v3, v4  }
0x340: {  	v4 =	vperm.xlane v3, v0;
	_ =	sdelay $0x1  }
0x341: {  	v4 =	vadd.s32 v1, v4;
	_ =	sdelay $0x3  }
0x342: {  	v3 =	vperm.xlane v3, v2  }
0x343: {  	[tilespmem:s29], [sflag:$0x2] =	stream.indirect_vreg.gather [hbm4b:s1+s3], $0x80, v4, vm0, $0xb8;
	[tilespmem:$0x1E200] =	vst v63  }
0x344: {  	s13 =	simm.s32 $0xCA00;
	v3 =	vadd.s32 v1, v3  }
0x345: {  	[tilespmem:s13], [sflag:$0x2] =	stream.indirect_vreg.gather [hbm4b:s5+s3], $0x80, v4, vm0, $0xb8;
	[tilespmem:$0x1E200] =	vst v63  }
0x346: {  	s17 =	simm.s32 $0xD200  }
0x347: {  	[tilespmem:s17], [sflag:$0x2] =	stream.indirect_vreg.gather [hbm4b:s6+s3], $0x80, v4, vm0, $0xb8;
	[tilespmem:$0x1E200] =	vst v63  }
0x348: {  	s21 =	simm.s32 $0xDA00  }
0x349: {  	[tilespmem:s21], [sflag:$0x2] =	stream.indirect_vreg.gather [hbm4b:s1+s3], $0x80, v3, vm0, $0xb8;
	[tilespmem:$0x1E200] =	vst v63  }
0x34a: {  	s24 =	simm.s32 $0xE200  }
0x34b: {  	[tilespmem:s24], [sflag:$0x2] =	stream.indirect_vreg.gather [hbm4b:s5+s3], $0x80, v3, vm0, $0xb8;
	[tilespmem:$0x1E200] =	vst v63  }
0x34c: {  	s25 =	simm.s32 $0xEA00  }
0x34d: {  	[tilespmem:s25], [sflag:$0x2] =	stream.indirect_vreg.gather [hbm4b:s6+s3], $0x80, v3, vm0, $0xb8;
	[tilespmem:$0x1E200] =	vst v63  }
0x34e: {  	v3 =	vld [tilespmem:$0xF0];
	_ =	sdelay $0x4  }
0x34f: {  	v61 =	vshrl.u32 v3, $0x3  }
0x350: {  	v4 =	vmul.u32 $0x30, v61  }
0x351: {  	v3 =	vand.u32 $0x7, v3  }
0x352: {  	v3 =	vor.u32 v3, v4  }
0x353: {  	v4 =	vperm.xlane v3, v0;
	_ =	sdelay $0x1  }
0x354: {  	v4 =	vadd.s32 v1, v4;
	_ =	sdelay $0x3  }
0x355: {  	v3 =	vperm.xlane v3, v2  }
0x356: {  	[tilespmem:s31], [sflag:$0x2] =	stream.indirect_vreg.gather [hbm4b:s1+s3], $0x80, v4, vm0, $0xb8;
	[tilespmem:$0x1E200] =	vst v63  }
0x357: {  	s26 =	simm.s32 $0xFA00;
	v3 =	vadd.s32 v1, v3  }
0x358: {  	[tilespmem:s26], [sflag:$0x2] =	stream.indirect_vreg.gather [hbm4b:s5+s3], $0x80, v4, vm0, $0xb8;
	[tilespmem:$0x1E200] =	vst v63  }
0x359: {  	s28 =	simm.s32 $0x10200  }
0x35a: {  	[tilespmem:s28], [sflag:$0x2] =	stream.indirect_vreg.gather [hbm4b:s6+s3], $0x80, v4, vm0, $0xb8;
	[tilespmem:$0x1E200] =	vst v63  }
0x35b: {  	s29 =	simm.s32 $0x10A00  }
0x35c: {  	[tilespmem:s29], [sflag:$0x2] =	stream.indirect_vreg.gather [hbm4b:s1+s3], $0x80, v3, vm0, $0xb8;
	[tilespmem:$0x1E200] =	vst v63  }
0x35d: {  	s30 =	simm.s32 $0x11200  }
0x35e: {  	[tilespmem:s30], [sflag:$0x2] =	stream.indirect_vreg.gather [hbm4b:s5+s3], $0x80, v3, vm0, $0xb8;
	[tilespmem:$0x1E200] =	vst v63  }
0x35f: {  	s31 =	simm.s32 $0x11A00  }
0x360: {  	[tilespmem:s31], [sflag:$0x2] =	stream.indirect_vreg.gather [hbm4b:s6+s3], $0x80, v3, vm0, $0xb8;
	[tilespmem:$0x1E200] =	vst v63  }
0x361: {  	v3 =	vld [tilespmem:$0x170];
	_ =	sdelay $0x4  }
0x362: {  	v62 =	vshrl.u32 v3, $0x3  }
0x363: {  	v4 =	vmul.u32 $0x30, v62  }
0x364: {  	v3 =	vand.u32 $0x7, v3  }
0x365: {  	v3 =	vor.u32 v3, v4  }
0x366: {  	v4 =	vperm.xlane v3, v0;
	_ =	sdelay $0x1  }
0x367: {  	v4 =	vadd.s32 v1, v4;
	_ =	sdelay $0x3  }
0x368: {  	v3 =	vperm.xlane v3, v2  }
0x369: {  	[tilespmem:s0], [sflag:$0x2] =	stream.indirect_vreg.gather [hbm4b:s1+s3], $0x80, v4, vm0, $0xb8;
	[tilespmem:$0x1E200] =	vst v63  }
0x36a: {  	s10 =	simm.s32 $0x12A00;
	v3 =	vadd.s32 v1, v3  }
0x36b: {  	[tilespmem:s10], [sflag:$0x2] =	stream.indirect_vreg.gather [hbm4b:s5+s3], $0x80, v4, vm0, $0xb8;
	[tilespmem:$0x1E200] =	vst v63  }
0x36c: {  	s13 =	simm.s32 $0x13200  }
0x36d: {  	[tilespmem:s13], [sflag:$0x2] =	stream.indirect_vreg.gather [hbm4b:s6+s3], $0x80, v4, vm0, $0xb8;
	[tilespmem:$0x1E200] =	vst v63  }
0x36e: {  	s17 =	simm.s32 $0x13A00  }
0x36f: {  	[tilespmem:s17], [sflag:$0x2] =	stream.indirect_vreg.gather [hbm4b:s1+s3], $0x80, v3, vm0, $0xb8;
	[tilespmem:$0x1E200] =	vst v63  }
0x370: {  	s21 =	simm.s32 $0x14200  }
0x371: {  	[tilespmem:s21], [sflag:$0x2] =	stream.indirect_vreg.gather [hbm4b:s5+s3], $0x80, v3, vm0, $0xb8;
	[tilespmem:$0x1E200] =	vst v63  }
0x372: {  	s24 =	simm.s32 $0x14A00  }
0x373: {  	[tilespmem:s24], [sflag:$0x2] =	stream.indirect_vreg.gather [hbm4b:s6+s3], $0x80, v3, vm0, $0xb8;
	[tilespmem:$0x1E200] =	vst v63  }
0x374: {  	v3 =	vld [tilespmem:$0x1F0];
	_ =	sdelay $0x4  }
0x375: {  	v63 =	vshrl.u32 v3, $0x3  }
0x376: {  	v4 =	vmul.u32 $0x30, v63  }
0x377: {  	v3 =	vand.u32 $0x7, v3  }
0x378: {  	v3 =	vor.u32 v3, v4  }
0x379: {  	v4 =	vperm.xlane v3, v0;
	_ =	sdelay $0x1  }
0x37a: {  	v4 =	vadd.s32 v1, v4;
	_ =	sdelay $0x3  }
0x37b: {  	v3 =	vperm.xlane v3, v2  }
0x37c: {  	[tilespmem:s4], [sflag:$0x2] =	stream.indirect_vreg.gather [hbm4b:s1+s3], $0x80, v4, vm0, $0xb8;
	[tilespmem:$0x1E200] =	vst v63  }
0x37d: {  	s25 =	simm.s32 $0x15A00;
	v3 =	vadd.s32 v1, v3  }
0x37e: {  	[tilespmem:s25], [sflag:$0x2] =	stream.indirect_vreg.gather [hbm4b:s5+s3], $0x80, v4, vm0, $0xb8;
	[tilespmem:$0x1E200] =	vst v63  }
0x37f: {  	s26 =	simm.s32 $0x16200  }
0x380: {  	[tilespmem:s26], [sflag:$0x2] =	stream.indirect_vreg.gather [hbm4b:s6+s3], $0x80, v4, vm0, $0xb8;
	[tilespmem:$0x1E200] =	vst v63  }
0x381: {  	s28 =	simm.s32 $0x16A00  }
0x382: {  	[tilespmem:s28], [sflag:$0x2] =	stream.indirect_vreg.gather [hbm4b:s1+s3], $0x80, v3, vm0, $0xb8;
	[tilespmem:$0x1E200] =	vst v63  }
0x383: {  	s29 =	simm.s32 $0x17200  }
0x384: {  	[tilespmem:s29], [sflag:$0x2] =	stream.indirect_vreg.gather [hbm4b:s5+s3], $0x80, v3, vm0, $0xb8;
	[tilespmem:$0x1E200] =	vst v63  }
0x385: {  	s30 =	sld [smem:$0x7F1];
	s31 =	simm.s32 $0x17A00  }
0x386: {  	[tilespmem:s31], [sflag:$0x2] =	stream.indirect_vreg.gather [hbm4b:s6+s3], $0x80, v3, vm0, $0xb8;
	[tilespmem:$0x1E200] =	vst v63  }
0x387: {  	s10 =	simm.s32 $0x1B200  }
0x388: {  	[tilespmem:s10], [sflag:$0x4] =	stream.linear.gather [hbm4b:s30+s3], $0x3000, $0x38;
	[tilespmem:$0x1E200] =	vst v63  }
0x389: {  	_ =	swait.ge [sflag:s16], $0x3000  }
0x38a: {  	[sflag:s16] =	ssyncset.done $0x0  }
0x38b: {  	[sflag:s16] =	ssyncadd.s32 $0xFFFFD000  }
0x38c: {  	_ =	swait.ge [sflag:s16], $0x3000  }
0x38d: {  	[sflag:s16] =	ssyncset.done $0x0  }
0x38e: {  	[sflag:s16] =	ssyncadd.s32 $0xFFFFD000  }
0x38f: {  	_ =	swait.ge [sflag:s16], $0x3000  }
0x390: {  	[sflag:s16] =	ssyncset.done $0x0  }
0x391: {  	[sflag:s16] =	ssyncadd.s32 $0xFFFFD000  }
0x392: {  	_ =	swait.ge [sflag:s16], $0x3000  }
0x393: {  	[sflag:s16] =	ssyncset.done $0x0  }
0x394: {  	[sflag:s16] =	ssyncadd.s32 $0xFFFFD000  }
0x395: {  	_ =	swait.ge [sflag:s18], $0x3000  }
0x396: {  	s13 =	sld [smem:$0x7F2]  }
0x397: {  	[sflag:s18] =	ssyncset.done $0x0  }
0x398: {  	s15 =	simm.s32 $0x200;
	s17 =	sld [smem:$0x7F3];
	[sflag:s18] =	ssyncadd.s32 $0xFFFFD000  }
0x399: {  	[hbm4b:s13+s3] =	stream.linear.scatter [tilespmem:s15], [sflag:$0x5], $0x3000, $0x38;
	[tilespmem:$0x1E200] =	vst v63  }
0x39a: {  	s21 =	sld [smem:$0x7F4]  }
0x39b: {  	[hbm4b:s17+s3] =	stream.linear.scatter [tilespmem:s14], [sflag:$0x5], $0x3000, $0x38;
	[tilespmem:$0x1E200] =	vst v63  }
0x39c: {  	s12 =	simm.s32 $0x6200;
	s24 =	sld [smem:$0x7F5]  }
0x39d: {  	[hbm4b:s21+s3] =	stream.linear.scatter [tilespmem:s12], [sflag:$0x5], $0x3000, $0x38;
	[tilespmem:$0x1E200] =	vst v63  }
0x39e: {  	s11 =	simm.s32 $0x9200  }
0x39f: {  	[hbm4b:s24+s3] =	stream.linear.scatter [tilespmem:s11], [sflag:$0x5], $0x3000, $0x38;
	[tilespmem:$0x1E200] =	vst v63  }
0x3a0: {  	_ =	swait.ge [sflag:s20], $0x3000  }
0x3a1: {  	[sflag:s20] =	ssyncset.done $0x0  }
0x3a2: {  	[sflag:s20] =	ssyncadd.s32 $0xFFFFD000  }
0x3a3: {  	_ =	swait.ge [sflag:s20], $0x3000  }
0x3a4: {  	[sflag:s20] =	ssyncset.done $0x0  }
0x3a5: {  	[sflag:s20] =	ssyncadd.s32 $0xFFFFD000  }
0x3a6: {  	_ =	swait.ge [sflag:s20], $0x3000  }
0x3a7: {  	[sflag:s20] =	ssyncset.done $0x0  }
0x3a8: {  	[sflag:s20] =	ssyncadd.s32 $0xFFFFD000  }
0x3a9: {  	_ =	swait.ge [sflag:s20], $0x3000  }
0x3aa: {  	[sflag:s20] =	ssyncset.done $0x0  }
0x3ab: {  	[sflag:s20] =	ssyncadd.s32 $0xFFFFD000  }
0x3ac: {  	_ =	swait.ge [sflag:s22], $0x3000  }
0x3ad: {  	s28 =	sld [smem:$0x7F6]  }
0x3ae: {  	[sflag:s22] =	ssyncset.done $0x0  }
0x3af: {  	s2 =	simm.s32 $0xC200;
	s29 =	sld [smem:$0x7F7];
	[sflag:s22] =	ssyncadd.s32 $0xFFFFD000  }
0x3b0: {  	[hbm4b:s28+s3] =	stream.linear.scatter [tilespmem:s2], [sflag:$0x6], $0x3000, $0x38;
	[tilespmem:$0x1E200] =	vst v63  }
0x3b1: {  	s8 =	simm.s32 $0xF200;
	s30 =	sld [smem:$0x7F8]  }
0x3b2: {  	[hbm4b:s29+s3] =	stream.linear.scatter [tilespmem:s8], [sflag:$0x6], $0x3000, $0x38;
	[tilespmem:$0x1E200] =	vst v63  }
0x3b3: {  	s0 =	simm.s32 $0x12200;
	s31 =	sld [smem:$0x7FA]  }
0x3b4: {  	[hbm4b:s30+s3] =	stream.linear.scatter [tilespmem:s0], [sflag:$0x6], $0x3000, $0x38;
	[tilespmem:$0x1E200] =	vst v63  }
0x3b5: {  	s4 =	simm.s32 $0x15200  }
0x3b6: {  	[hbm4b:s31+s3] =	stream.linear.scatter [tilespmem:s4], [sflag:$0x6], $0x3000, $0x38;
	[tilespmem:$0x1E200] =	vst v63  }
0x3b7: {  	_ =	swait.ge [sflag:s19], $0x3000  }
0x3b8: {  	[sflag:s19] =	ssyncset.done $0x0  }
0x3b9: {  	[sflag:s19] =	ssyncadd.s32 $0xFFFFD000  }
0x3ba: {  	_ =	swait.ge [sflag:s19], $0x3000  }
0x3bb: {  	[sflag:s19] =	ssyncset.done $0x0  }
0x3bc: {  	[sflag:s19] =	ssyncadd.s32 $0xFFFFD000  }
0x3bd: {  	_ =	swait.ge [sflag:s19], $0x3000  }
0x3be: {  	[sflag:s19] =	ssyncset.done $0x0  }
0x3bf: {  	[sflag:s19] =	ssyncadd.s32 $0xFFFFD000  }
0x3c0: {  	_ =	swait.ge [sflag:s19], $0x3000  }
0x3c1: {  	[sflag:s19] =	ssyncset.done $0x0  }
0x3c2: {  	[sflag:s19] =	ssyncadd.s32 $0xFFFFD000  }
0x3c3: {  	_ =	swait.ge [sflag:s23], $0x3000  }
0x3c4: {  	[sflag:s23] =	ssyncset.done $0x0  }
0x3c5: {  	[sflag:s23] =	ssyncadd.s32 $0xFFFFD000  }
0x3c6: {  	_ =	swait.ge [sflag:s23], $0x3000  }
0x3c7: {  	[sflag:s23] =	ssyncset.done $0x0  }
0x3c8: {  	[sflag:s23] =	ssyncadd.s32 $0xFFFFD000  }
0x3c9: {  	p0 =	sne.s32 s7, $0x1;
	_ =	swait.ge [sflag:s23], $0x3000  }
.Ltmp0:
0x3ca: {  	[sflag:s23] =	ssyncset.done $0x0;
	(pc) =	sbr.rel @p0 .LBB2_1-.Ltmp0, $4  }
0x3cb: {  	[sflag:s23] =	ssyncadd.s32 $0xFFFFD000  }
0x3cc: {  	_ =	swait.ge [sflag:s23], $0x3000  }
0x3cd: {  	[sflag:s23] =	ssyncset.done $0x0  }
0x3ce: {  	s7 =	sadd.s32 $0xFFFFFFFF, s7;
	[sflag:s23] =	ssyncadd.s32 $0xFFFFD000  }
0x3cf: {  	_ =	sfence.sel $0x180000  }
0x3d0: {  	[bflag:$0x0] =	sbarrier.arrive $0xFFFF  }
0x3d1: {  	_ =	strace $0x90000047  }
0x3d2: {  	s0 =	stileid.u32;
	[bflag:$0x2] =	sbarrier.arrive $0xFFFF  }
0x3d3: {  	p0 =	sne.s32 s0, $0x0;
	s0 =	rddreg [dreg:$0x4]  }
0x3d4: {  	s0 =	sadd.s32 @!p0 $0x100000, s0  }
0x3d5: {  	[sflag:s0] =	ssyncadd.tile.s32 @!p0 $0x1;
	_ =	shalt  }
.Lfunc_end2:
_tile_overlayer_lowered:
.L_overlay_start_2:
0x3d6: {  	(tag) =	ssettag $0x2  }
0x3d7: {  	s0 =	rddreg [dreg:$0x0];
	s2 =	stileid.u32  }
0x3d8: {  	s1 =	rddreg [dreg:$0x1];
	p0 =	sne.s32 s2, $0x0  }
0x3d9: {  	s3 =	rddreg [dreg:$0x2];
	[bflag:$0x3] =	sbarrier.arrive $0xFFFF;
	s2 =	simm.s32 @!p0 $0x1C07  }
0x3da: {  	[timem:s3], [sflag:s2] =	dma.local @!p0 [hbm:s0], s1  }
0x3db: {  	s0 =	simm.s32 @!p0 $0x7  }
0x3dc: {  	_ =	swait.ge @!p0 [sflag:s0], s1  }
0x3dd: {  	s1 =	ssub.s32 @!p0 $0x0, s1;
	[sflag:s0] =	ssyncset.done @!p0 $0x0  }
0x3de: {  	[sflag:s0] =	ssyncadd.s32 @!p0 s1  }
0x3df: {  	[bflag:$0x3] =	sbarrier.arrive $0xFFFF  }
0x3e0: {  	_ =	shalt  }

</sc_bundles>
